<compile_context>
chip_gen: v7x
topology: tpu7x:2x2x1
jax: 0.10.2.dev20260603
libtpu: 0.0.44.dev20260713+nightly
codegen_flags: <defaults>
</compile_context>

<pallas_src>
import functools

import jax
import jax.numpy as jnp
import numpy as np
from jax import lax
from jax.experimental import pallas as pl
from jax.experimental.pallas import tpu as pltpu
from jax.experimental.pallas import tpu_sc as plsc

N_CODES = 256
LOG2 = 8
N_HID = 4
VQ_DIM = 64
EMBED_DIM = 768


def _bn(x, g, b):
    m = x.mean(axis=0)
    v = x.var(axis=0)
    return (x - m) / jnp.sqrt(v + 1e-5) * g + b


def _norm_rows(x):
    return x / (jnp.linalg.norm(x, axis=-1, keepdims=True) + 1e-6)


def _codebook(dt, W_in, b_in, W_hid, b_hid, W_out, b_out, bn_g, bn_b):
    ints = jnp.arange(N_CODES)
    bv = (jnp.bitwise_and(ints[:, None],
                          jnp.left_shift(1, jnp.arange(LOG2 - 1, -1, -1)))
          > 0).astype(dt)
    x = bv @ W_in + b_in
    x = jax.nn.relu(_bn(x, bn_g[0], bn_b[0]))
    for i in range(N_HID):
        x = x @ W_hid[i] + b_hid[i]
        x = jax.nn.relu(_bn(x, bn_g[i + 1], bn_b[i + 1]))
    x = x @ W_out + b_out
    return _norm_rows(x)


def _threefry_bits(k1, k2, hi, lo):
    rotations = ((13, 15, 26, 6), (17, 29, 16, 24))
    ks = (k1, k2, jnp.uint32(0x1BD11BDA) ^ k1 ^ k2)
    x0 = hi + ks[0]
    x1 = lo + ks[1]
    for i in range(5):
        for r in rotations[i % 2]:
            x0 = x0 + x1
            x1 = (x1 << jnp.uint32(r)) | (x1 >> jnp.uint32(32 - r))
            x1 = x1 ^ x0
        x0 = x0 + ks[(i + 1) % 3]
        x1 = x1 + ks[(i + 2) % 3] + jnp.uint32(i + 1)
    return x0 ^ x1


def _gumbel_block(r0, blk, k1, k2):
    row = jax.lax.broadcasted_iota(jnp.int32, (blk, N_CODES), 0)
    col = jax.lax.broadcasted_iota(jnp.int32, (blk, N_CODES), 1)
    lo = ((row + r0) * N_CODES + col).astype(jnp.uint32)
    bits = _threefry_bits(k1, k2, jnp.zeros_like(lo), lo)
    mant = (bits >> jnp.uint32(9)) | jnp.uint32(0x3F800000)
    f = jax.lax.bitcast_convert_type(mant, jnp.float32) - 1.0
    tiny = np.float32(np.finfo(np.float32).tiny)
    u = jnp.maximum(tiny, f * np.float32(1.0 - tiny) + tiny)
    return -jnp.log(-jnp.log(u))


def _main_kernel(h_ref, sel_ref, embed_ref, alpha_ref, key_ref,
                 code_ref, ceff_ref, probs_ref, vql_ref, q_ref):
    blk = h_ref.shape[0]
    h = h_ref[...]
    embed = embed_ref[...]
    logits = jnp.dot(h, embed.T, preferred_element_type=jnp.float32)
    al = alpha_ref[0, 0]
    s = (2.0 * (al - 1.0)) * logits + 2.0 * logits

    m = jnp.max(s, axis=-1, keepdims=True)
    eu = jnp.exp(s - m)
    A = eu / jnp.sum(eu, axis=-1, keepdims=True)

    sel = sel_ref[...]
    probs_ref[...] = A * sel

    G = _gumbel_block(pl.program_id(0) * blk, blk,
                      key_ref[0, 0], key_ref[0, 1])
    y = s + G
    code = jnp.argmax(y, axis=-1).astype(jnp.int32)
    seli = sel.astype(jnp.int32)[:, 0]
    code_ref[...] = (code * seli).reshape(blk, 1)
    ceff_ref[...] = (code * seli + N_CODES * (1 - seli)).reshape(blk, 1)

    oh = (jax.lax.broadcasted_iota(jnp.int32, (blk, N_CODES), 1)
          == code[:, None]).astype(jnp.float32)
    q = jnp.dot(oh, embed, preferred_element_type=jnp.float32)
    d = q - h
    vql_ref[...] = jnp.sum(jnp.sqrt(jnp.sum(d * d, axis=-1))).reshape(1, 1, 1)
    q_ref[...] = q * sel


def _tables_kernel(embed_ref, pinvW_ref, pinvb_ref, TT_ref):
    embed = embed_ref[...]
    pb = pinvb_ref[...]
    T = jnp.dot(embed, pinvW_ref[...], preferred_element_type=jnp.float32)
    TT_ref[0:N_CODES, :] = T + pb
    TT_ref[N_CODES:, :] = jnp.broadcast_to(pb, (8, EMBED_DIM))


def _sc_gather(TT, idx, N):
    info = plsc.get_sparse_core_info()
    NC, NS = info.num_cores, info.num_subcores
    NW = NC * NS
    b_per_w = N // NW
    CH = 128
    mesh = plsc.VectorSubcoreMesh(core_axis_name="c", subcore_axis_name="s")

    @functools.partial(
        pl.kernel,
        out_type=jax.ShapeDtypeStruct((N, EMBED_DIM), jnp.float32),
        mesh=mesh,
        scratch_types=[
            pltpu.VMEM((CH,), jnp.int32),
            pltpu.VMEM((CH, EMBED_DIM), jnp.float32),
            pltpu.SemaphoreType.DMA,
        ],
    )
    def k(TT_hbm, idx_hbm, qinv_hbm, idx_v, rows_v, sem1):
        wid = lax.axis_index("s") * NC + lax.axis_index("c")
        base = wid * b_per_w
        for j in range(b_per_w // CH):
            off = base + j * CH
            pltpu.sync_copy(idx_hbm.at[pl.ds(off, CH)], idx_v)
            pltpu.async_copy(TT_hbm.at[idx_v], rows_v, sem1).wait()
            pltpu.sync_copy(rows_v, qinv_hbm.at[pl.ds(off, CH)])

    return k(TT, idx)


def kernel(h_in, level, temperature, temp, proj_W, proj_b, pinv_W, pinv_b,
           W_in, b_in, W_hid, b_hid, W_out, b_out, bn_g, bn_b):
    N = h_in.shape[0]
    dt = h_in.dtype

    rk = jax.random.key(42)
    p = jax.random.uniform(jax.random.fold_in(rk, 0), (N,), dtype=dt)
    sel = ((0.0 < p) & (p < 1.0)).astype(dt).reshape(N, 1)
    gkey = jax.random.key_data(jax.random.fold_in(rk, 1)).reshape(1, 2)

    embed = _codebook(dt, W_in, b_in, W_hid, b_hid, W_out, b_out, bn_g, bn_b)
    h = _norm_rows(h_in @ proj_W + proj_b)
    alpha = (1.0 / temp ** 2).reshape(1, 1)

    TT = pl.pallas_call(
        _tables_kernel,
        out_shape=jax.ShapeDtypeStruct((N_CODES + 8, EMBED_DIM), dt),
    )(embed, pinv_W, pinv_b.reshape(1, -1))

    BLK = 2048
    grid = N // BLK
    out_shape = (
        jax.ShapeDtypeStruct((N, 1), jnp.int32),
        jax.ShapeDtypeStruct((N, 1), jnp.int32),
        jax.ShapeDtypeStruct((N, N_CODES), dt),
        jax.ShapeDtypeStruct((grid, 1, 1), dt),
        jax.ShapeDtypeStruct((N, VQ_DIM), dt),
    )
    tok = lambda i: (i, 0)
    rep = lambda i: (0, 0)
    in_specs = [
        pl.BlockSpec((BLK, VQ_DIM), tok),
        pl.BlockSpec((BLK, 1), tok),
        pl.BlockSpec((N_CODES, VQ_DIM), rep),
        pl.BlockSpec((1, 1), rep),
        pl.BlockSpec((1, 2), rep),
    ]
    out_specs = (
        pl.BlockSpec((BLK, 1), tok),
        pl.BlockSpec((BLK, 1), tok),
        pl.BlockSpec((BLK, N_CODES), tok),
        pl.BlockSpec((1, 1, 1), lambda i: (i, 0, 0)),
        pl.BlockSpec((BLK, VQ_DIM), tok),
    )
    code, ceff, probs, vql, q = pl.pallas_call(
        _main_kernel,
        grid=(grid,),
        in_specs=in_specs,
        out_specs=out_specs,
        out_shape=out_shape,
        compiler_params=pltpu.CompilerParams(
            dimension_semantics=("parallel",)),
    )(h, sel, embed, alpha, gkey)

    qinv = _sc_gather(TT, ceff[:, 0], N)

    vq_loss = jnp.sum(vql) / N
    return qinv, code[:, 0], q, probs, vq_loss

# --- scband reference (transcript-rebuilt; emitter-appended) ---
"""Pipeline reference for scband-hier-cvqlayer-65824668779019 (READ-ONLY COPY).

The authoritative reference and input builder live on the scoring server;
editing this copy changes nothing except your own understanding.
"""

import jax, jax.numpy as jnp
import numpy as np

N_TOK = 65536
EMBED_DIM = 768
VQ_DIM = 64
HIDDEN = 1024
LOG2 = 8
N_HID = 4  # condition_layer - 2
LEVELS = [256]


def _batchnorm(x, g, b):
    m = x.mean(axis=0)
    v = x.var(axis=0)
    return (x - m) / jnp.sqrt(v + 1e-5) * g + b


def _cond_mlp(x, W_in, b_in, W_hid, b_hid, W_out, b_out, bn_g, bn_b):
    x = x @ W_in + b_in
    x = jax.nn.relu(_batchnorm(x, bn_g[0], bn_b[0]))
    for i in range(N_HID):
        x = x @ W_hid[i] + b_hid[i]
        x = jax.nn.relu(_batchnorm(x, bn_g[i + 1], bn_b[i + 1]))
    return x @ W_out + b_out


def _normalize(x):
    return x / (jnp.linalg.norm(x, axis=-1, keepdims=True) + 1e-6)


def _forward(h_in, temp, proj_W, proj_b, pinv_W, pinv_b, W_in, b_in, W_hid, b_hid, W_out, b_out, bn_g, bn_b, level, temperature):
    N = h_in.shape[0]
    h = h_in @ proj_W + proj_b
    h = _normalize(h)
    idx_all_static = len(LEVELS)
    idx_all_f = (jnp.argmax(jnp.asarray(LEVELS) == level) + 1).astype(h.dtype)
    bounds = [0] + LEVELS
    rk = jax.random.key(42)
    p = jax.random.uniform(jax.random.fold_in(rk, 0), (N,), dtype=h.dtype)
    quantized = 0.0
    probs = 0.0
    vq_loss = 0.0
    vq_code = jnp.zeros((N,), dtype=jnp.int32)
    A = None
    for idx in range(idx_all_static):
        lv = int(np.log2(LEVELS[idx]))
        ne = bounds[idx + 1] - bounds[idx]
        ints = jnp.arange(ne)
        bv = (jnp.bitwise_and(ints[:, None], jnp.left_shift(1, jnp.arange(lv - 1, -1, -1))) > 0).astype(h.dtype)
        pad = LOG2 - lv
        if pad > 0:
            bv = jnp.pad(bv, ((0, 0), (pad, 0)), constant_values=-1.0)
        embed = _cond_mlp(bv, W_in, b_in, W_hid, b_hid, W_out, b_out, bn_g, bn_b)
        embed = _normalize(embed)
        # attention
        alpha = 1.0 / temp ** 2
        logits = h @ embed.T
        distances = -2.0 * (alpha - 1.0) * jax.lax.stop_gradient(logits) - 2.0 * logits
        A = jax.nn.softmax(-distances, axis=1)
        code = jax.random.categorical(jax.random.fold_in(rk, idx + 1), jnp.log(A + 1e-20), axis=-1).astype(jnp.int32)
        oh = jax.nn.one_hot(code, A.shape[-1], dtype=A.dtype)
        c = oh * (1.0 - A) + (1.0 - oh) * (-A)
        A2 = A + jax.lax.stop_gradient(c)
        h_vq = h + A2 @ embed - jax.lax.stop_gradient(h)
        vq_loss_ = jnp.linalg.norm(h_vq - h, axis=-1).mean()
        sel = ((idx / idx_all_f) < p) & (p < ((idx + 1) / idx_all_f))
        quantized = quantized + h_vq * sel[:, None]
        vq_loss = vq_loss + vq_loss_
        probs = probs + A * sel[:, None]
        vq_code = vq_code + code * sel.astype(jnp.int32)
    vq_loss = vq_loss / idx_all_f
    quantized_inv = quantized @ pinv_W + pinv_b
    # mode == 'train': vqshortcut = temperature (here 0 -> no replacement)
    keep_t = 1.0 * temperature * N
    perm = jax.random.permutation(jax.random.fold_in(rk, 999), N)
    mask = (jnp.arange(N) < keep_t).astype(h_in.dtype)
    replace = jnp.zeros((N,), dtype=h_in.dtype).at[perm].set(mask)[:, None]
    quantized_inv = quantized_inv * (1.0 - replace) + h_in * replace
    return quantized_inv, vq_code, quantized, probs, vq_loss


def setup_inputs(seed: int = 0) -> dict:
    key = jax.random.key(seed)
    ks = jax.random.split(key, 12)
    h_in = jax.random.normal(ks[0], (N_TOK, EMBED_DIM), dtype=jnp.float32)
    proj_W = jax.random.normal(ks[1], (EMBED_DIM, VQ_DIM), dtype=jnp.float32) * (1.0 / np.sqrt(EMBED_DIM))
    proj_b = jnp.zeros((VQ_DIM,), dtype=jnp.float32)
    pinv_W = jax.random.normal(ks[2], (VQ_DIM, EMBED_DIM), dtype=jnp.float32) * (1.0 / np.sqrt(VQ_DIM))
    pinv_b = jnp.zeros((EMBED_DIM,), dtype=jnp.float32)
    W_in = jax.random.normal(ks[3], (LOG2, HIDDEN), dtype=jnp.float32) * (1.0 / np.sqrt(LOG2))
    b_in = jnp.zeros((HIDDEN,), dtype=jnp.float32)
    W_hid = jax.random.normal(ks[4], (N_HID, HIDDEN, HIDDEN), dtype=jnp.float32) * (1.0 / np.sqrt(HIDDEN))
    b_hid = jnp.zeros((N_HID, HIDDEN), dtype=jnp.float32)
    W_out = jax.random.normal(ks[5], (HIDDEN, VQ_DIM), dtype=jnp.float32) * (1.0 / np.sqrt(HIDDEN))
    b_out = jnp.zeros((VQ_DIM,), dtype=jnp.float32)
    bn_g = jnp.ones((N_HID + 1, HIDDEN), dtype=jnp.float32)
    bn_b = jnp.zeros((N_HID + 1, HIDDEN), dtype=jnp.float32)
    temp = jnp.array([0.3], dtype=jnp.float32)
    return {
        'h_in': h_in, 'level': 256, 'temperature': 0, 'temp': temp,
        'proj_W': proj_W, 'proj_b': proj_b, 'pinv_W': pinv_W, 'pinv_b': pinv_b,
        'W_in': W_in, 'b_in': b_in, 'W_hid': W_hid, 'b_hid': b_hid,
        'W_out': W_out, 'b_out': b_out, 'bn_g': bn_g, 'bn_b': bn_b,
    }


def reference(h_in, level, temperature, temp, proj_W, proj_b, pinv_W, pinv_b, W_in, b_in, W_hid, b_hid, W_out, b_out, bn_g, bn_b):
    return _forward(h_in, temp, proj_W, proj_b, pinv_W, pinv_b, W_in, b_in, W_hid, b_hid, W_out, b_out, bn_g, bn_b, level, temperature)

if __name__ == "__main__":
    import jax
    _d = setup_inputs()
    print(jax.jit(kernel)(*tuple(_d.values())))

</pallas_src>

<mosaic_0001>
#map = affine_map<(d0, d1) -> (0, 0)>
#map1 = affine_map<(d0, d1) -> (0)>
module attributes {stable_mosaic.version = 14 : i64} {
  func.func @k(%arg0: i32, %arg1: i32, %arg2: memref<264x768xf32, #tpu.memory_space<hbm>>, %arg3: memref<65536xi32, #tpu.memory_space<hbm>>, %arg4: memref<65536x768xf32, #tpu.memory_space<hbm>>, %arg5: memref<128xi32, #tpu.memory_space<vmem>>, %arg6: memref<128x768xf32, #tpu.memory_space<vmem>>, %arg7: memref<!tpu.dma_semaphore, #tpu.memory_space<semaphore_mem>>) attributes {dimension_semantics = [#tpu.dimension_semantics<core_parallel>, #tpu.dimension_semantics<subcore_parallel>], iteration_bounds = array<i64: 2, 16>, scalar_prefetch = 0 : i64, scratch_operands = 3 : i64, tpu.core_type = #tpu.core_type<sc_vector_subcore>, window_params = [{transform_indices = #map}, {transform_indices = #map1}, {transform_indices = #map}]} {
    %mul3A = arith.constant 2 : i32
    %mul3A_0 = arith.muli %arg1, %mul3A : i32
    %add3A = arith.addi %mul3A_0, %arg0 : i32
    %mul3A_1 = arith.constant 2048 : i32
    %mul3A_2 = arith.muli %add3A, %mul3A_1 : i32
    %add3A_3 = arith.constant 0 : i32
    %add3A_4 = arith.addi %mul3A_2, %add3A_3 : i32
    "tpu.region"() ({
      %run_scoped3A = tpu.sem_alloc : memref<!tpu.dma_semaphore, #tpu.memory_space<semaphore_mem>>
      %dma_start3A_129 = tpu.memref_slice %arg3[%add3A_4] : memref<65536xi32, #tpu.memory_space<hbm>> -> memref<128xi32, #tpu.memory_space<hbm>>
      %dma_start3A_130 = tpu.memref_slice %arg3[%add3A_4] : memref<65536xi32, #tpu.memory_space<hbm>> -> memref<128xi32, #tpu.memory_space<hbm>>
      tpu.enqueue_dma source(%dma_start3A_130 : memref<128xi32, #tpu.memory_space<hbm>>) target(%arg5 : memref<128xi32, #tpu.memory_space<vmem>>) target_semaphore(%run_scoped3A : memref<!tpu.dma_semaphore, #tpu.memory_space<semaphore_mem>>)
      %dma_wait3A_131 = tpu.memref_slice %arg3[%add3A_4] : memref<65536xi32, #tpu.memory_space<hbm>> -> memref<128xi32, #tpu.memory_space<hbm>>
      %dma_wait3A_132 = tpu.memref_slice %arg3[%add3A_4] : memref<65536xi32, #tpu.memory_space<hbm>> -> memref<128xi32, #tpu.memory_space<hbm>>
      tpu.wait_dma2 semaphore(%run_scoped3A : memref<!tpu.dma_semaphore, #tpu.memory_space<semaphore_mem>>) src(%dma_wait3A_132 : memref<128xi32, #tpu.memory_space<hbm>>) dst(%arg5 : memref<128xi32, #tpu.memory_space<vmem>>)
      tpu.yield
    }) : () -> ()
    %dma_start3A = arith.constant 0 : i32
    %dma_start3A_5 = arith.constant 0 : i32
    %dma_start3A_6 = tpu.memref_slice %arg2[%dma_start3A, %dma_start3A_5] : memref<264x768xf32, #tpu.memory_space<hbm>> -> memref<264x768xf32, #tpu.memory_space<hbm>>
    tpu.enqueue_indirect_dma source(%dma_start3A_6 : memref<264x768xf32, #tpu.memory_space<hbm>>) target(%arg6 : memref<128x768xf32, #tpu.memory_space<vmem>>) offsets(%arg5 : memref<128xi32, #tpu.memory_space<vmem>>) semaphore(%arg7 : memref<!tpu.dma_semaphore, #tpu.memory_space<semaphore_mem>>)
    %dma_wait3A = arith.constant 0 : i32
    %dma_wait3A_7 = arith.constant 0 : i32
    %dma_wait3A_8 = tpu.memref_slice %arg2[%dma_wait3A, %dma_wait3A_7] : memref<264x768xf32, #tpu.memory_space<hbm>> -> memref<264x768xf32, #tpu.memory_space<hbm>>
    tpu.wait_indirect_dma semaphore(%arg7 : memref<!tpu.dma_semaphore, #tpu.memory_space<semaphore_mem>>) src(%dma_wait3A_8 : memref<264x768xf32, #tpu.memory_space<hbm>>) dst(%arg6 : memref<128x768xf32, #tpu.memory_space<vmem>>)
    "tpu.region"() ({
      %run_scoped3A = tpu.sem_alloc : memref<!tpu.dma_semaphore, #tpu.memory_space<semaphore_mem>>
      %dma_start3A_129 = arith.constant 0 : i32
      %dma_start3A_130 = tpu.memref_slice %arg4[%add3A_4, %dma_start3A_129] : memref<65536x768xf32, #tpu.memory_space<hbm>> -> memref<128x768xf32, #tpu.memory_space<hbm>>
      %dma_start3A_131 = arith.constant 0 : i32
      %dma_start3A_132 = tpu.memref_slice %arg4[%add3A_4, %dma_start3A_131] : memref<65536x768xf32, #tpu.memory_space<hbm>> -> memref<128x768xf32, #tpu.memory_space<hbm>>
      tpu.enqueue_dma source(%arg6 : memref<128x768xf32, #tpu.memory_space<vmem>>) target(%dma_start3A_132 : memref<128x768xf32, #tpu.memory_space<hbm>>) target_semaphore(%run_scoped3A : memref<!tpu.dma_semaphore, #tpu.memory_space<semaphore_mem>>)
      %dma_wait3A_133 = arith.constant 0 : i32
      %dma_wait3A_134 = tpu.memref_slice %arg4[%add3A_4, %dma_wait3A_133] : memref<65536x768xf32, #tpu.memory_space<hbm>> -> memref<128x768xf32, #tpu.memory_space<hbm>>
      %dma_wait3A_135 = arith.constant 0 : i32
      %dma_wait3A_136 = tpu.memref_slice %arg4[%add3A_4, %dma_wait3A_135] : memref<65536x768xf32, #tpu.memory_space<hbm>> -> memref<128x768xf32, #tpu.memory_space<hbm>>
      tpu.wait_dma2 semaphore(%run_scoped3A : memref<!tpu.dma_semaphore, #tpu.memory_space<semaphore_mem>>) src(%arg6 : memref<128x768xf32, #tpu.memory_space<vmem>>) dst(%dma_wait3A_136 : memref<128x768xf32, #tpu.memory_space<hbm>>)
      tpu.yield
    }) : () -> ()
    %add3A_9 = arith.constant 128 : i32
    %add3A_10 = arith.addi %mul3A_2, %add3A_9 : i32
    "tpu.region"() ({
      %run_scoped3A = tpu.sem_alloc : memref<!tpu.dma_semaphore, #tpu.memory_space<semaphore_mem>>
      %dma_start3A_129 = tpu.memref_slice %arg3[%add3A_10] : memref<65536xi32, #tpu.memory_space<hbm>> -> memref<128xi32, #tpu.memory_space<hbm>>
      %dma_start3A_130 = tpu.memref_slice %arg3[%add3A_10] : memref<65536xi32, #tpu.memory_space<hbm>> -> memref<128xi32, #tpu.memory_space<hbm>>
      tpu.enqueue_dma source(%dma_start3A_130 : memref<128xi32, #tpu.memory_space<hbm>>) target(%arg5 : memref<128xi32, #tpu.memory_space<vmem>>) target_semaphore(%run_scoped3A : memref<!tpu.dma_semaphore, #tpu.memory_space<semaphore_mem>>)
      %dma_wait3A_131 = tpu.memref_slice %arg3[%add3A_10] : memref<65536xi32, #tpu.memory_space<hbm>> -> memref<128xi32, #tpu.memory_space<hbm>>
      %dma_wait3A_132 = tpu.memref_slice %arg3[%add3A_10] : memref<65536xi32, #tpu.memory_space<hbm>> -> memref<128xi32, #tpu.memory_space<hbm>>
      tpu.wait_dma2 semaphore(%run_scoped3A : memref<!tpu.dma_semaphore, #tpu.memory_space<semaphore_mem>>) src(%dma_wait3A_132 : memref<128xi32, #tpu.memory_space<hbm>>) dst(%arg5 : memref<128xi32, #tpu.memory_space<vmem>>)
      tpu.yield
    }) : () -> ()
    %dma_start3A_11 = arith.constant 0 : i32
    %dma_start3A_12 = arith.constant 0 : i32
    %dma_start3A_13 = tpu.memref_slice %arg2[%dma_start3A_11, %dma_start3A_12] : memref<264x768xf32, #tpu.memory_space<hbm>> -> memref<264x768xf32, #tpu.memory_space<hbm>>
    tpu.enqueue_indirect_dma source(%dma_start3A_13 : memref<264x768xf32, #tpu.memory_space<hbm>>) target(%arg6 : memref<128x768xf32, #tpu.memory_space<vmem>>) offsets(%arg5 : memref<128xi32, #tpu.memory_space<vmem>>) semaphore(%arg7 : memref<!tpu.dma_semaphore, #tpu.memory_space<semaphore_mem>>)
    %dma_wait3A_14 = arith.constant 0 : i32
    %dma_wait3A_15 = arith.constant 0 : i32
    %dma_wait3A_16 = tpu.memref_slice %arg2[%dma_wait3A_14, %dma_wait3A_15] : memref<264x768xf32, #tpu.memory_space<hbm>> -> memref<264x768xf32, #tpu.memory_space<hbm>>
    tpu.wait_indirect_dma semaphore(%arg7 : memref<!tpu.dma_semaphore, #tpu.memory_space<semaphore_mem>>) src(%dma_wait3A_16 : memref<264x768xf32, #tpu.memory_space<hbm>>) dst(%arg6 : memref<128x768xf32, #tpu.memory_space<vmem>>)
    "tpu.region"() ({
      %run_scoped3A = tpu.sem_alloc : memref<!tpu.dma_semaphore, #tpu.memory_space<semaphore_mem>>
      %dma_start3A_129 = arith.constant 0 : i32
      %dma_start3A_130 = tpu.memref_slice %arg4[%add3A_10, %dma_start3A_129] : memref<65536x768xf32, #tpu.memory_space<hbm>> -> memref<128x768xf32, #tpu.memory_space<hbm>>
      %dma_start3A_131 = arith.constant 0 : i32
      %dma_start3A_132 = tpu.memref_slice %arg4[%add3A_10, %dma_start3A_131] : memref<65536x768xf32, #tpu.memory_space<hbm>> -> memref<128x768xf32, #tpu.memory_space<hbm>>
      tpu.enqueue_dma source(%arg6 : memref<128x768xf32, #tpu.memory_space<vmem>>) target(%dma_start3A_132 : memref<128x768xf32, #tpu.memory_space<hbm>>) target_semaphore(%run_scoped3A : memref<!tpu.dma_semaphore, #tpu.memory_space<semaphore_mem>>)
      %dma_wait3A_133 = arith.constant 0 : i32
      %dma_wait3A_134 = tpu.memref_slice %arg4[%add3A_10, %dma_wait3A_133] : memref<65536x768xf32, #tpu.memory_space<hbm>> -> memref<128x768xf32, #tpu.memory_space<hbm>>
      %dma_wait3A_135 = arith.constant 0 : i32
      %dma_wait3A_136 = tpu.memref_slice %arg4[%add3A_10, %dma_wait3A_135] : memref<65536x768xf32, #tpu.memory_space<hbm>> -> memref<128x768xf32, #tpu.memory_space<hbm>>
      tpu.wait_dma2 semaphore(%run_scoped3A : memref<!tpu.dma_semaphore, #tpu.memory_space<semaphore_mem>>) src(%arg6 : memref<128x768xf32, #tpu.memory_space<vmem>>) dst(%dma_wait3A_136 : memref<128x768xf32, #tpu.memory_space<hbm>>)
      tpu.yield
    }) : () -> ()
    %add3A_17 = arith.constant 256 : i32
    %add3A_18 = arith.addi %mul3A_2, %add3A_17 : i32
    "tpu.region"() ({
      %run_scoped3A = tpu.sem_alloc : memref<!tpu.dma_semaphore, #tpu.memory_space<semaphore_mem>>
      %dma_start3A_129 = tpu.memref_slice %arg3[%add3A_18] : memref<65536xi32, #tpu.memory_space<hbm>> -> memref<128xi32, #tpu.memory_space<hbm>>
      %dma_start3A_130 = tpu.memref_slice %arg3[%add3A_18] : memref<65536xi32, #tpu.memory_space<hbm>> -> memref<128xi32, #tpu.memory_space<hbm>>
      tpu.enqueue_dma source(%dma_start3A_130 : memref<128xi32, #tpu.memory_space<hbm>>) target(%arg5 : memref<128xi32, #tpu.memory_space<vmem>>) target_semaphore(%run_scoped3A : memref<!tpu.dma_semaphore, #tpu.memory_space<semaphore_mem>>)
      %dma_wait3A_131 = tpu.memref_slice %arg3[%add3A_18] : memref<65536xi32, #tpu.memory_space<hbm>> -> memref<128xi32, #tpu.memory_space<hbm>>
      %dma_wait3A_132 = tpu.memref_slice %arg3[%add3A_18] : memref<65536xi32, #tpu.memory_space<hbm>> -> memref<128xi32, #tpu.memory_space<hbm>>
      tpu.wait_dma2 semaphore(%run_scoped3A : memref<!tpu.dma_semaphore, #tpu.memory_space<semaphore_mem>>) src(%dma_wait3A_132 : memref<128xi32, #tpu.memory_space<hbm>>) dst(%arg5 : memref<128xi32, #tpu.memory_space<vmem>>)
      tpu.yield
    }) : () -> ()
    %dma_start3A_19 = arith.constant 0 : i32
    %dma_start3A_20 = arith.constant 0 : i32
    %dma_start3A_21 = tpu.memref_slice %arg2[%dma_start3A_19, %dma_start3A_20] : memref<264x768xf32, #tpu.memory_space<hbm>> -> memref<264x768xf32, #tpu.memory_space<hbm>>
    tpu.enqueue_indirect_dma source(%dma_start3A_21 : memref<264x768xf32, #tpu.memory_space<hbm>>) target(%arg6 : memref<128x768xf32, #tpu.memory_space<vmem>>) offsets(%arg5 : memref<128xi32, #tpu.memory_space<vmem>>) semaphore(%arg7 : memref<!tpu.dma_semaphore, #tpu.memory_space<semaphore_mem>>)
    %dma_wait3A_22 = arith.constant 0 : i32
    %dma_wait3A_23 = arith.constant 0 : i32
    %dma_wait3A_24 = tpu.memref_slice %arg2[%dma_wait3A_22, %dma_wait3A_23] : memref<264x768xf32, #tpu.memory_space<hbm>> -> memref<264x768xf32, #tpu.memory_space<hbm>>
    tpu.wait_indirect_dma semaphore(%arg7 : memref<!tpu.dma_semaphore, #tpu.memory_space<semaphore_mem>>) src(%dma_wait3A_24 : memref<264x768xf32, #tpu.memory_space<hbm>>) dst(%arg6 : memref<128x768xf32, #tpu.memory_space<vmem>>)
    "tpu.region"() ({
      %run_scoped3A = tpu.sem_alloc : memref<!tpu.dma_semaphore, #tpu.memory_space<semaphore_mem>>
      %dma_start3A_129 = arith.constant 0 : i32
      %dma_start3A_130 = tpu.memref_slice %arg4[%add3A_18, %dma_start3A_129] : memref<65536x768xf32, #tpu.memory_space<hbm>> -> memref<128x768xf32, #tpu.memory_space<hbm>>
      %dma_start3A_131 = arith.constant 0 : i32
      %dma_start3A_132 = tpu.memref_slice %arg4[%add3A_18, %dma_start3A_131] : memref<65536x768xf32, #tpu.memory_space<hbm>> -> memref<128x768xf32, #tpu.memory_space<hbm>>
      tpu.enqueue_dma source(%arg6 : memref<128x768xf32, #tpu.memory_space<vmem>>) target(%dma_start3A_132 : memref<128x768xf32, #tpu.memory_space<hbm>>) target_semaphore(%run_scoped3A : memref<!tpu.dma_semaphore, #tpu.memory_space<semaphore_mem>>)
      %dma_wait3A_133 = arith.constant 0 : i32
      %dma_wait3A_134 = tpu.memref_slice %arg4[%add3A_18, %dma_wait3A_133] : memref<65536x768xf32, #tpu.memory_space<hbm>> -> memref<128x768xf32, #tpu.memory_space<hbm>>
      %dma_wait3A_135 = arith.constant 0 : i32
      %dma_wait3A_136 = tpu.memref_slice %arg4[%add3A_18, %dma_wait3A_135] : memref<65536x768xf32, #tpu.memory_space<hbm>> -> memref<128x768xf32, #tpu.memory_space<hbm>>
      tpu.wait_dma2 semaphore(%run_scoped3A : memref<!tpu.dma_semaphore, #tpu.memory_space<semaphore_mem>>) src(%arg6 : memref<128x768xf32, #tpu.memory_space<vmem>>) dst(%dma_wait3A_136 : memref<128x768xf32, #tpu.memory_space<hbm>>)
      tpu.yield
    }) : () -> ()
    %add3A_25 = arith.constant 384 : i32
    %add3A_26 = arith.addi %mul3A_2, %add3A_25 : i32
    "tpu.region"() ({
      %run_scoped3A = tpu.sem_alloc : memref<!tpu.dma_semaphore, #tpu.memory_space<semaphore_mem>>
      %dma_start3A_129 = tpu.memref_slice %arg3[%add3A_26] : memref<65536xi32, #tpu.memory_space<hbm>> -> memref<128xi32, #tpu.memory_space<hbm>>
      %dma_start3A_130 = tpu.memref_slice %arg3[%add3A_26] : memref<65536xi32, #tpu.memory_space<hbm>> -> memref<128xi32, #tpu.memory_space<hbm>>
      tpu.enqueue_dma source(%dma_start3A_130 : memref<128xi32, #tpu.memory_space<hbm>>) target(%arg5 : memref<128xi32, #tpu.memory_space<vmem>>) target_semaphore(%run_scoped3A : memref<!tpu.dma_semaphore, #tpu.memory_space<semaphore_mem>>)
      %dma_wait3A_131 = tpu.memref_slice %arg3[%add3A_26] : memref<65536xi32, #tpu.memory_space<hbm>> -> memref<128xi32, #tpu.memory_space<hbm>>
      %dma_wait3A_132 = tpu.memref_slice %arg3[%add3A_26] : memref<65536xi32, #tpu.memory_space<hbm>> -> memref<128xi32, #tpu.memory_space<hbm>>
      tpu.wait_dma2 semaphore(%run_scoped3A : memref<!tpu.dma_semaphore, #tpu.memory_space<semaphore_mem>>) src(%dma_wait3A_132 : memref<128xi32, #tpu.memory_space<hbm>>) dst(%arg5 : memref<128xi32, #tpu.memory_space<vmem>>)
      tpu.yield
    }) : () -> ()
    %dma_start3A_27 = arith.constant 0 : i32
    %dma_start3A_28 = arith.constant 0 : i32
    %dma_start3A_29 = tpu.memref_slice %arg2[%dma_start3A_27, %dma_start3A_28] : memref<264x768xf32, #tpu.memory_space<hbm>> -> memref<264x768xf32, #tpu.memory_space<hbm>>
    tpu.enqueue_indirect_dma source(%dma_start3A_29 : memref<264x768xf32, #tpu.memory_space<hbm>>) target(%arg6 : memref<128x768xf32, #tpu.memory_space<vmem>>) offsets(%arg5 : memref<128xi32, #tpu.memory_space<vmem>>) semaphore(%arg7 : memref<!tpu.dma_semaphore, #tpu.memory_space<semaphore_mem>>)
    %dma_wait3A_30 = arith.constant 0 : i32
    %dma_wait3A_31 = arith.constant 0 : i32
    %dma_wait3A_32 = tpu.memref_slice %arg2[%dma_wait3A_30, %dma_wait3A_31] : memref<264x768xf32, #tpu.memory_space<hbm>> -> memref<264x768xf32, #tpu.memory_space<hbm>>
    tpu.wait_indirect_dma semaphore(%arg7 : memref<!tpu.dma_semaphore, #tpu.memory_space<semaphore_mem>>) src(%dma_wait3A_32 : memref<264x768xf32, #tpu.memory_space<hbm>>) dst(%arg6 : memref<128x768xf32, #tpu.memory_space<vmem>>)
    "tpu.region"() ({
      %run_scoped3A = tpu.sem_alloc : memref<!tpu.dma_semaphore, #tpu.memory_space<semaphore_mem>>
      %dma_start3A_129 = arith.constant 0 : i32
      %dma_start3A_130 = tpu.memref_slice %arg4[%add3A_26, %dma_start3A_129] : memref<65536x768xf32, #tpu.memory_space<hbm>> -> memref<128x768xf32, #tpu.memory_space<hbm>>
      %dma_start3A_131 = arith.constant 0 : i32
      %dma_start3A_132 = tpu.memref_slice %arg4[%add3A_26, %dma_start3A_131] : memref<65536x768xf32, #tpu.memory_space<hbm>> -> memref<128x768xf32, #tpu.memory_space<hbm>>
      tpu.enqueue_dma source(%arg6 : memref<128x768xf32, #tpu.memory_space<vmem>>) target(%dma_start3A_132 : memref<128x768xf32, #tpu.memory_space<hbm>>) target_semaphore(%run_scoped3A : memref<!tpu.dma_semaphore, #tpu.memory_space<semaphore_mem>>)
      %dma_wait3A_133 = arith.constant 0 : i32
      %dma_wait3A_134 = tpu.memref_slice %arg4[%add3A_26, %dma_wait3A_133] : memref<65536x768xf32, #tpu.memory_space<hbm>> -> memref<128x768xf32, #tpu.memory_space<hbm>>
      %dma_wait3A_135 = arith.constant 0 : i32
      %dma_wait3A_136 = tpu.memref_slice %arg4[%add3A_26, %dma_wait3A_135] : memref<65536x768xf32, #tpu.memory_space<hbm>> -> memref<128x768xf32, #tpu.memory_space<hbm>>
      tpu.wait_dma2 semaphore(%run_scoped3A : memref<!tpu.dma_semaphore, #tpu.memory_space<semaphore_mem>>) src(%arg6 : memref<128x768xf32, #tpu.memory_space<vmem>>) dst(%dma_wait3A_136 : memref<128x768xf32, #tpu.memory_space<hbm>>)
      tpu.yield
    }) : () -> ()
    %add3A_33 = arith.constant 512 : i32
    %add3A_34 = arith.addi %mul3A_2, %add3A_33 : i32
    "tpu.region"() ({
      %run_scoped3A = tpu.sem_alloc : memref<!tpu.dma_semaphore, #tpu.memory_space<semaphore_mem>>
      %dma_start3A_129 = tpu.memref_slice %arg3[%add3A_34] : memref<65536xi32, #tpu.memory_space<hbm>> -> memref<128xi32, #tpu.memory_space<hbm>>
      %dma_start3A_130 = tpu.memref_slice %arg3[%add3A_34] : memref<65536xi32, #tpu.memory_space<hbm>> -> memref<128xi32, #tpu.memory_space<hbm>>
      tpu.enqueue_dma source(%dma_start3A_130 : memref<128xi32, #tpu.memory_space<hbm>>) target(%arg5 : memref<128xi32, #tpu.memory_space<vmem>>) target_semaphore(%run_scoped3A : memref<!tpu.dma_semaphore, #tpu.memory_space<semaphore_mem>>)
      %dma_wait3A_131 = tpu.memref_slice %arg3[%add3A_34] : memref<65536xi32, #tpu.memory_space<hbm>> -> memref<128xi32, #tpu.memory_space<hbm>>
      %dma_wait3A_132 = tpu.memref_slice %arg3[%add3A_34] : memref<65536xi32, #tpu.memory_space<hbm>> -> memref<128xi32, #tpu.memory_space<hbm>>
      tpu.wait_dma2 semaphore(%run_scoped3A : memref<!tpu.dma_semaphore, #tpu.memory_space<semaphore_mem>>) src(%dma_wait3A_132 : memref<128xi32, #tpu.memory_space<hbm>>) dst(%arg5 : memref<128xi32, #tpu.memory_space<vmem>>)
      tpu.yield
    }) : () -> ()
    %dma_start3A_35 = arith.constant 0 : i32
    %dma_start3A_36 = arith.constant 0 : i32
    %dma_start3A_37 = tpu.memref_slice %arg2[%dma_start3A_35, %dma_start3A_36] : memref<264x768xf32, #tpu.memory_space<hbm>> -> memref<264x768xf32, #tpu.memory_space<hbm>>
    tpu.enqueue_indirect_dma source(%dma_start3A_37 : memref<264x768xf32, #tpu.memory_space<hbm>>) target(%arg6 : memref<128x768xf32, #tpu.memory_space<vmem>>) offsets(%arg5 : memref<128xi32, #tpu.memory_space<vmem>>) semaphore(%arg7 : memref<!tpu.dma_semaphore, #tpu.memory_space<semaphore_mem>>)
    %dma_wait3A_38 = arith.constant 0 : i32
    %dma_wait3A_39 = arith.constant 0 : i32
    %dma_wait3A_40 = tpu.memref_slice %arg2[%dma_wait3A_38, %dma_wait3A_39] : memref<264x768xf32, #tpu.memory_space<hbm>> -> memref<264x768xf32, #tpu.memory_space<hbm>>
    tpu.wait_indirect_dma semaphore(%arg7 : memref<!tpu.dma_semaphore, #tpu.memory_space<semaphore_mem>>) src(%dma_wait3A_40 : memref<264x768xf32, #tpu.memory_space<hbm>>) dst(%arg6 : memref<128x768xf32, #tpu.memory_space<vmem>>)
    "tpu.region"() ({
      %run_scoped3A = tpu.sem_alloc : memref<!tpu.dma_semaphore, #tpu.memory_space<semaphore_mem>>
      %dma_start3A_129 = arith.constant 0 : i32
      %dma_start3A_130 = tpu.memref_slice %arg4[%add3A_34, %dma_start3A_129] : memref<65536x768xf32, #tpu.memory_space<hbm>> -> memref<128x768xf32, #tpu.memory_space<hbm>>
      %dma_start3A_131 = arith.constant 0 : i32
      %dma_start3A_132 = tpu.memref_slice %arg4[%add3A_34, %dma_start3A_131] : memref<65536x768xf32, #tpu.memory_space<hbm>> -> memref<128x768xf32, #tpu.memory_space<hbm>>
      tpu.enqueue_dma source(%arg6 : memref<128x768xf32, #tpu.memory_space<vmem>>) target(%dma_start3A_132 : memref<128x768xf32, #tpu.memory_space<hbm>>) target_semaphore(%run_scoped3A : memref<!tpu.dma_semaphore, #tpu.memory_space<semaphore_mem>>)
      %dma_wait3A_133 = arith.constant 0 : i32
      %dma_wait3A_134 = tpu.memref_slice %arg4[%add3A_34, %dma_wait3A_133] : memref<65536x768xf32, #tpu.memory_space<hbm>> -> memref<128x768xf32, #tpu.memory_space<hbm>>
      %dma_wait3A_135 = arith.constant 0 : i32
      %dma_wait3A_136 = tpu.memref_slice %arg4[%add3A_34, %dma_wait3A_135] : memref<65536x768xf32, #tpu.memory_space<hbm>> -> memref<128x768xf32, #tpu.memory_space<hbm>>
      tpu.wait_dma2 semaphore(%run_scoped3A : memref<!tpu.dma_semaphore, #tpu.memory_space<semaphore_mem>>) src(%arg6 : memref<128x768xf32, #tpu.memory_space<vmem>>) dst(%dma_wait3A_136 : memref<128x768xf32, #tpu.memory_space<hbm>>)
      tpu.yield
    }) : () -> ()
    %add3A_41 = arith.constant 640 : i32
    %add3A_42 = arith.addi %mul3A_2, %add3A_41 : i32
    "tpu.region"() ({
      %run_scoped3A = tpu.sem_alloc : memref<!tpu.dma_semaphore, #tpu.memory_space<semaphore_mem>>
      %dma_start3A_129 = tpu.memref_slice %arg3[%add3A_42] : memref<65536xi32, #tpu.memory_space<hbm>> -> memref<128xi32, #tpu.memory_space<hbm>>
      %dma_start3A_130 = tpu.memref_slice %arg3[%add3A_42] : memref<65536xi32, #tpu.memory_space<hbm>> -> memref<128xi32, #tpu.memory_space<hbm>>
      tpu.enqueue_dma source(%dma_start3A_130 : memref<128xi32, #tpu.memory_space<hbm>>) target(%arg5 : memref<128xi32, #tpu.memory_space<vmem>>) target_semaphore(%run_scoped3A : memref<!tpu.dma_semaphore, #tpu.memory_space<semaphore_mem>>)
      %dma_wait3A_131 = tpu.memref_slice %arg3[%add3A_42] : memref<65536xi32, #tpu.memory_space<hbm>> -> memref<128xi32, #tpu.memory_space<hbm>>
      %dma_wait3A_132 = tpu.memref_slice %arg3[%add3A_42] : memref<65536xi32, #tpu.memory_space<hbm>> -> memref<128xi32, #tpu.memory_space<hbm>>
      tpu.wait_dma2 semaphore(%run_scoped3A : memref<!tpu.dma_semaphore, #tpu.memory_space<semaphore_mem>>) src(%dma_wait3A_132 : memref<128xi32, #tpu.memory_space<hbm>>) dst(%arg5 : memref<128xi32, #tpu.memory_space<vmem>>)
      tpu.yield
    }) : () -> ()
    %dma_start3A_43 = arith.constant 0 : i32
    %dma_start3A_44 = arith.constant 0 : i32
    %dma_start3A_45 = tpu.memref_slice %arg2[%dma_start3A_43, %dma_start3A_44] : memref<264x768xf32, #tpu.memory_space<hbm>> -> memref<264x768xf32, #tpu.memory_space<hbm>>
    tpu.enqueue_indirect_dma source(%dma_start3A_45 : memref<264x768xf32, #tpu.memory_space<hbm>>) target(%arg6 : memref<128x768xf32, #tpu.memory_space<vmem>>) offsets(%arg5 : memref<128xi32, #tpu.memory_space<vmem>>) semaphore(%arg7 : memref<!tpu.dma_semaphore, #tpu.memory_space<semaphore_mem>>)
    %dma_wait3A_46 = arith.constant 0 : i32
    %dma_wait3A_47 = arith.constant 0 : i32
    %dma_wait3A_48 = tpu.memref_slice %arg2[%dma_wait3A_46, %dma_wait3A_47] : memref<264x768xf32, #tpu.memory_space<hbm>> -> memref<264x768xf32, #tpu.memory_space<hbm>>
    tpu.wait_indirect_dma semaphore(%arg7 : memref<!tpu.dma_semaphore, #tpu.memory_space<semaphore_mem>>) src(%dma_wait3A_48 : memref<264x768xf32, #tpu.memory_space<hbm>>) dst(%arg6 : memref<128x768xf32, #tpu.memory_space<vmem>>)
    "tpu.region"() ({
      %run_scoped3A = tpu.sem_alloc : memref<!tpu.dma_semaphore, #tpu.memory_space<semaphore_mem>>
      %dma_start3A_129 = arith.constant 0 : i32
      %dma_start3A_130 = tpu.memref_slice %arg4[%add3A_42, %dma_start3A_129] : memref<65536x768xf32, #tpu.memory_space<hbm>> -> memref<128x768xf32, #tpu.memory_space<hbm>>
      %dma_start3A_131 = arith.constant 0 : i32
      %dma_start3A_132 = tpu.memref_slice %arg4[%add3A_42, %dma_start3A_131] : memref<65536x768xf32, #tpu.memory_space<hbm>> -> memref<128x768xf32, #tpu.memory_space<hbm>>
      tpu.enqueue_dma source(%arg6 : memref<128x768xf32, #tpu.memory_space<vmem>>) target(%dma_start3A_132 : memref<128x768xf32, #tpu.memory_space<hbm>>) target_semaphore(%run_scoped3A : memref<!tpu.dma_semaphore, #tpu.memory_space<semaphore_mem>>)
      %dma_wait3A_133 = arith.constant 0 : i32
      %dma_wait3A_134 = tpu.memref_slice %arg4[%add3A_42, %dma_wait3A_133] : memref<65536x768xf32, #tpu.memory_space<hbm>> -> memref<128x768xf32, #tpu.memory_space<hbm>>
      %dma_wait3A_135 = arith.constant 0 : i32
      %dma_wait3A_136 = tpu.memref_slice %arg4[%add3A_42, %dma_wait3A_135] : memref<65536x768xf32, #tpu.memory_space<hbm>> -> memref<128x768xf32, #tpu.memory_space<hbm>>
      tpu.wait_dma2 semaphore(%run_scoped3A : memref<!tpu.dma_semaphore, #tpu.memory_space<semaphore_mem>>) src(%arg6 : memref<128x768xf32, #tpu.memory_space<vmem>>) dst(%dma_wait3A_136 : memref<128x768xf32, #tpu.memory_space<hbm>>)
      tpu.yield
    }) : () -> ()
    %add3A_49 = arith.constant 768 : i32
    %add3A_50 = arith.addi %mul3A_2, %add3A_49 : i32
    "tpu.region"() ({
      %run_scoped3A = tpu.sem_alloc : memref<!tpu.dma_semaphore, #tpu.memory_space<semaphore_mem>>
      %dma_start3A_129 = tpu.memref_slice %arg3[%add3A_50] : memref<65536xi32, #tpu.memory_space<hbm>> -> memref<128xi32, #tpu.memory_space<hbm>>
      %dma_start3A_130 = tpu.memref_slice %arg3[%add3A_50] : memref<65536xi32, #tpu.memory_space<hbm>> -> memref<128xi32, #tpu.memory_space<hbm>>
      tpu.enqueue_dma source(%dma_start3A_130 : memref<128xi32, #tpu.memory_space<hbm>>) target(%arg5 : memref<128xi32, #tpu.memory_space<vmem>>) target_semaphore(%run_scoped3A : memref<!tpu.dma_semaphore, #tpu.memory_space<semaphore_mem>>)
      %dma_wait3A_131 = tpu.memref_slice %arg3[%add3A_50] : memref<65536xi32, #tpu.memory_space<hbm>> -> memref<128xi32, #tpu.memory_space<hbm>>
      %dma_wait3A_132 = tpu.memref_slice %arg3[%add3A_50] : memref<65536xi32, #tpu.memory_space<hbm>> -> memref<128xi32, #tpu.memory_space<hbm>>
      tpu.wait_dma2 semaphore(%run_scoped3A : memref<!tpu.dma_semaphore, #tpu.memory_space<semaphore_mem>>) src(%dma_wait3A_132 : memref<128xi32, #tpu.memory_space<hbm>>) dst(%arg5 : memref<128xi32, #tpu.memory_space<vmem>>)
      tpu.yield
    }) : () -> ()
    %dma_start3A_51 = arith.constant 0 : i32
    %dma_start3A_52 = arith.constant 0 : i32
    %dma_start3A_53 = tpu.memref_slice %arg2[%dma_start3A_51, %dma_start3A_52] : memref<264x768xf32, #tpu.memory_space<hbm>> -> memref<264x768xf32, #tpu.memory_space<hbm>>
    tpu.enqueue_indirect_dma source(%dma_start3A_53 : memref<264x768xf32, #tpu.memory_space<hbm>>) target(%arg6 : memref<128x768xf32, #tpu.memory_space<vmem>>) offsets(%arg5 : memref<128xi32, #tpu.memory_space<vmem>>) semaphore(%arg7 : memref<!tpu.dma_semaphore, #tpu.memory_space<semaphore_mem>>)
    %dma_wait3A_54 = arith.constant 0 : i32
    %dma_wait3A_55 = arith.constant 0 : i32
    %dma_wait3A_56 = tpu.memref_slice %arg2[%dma_wait3A_54, %dma_wait3A_55] : memref<264x768xf32, #tpu.memory_space<hbm>> -> memref<264x768xf32, #tpu.memory_space<hbm>>
    tpu.wait_indirect_dma semaphore(%arg7 : memref<!tpu.dma_semaphore, #tpu.memory_space<semaphore_mem>>) src(%dma_wait3A_56 : memref<264x768xf32, #tpu.memory_space<hbm>>) dst(%arg6 : memref<128x768xf32, #tpu.memory_space<vmem>>)
    "tpu.region"() ({
      %run_scoped3A = tpu.sem_alloc : memref<!tpu.dma_semaphore, #tpu.memory_space<semaphore_mem>>
      %dma_start3A_129 = arith.constant 0 : i32
      %dma_start3A_130 = tpu.memref_slice %arg4[%add3A_50, %dma_start3A_129] : memref<65536x768xf32, #tpu.memory_space<hbm>> -> memref<128x768xf32, #tpu.memory_space<hbm>>
      %dma_start3A_131 = arith.constant 0 : i32
      %dma_start3A_132 = tpu.memref_slice %arg4[%add3A_50, %dma_start3A_131] : memref<65536x768xf32, #tpu.memory_space<hbm>> -> memref<128x768xf32, #tpu.memory_space<hbm>>
      tpu.enqueue_dma source(%arg6 : memref<128x768xf32, #tpu.memory_space<vmem>>) target(%dma_start3A_132 : memref<128x768xf32, #tpu.memory_space<hbm>>) target_semaphore(%run_scoped3A : memref<!tpu.dma_semaphore, #tpu.memory_space<semaphore_mem>>)
      %dma_wait3A_133 = arith.constant 0 : i32
      %dma_wait3A_134 = tpu.memref_slice %arg4[%add3A_50, %dma_wait3A_133] : memref<65536x768xf32, #tpu.memory_space<hbm>> -> memref<128x768xf32, #tpu.memory_space<hbm>>
      %dma_wait3A_135 = arith.constant 0 : i32
      %dma_wait3A_136 = tpu.memref_slice %arg4[%add3A_50, %dma_wait3A_135] : memref<65536x768xf32, #tpu.memory_space<hbm>> -> memref<128x768xf32, #tpu.memory_space<hbm>>
      tpu.wait_dma2 semaphore(%run_scoped3A : memref<!tpu.dma_semaphore, #tpu.memory_space<semaphore_mem>>) src(%arg6 : memref<128x768xf32, #tpu.memory_space<vmem>>) dst(%dma_wait3A_136 : memref<128x768xf32, #tpu.memory_space<hbm>>)
      tpu.yield
    }) : () -> ()
    %add3A_57 = arith.constant 896 : i32
    %add3A_58 = arith.addi %mul3A_2, %add3A_57 : i32
    "tpu.region"() ({
      %run_scoped3A = tpu.sem_alloc : memref<!tpu.dma_semaphore, #tpu.memory_space<semaphore_mem>>
      %dma_start3A_129 = tpu.memref_slice %arg3[%add3A_58] : memref<65536xi32, #tpu.memory_space<hbm>> -> memref<128xi32, #tpu.memory_space<hbm>>
      %dma_start3A_130 = tpu.memref_slice %arg3[%add3A_58] : memref<65536xi32, #tpu.memory_space<hbm>> -> memref<128xi32, #tpu.memory_space<hbm>>
      tpu.enqueue_dma source(%dma_start3A_130 : memref<128xi32, #tpu.memory_space<hbm>>) target(%arg5 : memref<128xi32, #tpu.memory_space<vmem>>) target_semaphore(%run_scoped3A : memref<!tpu.dma_semaphore, #tpu.memory_space<semaphore_mem>>)
      %dma_wait3A_131 = tpu.memref_slice %arg3[%add3A_58] : memref<65536xi32, #tpu.memory_space<hbm>> -> memref<128xi32, #tpu.memory_space<hbm>>
      %dma_wait3A_132 = tpu.memref_slice %arg3[%add3A_58] : memref<65536xi32, #tpu.memory_space<hbm>> -> memref<128xi32, #tpu.memory_space<hbm>>
      tpu.wait_dma2 semaphore(%run_scoped3A : memref<!tpu.dma_semaphore, #tpu.memory_space<semaphore_mem>>) src(%dma_wait3A_132 : memref<128xi32, #tpu.memory_space<hbm>>) dst(%arg5 : memref<128xi32, #tpu.memory_space<vmem>>)
      tpu.yield
    }) : () -> ()
    %dma_start3A_59 = arith.constant 0 : i32
    %dma_start3A_60 = arith.constant 0 : i32
    %dma_start3A_61 = tpu.memref_slice %arg2[%dma_start3A_59, %dma_start3A_60] : memref<264x768xf32, #tpu.memory_space<hbm>> -> memref<264x768xf32, #tpu.memory_space<hbm>>
    tpu.enqueue_indirect_dma source(%dma_start3A_61 : memref<264x768xf32, #tpu.memory_space<hbm>>) target(%arg6 : memref<128x768xf32, #tpu.memory_space<vmem>>) offsets(%arg5 : memref<128xi32, #tpu.memory_space<vmem>>) semaphore(%arg7 : memref<!tpu.dma_semaphore, #tpu.memory_space<semaphore_mem>>)
    %dma_wait3A_62 = arith.constant 0 : i32
    %dma_wait3A_63 = arith.constant 0 : i32
    %dma_wait3A_64 = tpu.memref_slice %arg2[%dma_wait3A_62, %dma_wait3A_63] : memref<264x768xf32, #tpu.memory_space<hbm>> -> memref<264x768xf32, #tpu.memory_space<hbm>>
    tpu.wait_indirect_dma semaphore(%arg7 : memref<!tpu.dma_semaphore, #tpu.memory_space<semaphore_mem>>) src(%dma_wait3A_64 : memref<264x768xf32, #tpu.memory_space<hbm>>) dst(%arg6 : memref<128x768xf32, #tpu.memory_space<vmem>>)
    "tpu.region"() ({
      %run_scoped3A = tpu.sem_alloc : memref<!tpu.dma_semaphore, #tpu.memory_space<semaphore_mem>>
      %dma_start3A_129 = arith.constant 0 : i32
      %dma_start3A_130 = tpu.memref_slice %arg4[%add3A_58, %dma_start3A_129] : memref<65536x768xf32, #tpu.memory_space<hbm>> -> memref<128x768xf32, #tpu.memory_space<hbm>>
      %dma_start3A_131 = arith.constant 0 : i32
      %dma_start3A_132 = tpu.memref_slice %arg4[%add3A_58, %dma_start3A_131] : memref<65536x768xf32, #tpu.memory_space<hbm>> -> memref<128x768xf32, #tpu.memory_space<hbm>>
      tpu.enqueue_dma source(%arg6 : memref<128x768xf32, #tpu.memory_space<vmem>>) target(%dma_start3A_132 : memref<128x768xf32, #tpu.memory_space<hbm>>) target_semaphore(%run_scoped3A : memref<!tpu.dma_semaphore, #tpu.memory_space<semaphore_mem>>)
      %dma_wait3A_133 = arith.constant 0 : i32
      %dma_wait3A_134 = tpu.memref_slice %arg4[%add3A_58, %dma_wait3A_133] : memref<65536x768xf32, #tpu.memory_space<hbm>> -> memref<128x768xf32, #tpu.memory_space<hbm>>
      %dma_wait3A_135 = arith.constant 0 : i32
      %dma_wait3A_136 = tpu.memref_slice %arg4[%add3A_58, %dma_wait3A_135] : memref<65536x768xf32, #tpu.memory_space<hbm>> -> memref<128x768xf32, #tpu.memory_space<hbm>>
      tpu.wait_dma2 semaphore(%run_scoped3A : memref<!tpu.dma_semaphore, #tpu.memory_space<semaphore_mem>>) src(%arg6 : memref<128x768xf32, #tpu.memory_space<vmem>>) dst(%dma_wait3A_136 : memref<128x768xf32, #tpu.memory_space<hbm>>)
      tpu.yield
    }) : () -> ()
    %add3A_65 = arith.constant 1024 : i32
    %add3A_66 = arith.addi %mul3A_2, %add3A_65 : i32
    "tpu.region"() ({
      %run_scoped3A = tpu.sem_alloc : memref<!tpu.dma_semaphore, #tpu.memory_space<semaphore_mem>>
      %dma_start3A_129 = tpu.memref_slice %arg3[%add3A_66] : memref<65536xi32, #tpu.memory_space<hbm>> -> memref<128xi32, #tpu.memory_space<hbm>>
      %dma_start3A_130 = tpu.memref_slice %arg3[%add3A_66] : memref<65536xi32, #tpu.memory_space<hbm>> -> memref<128xi32, #tpu.memory_space<hbm>>
      tpu.enqueue_dma source(%dma_start3A_130 : memref<128xi32, #tpu.memory_space<hbm>>) target(%arg5 : memref<128xi32, #tpu.memory_space<vmem>>) target_semaphore(%run_scoped3A : memref<!tpu.dma_semaphore, #tpu.memory_space<semaphore_mem>>)
      %dma_wait3A_131 = tpu.memref_slice %arg3[%add3A_66] : memref<65536xi32, #tpu.memory_space<hbm>> -> memref<128xi32, #tpu.memory_space<hbm>>
      %dma_wait3A_132 = tpu.memref_slice %arg3[%add3A_66] : memref<65536xi32, #tpu.memory_space<hbm>> -> memref<128xi32, #tpu.memory_space<hbm>>
      tpu.wait_dma2 semaphore(%run_scoped3A : memref<!tpu.dma_semaphore, #tpu.memory_space<semaphore_mem>>) src(%dma_wait3A_132 : memref<128xi32, #tpu.memory_space<hbm>>) dst(%arg5 : memref<128xi32, #tpu.memory_space<vmem>>)
      tpu.yield
    }) : () -> ()
    %dma_start3A_67 = arith.constant 0 : i32
    %dma_start3A_68 = arith.constant 0 : i32
    %dma_start3A_69 = tpu.memref_slice %arg2[%dma_start3A_67, %dma_start3A_68] : memref<264x768xf32, #tpu.memory_space<hbm>> -> memref<264x768xf32, #tpu.memory_space<hbm>>
    tpu.enqueue_indirect_dma source(%dma_start3A_69 : memref<264x768xf32, #tpu.memory_space<hbm>>) target(%arg6 : memref<128x768xf32, #tpu.memory_space<vmem>>) offsets(%arg5 : memref<128xi32, #tpu.memory_space<vmem>>) semaphore(%arg7 : memref<!tpu.dma_semaphore, #tpu.memory_space<semaphore_mem>>)
    %dma_wait3A_70 = arith.constant 0 : i32
    %dma_wait3A_71 = arith.constant 0 : i32
    %dma_wait3A_72 = tpu.memref_slice %arg2[%dma_wait3A_70, %dma_wait3A_71] : memref<264x768xf32, #tpu.memory_space<hbm>> -> memref<264x768xf32, #tpu.memory_space<hbm>>
    tpu.wait_indirect_dma semaphore(%arg7 : memref<!tpu.dma_semaphore, #tpu.memory_space<semaphore_mem>>) src(%dma_wait3A_72 : memref<264x768xf32, #tpu.memory_space<hbm>>) dst(%arg6 : memref<128x768xf32, #tpu.memory_space<vmem>>)
    "tpu.region"() ({
      %run_scoped3A = tpu.sem_alloc : memref<!tpu.dma_semaphore, #tpu.memory_space<semaphore_mem>>
      %dma_start3A_129 = arith.constant 0 : i32
      %dma_start3A_130 = tpu.memref_slice %arg4[%add3A_66, %dma_start3A_129] : memref<65536x768xf32, #tpu.memory_space<hbm>> -> memref<128x768xf32, #tpu.memory_space<hbm>>
      %dma_start3A_131 = arith.constant 0 : i32
      %dma_start3A_132 = tpu.memref_slice %arg4[%add3A_66, %dma_start3A_131] : memref<65536x768xf32, #tpu.memory_space<hbm>> -> memref<128x768xf32, #tpu.memory_space<hbm>>
      tpu.enqueue_dma source(%arg6 : memref<128x768xf32, #tpu.memory_space<vmem>>) target(%dma_start3A_132 : memref<128x768xf32, #tpu.memory_space<hbm>>) target_semaphore(%run_scoped3A : memref<!tpu.dma_semaphore, #tpu.memory_space<semaphore_mem>>)
      %dma_wait3A_133 = arith.constant 0 : i32
      %dma_wait3A_134 = tpu.memref_slice %arg4[%add3A_66, %dma_wait3A_133] : memref<65536x768xf32, #tpu.memory_space<hbm>> -> memref<128x768xf32, #tpu.memory_space<hbm>>
      %dma_wait3A_135 = arith.constant 0 : i32
      %dma_wait3A_136 = tpu.memref_slice %arg4[%add3A_66, %dma_wait3A_135] : memref<65536x768xf32, #tpu.memory_space<hbm>> -> memref<128x768xf32, #tpu.memory_space<hbm>>
      tpu.wait_dma2 semaphore(%run_scoped3A : memref<!tpu.dma_semaphore, #tpu.memory_space<semaphore_mem>>) src(%arg6 : memref<128x768xf32, #tpu.memory_space<vmem>>) dst(%dma_wait3A_136 : memref<128x768xf32, #tpu.memory_space<hbm>>)
      tpu.yield
    }) : () -> ()
    %add3A_73 = arith.constant 1152 : i32
    %add3A_74 = arith.addi %mul3A_2, %add3A_73 : i32
    "tpu.region"() ({
      %run_scoped3A = tpu.sem_alloc : memref<!tpu.dma_semaphore, #tpu.memory_space<semaphore_mem>>
      %dma_start3A_129 = tpu.memref_slice %arg3[%add3A_74] : memref<65536xi32, #tpu.memory_space<hbm>> -> memref<128xi32, #tpu.memory_space<hbm>>
      %dma_start3A_130 = tpu.memref_slice %arg3[%add3A_74] : memref<65536xi32, #tpu.memory_space<hbm>> -> memref<128xi32, #tpu.memory_space<hbm>>
      tpu.enqueue_dma source(%dma_start3A_130 : memref<128xi32, #tpu.memory_space<hbm>>) target(%arg5 : memref<128xi32, #tpu.memory_space<vmem>>) target_semaphore(%run_scoped3A : memref<!tpu.dma_semaphore, #tpu.memory_space<semaphore_mem>>)
      %dma_wait3A_131 = tpu.memref_slice %arg3[%add3A_74] : memref<65536xi32, #tpu.memory_space<hbm>> -> memref<128xi32, #tpu.memory_space<hbm>>
      %dma_wait3A_132 = tpu.memref_slice %arg3[%add3A_74] : memref<65536xi32, #tpu.memory_space<hbm>> -> memref<128xi32, #tpu.memory_space<hbm>>
      tpu.wait_dma2 semaphore(%run_scoped3A : memref<!tpu.dma_semaphore, #tpu.memory_space<semaphore_mem>>) src(%dma_wait3A_132 : memref<128xi32, #tpu.memory_space<hbm>>) dst(%arg5 : memref<128xi32, #tpu.memory_space<vmem>>)
      tpu.yield
    }) : () -> ()
    %dma_start3A_75 = arith.constant 0 : i32
    %dma_start3A_76 = arith.constant 0 : i32
    %dma_start3A_77 = tpu.memref_slice %arg2[%dma_start3A_75, %dma_start3A_76] : memref<264x768xf32, #tpu.memory_space<hbm>> -> memref<264x768xf32, #tpu.memory_space<hbm>>
    tpu.enqueue_indirect_dma source(%dma_start3A_77 : memref<264x768xf32, #tpu.memory_space<hbm>>) target(%arg6 : memref<128x768xf32, #tpu.memory_space<vmem>>) offsets(%arg5 : memref<128xi32, #tpu.memory_space<vmem>>) semaphore(%arg7 : memref<!tpu.dma_semaphore, #tpu.memory_space<semaphore_mem>>)
    %dma_wait3A_78 = arith.constant 0 : i32
    %dma_wait3A_79 = arith.constant 0 : i32
    %dma_wait3A_80 = tpu.memref_slice %arg2[%dma_wait3A_78, %dma_wait3A_79] : memref<264x768xf32, #tpu.memory_space<hbm>> -> memref<264x768xf32, #tpu.memory_space<hbm>>
    tpu.wait_indirect_dma semaphore(%arg7 : memref<!tpu.dma_semaphore, #tpu.memory_space<semaphore_mem>>) src(%dma_wait3A_80 : memref<264x768xf32, #tpu.memory_space<hbm>>) dst(%arg6 : memref<128x768xf32, #tpu.memory_space<vmem>>)
    "tpu.region"() ({
      %run_scoped3A = tpu.sem_alloc : memref<!tpu.dma_semaphore, #tpu.memory_space<semaphore_mem>>
      %dma_start3A_129 = arith.constant 0 : i32
      %dma_start3A_130 = tpu.memref_slice %arg4[%add3A_74, %dma_start3A_129] : memref<65536x768xf32, #tpu.memory_space<hbm>> -> memref<128x768xf32, #tpu.memory_space<hbm>>
      %dma_start3A_131 = arith.constant 0 : i32
      %dma_start3A_132 = tpu.memref_slice %arg4[%add3A_74, %dma_start3A_131] : memref<65536x768xf32, #tpu.memory_space<hbm>> -> memref<128x768xf32, #tpu.memory_space<hbm>>
      tpu.enqueue_dma source(%arg6 : memref<128x768xf32, #tpu.memory_space<vmem>>) target(%dma_start3A_132 : memref<128x768xf32, #tpu.memory_space<hbm>>) target_semaphore(%run_scoped3A : memref<!tpu.dma_semaphore, #tpu.memory_space<semaphore_mem>>)
      %dma_wait3A_133 = arith.constant 0 : i32
      %dma_wait3A_134 = tpu.memref_slice %arg4[%add3A_74, %dma_wait3A_133] : memref<65536x768xf32, #tpu.memory_space<hbm>> -> memref<128x768xf32, #tpu.memory_space<hbm>>
      %dma_wait3A_135 = arith.constant 0 : i32
      %dma_wait3A_136 = tpu.memref_slice %arg4[%add3A_74, %dma_wait3A_135] : memref<65536x768xf32, #tpu.memory_space<hbm>> -> memref<128x768xf32, #tpu.memory_space<hbm>>
      tpu.wait_dma2 semaphore(%run_scoped3A : memref<!tpu.dma_semaphore, #tpu.memory_space<semaphore_mem>>) src(%arg6 : memref<128x768xf32, #tpu.memory_space<vmem>>) dst(%dma_wait3A_136 : memref<128x768xf32, #tpu.memory_space<hbm>>)
      tpu.yield
    }) : () -> ()
    %add3A_81 = arith.constant 1280 : i32
    %add3A_82 = arith.addi %mul3A_2, %add3A_81 : i32
    "tpu.region"() ({
      %run_scoped3A = tpu.sem_alloc : memref<!tpu.dma_semaphore, #tpu.memory_space<semaphore_mem>>
      %dma_start3A_129 = tpu.memref_slice %arg3[%add3A_82] : memref<65536xi32, #tpu.memory_space<hbm>> -> memref<128xi32, #tpu.memory_space<hbm>>
      %dma_start3A_130 = tpu.memref_slice %arg3[%add3A_82] : memref<65536xi32, #tpu.memory_space<hbm>> -> memref<128xi32, #tpu.memory_space<hbm>>
      tpu.enqueue_dma source(%dma_start3A_130 : memref<128xi32, #tpu.memory_space<hbm>>) target(%arg5 : memref<128xi32, #tpu.memory_space<vmem>>) target_semaphore(%run_scoped3A : memref<!tpu.dma_semaphore, #tpu.memory_space<semaphore_mem>>)
      %dma_wait3A_131 = tpu.memref_slice %arg3[%add3A_82] : memref<65536xi32, #tpu.memory_space<hbm>> -> memref<128xi32, #tpu.memory_space<hbm>>
      %dma_wait3A_132 = tpu.memref_slice %arg3[%add3A_82] : memref<65536xi32, #tpu.memory_space<hbm>> -> memref<128xi32, #tpu.memory_space<hbm>>
      tpu.wait_dma2 semaphore(%run_scoped3A : memref<!tpu.dma_semaphore, #tpu.memory_space<semaphore_mem>>) src(%dma_wait3A_132 : memref<128xi32, #tpu.memory_space<hbm>>) dst(%arg5 : memref<128xi32, #tpu.memory_space<vmem>>)
      tpu.yield
    }) : () -> ()
    %dma_start3A_83 = arith.constant 0 : i32
    %dma_start3A_84 = arith.constant 0 : i32
    %dma_start3A_85 = tpu.memref_slice %arg2[%dma_start3A_83, %dma_start3A_84] : memref<264x768xf32, #tpu.memory_space<hbm>> -> memref<264x768xf32, #tpu.memory_space<hbm>>
    tpu.enqueue_indirect_dma source(%dma_start3A_85 : memref<264x768xf32, #tpu.memory_space<hbm>>) target(%arg6 : memref<128x768xf32, #tpu.memory_space<vmem>>) offsets(%arg5 : memref<128xi32, #tpu.memory_space<vmem>>) semaphore(%arg7 : memref<!tpu.dma_semaphore, #tpu.memory_space<semaphore_mem>>)
    %dma_wait3A_86 = arith.constant 0 : i32
    %dma_wait3A_87 = arith.constant 0 : i32
    %dma_wait3A_88 = tpu.memref_slice %arg2[%dma_wait3A_86, %dma_wait3A_87] : memref<264x768xf32, #tpu.memory_space<hbm>> -> memref<264x768xf32, #tpu.memory_space<hbm>>
    tpu.wait_indirect_dma semaphore(%arg7 : memref<!tpu.dma_semaphore, #tpu.memory_space<semaphore_mem>>) src(%dma_wait3A_88 : memref<264x768xf32, #tpu.memory_space<hbm>>) dst(%arg6 : memref<128x768xf32, #tpu.memory_space<vmem>>)
    "tpu.region"() ({
      %run_scoped3A = tpu.sem_alloc : memref<!tpu.dma_semaphore, #tpu.memory_space<semaphore_mem>>
      %dma_start3A_129 = arith.constant 0 : i32
      %dma_start3A_130 = tpu.memref_slice %arg4[%add3A_82, %dma_start3A_129] : memref<65536x768xf32, #tpu.memory_space<hbm>> -> memref<128x768xf32, #tpu.memory_space<hbm>>
      %dma_start3A_131 = arith.constant 0 : i32
      %dma_start3A_132 = tpu.memref_slice %arg4[%add3A_82, %dma_start3A_131] : memref<65536x768xf32, #tpu.memory_space<hbm>> -> memref<128x768xf32, #tpu.memory_space<hbm>>
      tpu.enqueue_dma source(%arg6 : memref<128x768xf32, #tpu.memory_space<vmem>>) target(%dma_start3A_132 : memref<128x768xf32, #tpu.memory_space<hbm>>) target_semaphore(%run_scoped3A : memref<!tpu.dma_semaphore, #tpu.memory_space<semaphore_mem>>)
      %dma_wait3A_133 = arith.constant 0 : i32
      %dma_wait3A_134 = tpu.memref_slice %arg4[%add3A_82, %dma_wait3A_133] : memref<65536x768xf32, #tpu.memory_space<hbm>> -> memref<128x768xf32, #tpu.memory_space<hbm>>
      %dma_wait3A_135 = arith.constant 0 : i32
      %dma_wait3A_136 = tpu.memref_slice %arg4[%add3A_82, %dma_wait3A_135] : memref<65536x768xf32, #tpu.memory_space<hbm>> -> memref<128x768xf32, #tpu.memory_space<hbm>>
      tpu.wait_dma2 semaphore(%run_scoped3A : memref<!tpu.dma_semaphore, #tpu.memory_space<semaphore_mem>>) src(%arg6 : memref<128x768xf32, #tpu.memory_space<vmem>>) dst(%dma_wait3A_136 : memref<128x768xf32, #tpu.memory_space<hbm>>)
      tpu.yield
    }) : () -> ()
    %add3A_89 = arith.constant 1408 : i32
    %add3A_90 = arith.addi %mul3A_2, %add3A_89 : i32
    "tpu.region"() ({
      %run_scoped3A = tpu.sem_alloc : memref<!tpu.dma_semaphore, #tpu.memory_space<semaphore_mem>>
      %dma_start3A_129 = tpu.memref_slice %arg3[%add3A_90] : memref<65536xi32, #tpu.memory_space<hbm>> -> memref<128xi32, #tpu.memory_space<hbm>>
      %dma_start3A_130 = tpu.memref_slice %arg3[%add3A_90] : memref<65536xi32, #tpu.memory_space<hbm>> -> memref<128xi32, #tpu.memory_space<hbm>>
      tpu.enqueue_dma source(%dma_start3A_130 : memref<128xi32, #tpu.memory_space<hbm>>) target(%arg5 : memref<128xi32, #tpu.memory_space<vmem>>) target_semaphore(%run_scoped3A : memref<!tpu.dma_semaphore, #tpu.memory_space<semaphore_mem>>)
      %dma_wait3A_131 = tpu.memref_slice %arg3[%add3A_90] : memref<65536xi32, #tpu.memory_space<hbm>> -> memref<128xi32, #tpu.memory_space<hbm>>
      %dma_wait3A_132 = tpu.memref_slice %arg3[%add3A_90] : memref<65536xi32, #tpu.memory_space<hbm>> -> memref<128xi32, #tpu.memory_space<hbm>>
      tpu.wait_dma2 semaphore(%run_scoped3A : memref<!tpu.dma_semaphore, #tpu.memory_space<semaphore_mem>>) src(%dma_wait3A_132 : memref<128xi32, #tpu.memory_space<hbm>>) dst(%arg5 : memref<128xi32, #tpu.memory_space<vmem>>)
      tpu.yield
    }) : () -> ()
    %dma_start3A_91 = arith.constant 0 : i32
    %dma_start3A_92 = arith.constant 0 : i32
    %dma_start3A_93 = tpu.memref_slice %arg2[%dma_start3A_91, %dma_start3A_92] : memref<264x768xf32, #tpu.memory_space<hbm>> -> memref<264x768xf32, #tpu.memory_space<hbm>>
    tpu.enqueue_indirect_dma source(%dma_start3A_93 : memref<264x768xf32, #tpu.memory_space<hbm>>) target(%arg6 : memref<128x768xf32, #tpu.memory_space<vmem>>) offsets(%arg5 : memref<128xi32, #tpu.memory_space<vmem>>) semaphore(%arg7 : memref<!tpu.dma_semaphore, #tpu.memory_space<semaphore_mem>>)
    %dma_wait3A_94 = arith.constant 0 : i32
    %dma_wait3A_95 = arith.constant 0 : i32
    %dma_wait3A_96 = tpu.memref_slice %arg2[%dma_wait3A_94, %dma_wait3A_95] : memref<264x768xf32, #tpu.memory_space<hbm>> -> memref<264x768xf32, #tpu.memory_space<hbm>>
    tpu.wait_indirect_dma semaphore(%arg7 : memref<!tpu.dma_semaphore, #tpu.memory_space<semaphore_mem>>) src(%dma_wait3A_96 : memref<264x768xf32, #tpu.memory_space<hbm>>) dst(%arg6 : memref<128x768xf32, #tpu.memory_space<vmem>>)
    "tpu.region"() ({
      %run_scoped3A = tpu.sem_alloc : memref<!tpu.dma_semaphore, #tpu.memory_space<semaphore_mem>>
      %dma_start3A_129 = arith.constant 0 : i32
      %dma_start3A_130 = tpu.memref_slice %arg4[%add3A_90, %dma_start3A_129] : memref<65536x768xf32, #tpu.memory_space<hbm>> -> memref<128x768xf32, #tpu.memory_space<hbm>>
      %dma_start3A_131 = arith.constant 0 : i32
      %dma_start3A_132 = tpu.memref_slice %arg4[%add3A_90, %dma_start3A_131] : memref<65536x768xf32, #tpu.memory_space<hbm>> -> memref<128x768xf32, #tpu.memory_space<hbm>>
      tpu.enqueue_dma source(%arg6 : memref<128x768xf32, #tpu.memory_space<vmem>>) target(%dma_start3A_132 : memref<128x768xf32, #tpu.memory_space<hbm>>) target_semaphore(%run_scoped3A : memref<!tpu.dma_semaphore, #tpu.memory_space<semaphore_mem>>)
      %dma_wait3A_133 = arith.constant 0 : i32
      %dma_wait3A_134 = tpu.memref_slice %arg4[%add3A_90, %dma_wait3A_133] : memref<65536x768xf32, #tpu.memory_space<hbm>> -> memref<128x768xf32, #tpu.memory_space<hbm>>
      %dma_wait3A_135 = arith.constant 0 : i32
      %dma_wait3A_136 = tpu.memref_slice %arg4[%add3A_90, %dma_wait3A_135] : memref<65536x768xf32, #tpu.memory_space<hbm>> -> memref<128x768xf32, #tpu.memory_space<hbm>>
      tpu.wait_dma2 semaphore(%run_scoped3A : memref<!tpu.dma_semaphore, #tpu.memory_space<semaphore_mem>>) src(%arg6 : memref<128x768xf32, #tpu.memory_space<vmem>>) dst(%dma_wait3A_136 : memref<128x768xf32, #tpu.memory_space<hbm>>)
      tpu.yield
    }) : () -> ()
    %add3A_97 = arith.constant 1536 : i32
    %add3A_98 = arith.addi %mul3A_2, %add3A_97 : i32
    "tpu.region"() ({
      %run_scoped3A = tpu.sem_alloc : memref<!tpu.dma_semaphore, #tpu.memory_space<semaphore_mem>>
      %dma_start3A_129 = tpu.memref_slice %arg3[%add3A_98] : memref<65536xi32, #tpu.memory_space<hbm>> -> memref<128xi32, #tpu.memory_space<hbm>>
      %dma_start3A_130 = tpu.memref_slice %arg3[%add3A_98] : memref<65536xi32, #tpu.memory_space<hbm>> -> memref<128xi32, #tpu.memory_space<hbm>>
      tpu.enqueue_dma source(%dma_start3A_130 : memref<128xi32, #tpu.memory_space<hbm>>) target(%arg5 : memref<128xi32, #tpu.memory_space<vmem>>) target_semaphore(%run_scoped3A : memref<!tpu.dma_semaphore, #tpu.memory_space<semaphore_mem>>)
      %dma_wait3A_131 = tpu.memref_slice %arg3[%add3A_98] : memref<65536xi32, #tpu.memory_space<hbm>> -> memref<128xi32, #tpu.memory_space<hbm>>
      %dma_wait3A_132 = tpu.memref_slice %arg3[%add3A_98] : memref<65536xi32, #tpu.memory_space<hbm>> -> memref<128xi32, #tpu.memory_space<hbm>>
      tpu.wait_dma2 semaphore(%run_scoped3A : memref<!tpu.dma_semaphore, #tpu.memory_space<semaphore_mem>>) src(%dma_wait3A_132 : memref<128xi32, #tpu.memory_space<hbm>>) dst(%arg5 : memref<128xi32, #tpu.memory_space<vmem>>)
      tpu.yield
    }) : () -> ()
    %dma_start3A_99 = arith.constant 0 : i32
    %dma_start3A_100 = arith.constant 0 : i32
    %dma_start3A_101 = tpu.memref_slice %arg2[%dma_start3A_99, %dma_start3A_100] : memref<264x768xf32, #tpu.memory_space<hbm>> -> memref<264x768xf32, #tpu.memory_space<hbm>>
    tpu.enqueue_indirect_dma source(%dma_start3A_101 : memref<264x768xf32, #tpu.memory_space<hbm>>) target(%arg6 : memref<128x768xf32, #tpu.memory_space<vmem>>) offsets(%arg5 : memref<128xi32, #tpu.memory_space<vmem>>) semaphore(%arg7 : memref<!tpu.dma_semaphore, #tpu.memory_space<semaphore_mem>>)
    %dma_wait3A_102 = arith.constant 0 : i32
    %dma_wait3A_103 = arith.constant 0 : i32
    %dma_wait3A_104 = tpu.memref_slice %arg2[%dma_wait3A_102, %dma_wait3A_103] : memref<264x768xf32, #tpu.memory_space<hbm>> -> memref<264x768xf32, #tpu.memory_space<hbm>>
    tpu.wait_indirect_dma semaphore(%arg7 : memref<!tpu.dma_semaphore, #tpu.memory_space<semaphore_mem>>) src(%dma_wait3A_104 : memref<264x768xf32, #tpu.memory_space<hbm>>) dst(%arg6 : memref<128x768xf32, #tpu.memory_space<vmem>>)
    "tpu.region"() ({
      %run_scoped3A = tpu.sem_alloc : memref<!tpu.dma_semaphore, #tpu.memory_space<semaphore_mem>>
      %dma_start3A_129 = arith.constant 0 : i32
      %dma_start3A_130 = tpu.memref_slice %arg4[%add3A_98, %dma_start3A_129] : memref<65536x768xf32, #tpu.memory_space<hbm>> -> memref<128x768xf32, #tpu.memory_space<hbm>>
      %dma_start3A_131 = arith.constant 0 : i32
      %dma_start3A_132 = tpu.memref_slice %arg4[%add3A_98, %dma_start3A_131] : memref<65536x768xf32, #tpu.memory_space<hbm>> -> memref<128x768xf32, #tpu.memory_space<hbm>>
      tpu.enqueue_dma source(%arg6 : memref<128x768xf32, #tpu.memory_space<vmem>>) target(%dma_start3A_132 : memref<128x768xf32, #tpu.memory_space<hbm>>) target_semaphore(%run_scoped3A : memref<!tpu.dma_semaphore, #tpu.memory_space<semaphore_mem>>)
      %dma_wait3A_133 = arith.constant 0 : i32
      %dma_wait3A_134 = tpu.memref_slice %arg4[%add3A_98, %dma_wait3A_133] : memref<65536x768xf32, #tpu.memory_space<hbm>> -> memref<128x768xf32, #tpu.memory_space<hbm>>
      %dma_wait3A_135 = arith.constant 0 : i32
      %dma_wait3A_136 = tpu.memref_slice %arg4[%add3A_98, %dma_wait3A_135] : memref<65536x768xf32, #tpu.memory_space<hbm>> -> memref<128x768xf32, #tpu.memory_space<hbm>>
      tpu.wait_dma2 semaphore(%run_scoped3A : memref<!tpu.dma_semaphore, #tpu.memory_space<semaphore_mem>>) src(%arg6 : memref<128x768xf32, #tpu.memory_space<vmem>>) dst(%dma_wait3A_136 : memref<128x768xf32, #tpu.memory_space<hbm>>)
      tpu.yield
    }) : () -> ()
    %add3A_105 = arith.constant 1664 : i32
    %add3A_106 = arith.addi %mul3A_2, %add3A_105 : i32
    "tpu.region"() ({
      %run_scoped3A = tpu.sem_alloc : memref<!tpu.dma_semaphore, #tpu.memory_space<semaphore_mem>>
      %dma_start3A_129 = tpu.memref_slice %arg3[%add3A_106] : memref<65536xi32, #tpu.memory_space<hbm>> -> memref<128xi32, #tpu.memory_space<hbm>>
      %dma_start3A_130 = tpu.memref_slice %arg3[%add3A_106] : memref<65536xi32, #tpu.memory_space<hbm>> -> memref<128xi32, #tpu.memory_space<hbm>>
      tpu.enqueue_dma source(%dma_start3A_130 : memref<128xi32, #tpu.memory_space<hbm>>) target(%arg5 : memref<128xi32, #tpu.memory_space<vmem>>) target_semaphore(%run_scoped3A : memref<!tpu.dma_semaphore, #tpu.memory_space<semaphore_mem>>)
      %dma_wait3A_131 = tpu.memref_slice %arg3[%add3A_106] : memref<65536xi32, #tpu.memory_space<hbm>> -> memref<128xi32, #tpu.memory_space<hbm>>
      %dma_wait3A_132 = tpu.memref_slice %arg3[%add3A_106] : memref<65536xi32, #tpu.memory_space<hbm>> -> memref<128xi32, #tpu.memory_space<hbm>>
      tpu.wait_dma2 semaphore(%run_scoped3A : memref<!tpu.dma_semaphore, #tpu.memory_space<semaphore_mem>>) src(%dma_wait3A_132 : memref<128xi32, #tpu.memory_space<hbm>>) dst(%arg5 : memref<128xi32, #tpu.memory_space<vmem>>)
      tpu.yield
    }) : () -> ()
    %dma_start3A_107 = arith.constant 0 : i32
    %dma_start3A_108 = arith.constant 0 : i32
    %dma_start3A_109 = tpu.memref_slice %arg2[%dma_start3A_107, %dma_start3A_108] : memref<264x768xf32, #tpu.memory_space<hbm>> -> memref<264x768xf32, #tpu.memory_space<hbm>>
    tpu.enqueue_indirect_dma source(%dma_start3A_109 : memref<264x768xf32, #tpu.memory_space<hbm>>) target(%arg6 : memref<128x768xf32, #tpu.memory_space<vmem>>) offsets(%arg5 : memref<128xi32, #tpu.memory_space<vmem>>) semaphore(%arg7 : memref<!tpu.dma_semaphore, #tpu.memory_space<semaphore_mem>>)
    %dma_wait3A_110 = arith.constant 0 : i32
    %dma_wait3A_111 = arith.constant 0 : i32
    %dma_wait3A_112 = tpu.memref_slice %arg2[%dma_wait3A_110, %dma_wait3A_111] : memref<264x768xf32, #tpu.memory_space<hbm>> -> memref<264x768xf32, #tpu.memory_space<hbm>>
    tpu.wait_indirect_dma semaphore(%arg7 : memref<!tpu.dma_semaphore, #tpu.memory_space<semaphore_mem>>) src(%dma_wait3A_112 : memref<264x768xf32, #tpu.memory_space<hbm>>) dst(%arg6 : memref<128x768xf32, #tpu.memory_space<vmem>>)
    "tpu.region"() ({
      %run_scoped3A = tpu.sem_alloc : memref<!tpu.dma_semaphore, #tpu.memory_space<semaphore_mem>>
      %dma_start3A_129 = arith.constant 0 : i32
      %dma_start3A_130 = tpu.memref_slice %arg4[%add3A_106, %dma_start3A_129] : memref<65536x768xf32, #tpu.memory_space<hbm>> -> memref<128x768xf32, #tpu.memory_space<hbm>>
      %dma_start3A_131 = arith.constant 0 : i32
      %dma_start3A_132 = tpu.memref_slice %arg4[%add3A_106, %dma_start3A_131] : memref<65536x768xf32, #tpu.memory_space<hbm>> -> memref<128x768xf32, #tpu.memory_space<hbm>>
      tpu.enqueue_dma source(%arg6 : memref<128x768xf32, #tpu.memory_space<vmem>>) target(%dma_start3A_132 : memref<128x768xf32, #tpu.memory_space<hbm>>) target_semaphore(%run_scoped3A : memref<!tpu.dma_semaphore, #tpu.memory_space<semaphore_mem>>)
      %dma_wait3A_133 = arith.constant 0 : i32
      %dma_wait3A_134 = tpu.memref_slice %arg4[%add3A_106, %dma_wait3A_133] : memref<65536x768xf32, #tpu.memory_space<hbm>> -> memref<128x768xf32, #tpu.memory_space<hbm>>
      %dma_wait3A_135 = arith.constant 0 : i32
      %dma_wait3A_136 = tpu.memref_slice %arg4[%add3A_106, %dma_wait3A_135] : memref<65536x768xf32, #tpu.memory_space<hbm>> -> memref<128x768xf32, #tpu.memory_space<hbm>>
      tpu.wait_dma2 semaphore(%run_scoped3A : memref<!tpu.dma_semaphore, #tpu.memory_space<semaphore_mem>>) src(%arg6 : memref<128x768xf32, #tpu.memory_space<vmem>>) dst(%dma_wait3A_136 : memref<128x768xf32, #tpu.memory_space<hbm>>)
      tpu.yield
    }) : () -> ()
    %add3A_113 = arith.constant 1792 : i32
    %add3A_114 = arith.addi %mul3A_2, %add3A_113 : i32
    "tpu.region"() ({
      %run_scoped3A = tpu.sem_alloc : memref<!tpu.dma_semaphore, #tpu.memory_space<semaphore_mem>>
      %dma_start3A_129 = tpu.memref_slice %arg3[%add3A_114] : memref<65536xi32, #tpu.memory_space<hbm>> -> memref<128xi32, #tpu.memory_space<hbm>>
      %dma_start3A_130 = tpu.memref_slice %arg3[%add3A_114] : memref<65536xi32, #tpu.memory_space<hbm>> -> memref<128xi32, #tpu.memory_space<hbm>>
      tpu.enqueue_dma source(%dma_start3A_130 : memref<128xi32, #tpu.memory_space<hbm>>) target(%arg5 : memref<128xi32, #tpu.memory_space<vmem>>) target_semaphore(%run_scoped3A : memref<!tpu.dma_semaphore, #tpu.memory_space<semaphore_mem>>)
      %dma_wait3A_131 = tpu.memref_slice %arg3[%add3A_114] : memref<65536xi32, #tpu.memory_space<hbm>> -> memref<128xi32, #tpu.memory_space<hbm>>
      %dma_wait3A_132 = tpu.memref_slice %arg3[%add3A_114] : memref<65536xi32, #tpu.memory_space<hbm>> -> memref<128xi32, #tpu.memory_space<hbm>>
      tpu.wait_dma2 semaphore(%run_scoped3A : memref<!tpu.dma_semaphore, #tpu.memory_space<semaphore_mem>>) src(%dma_wait3A_132 : memref<128xi32, #tpu.memory_space<hbm>>) dst(%arg5 : memref<128xi32, #tpu.memory_space<vmem>>)
      tpu.yield
    }) : () -> ()
    %dma_start3A_115 = arith.constant 0 : i32
    %dma_start3A_116 = arith.constant 0 : i32
    %dma_start3A_117 = tpu.memref_slice %arg2[%dma_start3A_115, %dma_start3A_116] : memref<264x768xf32, #tpu.memory_space<hbm>> -> memref<264x768xf32, #tpu.memory_space<hbm>>
    tpu.enqueue_indirect_dma source(%dma_start3A_117 : memref<264x768xf32, #tpu.memory_space<hbm>>) target(%arg6 : memref<128x768xf32, #tpu.memory_space<vmem>>) offsets(%arg5 : memref<128xi32, #tpu.memory_space<vmem>>) semaphore(%arg7 : memref<!tpu.dma_semaphore, #tpu.memory_space<semaphore_mem>>)
    %dma_wait3A_118 = arith.constant 0 : i32
    %dma_wait3A_119 = arith.constant 0 : i32
    %dma_wait3A_120 = tpu.memref_slice %arg2[%dma_wait3A_118, %dma_wait3A_119] : memref<264x768xf32, #tpu.memory_space<hbm>> -> memref<264x768xf32, #tpu.memory_space<hbm>>
    tpu.wait_indirect_dma semaphore(%arg7 : memref<!tpu.dma_semaphore, #tpu.memory_space<semaphore_mem>>) src(%dma_wait3A_120 : memref<264x768xf32, #tpu.memory_space<hbm>>) dst(%arg6 : memref<128x768xf32, #tpu.memory_space<vmem>>)
    "tpu.region"() ({
      %run_scoped3A = tpu.sem_alloc : memref<!tpu.dma_semaphore, #tpu.memory_space<semaphore_mem>>
      %dma_start3A_129 = arith.constant 0 : i32
      %dma_start3A_130 = tpu.memref_slice %arg4[%add3A_114, %dma_start3A_129] : memref<65536x768xf32, #tpu.memory_space<hbm>> -> memref<128x768xf32, #tpu.memory_space<hbm>>
      %dma_start3A_131 = arith.constant 0 : i32
      %dma_start3A_132 = tpu.memref_slice %arg4[%add3A_114, %dma_start3A_131] : memref<65536x768xf32, #tpu.memory_space<hbm>> -> memref<128x768xf32, #tpu.memory_space<hbm>>
      tpu.enqueue_dma source(%arg6 : memref<128x768xf32, #tpu.memory_space<vmem>>) target(%dma_start3A_132 : memref<128x768xf32, #tpu.memory_space<hbm>>) target_semaphore(%run_scoped3A : memref<!tpu.dma_semaphore, #tpu.memory_space<semaphore_mem>>)
      %dma_wait3A_133 = arith.constant 0 : i32
      %dma_wait3A_134 = tpu.memref_slice %arg4[%add3A_114, %dma_wait3A_133] : memref<65536x768xf32, #tpu.memory_space<hbm>> -> memref<128x768xf32, #tpu.memory_space<hbm>>
      %dma_wait3A_135 = arith.constant 0 : i32
      %dma_wait3A_136 = tpu.memref_slice %arg4[%add3A_114, %dma_wait3A_135] : memref<65536x768xf32, #tpu.memory_space<hbm>> -> memref<128x768xf32, #tpu.memory_space<hbm>>
      tpu.wait_dma2 semaphore(%run_scoped3A : memref<!tpu.dma_semaphore, #tpu.memory_space<semaphore_mem>>) src(%arg6 : memref<128x768xf32, #tpu.memory_space<vmem>>) dst(%dma_wait3A_136 : memref<128x768xf32, #tpu.memory_space<hbm>>)
      tpu.yield
    }) : () -> ()
    %add3A_121 = arith.constant 1920 : i32
    %add3A_122 = arith.addi %mul3A_2, %add3A_121 : i32
    "tpu.region"() ({
      %run_scoped3A = tpu.sem_alloc : memref<!tpu.dma_semaphore, #tpu.memory_space<semaphore_mem>>
      %dma_start3A_129 = tpu.memref_slice %arg3[%add3A_122] : memref<65536xi32, #tpu.memory_space<hbm>> -> memref<128xi32, #tpu.memory_space<hbm>>
      %dma_start3A_130 = tpu.memref_slice %arg3[%add3A_122] : memref<65536xi32, #tpu.memory_space<hbm>> -> memref<128xi32, #tpu.memory_space<hbm>>
      tpu.enqueue_dma source(%dma_start3A_130 : memref<128xi32, #tpu.memory_space<hbm>>) target(%arg5 : memref<128xi32, #tpu.memory_space<vmem>>) target_semaphore(%run_scoped3A : memref<!tpu.dma_semaphore, #tpu.memory_space<semaphore_mem>>)
      %dma_wait3A_131 = tpu.memref_slice %arg3[%add3A_122] : memref<65536xi32, #tpu.memory_space<hbm>> -> memref<128xi32, #tpu.memory_space<hbm>>
      %dma_wait3A_132 = tpu.memref_slice %arg3[%add3A_122] : memref<65536xi32, #tpu.memory_space<hbm>> -> memref<128xi32, #tpu.memory_space<hbm>>
      tpu.wait_dma2 semaphore(%run_scoped3A : memref<!tpu.dma_semaphore, #tpu.memory_space<semaphore_mem>>) src(%dma_wait3A_132 : memref<128xi32, #tpu.memory_space<hbm>>) dst(%arg5 : memref<128xi32, #tpu.memory_space<vmem>>)
      tpu.yield
    }) : () -> ()
    %dma_start3A_123 = arith.constant 0 : i32
    %dma_start3A_124 = arith.constant 0 : i32
    %dma_start3A_125 = tpu.memref_slice %arg2[%dma_start3A_123, %dma_start3A_124] : memref<264x768xf32, #tpu.memory_space<hbm>> -> memref<264x768xf32, #tpu.memory_space<hbm>>
    tpu.enqueue_indirect_dma source(%dma_start3A_125 : memref<264x768xf32, #tpu.memory_space<hbm>>) target(%arg6 : memref<128x768xf32, #tpu.memory_space<vmem>>) offsets(%arg5 : memref<128xi32, #tpu.memory_space<vmem>>) semaphore(%arg7 : memref<!tpu.dma_semaphore, #tpu.memory_space<semaphore_mem>>)
    %dma_wait3A_126 = arith.constant 0 : i32
    %dma_wait3A_127 = arith.constant 0 : i32
    %dma_wait3A_128 = tpu.memref_slice %arg2[%dma_wait3A_126, %dma_wait3A_127] : memref<264x768xf32, #tpu.memory_space<hbm>> -> memref<264x768xf32, #tpu.memory_space<hbm>>
    tpu.wait_indirect_dma semaphore(%arg7 : memref<!tpu.dma_semaphore, #tpu.memory_space<semaphore_mem>>) src(%dma_wait3A_128 : memref<264x768xf32, #tpu.memory_space<hbm>>) dst(%arg6 : memref<128x768xf32, #tpu.memory_space<vmem>>)
    "tpu.region"() ({
      %run_scoped3A = tpu.sem_alloc : memref<!tpu.dma_semaphore, #tpu.memory_space<semaphore_mem>>
      %dma_start3A_129 = arith.constant 0 : i32
      %dma_start3A_130 = tpu.memref_slice %arg4[%add3A_122, %dma_start3A_129] : memref<65536x768xf32, #tpu.memory_space<hbm>> -> memref<128x768xf32, #tpu.memory_space<hbm>>
      %dma_start3A_131 = arith.constant 0 : i32
      %dma_start3A_132 = tpu.memref_slice %arg4[%add3A_122, %dma_start3A_131] : memref<65536x768xf32, #tpu.memory_space<hbm>> -> memref<128x768xf32, #tpu.memory_space<hbm>>
      tpu.enqueue_dma source(%arg6 : memref<128x768xf32, #tpu.memory_space<vmem>>) target(%dma_start3A_132 : memref<128x768xf32, #tpu.memory_space<hbm>>) target_semaphore(%run_scoped3A : memref<!tpu.dma_semaphore, #tpu.memory_space<semaphore_mem>>)
      %dma_wait3A_133 = arith.constant 0 : i32
      %dma_wait3A_134 = tpu.memref_slice %arg4[%add3A_122, %dma_wait3A_133] : memref<65536x768xf32, #tpu.memory_space<hbm>> -> memref<128x768xf32, #tpu.memory_space<hbm>>
      %dma_wait3A_135 = arith.constant 0 : i32
      %dma_wait3A_136 = tpu.memref_slice %arg4[%add3A_122, %dma_wait3A_135] : memref<65536x768xf32, #tpu.memory_space<hbm>> -> memref<128x768xf32, #tpu.memory_space<hbm>>
      tpu.wait_dma2 semaphore(%run_scoped3A : memref<!tpu.dma_semaphore, #tpu.memory_space<semaphore_mem>>) src(%arg6 : memref<128x768xf32, #tpu.memory_space<vmem>>) dst(%dma_wait3A_136 : memref<128x768xf32, #tpu.memory_space<hbm>>)
      tpu.yield
    }) : () -> ()
    return
  }
}

module attributes {stable_mosaic.version = 14 : i64} {
  func.func @_tables_kernel(%arg0: memref<256x64xf32, #tpu.memory_space<vmem>>, %arg1: memref<64x768xf32, #tpu.memory_space<vmem>>, %arg2: memref<1x768xf32, #tpu.memory_space<vmem>>, %arg3: memref<264x768xf32, #tpu.memory_space<vmem>>) attributes {dimension_semantics = [], scalar_prefetch = 0 : i64, scratch_operands = 0 : i64, tpu.core_type = #tpu.core_type<tc>} {
    %get3A = arith.constant 0 : index
    %get3A_0 = arith.constant 0 : index
    %get3A_1 = vector.load %arg0[%get3A, %get3A_0] : memref<256x64xf32, #tpu.memory_space<vmem>>, vector<256x64xf32>
    %get3A_2 = arith.constant 0 : index
    %get3A_3 = arith.constant 0 : index
    %get3A_4 = vector.load %arg2[%get3A_2, %get3A_3] : memref<1x768xf32, #tpu.memory_space<vmem>>, vector<1x768xf32>
    %get3A_5 = arith.constant 0 : index
    %get3A_6 = arith.constant 0 : index
    %get3A_7 = vector.load %arg1[%get3A_5, %get3A_6] : memref<64x768xf32, #tpu.memory_space<vmem>>, vector<64x768xf32>
    %dot_general3A = arith.constant dense<0.000000e+00> : vector<256x768xf32>
    %dot_general3A_8 = tpu.matmul %get3A_1, %get3A_7, %dot_general3A {dimension_numbers = #tpu.dot_dimension_numbers<[1], [0], [0], [1], [0, 0, 1, 1], [], []>, transpose_lhs_hint = false} : vector<256x64xf32>, vector<64x768xf32>, vector<256x768xf32> -> vector<256x768xf32>
    %add3A = vector.broadcast %get3A_4 : vector<1x768xf32> to vector<256x768xf32>
    %add3A_9 = arith.addf %dot_general3A_8, %add3A : vector<256x768xf32>
    %swap3A = arith.constant 0 : index
    %swap3A_10 = arith.constant 0 : index
    %swap3A_11 = vector.load %arg3[%swap3A, %swap3A_10] : memref<264x768xf32, #tpu.memory_space<vmem>>, vector<256x768xf32>
    tpu.vector_store %arg3[%swap3A, %swap3A_10], %add3A_9 {strides = array<i32>} : memref<264x768xf32, #tpu.memory_space<vmem>>, vector<256x768xf32>,
    %broadcast_in_dim3A = vector.shape_cast %get3A_4 : vector<1x768xf32> to vector<1x768xf32>
    %broadcast_in_dim3A_12 = vector.broadcast %broadcast_in_dim3A : vector<1x768xf32> to vector<8x768xf32>
    %swap3A_13 = arith.constant 256 : index
    %swap3A_14 = arith.constant 0 : index
    %swap3A_15 = vector.load %arg3[%swap3A_13, %swap3A_14] : memref<264x768xf32, #tpu.memory_space<vmem>>, vector<8x768xf32>
    tpu.vector_store %arg3[%swap3A_13, %swap3A_14], %broadcast_in_dim3A_12 {strides = array<i32>} : memref<264x768xf32, #tpu.memory_space<vmem>>, vector<8x768xf32>,
    return
  }
}

module attributes {stable_mosaic.version = 14 : i64} {
  func.func @_main_kernel(%arg0: i32, %arg1: memref<2048x64xf32, #tpu.memory_space<vmem>>, %arg2: memref<2048x1xf32, #tpu.memory_space<vmem>>, %arg3: memref<256x64xf32, #tpu.memory_space<vmem>>, %arg4: memref<1x1xf32, #tpu.memory_space<vmem>>, %arg5: memref<1x2xi32, #tpu.memory_space<vmem>>, %arg6: memref<2048x1xi32, #tpu.memory_space<vmem>>, %arg7: memref<2048x1xi32, #tpu.memory_space<vmem>>, %arg8: memref<2048x256xf32, #tpu.memory_space<vmem>>, %arg9: memref<1x1x1xf32, #tpu.memory_space<vmem>>, %arg10: memref<2048x64xf32, #tpu.memory_space<vmem>>) attributes {dimension_semantics = [#tpu.dimension_semantics<parallel>], iteration_bounds = array<i64: 32>, scalar_prefetch = 0 : i64, scratch_operands = 0 : i64, tpu.core_type = #tpu.core_type<tc>, window_params = [{transform_indices = @transform_0, window_bounds = array<i64: 2048, 64>}, {transform_indices = @transform_1, window_bounds = array<i64: 2048, 1>}, {pipeline_mode = #tpu.pipeline_mode<synchronous>, transform_indices = @transform_2, window_bounds = array<i64: 256, 64>}, {pipeline_mode = #tpu.pipeline_mode<synchronous>, transform_indices = @transform_3, window_bounds = array<i64: 1, 1>}, {pipeline_mode = #tpu.pipeline_mode<synchronous>, transform_indices = @transform_4, window_bounds = array<i64: 1, 2>}, {transform_indices = @transform_5, window_bounds = array<i64: 2048, 1>}, {transform_indices = @transform_6, window_bounds = array<i64: 2048, 1>}, {transform_indices = @transform_7, window_bounds = array<i64: 2048, 256>}, {transform_indices = @transform_8, window_bounds = array<i64: 1, 1, 1>}, {transform_indices = @transform_9, window_bounds = array<i64: 2048, 64>}]} {
    %get3A = arith.constant 0 : index
    %get3A_0 = arith.constant 0 : index
    %get3A_1 = vector.load %arg1[%get3A, %get3A_0] : memref<2048x64xf32, #tpu.memory_space<vmem>>, vector<2048x64xf32>
    %get3A_2 = arith.constant 0 : index
    %get3A_3 = arith.constant 0 : index
    %get3A_4 = vector.load %arg3[%get3A_2, %get3A_3] : memref<256x64xf32, #tpu.memory_space<vmem>>, vector<256x64xf32>
    %transpose3A = tpu.transpose %get3A_4, [1, 0] : vector<256x64xf32> -> vector<64x256xf32>
    %dot_general3A = arith.constant dense<0.000000e+00> : vector<2048x256xf32>
    %dot_general3A_5 = tpu.matmul %get3A_1, %transpose3A, %dot_general3A {dimension_numbers = #tpu.dot_dimension_numbers<[1], [0], [0], [1], [0, 0, 1, 1], [], []>, transpose_lhs_hint = false} : vector<2048x64xf32>, vector<64x256xf32>, vector<2048x256xf32> -> vector<2048x256xf32>
    %get3A_6 = arith.constant 0 : index
    %get3A_7 = arith.constant 0 : index
    %get3A_8 = vector.load %arg4[%get3A_6, %get3A_7] : memref<1x1xf32, #tpu.memory_space<vmem>>, vector<1x1xf32>
    %get3A_9 = vector.extract %get3A_8[0, 0] : f32 from vector<1x1xf32>
    %sub3A = arith.constant 1.000000e+00 : f32
    %sub3A_10 = arith.subf %get3A_9, %sub3A : f32
    %mul3A = arith.constant 2.000000e+00 : f32
    %mul3A_11 = arith.mulf %mul3A, %sub3A_10 : f32
    %mul3A_12 = vector.broadcast %mul3A_11 : f32 to vector<2048x256xf32>
    %mul3A_13 = arith.mulf %mul3A_12, %dot_general3A_5 : vector<2048x256xf32>
    %mul3A_14 = arith.constant 2.000000e+00 : f32
    %mul3A_15 = vector.broadcast %mul3A_14 : f32 to vector<2048x256xf32>
    %mul3A_16 = arith.mulf %mul3A_15, %dot_general3A_5 : vector<2048x256xf32>
    %add3A = arith.addf %mul3A_13, %mul3A_16 : vector<2048x256xf32>
    %reduce_max3A = arith.constant dense<0xFF800000> : vector<2048xf32>
    %reduce_max3A_17 = vector.multi_reduction <maximumf>, %add3A, %reduce_max3A [1] : vector<2048x256xf32> to vector<2048xf32>
    %broadcast_in_dim3A = vector.shape_cast %reduce_max3A_17 : vector<2048xf32> to vector<2048x1xf32>
    %sub3A_18 = vector.broadcast %broadcast_in_dim3A : vector<2048x1xf32> to vector<2048x256xf32>
    %sub3A_19 = arith.subf %add3A, %sub3A_18 : vector<2048x256xf32>
    %exp3A = math.exp %sub3A_19 : vector<2048x256xf32>
    %reduce_sum3A = arith.constant dense<0.000000e+00> : vector<2048xf32>
    %reduce_sum3A_20 = vector.multi_reduction <add>, %exp3A, %reduce_sum3A [1] : vector<2048x256xf32> to vector<2048xf32>
    %broadcast_in_dim3A_21 = vector.shape_cast %reduce_sum3A_20 : vector<2048xf32> to vector<2048x1xf32>
    %div3A = vector.broadcast %broadcast_in_dim3A_21 : vector<2048x1xf32> to vector<2048x256xf32>
    %div3A_22 = arith.divf %exp3A, %div3A : vector<2048x256xf32>
    %get3A_23 = arith.constant 0 : index
    %get3A_24 = arith.constant 0 : index
    %get3A_25 = vector.load %arg2[%get3A_23, %get3A_24] : memref<2048x1xf32, #tpu.memory_space<vmem>>, vector<2048x1xf32>
    %mul3A_26 = vector.broadcast %get3A_25 : vector<2048x1xf32> to vector<2048x256xf32>
    %mul3A_27 = arith.mulf %div3A_22, %mul3A_26 : vector<2048x256xf32>
    %swap3A = arith.constant 0 : index
    %swap3A_28 = arith.constant 0 : index
    %swap3A_29 = vector.load %arg8[%swap3A, %swap3A_28] : memref<2048x256xf32, #tpu.memory_space<vmem>>, vector<2048x256xf32>
    tpu.vector_store %arg8[%swap3A, %swap3A_28], %mul3A_27 {strides = array<i32>} : memref<2048x256xf32, #tpu.memory_space<vmem>>, vector<2048x256xf32>,
    %mul3A_30 = arith.constant 2048 : i32
    %mul3A_31 = arith.muli %arg0, %mul3A_30 : i32
    %get3A_32 = arith.constant 0 : index
    %get3A_33 = arith.constant 0 : index
    %get3A_34 = vector.load %arg5[%get3A_32, %get3A_33] : memref<1x2xi32, #tpu.memory_space<vmem>>, vector<1x1xi32>
    %get3A_35 = vector.extract %get3A_34[0, 0] : i32 from vector<1x1xi32>
    %get3A_36 = arith.constant 0 : index
    %get3A_37 = arith.constant 1 : index
    %get3A_38 = vector.load %arg5[%get3A_36, %get3A_37] : memref<1x2xi32, #tpu.memory_space<vmem>>, vector<1x1xi32>
    %get3A_39 = vector.extract %get3A_38[0, 0] : i32 from vector<1x1xi32>
    %iota3A = tpu.iota {dimensions = array<i32: 0>} : vector<2048x256xi32>
    %iota3A_40 = tpu.iota {dimensions = array<i32: 1>} : vector<2048x256xi32>
    %add3A_41 = vector.broadcast %mul3A_31 : i32 to vector<2048x256xi32>
    %add3A_42 = arith.addi %iota3A, %add3A_41 : vector<2048x256xi32>
    %mul3A_43 = arith.constant 256 : i32
    %mul3A_44 = vector.broadcast %mul3A_43 : i32 to vector<2048x256xi32>
    %mul3A_45 = arith.muli %add3A_42, %mul3A_44 : vector<2048x256xi32>
    %add3A_46 = arith.addi %mul3A_45, %iota3A_40 : vector<2048x256xi32>
    %broadcast_in_dim3A_47 = arith.constant 0 : i32
    %broadcast_in_dim3A_48 = vector.broadcast %broadcast_in_dim3A_47 : i32 to vector<2048x256xi32>
    %xor3A = arith.constant 466688986 : i32
    %xor3A_49 = arith.xori %xor3A, %get3A_35 : i32
    %xor3A_50 = arith.xori %xor3A_49, %get3A_39 : i32
    %add3A_51 = vector.broadcast %get3A_35 : i32 to vector<2048x256xi32>
    %add3A_52 = arith.addi %broadcast_in_dim3A_48, %add3A_51 : vector<2048x256xi32>
    %add3A_53 = vector.broadcast %get3A_39 : i32 to vector<2048x256xi32>
    %add3A_54 = arith.addi %add3A_46, %add3A_53 : vector<2048x256xi32>
    %add3A_55 = arith.addi %add3A_52, %add3A_54 : vector<2048x256xi32>
    %shift_left3A = arith.constant 13 : i32
    %shift_left3A_56 = vector.broadcast %shift_left3A : i32 to vector<2048x256xi32>
    %shift_left3A_57 = arith.shli %add3A_54, %shift_left3A_56 : vector<2048x256xi32>
    %shift_right_logical3A = arith.constant 19 : i32
    %shift_right_logical3A_58 = vector.broadcast %shift_right_logical3A : i32 to vector<2048x256xi32>
    %shift_right_logical3A_59 = arith.shrui %add3A_54, %shift_right_logical3A_58 : vector<2048x256xi32>
    %or3A = arith.ori %shift_left3A_57, %shift_right_logical3A_59 : vector<2048x256xi32>
    %xor3A_60 = arith.xori %or3A, %add3A_55 : vector<2048x256xi32>
    %add3A_61 = arith.addi %add3A_55, %xor3A_60 : vector<2048x256xi32>
    %shift_left3A_62 = arith.constant 15 : i32
    %shift_left3A_63 = vector.broadcast %shift_left3A_62 : i32 to vector<2048x256xi32>
    %shift_left3A_64 = arith.shli %xor3A_60, %shift_left3A_63 : vector<2048x256xi32>
    %shift_right_logical3A_65 = arith.constant 17 : i32
    %shift_right_logical3A_66 = vector.broadcast %shift_right_logical3A_65 : i32 to vector<2048x256xi32>
    %shift_right_logical3A_67 = arith.shrui %xor3A_60, %shift_right_logical3A_66 : vector<2048x256xi32>
    %or3A_68 = arith.ori %shift_left3A_64, %shift_right_logical3A_67 : vector<2048x256xi32>
    %xor3A_69 = arith.xori %or3A_68, %add3A_61 : vector<2048x256xi32>
    %add3A_70 = arith.addi %add3A_61, %xor3A_69 : vector<2048x256xi32>
    %shift_left3A_71 = arith.constant 26 : i32
    %shift_left3A_72 = vector.broadcast %shift_left3A_71 : i32 to vector<2048x256xi32>
    %shift_left3A_73 = arith.shli %xor3A_69, %shift_left3A_72 : vector<2048x256xi32>
    %shift_right_logical3A_74 = arith.constant 6 : i32
    %shift_right_logical3A_75 = vector.broadcast %shift_right_logical3A_74 : i32 to vector<2048x256xi32>
    %shift_right_logical3A_76 = arith.shrui %xor3A_69, %shift_right_logical3A_75 : vector<2048x256xi32>
    %or3A_77 = arith.ori %shift_left3A_73, %shift_right_logical3A_76 : vector<2048x256xi32>
    %xor3A_78 = arith.xori %or3A_77, %add3A_70 : vector<2048x256xi32>
    %add3A_79 = arith.addi %add3A_70, %xor3A_78 : vector<2048x256xi32>
    %shift_left3A_80 = arith.constant 6 : i32
    %shift_left3A_81 = vector.broadcast %shift_left3A_80 : i32 to vector<2048x256xi32>
    %shift_left3A_82 = arith.shli %xor3A_78, %shift_left3A_81 : vector<2048x256xi32>
    %shift_right_logical3A_83 = arith.constant 26 : i32
    %shift_right_logical3A_84 = vector.broadcast %shift_right_logical3A_83 : i32 to vector<2048x256xi32>
    %shift_right_logical3A_85 = arith.shrui %xor3A_78, %shift_right_logical3A_84 : vector<2048x256xi32>
    %or3A_86 = arith.ori %shift_left3A_82, %shift_right_logical3A_85 : vector<2048x256xi32>
    %xor3A_87 = arith.xori %or3A_86, %add3A_79 : vector<2048x256xi32>
    %add3A_88 = vector.broadcast %get3A_39 : i32 to vector<2048x256xi32>
    %add3A_89 = arith.addi %add3A_79, %add3A_88 : vector<2048x256xi32>
    %add3A_90 = vector.broadcast %xor3A_50 : i32 to vector<2048x256xi32>
    %add3A_91 = arith.addi %xor3A_87, %add3A_90 : vector<2048x256xi32>
    %add3A_92 = arith.constant 1 : i32
    %add3A_93 = vector.broadcast %add3A_92 : i32 to vector<2048x256xi32>
    %add3A_94 = arith.addi %add3A_91, %add3A_93 : vector<2048x256xi32>
    %add3A_95 = arith.addi %add3A_89, %add3A_94 : vector<2048x256xi32>
    %shift_left3A_96 = arith.constant 17 : i32
    %shift_left3A_97 = vector.broadcast %shift_left3A_96 : i32 to vector<2048x256xi32>
    %shift_left3A_98 = arith.shli %add3A_94, %shift_left3A_97 : vector<2048x256xi32>
    %shift_right_logical3A_99 = arith.constant 15 : i32
    %shift_right_logical3A_100 = vector.broadcast %shift_right_logical3A_99 : i32 to vector<2048x256xi32>
    %shift_right_logical3A_101 = arith.shrui %add3A_94, %shift_right_logical3A_100 : vector<2048x256xi32>
    %or3A_102 = arith.ori %shift_left3A_98, %shift_right_logical3A_101 : vector<2048x256xi32>
    %xor3A_103 = arith.xori %or3A_102, %add3A_95 : vector<2048x256xi32>
    %add3A_104 = arith.addi %add3A_95, %xor3A_103 : vector<2048x256xi32>
    %shift_left3A_105 = arith.constant 29 : i32
    %shift_left3A_106 = vector.broadcast %shift_left3A_105 : i32 to vector<2048x256xi32>
    %shift_left3A_107 = arith.shli %xor3A_103, %shift_left3A_106 : vector<2048x256xi32>
    %shift_right_logical3A_108 = arith.constant 3 : i32
    %shift_right_logical3A_109 = vector.broadcast %shift_right_logical3A_108 : i32 to vector<2048x256xi32>
    %shift_right_logical3A_110 = arith.shrui %xor3A_103, %shift_right_logical3A_109 : vector<2048x256xi32>
    %or3A_111 = arith.ori %shift_left3A_107, %shift_right_logical3A_110 : vector<2048x256xi32>
    %xor3A_112 = arith.xori %or3A_111, %add3A_104 : vector<2048x256xi32>
    %add3A_113 = arith.addi %add3A_104, %xor3A_112 : vector<2048x256xi32>
    %shift_left3A_114 = arith.constant 16 : i32
    %shift_left3A_115 = vector.broadcast %shift_left3A_114 : i32 to vector<2048x256xi32>
    %shift_left3A_116 = arith.shli %xor3A_112, %shift_left3A_115 : vector<2048x256xi32>
    %shift_right_logical3A_117 = arith.constant 16 : i32
    %shift_right_logical3A_118 = vector.broadcast %shift_right_logical3A_117 : i32 to vector<2048x256xi32>
    %shift_right_logical3A_119 = arith.shrui %xor3A_112, %shift_right_logical3A_118 : vector<2048x256xi32>
    %or3A_120 = arith.ori %shift_left3A_116, %shift_right_logical3A_119 : vector<2048x256xi32>
    %xor3A_121 = arith.xori %or3A_120, %add3A_113 : vector<2048x256xi32>
    %add3A_122 = arith.addi %add3A_113, %xor3A_121 : vector<2048x256xi32>
    %shift_left3A_123 = arith.constant 24 : i32
    %shift_left3A_124 = vector.broadcast %shift_left3A_123 : i32 to vector<2048x256xi32>
    %shift_left3A_125 = arith.shli %xor3A_121, %shift_left3A_124 : vector<2048x256xi32>
    %shift_right_logical3A_126 = arith.constant 8 : i32
    %shift_right_logical3A_127 = vector.broadcast %shift_right_logical3A_126 : i32 to vector<2048x256xi32>
    %shift_right_logical3A_128 = arith.shrui %xor3A_121, %shift_right_logical3A_127 : vector<2048x256xi32>
    %or3A_129 = arith.ori %shift_left3A_125, %shift_right_logical3A_128 : vector<2048x256xi32>
    %xor3A_130 = arith.xori %or3A_129, %add3A_122 : vector<2048x256xi32>
    %add3A_131 = vector.broadcast %xor3A_50 : i32 to vector<2048x256xi32>
    %add3A_132 = arith.addi %add3A_122, %add3A_131 : vector<2048x256xi32>
    %add3A_133 = vector.broadcast %get3A_35 : i32 to vector<2048x256xi32>
    %add3A_134 = arith.addi %xor3A_130, %add3A_133 : vector<2048x256xi32>
    %add3A_135 = arith.constant 2 : i32
    %add3A_136 = vector.broadcast %add3A_135 : i32 to vector<2048x256xi32>
    %add3A_137 = arith.addi %add3A_134, %add3A_136 : vector<2048x256xi32>
    %add3A_138 = arith.addi %add3A_132, %add3A_137 : vector<2048x256xi32>
    %shift_left3A_139 = arith.constant 13 : i32
    %shift_left3A_140 = vector.broadcast %shift_left3A_139 : i32 to vector<2048x256xi32>
    %shift_left3A_141 = arith.shli %add3A_137, %shift_left3A_140 : vector<2048x256xi32>
    %shift_right_logical3A_142 = arith.constant 19 : i32
    %shift_right_logical3A_143 = vector.broadcast %shift_right_logical3A_142 : i32 to vector<2048x256xi32>
    %shift_right_logical3A_144 = arith.shrui %add3A_137, %shift_right_logical3A_143 : vector<2048x256xi32>
    %or3A_145 = arith.ori %shift_left3A_141, %shift_right_logical3A_144 : vector<2048x256xi32>
    %xor3A_146 = arith.xori %or3A_145, %add3A_138 : vector<2048x256xi32>
    %add3A_147 = arith.addi %add3A_138, %xor3A_146 : vector<2048x256xi32>
    %shift_left3A_148 = arith.constant 15 : i32
    %shift_left3A_149 = vector.broadcast %shift_left3A_148 : i32 to vector<2048x256xi32>
    %shift_left3A_150 = arith.shli %xor3A_146, %shift_left3A_149 : vector<2048x256xi32>
    %shift_right_logical3A_151 = arith.constant 17 : i32
    %shift_right_logical3A_152 = vector.broadcast %shift_right_logical3A_151 : i32 to vector<2048x256xi32>
    %shift_right_logical3A_153 = arith.shrui %xor3A_146, %shift_right_logical3A_152 : vector<2048x256xi32>
    %or3A_154 = arith.ori %shift_left3A_150, %shift_right_logical3A_153 : vector<2048x256xi32>
    %xor3A_155 = arith.xori %or3A_154, %add3A_147 : vector<2048x256xi32>
    %add3A_156 = arith.addi %add3A_147, %xor3A_155 : vector<2048x256xi32>
    %shift_left3A_157 = arith.constant 26 : i32
    %shift_left3A_158 = vector.broadcast %shift_left3A_157 : i32 to vector<2048x256xi32>
    %shift_left3A_159 = arith.shli %xor3A_155, %shift_left3A_158 : vector<2048x256xi32>
    %shift_right_logical3A_160 = arith.constant 6 : i32
    %shift_right_logical3A_161 = vector.broadcast %shift_right_logical3A_160 : i32 to vector<2048x256xi32>
    %shift_right_logical3A_162 = arith.shrui %xor3A_155, %shift_right_logical3A_161 : vector<2048x256xi32>
    %or3A_163 = arith.ori %shift_left3A_159, %shift_right_logical3A_162 : vector<2048x256xi32>
    %xor3A_164 = arith.xori %or3A_163, %add3A_156 : vector<2048x256xi32>
    %add3A_165 = arith.addi %add3A_156, %xor3A_164 : vector<2048x256xi32>
    %shift_left3A_166 = arith.constant 6 : i32
    %shift_left3A_167 = vector.broadcast %shift_left3A_166 : i32 to vector<2048x256xi32>
    %shift_left3A_168 = arith.shli %xor3A_164, %shift_left3A_167 : vector<2048x256xi32>
    %shift_right_logical3A_169 = arith.constant 26 : i32
    %shift_right_logical3A_170 = vector.broadcast %shift_right_logical3A_169 : i32 to vector<2048x256xi32>
    %shift_right_logical3A_171 = arith.shrui %xor3A_164, %shift_right_logical3A_170 : vector<2048x256xi32>
    %or3A_172 = arith.ori %shift_left3A_168, %shift_right_logical3A_171 : vector<2048x256xi32>
    %xor3A_173 = arith.xori %or3A_172, %add3A_165 : vector<2048x256xi32>
    %add3A_174 = vector.broadcast %get3A_35 : i32 to vector<2048x256xi32>
    %add3A_175 = arith.addi %add3A_165, %add3A_174 : vector<2048x256xi32>
    %add3A_176 = vector.broadcast %get3A_39 : i32 to vector<2048x256xi32>
    %add3A_177 = arith.addi %xor3A_173, %add3A_176 : vector<2048x256xi32>
    %add3A_178 = arith.constant 3 : i32
    %add3A_179 = vector.broadcast %add3A_178 : i32 to vector<2048x256xi32>
    %add3A_180 = arith.addi %add3A_177, %add3A_179 : vector<2048x256xi32>
    %add3A_181 = arith.addi %add3A_175, %add3A_180 : vector<2048x256xi32>
    %shift_left3A_182 = arith.constant 17 : i32
    %shift_left3A_183 = vector.broadcast %shift_left3A_182 : i32 to vector<2048x256xi32>
    %shift_left3A_184 = arith.shli %add3A_180, %shift_left3A_183 : vector<2048x256xi32>
    %shift_right_logical3A_185 = arith.constant 15 : i32
    %shift_right_logical3A_186 = vector.broadcast %shift_right_logical3A_185 : i32 to vector<2048x256xi32>
    %shift_right_logical3A_187 = arith.shrui %add3A_180, %shift_right_logical3A_186 : vector<2048x256xi32>
    %or3A_188 = arith.ori %shift_left3A_184, %shift_right_logical3A_187 : vector<2048x256xi32>
    %xor3A_189 = arith.xori %or3A_188, %add3A_181 : vector<2048x256xi32>
    %add3A_190 = arith.addi %add3A_181, %xor3A_189 : vector<2048x256xi32>
    %shift_left3A_191 = arith.constant 29 : i32
    %shift_left3A_192 = vector.broadcast %shift_left3A_191 : i32 to vector<2048x256xi32>
    %shift_left3A_193 = arith.shli %xor3A_189, %shift_left3A_192 : vector<2048x256xi32>
    %shift_right_logical3A_194 = arith.constant 3 : i32
    %shift_right_logical3A_195 = vector.broadcast %shift_right_logical3A_194 : i32 to vector<2048x256xi32>
    %shift_right_logical3A_196 = arith.shrui %xor3A_189, %shift_right_logical3A_195 : vector<2048x256xi32>
    %or3A_197 = arith.ori %shift_left3A_193, %shift_right_logical3A_196 : vector<2048x256xi32>
    %xor3A_198 = arith.xori %or3A_197, %add3A_190 : vector<2048x256xi32>
    %add3A_199 = arith.addi %add3A_190, %xor3A_198 : vector<2048x256xi32>
    %shift_left3A_200 = arith.constant 16 : i32
    %shift_left3A_201 = vector.broadcast %shift_left3A_200 : i32 to vector<2048x256xi32>
    %shift_left3A_202 = arith.shli %xor3A_198, %shift_left3A_201 : vector<2048x256xi32>
    %shift_right_logical3A_203 = arith.constant 16 : i32
    %shift_right_logical3A_204 = vector.broadcast %shift_right_logical3A_203 : i32 to vector<2048x256xi32>
    %shift_right_logical3A_205 = arith.shrui %xor3A_198, %shift_right_logical3A_204 : vector<2048x256xi32>
    %or3A_206 = arith.ori %shift_left3A_202, %shift_right_logical3A_205 : vector<2048x256xi32>
    %xor3A_207 = arith.xori %or3A_206, %add3A_199 : vector<2048x256xi32>
    %add3A_208 = arith.addi %add3A_199, %xor3A_207 : vector<2048x256xi32>
    %shift_left3A_209 = arith.constant 24 : i32
    %shift_left3A_210 = vector.broadcast %shift_left3A_209 : i32 to vector<2048x256xi32>
    %shift_left3A_211 = arith.shli %xor3A_207, %shift_left3A_210 : vector<2048x256xi32>
    %shift_right_logical3A_212 = arith.constant 8 : i32
    %shift_right_logical3A_213 = vector.broadcast %shift_right_logical3A_212 : i32 to vector<2048x256xi32>
    %shift_right_logical3A_214 = arith.shrui %xor3A_207, %shift_right_logical3A_213 : vector<2048x256xi32>
    %or3A_215 = arith.ori %shift_left3A_211, %shift_right_logical3A_214 : vector<2048x256xi32>
    %xor3A_216 = arith.xori %or3A_215, %add3A_208 : vector<2048x256xi32>
    %add3A_217 = vector.broadcast %get3A_39 : i32 to vector<2048x256xi32>
    %add3A_218 = arith.addi %add3A_208, %add3A_217 : vector<2048x256xi32>
    %add3A_219 = vector.broadcast %xor3A_50 : i32 to vector<2048x256xi32>
    %add3A_220 = arith.addi %xor3A_216, %add3A_219 : vector<2048x256xi32>
    %add3A_221 = arith.constant 4 : i32
    %add3A_222 = vector.broadcast %add3A_221 : i32 to vector<2048x256xi32>
    %add3A_223 = arith.addi %add3A_220, %add3A_222 : vector<2048x256xi32>
    %add3A_224 = arith.addi %add3A_218, %add3A_223 : vector<2048x256xi32>
    %shift_left3A_225 = arith.constant 13 : i32
    %shift_left3A_226 = vector.broadcast %shift_left3A_225 : i32 to vector<2048x256xi32>
    %shift_left3A_227 = arith.shli %add3A_223, %shift_left3A_226 : vector<2048x256xi32>
    %shift_right_logical3A_228 = arith.constant 19 : i32
    %shift_right_logical3A_229 = vector.broadcast %shift_right_logical3A_228 : i32 to vector<2048x256xi32>
    %shift_right_logical3A_230 = arith.shrui %add3A_223, %shift_right_logical3A_229 : vector<2048x256xi32>
    %or3A_231 = arith.ori %shift_left3A_227, %shift_right_logical3A_230 : vector<2048x256xi32>
    %xor3A_232 = arith.xori %or3A_231, %add3A_224 : vector<2048x256xi32>
    %add3A_233 = arith.addi %add3A_224, %xor3A_232 : vector<2048x256xi32>
    %shift_left3A_234 = arith.constant 15 : i32
    %shift_left3A_235 = vector.broadcast %shift_left3A_234 : i32 to vector<2048x256xi32>
    %shift_left3A_236 = arith.shli %xor3A_232, %shift_left3A_235 : vector<2048x256xi32>
    %shift_right_logical3A_237 = arith.constant 17 : i32
    %shift_right_logical3A_238 = vector.broadcast %shift_right_logical3A_237 : i32 to vector<2048x256xi32>
    %shift_right_logical3A_239 = arith.shrui %xor3A_232, %shift_right_logical3A_238 : vector<2048x256xi32>
    %or3A_240 = arith.ori %shift_left3A_236, %shift_right_logical3A_239 : vector<2048x256xi32>
    %xor3A_241 = arith.xori %or3A_240, %add3A_233 : vector<2048x256xi32>
    %add3A_242 = arith.addi %add3A_233, %xor3A_241 : vector<2048x256xi32>
    %shift_left3A_243 = arith.constant 26 : i32
    %shift_left3A_244 = vector.broadcast %shift_left3A_243 : i32 to vector<2048x256xi32>
    %shift_left3A_245 = arith.shli %xor3A_241, %shift_left3A_244 : vector<2048x256xi32>
    %shift_right_logical3A_246 = arith.constant 6 : i32
    %shift_right_logical3A_247 = vector.broadcast %shift_right_logical3A_246 : i32 to vector<2048x256xi32>
    %shift_right_logical3A_248 = arith.shrui %xor3A_241, %shift_right_logical3A_247 : vector<2048x256xi32>
    %or3A_249 = arith.ori %shift_left3A_245, %shift_right_logical3A_248 : vector<2048x256xi32>
    %xor3A_250 = arith.xori %or3A_249, %add3A_242 : vector<2048x256xi32>
    %add3A_251 = arith.addi %add3A_242, %xor3A_250 : vector<2048x256xi32>
    %shift_left3A_252 = arith.constant 6 : i32
    %shift_left3A_253 = vector.broadcast %shift_left3A_252 : i32 to vector<2048x256xi32>
    %shift_left3A_254 = arith.shli %xor3A_250, %shift_left3A_253 : vector<2048x256xi32>
    %shift_right_logical3A_255 = arith.constant 26 : i32
    %shift_right_logical3A_256 = vector.broadcast %shift_right_logical3A_255 : i32 to vector<2048x256xi32>
    %shift_right_logical3A_257 = arith.shrui %xor3A_250, %shift_right_logical3A_256 : vector<2048x256xi32>
    %or3A_258 = arith.ori %shift_left3A_254, %shift_right_logical3A_257 : vector<2048x256xi32>
    %xor3A_259 = arith.xori %or3A_258, %add3A_251 : vector<2048x256xi32>
    %add3A_260 = vector.broadcast %xor3A_50 : i32 to vector<2048x256xi32>
    %add3A_261 = arith.addi %add3A_251, %add3A_260 : vector<2048x256xi32>
    %add3A_262 = vector.broadcast %get3A_35 : i32 to vector<2048x256xi32>
    %add3A_263 = arith.addi %xor3A_259, %add3A_262 : vector<2048x256xi32>
    %add3A_264 = arith.constant 5 : i32
    %add3A_265 = vector.broadcast %add3A_264 : i32 to vector<2048x256xi32>
    %add3A_266 = arith.addi %add3A_263, %add3A_265 : vector<2048x256xi32>
    %xor3A_267 = arith.xori %add3A_261, %add3A_266 : vector<2048x256xi32>
    %shift_right_logical3A_268 = arith.constant 9 : i32
    %shift_right_logical3A_269 = vector.broadcast %shift_right_logical3A_268 : i32 to vector<2048x256xi32>
    %shift_right_logical3A_270 = arith.shrui %xor3A_267, %shift_right_logical3A_269 : vector<2048x256xi32>
    %or3A_271 = arith.constant 1065353216 : i32
    %or3A_272 = vector.broadcast %or3A_271 : i32 to vector<2048x256xi32>
    %or3A_273 = arith.ori %shift_right_logical3A_270, %or3A_272 : vector<2048x256xi32>
    %bitcast_convert_type3A = tpu.bitcast %or3A_273 : vector<2048x256xi32> -> vector<2048x256xf32>
    %sub3A_274 = arith.constant 1.000000e+00 : f32
    %sub3A_275 = vector.broadcast %sub3A_274 : f32 to vector<2048x256xf32>
    %sub3A_276 = arith.subf %bitcast_convert_type3A, %sub3A_275 : vector<2048x256xf32>
    %mul3A_277 = arith.constant 1.000000e+00 : f32
    %mul3A_278 = vector.broadcast %mul3A_277 : f32 to vector<2048x256xf32>
    %mul3A_279 = arith.mulf %sub3A_276, %mul3A_278 : vector<2048x256xf32>
    %add3A_280 = arith.constant 1.17549435E-38 : f32
    %add3A_281 = vector.broadcast %add3A_280 : f32 to vector<2048x256xf32>
    %add3A_282 = arith.addf %mul3A_279, %add3A_281 : vector<2048x256xf32>
    %max3A = arith.constant 1.17549435E-38 : f32
    %max3A_283 = vector.broadcast %max3A : f32 to vector<2048x256xf32>
    %max3A_284 = arith.maximumf %max3A_283, %add3A_282 : vector<2048x256xf32>
    %log3A = math.log %max3A_284 : vector<2048x256xf32>
    %neg3A = arith.constant 0.000000e+00 : f32
    %neg3A_285 = vector.broadcast %neg3A : f32 to vector<2048x256xf32>
    %neg3A_286 = arith.subf %neg3A_285, %log3A : vector<2048x256xf32>
    %log3A_287 = math.log %neg3A_286 : vector<2048x256xf32>
    %neg3A_288 = arith.constant 0.000000e+00 : f32
    %neg3A_289 = vector.broadcast %neg3A_288 : f32 to vector<2048x256xf32>
    %neg3A_290 = arith.subf %neg3A_289, %log3A_287 : vector<2048x256xf32>
    %add3A_291 = arith.addf %add3A, %neg3A_290 : vector<2048x256xf32>
    %argmax3A = tpu.reduce_index %add3A_291 {axis = 1 : i32, kind = #tpu.reduction_kind<arg_max>} : vector<2048x256xf32> -> vector<2048xi32>
    %convert_element_type3A = arith.fptosi %get3A_25 : vector<2048x1xf32> to vector<2048x1xi32>
    %squeeze3A = vector.shape_cast %convert_element_type3A : vector<2048x1xi32> to vector<2048xi32>
    %mul3A_292 = arith.muli %argmax3A, %squeeze3A : vector<2048xi32>
    %reshape3A = vector.shape_cast %mul3A_292 : vector<2048xi32> to vector<2048x1xi32>
    %swap3A_293 = arith.constant 0 : index
    %swap3A_294 = arith.constant 0 : index
    %swap3A_295 = vector.load %arg6[%swap3A_293, %swap3A_294] : memref<2048x1xi32, #tpu.memory_space<vmem>>, vector<2048x1xi32>
    tpu.vector_store %arg6[%swap3A_293, %swap3A_294], %reshape3A {strides = array<i32>} : memref<2048x1xi32, #tpu.memory_space<vmem>>, vector<2048x1xi32>,
    %mul3A_296 = arith.muli %argmax3A, %squeeze3A : vector<2048xi32>
    %sub3A_297 = arith.constant 1 : i32
    %sub3A_298 = vector.broadcast %sub3A_297 : i32 to vector<2048xi32>
    %sub3A_299 = arith.subi %sub3A_298, %squeeze3A : vector<2048xi32>
    %mul3A_300 = arith.constant 256 : i32
    %mul3A_301 = vector.broadcast %mul3A_300 : i32 to vector<2048xi32>
    %mul3A_302 = arith.muli %mul3A_301, %sub3A_299 : vector<2048xi32>
    %add3A_303 = arith.addi %mul3A_296, %mul3A_302 : vector<2048xi32>
    %reshape3A_304 = vector.shape_cast %add3A_303 : vector<2048xi32> to vector<2048x1xi32>
    %swap3A_305 = arith.constant 0 : index
    %swap3A_306 = arith.constant 0 : index
    %swap3A_307 = vector.load %arg7[%swap3A_305, %swap3A_306] : memref<2048x1xi32, #tpu.memory_space<vmem>>, vector<2048x1xi32>
    tpu.vector_store %arg7[%swap3A_305, %swap3A_306], %reshape3A_304 {strides = array<i32>} : memref<2048x1xi32, #tpu.memory_space<vmem>>, vector<2048x1xi32>,
    %iota3A_308 = tpu.iota {dimensions = array<i32: 1>} : vector<2048x256xi32>
    %broadcast_in_dim3A_309 = vector.shape_cast %argmax3A : vector<2048xi32> to vector<2048x1xi32>
    %eq3A = vector.broadcast %broadcast_in_dim3A_309 : vector<2048x1xi32> to vector<2048x256xi32>
    %eq3A_310 = arith.cmpi eq, %iota3A_308, %eq3A : vector<2048x256xi32>
    %convert_element_type3A_311 = arith.extui %eq3A_310 : vector<2048x256xi1> to vector<2048x256xi32>
    %convert_element_type3A_312 = arith.sitofp %convert_element_type3A_311 : vector<2048x256xi32> to vector<2048x256xf32>
    %dot_general3A_313 = arith.constant dense<0.000000e+00> : vector<2048x64xf32>
    %dot_general3A_314 = tpu.matmul %convert_element_type3A_312, %get3A_4, %dot_general3A_313 {dimension_numbers = #tpu.dot_dimension_numbers<[1], [0], [0], [1], [0, 0, 1, 1], [], []>, transpose_lhs_hint = false} : vector<2048x256xf32>, vector<256x64xf32>, vector<2048x64xf32> -> vector<2048x64xf32>
    %sub3A_315 = arith.subf %dot_general3A_314, %get3A_1 : vector<2048x64xf32>
    %mul3A_316 = arith.mulf %sub3A_315, %sub3A_315 : vector<2048x64xf32>
    %reduce_sum3A_317 = arith.constant dense<0.000000e+00> : vector<2048xf32>
    %reduce_sum3A_318 = vector.multi_reduction <add>, %mul3A_316, %reduce_sum3A_317 [1] : vector<2048x64xf32> to vector<2048xf32>
    %sqrt3A = math.sqrt %reduce_sum3A_318 : vector<2048xf32>
    %reduce_sum3A_319 = vector.shape_cast %sqrt3A : vector<2048xf32> to vector<1x2048xf32>
    %reduce_sum3A_320 = arith.constant dense<0.000000e+00> : vector<1xf32>
    %reduce_sum3A_321 = vector.multi_reduction <add>, %reduce_sum3A_319, %reduce_sum3A_320 [1] : vector<1x2048xf32> to vector<1xf32>
    %reduce_sum3A_322 = vector.shape_cast %reduce_sum3A_321 : vector<1xf32> to vector<1x1xf32>
    %reduce_sum3A_323 = vector.extract %reduce_sum3A_322[0, 0] : f32 from vector<1x1xf32>
    %reshape3A_324 = vector.broadcast %reduce_sum3A_323 : f32 to vector<1x1x1xf32>
    %swap3A_325 = arith.constant 0 : index
    %swap3A_326 = arith.constant 0 : index
    %swap3A_327 = arith.constant 0 : index
    %swap3A_328 = vector.load %arg9[%swap3A_325, %swap3A_326, %swap3A_327] : memref<1x1x1xf32, #tpu.memory_space<vmem>>, vector<1x1x1xf32>
    tpu.vector_store %arg9[%swap3A_325, %swap3A_326, %swap3A_327], %reshape3A_324 {strides = array<i32>} : memref<1x1x1xf32, #tpu.memory_space<vmem>>, vector<1x1x1xf32>,
    %mul3A_329 = vector.broadcast %get3A_25 : vector<2048x1xf32> to vector<2048x64xf32>
    %mul3A_330 = arith.mulf %dot_general3A_314, %mul3A_329 : vector<2048x64xf32>
    %swap3A_331 = arith.constant 0 : index
    %swap3A_332 = arith.constant 0 : index
    %swap3A_333 = vector.load %arg10[%swap3A_331, %swap3A_332] : memref<2048x64xf32, #tpu.memory_space<vmem>>, vector<2048x64xf32>
    tpu.vector_store %arg10[%swap3A_331, %swap3A_332], %mul3A_330 {strides = array<i32>} : memref<2048x64xf32, #tpu.memory_space<vmem>>, vector<2048x64xf32>,
    return
  }
  func.func @transform_0(%arg0: i32) -> (i32, i32) {
    %c0_i32 = arith.constant 0 : i32
    %c0_i32_0 = arith.constant 0 : i32
    return %arg0, %c0_i32 : i32, i32
  }
  func.func @transform_1(%arg0: i32) -> (i32, i32) {
    %c0_i32 = arith.constant 0 : i32
    %c0_i32_0 = arith.constant 0 : i32
    return %arg0, %c0_i32 : i32, i32
  }
  func.func @transform_2(%arg0: i32) -> (i32, i32) {
    %c0_i32 = arith.constant 0 : i32
    %c0_i32_0 = arith.constant 0 : i32
    %c0_i32_1 = arith.constant 0 : i32
    return %c0_i32, %c0_i32_0 : i32, i32
  }
  func.func @transform_3(%arg0: i32) -> (i32, i32) {
    %c0_i32 = arith.constant 0 : i32
    %c0_i32_0 = arith.constant 0 : i32
    %c0_i32_1 = arith.constant 0 : i32
    return %c0_i32, %c0_i32_0 : i32, i32
  }
  func.func @transform_4(%arg0: i32) -> (i32, i32) {
    %c0_i32 = arith.constant 0 : i32
    %c0_i32_0 = arith.constant 0 : i32
    %c0_i32_1 = arith.constant 0 : i32
    return %c0_i32, %c0_i32_0 : i32, i32
  }
  func.func @transform_5(%arg0: i32) -> (i32, i32) {
    %c0_i32 = arith.constant 0 : i32
    %c0_i32_0 = arith.constant 0 : i32
    return %arg0, %c0_i32 : i32, i32
  }
  func.func @transform_6(%arg0: i32) -> (i32, i32) {
    %c0_i32 = arith.constant 0 : i32
    %c0_i32_0 = arith.constant 0 : i32
    return %arg0, %c0_i32 : i32, i32
  }
  func.func @transform_7(%arg0: i32) -> (i32, i32) {
    %c0_i32 = arith.constant 0 : i32
    %c0_i32_0 = arith.constant 0 : i32
    return %arg0, %c0_i32 : i32, i32
  }
  func.func @transform_8(%arg0: i32) -> (i32, i32, i32) {
    %c0_i32 = arith.constant 0 : i32
    %c0_i32_0 = arith.constant 0 : i32
    %c0_i32_1 = arith.constant 0 : i32
    return %arg0, %c0_i32, %c0_i32_0 : i32, i32, i32
  }
  func.func @transform_9(%arg0: i32) -> (i32, i32) {
    %c0_i32 = arith.constant 0 : i32
    %c0_i32_0 = arith.constant 0 : i32
    return %arg0, %c0_i32 : i32, i32
  }
}

</mosaic_0001>

<sc_bundles>
// kernel: kernel.5.cloned.1.call-start
scs
__scs_entry_jumppad:
0x0: {  	(pc) =	sbr.rel $0x88, $3  }
0x1: {  	(tag) =	ssettag $0x0;
	lr =	simm.s32 $0x1  }
0x2: {  	[smem:$0x3F93] =	sst lr;
	_ =	strace $0xD0000000  }
0x3: {  	_ = 	snop  }
0x4: {  	_ = 	snop  }
0x5: {  	_ = 	snop  }
0x6: {  	_ = 	snop  }
0x7: {  	_ = 	snop  }
__scs_overlays_trampoline_lowered:
0x8: {  	[smem:$0x3FA2] =	sst s0  }
0x9: {  	[smem:$0x3FA3] =	sst s1  }
0xa: {  	[smem:$0x3FA4] =	sst s2  }
0xb: {  	[smem:$0x3FA5] =	sst s3  }
0xc: {  	[smem:$0x3FA6] =	sst s4  }
0xd: {  	[smem:$0x3FA7] =	sst s5  }
0xe: {  	[smem:$0x3FA8] =	sst s6  }
0xf: {  	[smem:$0x3FA9] =	sst s7  }
0x10: {  	[smem:$0x3FAA] =	sst s8  }
0x11: {  	[smem:$0x3FAB] =	sst s9;
	s0 =	simm.s32 @!p0 $0x0  }
0x12: {  	s1 =	sld [smem:$0x3F91];
	s0 =	simm.s32 @p0 $0x1  }
0x13: {  	[smem:$0x3FAC] =	sst s0;
	s0 =	simm.s32 @!p1 $0x0  }
0x14: {  	s2 =	sld [smem:$0x3F90];
	s0 =	simm.s32 @p1 $0x1  }
0x15: {  	[smem:$0x3FAD] =	sst s0;
	s0 =	simm.s32 @!p2 $0x0  }
0x16: {  	s3 =	sld [smem:$0x3FDB];
	s0 =	simm.s32 @p2 $0x1  }
0x17: {  	s4 =	simm.s32 $0x1BF5;
	[smem:$0x3FAF] =	sst s0  }
0x18: {  	s0 =	sld [smem:$0x3F92];
	_ =	swait.ge [sflag:s4], $0x0  }
0x19: {  	s7 =	sld [smem:$0x3F93]  }
0x1a: {  	s8 =	sadd.s32 $0xFFFFE003, lr  }
0x1b: {  	s9 =	sadd.s32 $0xFFFFFEF7, lr;
	s5 =	simm.s32 $0xFFFFFFFF;
	p2 =	slt.u32 s8, $0xFFFFF086  }
0x1c: {  	p1 =	slt.u32 s9, $0xF7A;
	s5 =	simm.s32 @!p2 $0x0  }
0x1d: {  	s5 =	simm.s32 @p1 $0x1;
	p0 =	seq.s32 s7, s2  }
0x1e: {  	s7 =	smul.u32 @!p0 $0xF7A, s2;
	p2 =	seq.s32 @!p0 s5, $0x0  }
0x1f: {  	s9 =	smul.u32 $0xF7A, s1;
	s8 =	simm.s32 @!p0 $0x1BF5;
	p2 =	por !p2, p0  }
0x20: {  	[sflag:s8] =	ssyncset.s32 @!p0 $0xFFFFF086;
	s6 =	sadd.s32 @!p0 s3, s7;
	s7 =	simm.s32 @!p0 $0x108  }
0x21: {  	s3 =	sadd.s32 s3, s9;
	s6 =	sadd.s32 @!p0 $0x88, s6;
	s7 =	simm.s32 @p2 $0x1082  }
0x22: {  	[simem:s7], [sflag:s8] =	dma.local @!p0 [hbm:s6], $0xF7A  }
0x23: {  	s9 =	sor.u32 $0xD0000000, s2;
	s6 =	simm.s32 $0x108;
	_ =	swait.ge @!p0 [sflag:s8], $0x0  }
0x24: {  	s3 =	sadd.s32 $0x88, s3;
	s6 =	simm.s32 @!p1 $0x1082;
	[sflag:s4] =	ssyncset.s32 $0xFFFFF086  }
0x25: {  	[simem:s6], [sflag:s4] =	dma.local [hbm:s3], $0xF7A  }
0x26: {  	[smem:$0x3F93] =	sst s1;
	(tag) =	ssettag s2;
	_ =	strace s9  }
0x27: {  	s1 =	sld [smem:$0x3FA3]  }
0x28: {  	s2 =	sld [smem:$0x3FA4]  }
0x29: {  	s4 =	sld [smem:$0x3FA6]  }
0x2a: {  	p0 =	seq.s32 s5, $0x0;
	s5 =	sld [smem:$0x3FA7]  }
0x2b: {  	s6 =	sld [smem:$0x3FA8]  }
0x2c: {  	s7 =	sld [smem:$0x3FA9]  }
0x2d: {  	s3 =	simm.s32 $0x108;
	s8 =	sld [smem:$0x3FAA]  }
0x2e: {  	s3 =	simm.s32 @!p0 $0x1082;
	s9 =	sld [smem:$0x3FAB]  }
0x2f: {  	lr =	sadd.s32 s0, s3;
	s0 =	sld [smem:$0x3FA2]  }
0x30: {  	s3 =	sld [smem:$0x3FA5]  }
0x31: {  	[smem:$0x3FAE] =	sst s10  }
0x32: {  	s10 =	sld [smem:$0x3FAC];
	_ =	sdelay $0x3  }
0x33: {  	p0 =	seq.s32 s10, $0x1;
	s10 =	sld [smem:$0x3FAE];
	_ =	sdelay $0x3  }
0x34: {  	[smem:$0x3FAE] =	sst s10  }
0x35: {  	s10 =	sld [smem:$0x3FAD];
	_ =	sdelay $0x3  }
0x36: {  	p1 =	seq.s32 s10, $0x1;
	s10 =	sld [smem:$0x3FAE];
	_ =	sdelay $0x3  }
0x37: {  	[smem:$0x3FAE] =	sst s10  }
0x38: {  	s10 =	sld [smem:$0x3FAF]  }
0x39: {  	_ = 	snop;
	(pc) =	sbr.ind lr, $3  }
0x3a: {  	_ = 	snop  }
0x3b: {  	_ = 	snop  }
0x3c: {  	p2 =	seq.s32 s10, $0x1;
	s10 =	sld [smem:$0x3FAE]  }
0x3d: {  	_ =	shalt  }
0x3e: {  	_ =	shalt  }
0x3f: {  	_ =	shalt  }
0x40: {  	_ =	shalt  }
0x41: {  	_ =	shalt  }
0x42: {  	_ =	shalt  }
0x43: {  	_ =	shalt  }
0x44: {  	_ =	shalt  }
0x45: {  	_ =	shalt  }
0x46: {  	_ =	shalt  }
0x47: {  	_ =	shalt  }
0x48: {  	_ =	shalt  }
0x49: {  	_ =	shalt  }
0x4a: {  	_ =	shalt  }
0x4b: {  	_ =	shalt  }
0x4c: {  	_ =	shalt  }
0x4d: {  	_ =	shalt  }
0x4e: {  	_ =	shalt  }
0x4f: {  	_ =	shalt  }
0x50: {  	_ =	shalt  }
0x51: {  	_ =	shalt  }
0x52: {  	_ =	shalt  }
0x53: {  	_ =	shalt  }
0x54: {  	_ =	shalt  }
0x55: {  	_ =	shalt  }
0x56: {  	_ =	shalt  }
0x57: {  	_ =	shalt  }
0x58: {  	_ =	shalt  }
0x59: {  	_ =	shalt  }
0x5a: {  	_ =	shalt  }
0x5b: {  	_ =	shalt  }
0x5c: {  	_ =	shalt  }
0x5d: {  	_ =	shalt  }
0x5e: {  	_ =	shalt  }
0x5f: {  	_ =	shalt  }
0x60: {  	_ =	shalt  }
0x61: {  	_ =	shalt  }
0x62: {  	_ =	shalt  }
0x63: {  	_ =	shalt  }
0x64: {  	_ =	shalt  }
0x65: {  	_ =	shalt  }
0x66: {  	_ =	shalt  }
0x67: {  	_ =	shalt  }
0x68: {  	_ =	shalt  }
0x69: {  	_ =	shalt  }
0x6a: {  	_ =	shalt  }
0x6b: {  	_ =	shalt  }
0x6c: {  	_ =	shalt  }
0x6d: {  	_ =	shalt  }
0x6e: {  	_ =	shalt  }
0x6f: {  	_ =	shalt  }
0x70: {  	_ =	shalt  }
0x71: {  	_ =	shalt  }
0x72: {  	_ =	shalt  }
0x73: {  	_ =	shalt  }
0x74: {  	_ =	shalt  }
0x75: {  	_ =	shalt  }
0x76: {  	_ =	shalt  }
0x77: {  	_ =	shalt  }
0x78: {  	_ =	shalt  }
0x79: {  	_ =	shalt  }
0x7a: {  	_ =	shalt  }
0x7b: {  	_ =	shalt  }
0x7c: {  	_ =	shalt  }
0x7d: {  	_ =	shalt  }
0x7e: {  	_ =	shalt  }
0x7f: {  	_ =	shalt  }
0x80: {  	_ =	shalt  }
0x81: {  	_ =	shalt  }
0x82: {  	_ =	shalt  }
0x83: {  	_ =	shalt  }
0x84: {  	_ =	shalt  }
0x85: {  	_ =	shalt  }
0x86: {  	_ =	shalt  }
0x87: {  	_ =	shalt  }
.Lfunc_end0:
.L_simem_size_0:
called_computation_lowered:
.L_overlay_start_0:
0x88: {  	s2 =	sld [smem:$0x3FD9]  }
0x89: {  	s3 =	sld [smem:$0x3FFE];
	_ =	sdelay $0x1  }
0x8a: {  	s1 =	srdreg.scid  }
0x8b: {  	s0 =	sand.u32 $0x1, s1  }
0x8c: {  	s14 =	sshll.u32 s0, $0xA;
	s2 =	sadd.s32 s3, s2  }
0x8d: {  	s2 =	sadd.s32 s2, s14  }
0x8e: {  	[smem:$0x3FBA] =	sst s2  }
0x8f: {  	_ = 	snop  }
0x90: {  	s2 =	sld [smem:$0x3FD0];
	_ =	sdelay $0x2  }
0x91: {  	s15 =	simm.s32 $0xA;
	s4 =	simm.s32 $0x10  }
0x92: {  	[smem:s4], [sflag:s15] =	dma.local [hbm:s2], $0x1  }
0x93: {  	_ =	swait.eq [sflag:s15], $0x1  }
0x94: {  	[sflag:s15] =	ssyncset.done $0x0  }
0x95: {  	[sflag:s15] =	ssyncadd.s32 $0xFFFFFFFF  }
0x96: {  	s16 =	sld [smem:$0x10];
	(tm) =	ssettm $0x1  }
0x97: {  	s17 =	sld [smem:$0x3FFB];
	_ =	sdelay $0x3  }
0x98: {  	_ =	strace s17  }
0x99: {  	s3 =	sld [smem:$0x3FFC];
	_ =	sdelay $0x3  }
0x9a: {  	_ =	strace s3  }
0x9b: {  	s3 =	sld [smem:$0x3FFD];
	_ =	sdelay $0x3  }
0x9c: {  	_ =	strace s3  }
0x9d: {  	_ =	strace $0x8FFFFFFF  }
0x9e: {  	s18 =	sld [smem:$0x3FDB];
	_ =	sdelay $0x1  }
0x9f: {  	s19 =	simm.s32 $_scs_section_size  }
0xa0: {  	s5 =	simm.s32 $_size__tile_overlayer_lowered;
	s6 =	simm.s32 $_tile_overlayer_lowered  }
0xa1: {  	s22 =	simm.s32 $0x1BFF;
	s21 =	sshll.u32 s6, $0x1;
	s3 =	sadd.s32 s19, s18  }
0xa2: {  	s7 =	simm.s32 $0x0;
	s20 =	sshll.u32 s5, $0x1;
	s5 =	sadd.s32 s21, s3  }
0xa3: {  	[timem:s7], [sflag:s22] =	dma.local [hbm:s5], s20  }
0xa4: {  	_ =	swait.ge [sflag:s22], s20  }
0xa5: {  	s4 =	ssub.s32 $0x0, s20;
	[sflag:s22] =	ssyncset.done $0x0  }
0xa6: {  	[sflag:s22] =	ssyncadd.s32 s4;
	_ =	sdelay $0x1  }
0xa7: {  	s23 =	simm.s32 $0x1B8B  }
0xa8: {  	_ =	swait.ge [sflag:s23], $0x1  }
0xa9: {  	[sflag:s23] =	ssyncset.done $0x0  }
0xaa: {  	s25 =	simm.s32 $0x1B8E;
	s24 =	sld [smem:$0x3FFE];
	[sflag:s23] =	ssyncadd.s32 $0xFFFFFFFF  }
0xab: {  	s26 =	simm.s32 $execute0_lowered;
	[smem:$0x3FD2] =	sst s25  }
0xac: {  	s5 =	sshll.u32 s26, $0x1;
	_ =	strace $0x80000046;
	[dreg:$0x1] =	wrdreg $0xFFFFFFFF  }
0xad: {  	s28 =	simm.s32 $_size_execute0_lowered;
	s3 =	sadd.s32 s3, s5;
	[dreg:$0x0] =	wrdreg $0x0  }
0xae: {  	s5 =	sshll.u32 s28, $0x1;
	[dreg:$0x2] =	wrdreg s3  }
0xaf: {  	[dreg:$0x3] =	wrdreg s5  }
0xb0: {  	[dreg:$0x4] =	wrdreg $0xC0  }
0xb1: {  	_ =	task [dreg:s7], $0x5FFFF  }
0xb2: {  	[dreg:$0x1] =	wrdreg $0xFFFFFFFF  }
0xb3: {  	[dreg:$0x0] =	wrdreg $0x60  }
0xb4: {  	[dreg:$0x2] =	wrdreg s24  }
0xb5: {  	[dreg:$0x3] =	wrdreg s16  }
0xb6: {  	[dreg:$0x4] =	wrdreg $0x9  }
0xb7: {  	_ =	task.clear_ibuf [dreg:s7], $0x5FFFF;
	_ =	strace $0x90000046  }
0xb8: {  	s29 =	simm.s32 $0x9;
	_ =	strace $0x80000048  }
0xb9: {  	_ =	swait.ge [sflag:s29], $0x1  }
0xba: {  	[sflag:s29] =	ssyncadd.s32 $0xFFFFFFFF  }
0xbb: {  	_ =	strace $0x90000048  }
0xbc: {  	_ =	sfence  }
0xbd: {  	s30 =	sld [smem:$0x0];
	_ =	sdelay $0x2  }
0xbe: {  	s31 =	sshll.u32 s1, $0xD;
	s1 =	sshrl.u32 s1, $0x2  }
0xbf: {  	s3 =	sand.u32 $0x4000, s31;
	s1 =	sadd.s32 s1, s30  }
0xc0: {  	s0 =	sor.u32 s3, s0;
	s1 =	sshll.u32 s1, $0x11  }
0xc1: {  	s0 =	sor.u32 s1, s0  }
0xc2: {  	s0 =	sadd.s32 $0x8F2B, s0  }
0xc3: {  	[sflag:s0] =	ssyncadd.remote.s32 $0x1  }
0xc4: {  	_ =	sfence.sel $0xFFFF  }
0xc5: {  	[dreg:$0x0] =	wrdreg $0xFFFFFFFF;
	(pc) =	sbr.abs _section_cstart, $3  }
0xc6: {  	[dreg:$0x1] =	wrdreg $0xFFFFFFFF  }
0xc7: {  	_ =	task.clear_ibuf [dreg:s7], $0x2FFFF;
	_ =	strace $0x9FFFFFFF  }
0xc8: {  	(tm) =	ssettm $0x7FFFFFFF  }
0xc9: {  	_ =	shalt  }
tec
execute0_lowered:
.L_overlay_start_1:
0x0: {  	(tag) =	ssettag $0x1  }
0x1: {  	s0 =	rddreg [dreg:$0x0]  }
0x2: {  	s1 =	rddreg [dreg:$0x1];
	s3 =	srdreg.scid  }
0x3: {  	s2 =	simm.s32 $0x0;
	s4 =	stileid.u32;
	s5 =	sand.u32 $0x1, s3  }
0x4: {  	[smem:$0x7FF] =	sst s2;
	s14 =	sshll.u32 s4, $0x9;
	s15 =	sshll.u32 s5, $0x8  }
0x5: {  	s3 =	sadd.s32 $0x100000, s0;
	s4 =	sadd.s32 $0x200, s0;
	s6 =	sor.u32 s15, s14  }
0x6: {  	_ =	strace $0x80000047;
	s5 =	ssub.s32 $0x2, s5;
	s7 =	smul.u32 $0x300, s6  }
0x7: {  	s8 =	sadd.s32 s4, s6;
	s9 =	sor.u32 $0x10, s6;
	s18 =	sor.u32 $0x20, s6  }
0x8: {  	s22 =	sor.u32 $0x30, s6;
	s26 =	sor.u32 $0x40, s6;
	s31 =	sor.u32 $0x50, s6  }
0x9: {  	s12 =	sor.u32 $0x60, s6;
	[dreg:$0x3] =	wrdreg s8;
	s17 =	sadd.s32 s4, s9  }
0xa: {  	s16 =	smul.u32 $0x300, s9;
	s21 =	sadd.s32 s4, s18;
	[dreg:$0x5] =	wrdreg s17  }
0xb: {  	s20 =	smul.u32 $0x300, s18;
	s25 =	sadd.s32 s4, s22;
	[dreg:$0x7] =	wrdreg s21  }
0xc: {  	s24 =	smul.u32 $0x300, s22;
	s30 =	sadd.s32 s4, s26;
	[dreg:$0x9] =	wrdreg s25  }
0xd: {  	s29 =	smul.u32 $0x300, s26;
	s11 =	sadd.s32 s4, s31;
	[dreg:$0xb] =	wrdreg s30  }
0xe: {  	s10 =	smul.u32 $0x300, s31;
	s15 =	sadd.s32 s4, s12;
	[dreg:$0xd] =	wrdreg s11  }
0xf: {  	s14 =	smul.u32 $0x300, s12;
	s7 =	sadd.s32 s1, s7;
	[dreg:$0xf] =	wrdreg s15  }
0x10: {  	s11 =	sor.u32 $0xB0, s6;
	[dreg:$0x4] =	wrdreg s7;
	s19 =	sadd.s32 s1, s16  }
0x11: {  	s15 =	sor.u32 $0xC0, s6;
	s23 =	sadd.s32 s1, s20;
	[dreg:$0x6] =	wrdreg s19  }
0x12: {  	s28 =	sadd.s32 s1, s24;
	s8 =	sadd.s32 s1, s29;
	[dreg:$0x8] =	wrdreg s23  }
0x13: {  	s13 =	sadd.s32 s1, s10;
	s16 =	sor.u32 $0x70, s6;
	[dreg:$0xa] =	wrdreg s28  }
0x14: {  	s17 =	sadd.s32 s1, s14;
	s20 =	sor.u32 $0x80, s6;
	[dreg:$0xc] =	wrdreg s8  }
0x15: {  	s24 =	sor.u32 $0x90, s6;
	s29 =	sor.u32 $0xA0, s6;
	[dreg:$0xe] =	wrdreg s13  }
0x16: {  	s14 =	sadd.s32 s4, s11;
	s7 =	simm.s32 $0x2;
	[dreg:$0x10] =	wrdreg s17  }
0x17: {  	s18 =	smul.u32 $0x300, s16;
	s19 =	sadd.s32 s4, s16;
	[dreg:$0x19] =	wrdreg s14  }
0x18: {  	s22 =	smul.u32 $0x300, s20;
	s23 =	sadd.s32 s4, s20;
	[dreg:$0x11] =	wrdreg s19  }
0x19: {  	s26 =	smul.u32 $0x300, s24;
	s28 =	sadd.s32 s4, s24;
	[dreg:$0x13] =	wrdreg s23  }
0x1a: {  	s31 =	smul.u32 $0x300, s29;
	s10 =	sadd.s32 s4, s29;
	[dreg:$0x15] =	wrdreg s28  }
0x1b: {  	s13 =	smul.u32 $0x300, s11;
	[dreg:$0x17] =	wrdreg s10;
	s21 =	sadd.s32 s1, s18  }
0x1c: {  	s17 =	smul.u32 $0x300, s15;
	s25 =	sadd.s32 s1, s22;
	[dreg:$0x12] =	wrdreg s21  }
0x1d: {  	s8 =	simm.s32 $0x80;
	s30 =	sadd.s32 s1, s26;
	[dreg:$0x14] =	wrdreg s25  }
0x1e: {  	s19 =	sor.u32 $0xD0, s6;
	s12 =	sadd.s32 s1, s31;
	[dreg:$0x16] =	wrdreg s30  }
0x1f: {  	s23 =	sor.u32 $0xE0, s6;
	s16 =	sadd.s32 s1, s13;
	[dreg:$0x18] =	wrdreg s12  }
0x20: {  	s6 =	sor.u32 $0xF0, s6;
	s18 =	sadd.s32 s4, s15;
	[dreg:$0x1a] =	wrdreg s16  }
0x21: {  	s20 =	sadd.s32 s1, s17;
	s22 =	sadd.s32 s4, s19;
	[dreg:$0x1b] =	wrdreg s18  }
0x22: {  	s26 =	sadd.s32 s4, s23;
	s29 =	smul.u32 $0x300, s6;
	[dreg:$0x1c] =	wrdreg s20  }
0x23: {  	s4 =	sadd.s32 s4, s6;
	s21 =	smul.u32 $0x300, s19;
	[dreg:$0x1d] =	wrdreg s22  }
0x24: {  	s25 =	smul.u32 $0x300, s23;
	[dreg:$0x1f] =	wrdreg s26;
	s30 =	sshrl.u32 s5, $0x1  }
0x25: {  	[smem:$0x7FC] =	sst s4;
	s4 =	sadd.s32 $0x100100, s0;
	s24 =	sadd.s32 s1, s21  }
0x26: {  	v2 =	vlaneseq.u32;
	s31 =	ssub.s32 s5, s30;
	s28 =	sadd.s32 s1, s25;
	[dreg:$0x1e] =	wrdreg s24  }
0x27: {  	vm0 =	vmmov $0xffff;
	v1 =	vshrl.u32 v2, $0x3;
	s5 =	sadd.s32 $0x100200, s0;
	s1 =	sadd.s32 s1, s29;
	[smem:$0x7FB] =	sst s28  }
0x28: {  	v0 =	vand.u32 $0x7, v2;
	v2 =	vor.u32 $0x8, v2;
	v1 =	vmul.u32 $0x8, v1;
	s0 =	simm.s32 $0x1;
	[smem:$0x7FD] =	sst s1;
	s1 =	smax.u32 s31, $0x1  }
.LBB2_1:
0x29: {  	[smem:$0x7FA] =	sst s1  }
0x2a: {  	s18 =	rddreg [dreg:$0x3]  }
0x2b: {  	[tilespmem:s2], [sflag:$0x2] =	stream.linear.gather [hbm4b:s18+s2], $0x80, $0x38;
	[tilespmem:$0x18080] =	vst v63  }
0x2c: {  	_ =	swait.ge [sflag:s7], $0x80  }
0x2d: {  	[sflag:s7] =	ssyncset.done $0x0  }
0x2e: {  	[sflag:s7] =	ssyncadd.s32 $0xFFFFFF80  }
0x2f: {  	v3 =	vld [tilespmem:$0x0];
	_ =	sdelay $0x4  }
0x30: {  	v4 =	vshrl.u32 v3, $0x3  }
0x31: {  	v4 =	vmul.u32 $0x30, v4  }
0x32: {  	v3 =	vand.u32 $0x7, v3  }
0x33: {  	v3 =	vor.u32 v3, v4  }
0x34: {  	v4 =	vperm.xlane v3, v0;
	_ =	sdelay $0x1  }
0x35: {  	v4 =	vadd.s32 v1, v4;
	_ =	sdelay $0x3  }
0x36: {  	v3 =	vperm.xlane v3, v2  }
0x37: {  	[tilespmem:s8], [sflag:$0x1] =	stream.indirect_vreg.gather [hbm4b:s3+s2], $0x80, v4, vm0, $0xb8;
	[tilespmem:$0x18080] =	vst v63  }
0x38: {  	s19 =	simm.s32 $0x880;
	v3 =	vadd.s32 v1, v3  }
0x39: {  	[tilespmem:s19], [sflag:$0x1] =	stream.indirect_vreg.gather [hbm4b:s4+s2], $0x80, v4, vm0, $0xb8;
	[tilespmem:$0x18080] =	vst v63  }
0x3a: {  	s20 =	simm.s32 $0x1080  }
0x3b: {  	[tilespmem:s20], [sflag:$0x1] =	stream.indirect_vreg.gather [hbm4b:s5+s2], $0x80, v4, vm0, $0xb8;
	[tilespmem:$0x18080] =	vst v63  }
0x3c: {  	s21 =	simm.s32 $0x1880  }
0x3d: {  	[tilespmem:s21], [sflag:$0x1] =	stream.indirect_vreg.gather [hbm4b:s3+s2], $0x80, v3, vm0, $0xb8;
	[tilespmem:$0x18080] =	vst v63  }
0x3e: {  	s22 =	simm.s32 $0x2080  }
0x3f: {  	[tilespmem:s22], [sflag:$0x1] =	stream.indirect_vreg.gather [hbm4b:s4+s2], $0x80, v3, vm0, $0xb8;
	[tilespmem:$0x18080] =	vst v63  }
0x40: {  	s25 =	simm.s32 $0x2880  }
0x41: {  	[tilespmem:s25], [sflag:$0x1] =	stream.indirect_vreg.gather [hbm4b:s5+s2], $0x80, v3, vm0, $0xb8;
	[tilespmem:$0x18080] =	vst v63  }
0x42: {  	v3 =	vld [tilespmem:$0x10];
	_ =	sdelay $0x4  }
0x43: {  	v49 =	vshrl.u32 v3, $0x3  }
0x44: {  	v4 =	vmul.u32 $0x30, v49  }
0x45: {  	v3 =	vand.u32 $0x7, v3  }
0x46: {  	v3 =	vor.u32 v3, v4  }
0x47: {  	v4 =	vperm.xlane v3, v0;
	_ =	sdelay $0x1  }
0x48: {  	v4 =	vadd.s32 v1, v4;
	_ =	sdelay $0x3  }
0x49: {  	s26 =	simm.s32 $0x3080;
	v3 =	vperm.xlane v3, v2  }
0x4a: {  	[tilespmem:s26], [sflag:$0x1] =	stream.indirect_vreg.gather [hbm4b:s3+s2], $0x80, v4, vm0, $0xb8;
	[tilespmem:$0x18080] =	vst v63  }
0x4b: {  	s30 =	simm.s32 $0x3880;
	v3 =	vadd.s32 v1, v3  }
0x4c: {  	[tilespmem:s30], [sflag:$0x1] =	stream.indirect_vreg.gather [hbm4b:s4+s2], $0x80, v4, vm0, $0xb8;
	[tilespmem:$0x18080] =	vst v63  }
0x4d: {  	s31 =	simm.s32 $0x4080  }
0x4e: {  	[tilespmem:s31], [sflag:$0x1] =	stream.indirect_vreg.gather [hbm4b:s5+s2], $0x80, v4, vm0, $0xb8;
	[tilespmem:$0x18080] =	vst v63  }
0x4f: {  	s6 =	simm.s32 $0x4880  }
0x50: {  	[tilespmem:s6], [sflag:$0x1] =	stream.indirect_vreg.gather [hbm4b:s3+s2], $0x80, v3, vm0, $0xb8;
	[tilespmem:$0x18080] =	vst v63  }
0x51: {  	s9 =	simm.s32 $0x5080  }
0x52: {  	[tilespmem:s9], [sflag:$0x1] =	stream.indirect_vreg.gather [hbm4b:s4+s2], $0x80, v3, vm0, $0xb8;
	[tilespmem:$0x18080] =	vst v63  }
0x53: {  	s10 =	simm.s32 $0x5880  }
0x54: {  	[tilespmem:s10], [sflag:$0x1] =	stream.indirect_vreg.gather [hbm4b:s5+s2], $0x80, v3, vm0, $0xb8;
	[tilespmem:$0x18080] =	vst v63  }
0x55: {  	v3 =	vld [tilespmem:$0x20];
	_ =	sdelay $0x4  }
0x56: {  	v50 =	vshrl.u32 v3, $0x3  }
0x57: {  	v4 =	vmul.u32 $0x30, v50  }
0x58: {  	v3 =	vand.u32 $0x7, v3  }
0x59: {  	v3 =	vor.u32 v3, v4  }
0x5a: {  	v4 =	vperm.xlane v3, v0;
	_ =	sdelay $0x1  }
0x5b: {  	v4 =	vadd.s32 v1, v4;
	_ =	sdelay $0x3  }
0x5c: {  	s11 =	simm.s32 $0x6080;
	v3 =	vperm.xlane v3, v2  }
0x5d: {  	[tilespmem:s11], [sflag:$0x1] =	stream.indirect_vreg.gather [hbm4b:s3+s2], $0x80, v4, vm0, $0xb8;
	[tilespmem:$0x18080] =	vst v63  }
0x5e: {  	s12 =	simm.s32 $0x6880;
	v3 =	vadd.s32 v1, v3  }
0x5f: {  	[tilespmem:s12], [sflag:$0x1] =	stream.indirect_vreg.gather [hbm4b:s4+s2], $0x80, v4, vm0, $0xb8;
	[tilespmem:$0x18080] =	vst v63  }
0x60: {  	s13 =	simm.s32 $0x7080  }
0x61: {  	[tilespmem:s13], [sflag:$0x1] =	stream.indirect_vreg.gather [hbm4b:s5+s2], $0x80, v4, vm0, $0xb8;
	[tilespmem:$0x18080] =	vst v63  }
0x62: {  	s14 =	simm.s32 $0x7880  }
0x63: {  	[tilespmem:s14], [sflag:$0x1] =	stream.indirect_vreg.gather [hbm4b:s3+s2], $0x80, v3, vm0, $0xb8;
	[tilespmem:$0x18080] =	vst v63  }
0x64: {  	s15 =	simm.s32 $0x8080  }
0x65: {  	[tilespmem:s15], [sflag:$0x1] =	stream.indirect_vreg.gather [hbm4b:s4+s2], $0x80, v3, vm0, $0xb8;
	[tilespmem:$0x18080] =	vst v63  }
0x66: {  	s20 =	simm.s32 $0x8880  }
0x67: {  	[tilespmem:s20], [sflag:$0x1] =	stream.indirect_vreg.gather [hbm4b:s5+s2], $0x80, v3, vm0, $0xb8;
	[tilespmem:$0x18080] =	vst v63  }
0x68: {  	v3 =	vld [tilespmem:$0x30];
	_ =	sdelay $0x4  }
0x69: {  	v51 =	vshrl.u32 v3, $0x3  }
0x6a: {  	v4 =	vmul.u32 $0x30, v51  }
0x6b: {  	v3 =	vand.u32 $0x7, v3  }
0x6c: {  	v3 =	vor.u32 v3, v4  }
0x6d: {  	v4 =	vperm.xlane v3, v0;
	_ =	sdelay $0x1  }
0x6e: {  	v4 =	vadd.s32 v1, v4;
	_ =	sdelay $0x3  }
0x6f: {  	s21 =	simm.s32 $0x9080;
	v3 =	vperm.xlane v3, v2  }
0x70: {  	[tilespmem:s21], [sflag:$0x1] =	stream.indirect_vreg.gather [hbm4b:s3+s2], $0x80, v4, vm0, $0xb8;
	[tilespmem:$0x18080] =	vst v63  }
0x71: {  	s22 =	simm.s32 $0x9880;
	v3 =	vadd.s32 v1, v3  }
0x72: {  	[tilespmem:s22], [sflag:$0x1] =	stream.indirect_vreg.gather [hbm4b:s4+s2], $0x80, v4, vm0, $0xb8;
	[tilespmem:$0x18080] =	vst v63  }
0x73: {  	s25 =	simm.s32 $0xA080  }
0x74: {  	[tilespmem:s25], [sflag:$0x1] =	stream.indirect_vreg.gather [hbm4b:s5+s2], $0x80, v4, vm0, $0xb8;
	[tilespmem:$0x18080] =	vst v63  }
0x75: {  	s26 =	simm.s32 $0xA880  }
0x76: {  	[tilespmem:s26], [sflag:$0x1] =	stream.indirect_vreg.gather [hbm4b:s3+s2], $0x80, v3, vm0, $0xb8;
	[tilespmem:$0x18080] =	vst v63  }
0x77: {  	s6 =	simm.s32 $0xB080  }
0x78: {  	[tilespmem:s6], [sflag:$0x1] =	stream.indirect_vreg.gather [hbm4b:s4+s2], $0x80, v3, vm0, $0xb8;
	[tilespmem:$0x18080] =	vst v63  }
0x79: {  	s9 =	simm.s32 $0xB880  }
0x7a: {  	[tilespmem:s9], [sflag:$0x1] =	stream.indirect_vreg.gather [hbm4b:s5+s2], $0x80, v3, vm0, $0xb8;
	[tilespmem:$0x18080] =	vst v63  }
0x7b: {  	v3 =	vld [tilespmem:$0x40];
	_ =	sdelay $0x4  }
0x7c: {  	v52 =	vshrl.u32 v3, $0x3  }
0x7d: {  	v4 =	vmul.u32 $0x30, v52  }
0x7e: {  	v3 =	vand.u32 $0x7, v3  }
0x7f: {  	v3 =	vor.u32 v3, v4  }
0x80: {  	v4 =	vperm.xlane v3, v0;
	_ =	sdelay $0x1  }
0x81: {  	v4 =	vadd.s32 v1, v4;
	_ =	sdelay $0x3  }
0x82: {  	s10 =	simm.s32 $0xC080;
	v3 =	vperm.xlane v3, v2  }
0x83: {  	[tilespmem:s10], [sflag:$0x1] =	stream.indirect_vreg.gather [hbm4b:s3+s2], $0x80, v4, vm0, $0xb8;
	[tilespmem:$0x18080] =	vst v63  }
0x84: {  	s11 =	simm.s32 $0xC880;
	v3 =	vadd.s32 v1, v3  }
0x85: {  	[tilespmem:s11], [sflag:$0x1] =	stream.indirect_vreg.gather [hbm4b:s4+s2], $0x80, v4, vm0, $0xb8;
	[tilespmem:$0x18080] =	vst v63  }
0x86: {  	s12 =	simm.s32 $0xD080  }
0x87: {  	[tilespmem:s12], [sflag:$0x1] =	stream.indirect_vreg.gather [hbm4b:s5+s2], $0x80, v4, vm0, $0xb8;
	[tilespmem:$0x18080] =	vst v63  }
0x88: {  	s13 =	simm.s32 $0xD880  }
0x89: {  	[tilespmem:s13], [sflag:$0x1] =	stream.indirect_vreg.gather [hbm4b:s3+s2], $0x80, v3, vm0, $0xb8;
	[tilespmem:$0x18080] =	vst v63  }
0x8a: {  	s14 =	simm.s32 $0xE080  }
0x8b: {  	[tilespmem:s14], [sflag:$0x1] =	stream.indirect_vreg.gather [hbm4b:s4+s2], $0x80, v3, vm0, $0xb8;
	[tilespmem:$0x18080] =	vst v63  }
0x8c: {  	s15 =	simm.s32 $0xE880  }
0x8d: {  	[tilespmem:s15], [sflag:$0x1] =	stream.indirect_vreg.gather [hbm4b:s5+s2], $0x80, v3, vm0, $0xb8;
	[tilespmem:$0x18080] =	vst v63  }
0x8e: {  	v3 =	vld [tilespmem:$0x50];
	_ =	sdelay $0x4  }
0x8f: {  	v53 =	vshrl.u32 v3, $0x3  }
0x90: {  	v4 =	vmul.u32 $0x30, v53  }
0x91: {  	v3 =	vand.u32 $0x7, v3  }
0x92: {  	v3 =	vor.u32 v3, v4  }
0x93: {  	v4 =	vperm.xlane v3, v0;
	_ =	sdelay $0x1  }
0x94: {  	v4 =	vadd.s32 v1, v4;
	_ =	sdelay $0x3  }
0x95: {  	s25 =	simm.s32 $0xF080;
	v3 =	vperm.xlane v3, v2  }
0x96: {  	[tilespmem:s25], [sflag:$0x1] =	stream.indirect_vreg.gather [hbm4b:s3+s2], $0x80, v4, vm0, $0xb8;
	[tilespmem:$0x18080] =	vst v63  }
0x97: {  	s26 =	simm.s32 $0xF880;
	v3 =	vadd.s32 v1, v3  }
0x98: {  	[tilespmem:s26], [sflag:$0x1] =	stream.indirect_vreg.gather [hbm4b:s4+s2], $0x80, v4, vm0, $0xb8;
	[tilespmem:$0x18080] =	vst v63  }
0x99: {  	s11 =	simm.s32 $0x10080  }
0x9a: {  	[tilespmem:s11], [sflag:$0x1] =	stream.indirect_vreg.gather [hbm4b:s5+s2], $0x80, v4, vm0, $0xb8;
	[tilespmem:$0x18080] =	vst v63  }
0x9b: {  	s12 =	simm.s32 $0x10880  }
0x9c: {  	[tilespmem:s12], [sflag:$0x1] =	stream.indirect_vreg.gather [hbm4b:s3+s2], $0x80, v3, vm0, $0xb8;
	[tilespmem:$0x18080] =	vst v63  }
0x9d: {  	s13 =	simm.s32 $0x11080  }
0x9e: {  	[tilespmem:s13], [sflag:$0x1] =	stream.indirect_vreg.gather [hbm4b:s4+s2], $0x80, v3, vm0, $0xb8;
	[tilespmem:$0x18080] =	vst v63  }
0x9f: {  	s14 =	simm.s32 $0x11880  }
0xa0: {  	[tilespmem:s14], [sflag:$0x1] =	stream.indirect_vreg.gather [hbm4b:s5+s2], $0x80, v3, vm0, $0xb8;
	[tilespmem:$0x18080] =	vst v63  }
0xa1: {  	v3 =	vld [tilespmem:$0x60];
	_ =	sdelay $0x4  }
0xa2: {  	v54 =	vshrl.u32 v3, $0x3  }
0xa3: {  	v4 =	vmul.u32 $0x30, v54  }
0xa4: {  	v3 =	vand.u32 $0x7, v3  }
0xa5: {  	v3 =	vor.u32 v3, v4  }
0xa6: {  	v4 =	vperm.xlane v3, v0;
	_ =	sdelay $0x1  }
0xa7: {  	v4 =	vadd.s32 v1, v4;
	_ =	sdelay $0x3  }
0xa8: {  	s15 =	simm.s32 $0x12080;
	v3 =	vperm.xlane v3, v2  }
0xa9: {  	[tilespmem:s15], [sflag:$0x1] =	stream.indirect_vreg.gather [hbm4b:s3+s2], $0x80, v4, vm0, $0xb8;
	[tilespmem:$0x18080] =	vst v63  }
0xaa: {  	s25 =	simm.s32 $0x12880;
	v3 =	vadd.s32 v1, v3  }
0xab: {  	[tilespmem:s25], [sflag:$0x1] =	stream.indirect_vreg.gather [hbm4b:s4+s2], $0x80, v4, vm0, $0xb8;
	[tilespmem:$0x18080] =	vst v63  }
0xac: {  	s26 =	simm.s32 $0x13080  }
0xad: {  	[tilespmem:s26], [sflag:$0x1] =	stream.indirect_vreg.gather [hbm4b:s5+s2], $0x80, v4, vm0, $0xb8;
	[tilespmem:$0x18080] =	vst v63  }
0xae: {  	s13 =	simm.s32 $0x13880  }
0xaf: {  	[tilespmem:s13], [sflag:$0x1] =	stream.indirect_vreg.gather [hbm4b:s3+s2], $0x80, v3, vm0, $0xb8;
	[tilespmem:$0x18080] =	vst v63  }
0xb0: {  	s14 =	simm.s32 $0x14080  }
0xb1: {  	[tilespmem:s14], [sflag:$0x1] =	stream.indirect_vreg.gather [hbm4b:s4+s2], $0x80, v3, vm0, $0xb8;
	[tilespmem:$0x18080] =	vst v63  }
0xb2: {  	s15 =	simm.s32 $0x14880  }
0xb3: {  	[tilespmem:s15], [sflag:$0x1] =	stream.indirect_vreg.gather [hbm4b:s5+s2], $0x80, v3, vm0, $0xb8;
	[tilespmem:$0x18080] =	vst v63  }
0xb4: {  	v3 =	vld [tilespmem:$0x70];
	_ =	sdelay $0x4  }
0xb5: {  	v55 =	vshrl.u32 v3, $0x3  }
0xb6: {  	v4 =	vmul.u32 $0x30, v55  }
0xb7: {  	v3 =	vand.u32 $0x7, v3  }
0xb8: {  	v3 =	vor.u32 v3, v4  }
0xb9: {  	v4 =	vperm.xlane v3, v0;
	_ =	sdelay $0x1  }
0xba: {  	v4 =	vadd.s32 v1, v4;
	_ =	sdelay $0x3  }
0xbb: {  	s25 =	simm.s32 $0x15080;
	v3 =	vperm.xlane v3, v2  }
0xbc: {  	[tilespmem:s25], [sflag:$0x1] =	stream.indirect_vreg.gather [hbm4b:s3+s2], $0x80, v4, vm0, $0xb8;
	[tilespmem:$0x18080] =	vst v63  }
0xbd: {  	s26 =	simm.s32 $0x15880;
	v3 =	vadd.s32 v1, v3  }
0xbe: {  	[tilespmem:s26], [sflag:$0x1] =	stream.indirect_vreg.gather [hbm4b:s4+s2], $0x80, v4, vm0, $0xb8;
	[tilespmem:$0x18080] =	vst v63  }
0xbf: {  	s15 =	simm.s32 $0x16080  }
0xc0: {  	[tilespmem:s15], [sflag:$0x1] =	stream.indirect_vreg.gather [hbm4b:s5+s2], $0x80, v4, vm0, $0xb8;
	[tilespmem:$0x18080] =	vst v63  }
0xc1: {  	s25 =	simm.s32 $0x16880  }
0xc2: {  	[tilespmem:s25], [sflag:$0x1] =	stream.indirect_vreg.gather [hbm4b:s3+s2], $0x80, v3, vm0, $0xb8;
	[tilespmem:$0x18080] =	vst v63  }
0xc3: {  	s26 =	simm.s32 $0x17080  }
0xc4: {  	[tilespmem:s26], [sflag:$0x1] =	stream.indirect_vreg.gather [hbm4b:s4+s2], $0x80, v3, vm0, $0xb8;
	[tilespmem:$0x18080] =	vst v63  }
0xc5: {  	s15 =	simm.s32 $0x17880  }
0xc6: {  	[tilespmem:s15], [sflag:$0x1] =	stream.indirect_vreg.gather [hbm4b:s5+s2], $0x80, v3, vm0, $0xb8;
	[tilespmem:$0x18080] =	vst v63  }
0xc7: {  	_ =	swait.ge [sflag:s0], $0x18000  }
0xc8: {  	[sflag:s0] =	ssyncset.done $0x0  }
0xc9: {  	s25 =	rddreg [dreg:$0x4];
	[sflag:s0] =	ssyncadd.s32 $0xFFFE8000  }
0xca: {  	[hbm4b:s25+s2] =	stream.linear.scatter [tilespmem:s8], [sflag:$0x2], $0x18000, $0x38;
	[tilespmem:$0x18080] =	vst v63  }
0xcb: {  	_ =	swait.ge [sflag:s7], $0x18000  }
0xcc: {  	[sflag:s7] =	ssyncset.done $0x0  }
0xcd: {  	s26 =	rddreg [dreg:$0x5];
	[sflag:s7] =	ssyncadd.s32 $0xFFFE8000  }
0xce: {  	[tilespmem:s2], [sflag:$0x2] =	stream.linear.gather [hbm4b:s26+s2], $0x80, $0x38;
	[tilespmem:$0x18080] =	vst v63  }
0xcf: {  	_ =	swait.ge [sflag:s7], $0x80  }
0xd0: {  	[sflag:s7] =	ssyncset.done $0x0  }
0xd1: {  	[sflag:s7] =	ssyncadd.s32 $0xFFFFFF80  }
0xd2: {  	v3 =	vld [tilespmem:$0x0];
	_ =	sdelay $0x4  }
0xd3: {  	v56 =	vshrl.u32 v3, $0x3  }
0xd4: {  	v4 =	vmul.u32 $0x30, v56  }
0xd5: {  	v3 =	vand.u32 $0x7, v3  }
0xd6: {  	v3 =	vor.u32 v3, v4  }
0xd7: {  	v4 =	vperm.xlane v3, v0;
	_ =	sdelay $0x1  }
0xd8: {  	v4 =	vadd.s32 v1, v4;
	_ =	sdelay $0x3  }
0xd9: {  	v3 =	vperm.xlane v3, v2  }
0xda: {  	[tilespmem:s8], [sflag:$0x1] =	stream.indirect_vreg.gather [hbm4b:s3+s2], $0x80, v4, vm0, $0xb8;
	[tilespmem:$0x18080] =	vst v63  }
0xdb: {  	s24 =	simm.s32 $0x880;
	v3 =	vadd.s32 v1, v3  }
0xdc: {  	[tilespmem:s24], [sflag:$0x1] =	stream.indirect_vreg.gather [hbm4b:s4+s2], $0x80, v4, vm0, $0xb8;
	[tilespmem:$0x18080] =	vst v63  }
0xdd: {  	s23 =	simm.s32 $0x1080  }
0xde: {  	[tilespmem:s23], [sflag:$0x1] =	stream.indirect_vreg.gather [hbm4b:s5+s2], $0x80, v4, vm0, $0xb8;
	[tilespmem:$0x18080] =	vst v63  }
0xdf: {  	s28 =	simm.s32 $0x1880  }
0xe0: {  	[tilespmem:s28], [sflag:$0x1] =	stream.indirect_vreg.gather [hbm4b:s3+s2], $0x80, v3, vm0, $0xb8;
	[tilespmem:$0x18080] =	vst v63  }
0xe1: {  	s29 =	simm.s32 $0x2080  }
0xe2: {  	[tilespmem:s29], [sflag:$0x1] =	stream.indirect_vreg.gather [hbm4b:s4+s2], $0x80, v3, vm0, $0xb8;
	[tilespmem:$0x18080] =	vst v63  }
0xe3: {  	s16 =	simm.s32 $0x2880  }
0xe4: {  	[tilespmem:s16], [sflag:$0x1] =	stream.indirect_vreg.gather [hbm4b:s5+s2], $0x80, v3, vm0, $0xb8;
	[tilespmem:$0x18080] =	vst v63  }
0xe5: {  	v3 =	vld [tilespmem:$0x10];
	_ =	sdelay $0x4  }
0xe6: {  	v57 =	vshrl.u32 v3, $0x3  }
0xe7: {  	v4 =	vmul.u32 $0x30, v57  }
0xe8: {  	v3 =	vand.u32 $0x7, v3  }
0xe9: {  	v3 =	vor.u32 v3, v4  }
0xea: {  	v4 =	vperm.xlane v3, v0;
	_ =	sdelay $0x1  }
0xeb: {  	v4 =	vadd.s32 v1, v4;
	_ =	sdelay $0x3  }
0xec: {  	s17 =	simm.s32 $0x3080;
	v3 =	vperm.xlane v3, v2  }
0xed: {  	[tilespmem:s17], [sflag:$0x1] =	stream.indirect_vreg.gather [hbm4b:s3+s2], $0x80, v4, vm0, $0xb8;
	[tilespmem:$0x18080] =	vst v63  }
0xee: {  	s30 =	simm.s32 $0x3880;
	v3 =	vadd.s32 v1, v3  }
0xef: {  	[tilespmem:s30], [sflag:$0x1] =	stream.indirect_vreg.gather [hbm4b:s4+s2], $0x80, v4, vm0, $0xb8;
	[tilespmem:$0x18080] =	vst v63  }
0xf0: {  	s31 =	simm.s32 $0x4080  }
0xf1: {  	[tilespmem:s31], [sflag:$0x1] =	stream.indirect_vreg.gather [hbm4b:s5+s2], $0x80, v4, vm0, $0xb8;
	[tilespmem:$0x18080] =	vst v63  }
0xf2: {  	s16 =	simm.s32 $0x4880  }
0xf3: {  	[tilespmem:s16], [sflag:$0x1] =	stream.indirect_vreg.gather [hbm4b:s3+s2], $0x80, v3, vm0, $0xb8;
	[tilespmem:$0x18080] =	vst v63  }
0xf4: {  	s17 =	simm.s32 $0x5080  }
0xf5: {  	[tilespmem:s17], [sflag:$0x1] =	stream.indirect_vreg.gather [hbm4b:s4+s2], $0x80, v3, vm0, $0xb8;
	[tilespmem:$0x18080] =	vst v63  }
0xf6: {  	s18 =	simm.s32 $0x5880  }
0xf7: {  	[tilespmem:s18], [sflag:$0x1] =	stream.indirect_vreg.gather [hbm4b:s5+s2], $0x80, v3, vm0, $0xb8;
	[tilespmem:$0x18080] =	vst v63  }
0xf8: {  	v3 =	vld [tilespmem:$0x20];
	_ =	sdelay $0x4  }
0xf9: {  	v58 =	vshrl.u32 v3, $0x3  }
0xfa: {  	v4 =	vmul.u32 $0x30, v58  }
0xfb: {  	v3 =	vand.u32 $0x7, v3  }
0xfc: {  	v3 =	vor.u32 v3, v4  }
0xfd: {  	v4 =	vperm.xlane v3, v0;
	_ =	sdelay $0x1  }
0xfe: {  	v4 =	vadd.s32 v1, v4;
	_ =	sdelay $0x3  }
0xff: {  	s19 =	simm.s32 $0x6080;
	v3 =	vperm.xlane v3, v2  }
0x100: {  	[tilespmem:s19], [sflag:$0x1] =	stream.indirect_vreg.gather [hbm4b:s3+s2], $0x80, v4, vm0, $0xb8;
	[tilespmem:$0x18080] =	vst v63  }
0x101: {  	v3 =	vadd.s32 v1, v3;
	s19 =	simm.s32 $0x6880  }
0x102: {  	[tilespmem:s19], [sflag:$0x1] =	stream.indirect_vreg.gather [hbm4b:s4+s2], $0x80, v4, vm0, $0xb8;
	[tilespmem:$0x18080] =	vst v63  }
0x103: {  	s23 =	simm.s32 $0x7080  }
0x104: {  	[tilespmem:s23], [sflag:$0x1] =	stream.indirect_vreg.gather [hbm4b:s5+s2], $0x80, v4, vm0, $0xb8;
	[tilespmem:$0x18080] =	vst v63  }
0x105: {  	s24 =	simm.s32 $0x7880  }
0x106: {  	[tilespmem:s24], [sflag:$0x1] =	stream.indirect_vreg.gather [hbm4b:s3+s2], $0x80, v3, vm0, $0xb8;
	[tilespmem:$0x18080] =	vst v63  }
0x107: {  	s16 =	simm.s32 $0x8080  }
0x108: {  	[tilespmem:s16], [sflag:$0x1] =	stream.indirect_vreg.gather [hbm4b:s4+s2], $0x80, v3, vm0, $0xb8;
	[tilespmem:$0x18080] =	vst v63  }
0x109: {  	s20 =	simm.s32 $0x8880  }
0x10a: {  	[tilespmem:s20], [sflag:$0x1] =	stream.indirect_vreg.gather [hbm4b:s5+s2], $0x80, v3, vm0, $0xb8;
	[tilespmem:$0x18080] =	vst v63  }
0x10b: {  	v3 =	vld [tilespmem:$0x30];
	_ =	sdelay $0x4  }
0x10c: {  	v59 =	vshrl.u32 v3, $0x3  }
0x10d: {  	v4 =	vmul.u32 $0x30, v59  }
0x10e: {  	v3 =	vand.u32 $0x7, v3  }
0x10f: {  	v3 =	vor.u32 v3, v4  }
0x110: {  	v4 =	vperm.xlane v3, v0;
	_ =	sdelay $0x1  }
0x111: {  	v4 =	vadd.s32 v1, v4;
	_ =	sdelay $0x3  }
0x112: {  	s21 =	simm.s32 $0x9080;
	v3 =	vperm.xlane v3, v2  }
0x113: {  	[tilespmem:s21], [sflag:$0x1] =	stream.indirect_vreg.gather [hbm4b:s3+s2], $0x80, v4, vm0, $0xb8;
	[tilespmem:$0x18080] =	vst v63  }
0x114: {  	s17 =	simm.s32 $0x9880;
	v3 =	vadd.s32 v1, v3  }
0x115: {  	[tilespmem:s17], [sflag:$0x1] =	stream.indirect_vreg.gather [hbm4b:s4+s2], $0x80, v4, vm0, $0xb8;
	[tilespmem:$0x18080] =	vst v63  }
0x116: {  	s18 =	simm.s32 $0xA080  }
0x117: {  	[tilespmem:s18], [sflag:$0x1] =	stream.indirect_vreg.gather [hbm4b:s5+s2], $0x80, v4, vm0, $0xb8;
	[tilespmem:$0x18080] =	vst v63  }
0x118: {  	s19 =	simm.s32 $0xA880  }
0x119: {  	[tilespmem:s19], [sflag:$0x1] =	stream.indirect_vreg.gather [hbm4b:s3+s2], $0x80, v3, vm0, $0xb8;
	[tilespmem:$0x18080] =	vst v63  }
0x11a: {  	s20 =	simm.s32 $0xB080  }
0x11b: {  	[tilespmem:s20], [sflag:$0x1] =	stream.indirect_vreg.gather [hbm4b:s4+s2], $0x80, v3, vm0, $0xb8;
	[tilespmem:$0x18080] =	vst v63  }
0x11c: {  	s22 =	simm.s32 $0xB880  }
0x11d: {  	[tilespmem:s22], [sflag:$0x1] =	stream.indirect_vreg.gather [hbm4b:s5+s2], $0x80, v3, vm0, $0xb8;
	[tilespmem:$0x18080] =	vst v63  }
0x11e: {  	v3 =	vld [tilespmem:$0x40];
	_ =	sdelay $0x4  }
0x11f: {  	v60 =	vshrl.u32 v3, $0x3  }
0x120: {  	v4 =	vmul.u32 $0x30, v60  }
0x121: {  	v3 =	vand.u32 $0x7, v3  }
0x122: {  	v3 =	vor.u32 v3, v4  }
0x123: {  	v4 =	vperm.xlane v3, v0;
	_ =	sdelay $0x1  }
0x124: {  	v4 =	vadd.s32 v1, v4;
	_ =	sdelay $0x3  }
0x125: {  	s6 =	simm.s32 $0xC080;
	v3 =	vperm.xlane v3, v2  }
0x126: {  	[tilespmem:s6], [sflag:$0x1] =	stream.indirect_vreg.gather [hbm4b:s3+s2], $0x80, v4, vm0, $0xb8;
	[tilespmem:$0x18080] =	vst v63  }
0x127: {  	s21 =	simm.s32 $0xC880;
	v3 =	vadd.s32 v1, v3  }
0x128: {  	[tilespmem:s21], [sflag:$0x1] =	stream.indirect_vreg.gather [hbm4b:s4+s2], $0x80, v4, vm0, $0xb8;
	[tilespmem:$0x18080] =	vst v63  }
0x129: {  	s22 =	simm.s32 $0xD080  }
0x12a: {  	[tilespmem:s22], [sflag:$0x1] =	stream.indirect_vreg.gather [hbm4b:s5+s2], $0x80, v4, vm0, $0xb8;
	[tilespmem:$0x18080] =	vst v63  }
0x12b: {  	s23 =	simm.s32 $0xD880  }
0x12c: {  	[tilespmem:s23], [sflag:$0x1] =	stream.indirect_vreg.gather [hbm4b:s3+s2], $0x80, v3, vm0, $0xb8;
	[tilespmem:$0x18080] =	vst v63  }
0x12d: {  	s24 =	simm.s32 $0xE080  }
0x12e: {  	[tilespmem:s24], [sflag:$0x1] =	stream.indirect_vreg.gather [hbm4b:s4+s2], $0x80, v3, vm0, $0xb8;
	[tilespmem:$0x18080] =	vst v63  }
0x12f: {  	s9 =	simm.s32 $0xE880  }
0x130: {  	[tilespmem:s9], [sflag:$0x1] =	stream.indirect_vreg.gather [hbm4b:s5+s2], $0x80, v3, vm0, $0xb8;
	[tilespmem:$0x18080] =	vst v63  }
0x131: {  	v3 =	vld [tilespmem:$0x50];
	_ =	sdelay $0x4  }
0x132: {  	v61 =	vshrl.u32 v3, $0x3  }
0x133: {  	v4 =	vmul.u32 $0x30, v61  }
0x134: {  	v3 =	vand.u32 $0x7, v3  }
0x135: {  	v3 =	vor.u32 v3, v4  }
0x136: {  	v4 =	vperm.xlane v3, v0;
	_ =	sdelay $0x1  }
0x137: {  	v4 =	vadd.s32 v1, v4;
	_ =	sdelay $0x3  }
0x138: {  	s10 =	simm.s32 $0xF080;
	v3 =	vperm.xlane v3, v2  }
0x139: {  	[tilespmem:s10], [sflag:$0x1] =	stream.indirect_vreg.gather [hbm4b:s3+s2], $0x80, v4, vm0, $0xb8;
	[tilespmem:$0x18080] =	vst v63  }
0x13a: {  	s9 =	simm.s32 $0xF880;
	v3 =	vadd.s32 v1, v3  }
0x13b: {  	[tilespmem:s9], [sflag:$0x1] =	stream.indirect_vreg.gather [hbm4b:s4+s2], $0x80, v4, vm0, $0xb8;
	[tilespmem:$0x18080] =	vst v63  }
0x13c: {  	s10 =	simm.s32 $0x10080  }
0x13d: {  	[tilespmem:s10], [sflag:$0x1] =	stream.indirect_vreg.gather [hbm4b:s5+s2], $0x80, v4, vm0, $0xb8;
	[tilespmem:$0x18080] =	vst v63  }
0x13e: {  	s19 =	simm.s32 $0x10880  }
0x13f: {  	[tilespmem:s19], [sflag:$0x1] =	stream.indirect_vreg.gather [hbm4b:s3+s2], $0x80, v3, vm0, $0xb8;
	[tilespmem:$0x18080] =	vst v63  }
0x140: {  	s20 =	simm.s32 $0x11080  }
0x141: {  	[tilespmem:s20], [sflag:$0x1] =	stream.indirect_vreg.gather [hbm4b:s4+s2], $0x80, v3, vm0, $0xb8;
	[tilespmem:$0x18080] =	vst v63  }
0x142: {  	s11 =	simm.s32 $0x11880  }
0x143: {  	[tilespmem:s11], [sflag:$0x1] =	stream.indirect_vreg.gather [hbm4b:s5+s2], $0x80, v3, vm0, $0xb8;
	[tilespmem:$0x18080] =	vst v63  }
0x144: {  	v3 =	vld [tilespmem:$0x60];
	_ =	sdelay $0x4  }
0x145: {  	v62 =	vshrl.u32 v3, $0x3  }
0x146: {  	v4 =	vmul.u32 $0x30, v62  }
0x147: {  	v3 =	vand.u32 $0x7, v3  }
0x148: {  	v3 =	vor.u32 v3, v4  }
0x149: {  	v4 =	vperm.xlane v3, v0;
	_ =	sdelay $0x1  }
0x14a: {  	v4 =	vadd.s32 v1, v4;
	_ =	sdelay $0x3  }
0x14b: {  	s12 =	simm.s32 $0x12080;
	v3 =	vperm.xlane v3, v2  }
0x14c: {  	[tilespmem:s12], [sflag:$0x1] =	stream.indirect_vreg.gather [hbm4b:s3+s2], $0x80, v4, vm0, $0xb8;
	[tilespmem:$0x18080] =	vst v63  }
0x14d: {  	s21 =	simm.s32 $0x12880;
	v3 =	vadd.s32 v1, v3  }
0x14e: {  	[tilespmem:s21], [sflag:$0x1] =	stream.indirect_vreg.gather [hbm4b:s4+s2], $0x80, v4, vm0, $0xb8;
	[tilespmem:$0x18080] =	vst v63  }
0x14f: {  	s22 =	simm.s32 $0x13080  }
0x150: {  	[tilespmem:s22], [sflag:$0x1] =	stream.indirect_vreg.gather [hbm4b:s5+s2], $0x80, v4, vm0, $0xb8;
	[tilespmem:$0x18080] =	vst v63  }
0x151: {  	s23 =	simm.s32 $0x13880  }
0x152: {  	[tilespmem:s23], [sflag:$0x1] =	stream.indirect_vreg.gather [hbm4b:s3+s2], $0x80, v3, vm0, $0xb8;
	[tilespmem:$0x18080] =	vst v63  }
0x153: {  	s24 =	simm.s32 $0x14080  }
0x154: {  	[tilespmem:s24], [sflag:$0x1] =	stream.indirect_vreg.gather [hbm4b:s4+s2], $0x80, v3, vm0, $0xb8;
	[tilespmem:$0x18080] =	vst v63  }
0x155: {  	s13 =	simm.s32 $0x14880  }
0x156: {  	[tilespmem:s13], [sflag:$0x1] =	stream.indirect_vreg.gather [hbm4b:s5+s2], $0x80, v3, vm0, $0xb8;
	[tilespmem:$0x18080] =	vst v63  }
0x157: {  	v3 =	vld [tilespmem:$0x70];
	_ =	sdelay $0x4  }
0x158: {  	v63 =	vshrl.u32 v3, $0x3  }
0x159: {  	v4 =	vmul.u32 $0x30, v63  }
0x15a: {  	v3 =	vand.u32 $0x7, v3  }
0x15b: {  	v3 =	vor.u32 v3, v4  }
0x15c: {  	v4 =	vperm.xlane v3, v0;
	_ =	sdelay $0x1  }
0x15d: {  	v4 =	vadd.s32 v1, v4;
	_ =	sdelay $0x3  }
0x15e: {  	s14 =	simm.s32 $0x15080;
	v3 =	vperm.xlane v3, v2  }
0x15f: {  	[tilespmem:s14], [sflag:$0x1] =	stream.indirect_vreg.gather [hbm4b:s3+s2], $0x80, v4, vm0, $0xb8;
	[tilespmem:$0x18080] =	vst v63  }
0x160: {  	s13 =	simm.s32 $0x15880;
	v3 =	vadd.s32 v1, v3  }
0x161: {  	[tilespmem:s13], [sflag:$0x1] =	stream.indirect_vreg.gather [hbm4b:s4+s2], $0x80, v4, vm0, $0xb8;
	[tilespmem:$0x18080] =	vst v63  }
0x162: {  	s14 =	simm.s32 $0x16080  }
0x163: {  	[tilespmem:s14], [sflag:$0x1] =	stream.indirect_vreg.gather [hbm4b:s5+s2], $0x80, v4, vm0, $0xb8;
	[tilespmem:$0x18080] =	vst v63  }
0x164: {  	s23 =	simm.s32 $0x16880  }
0x165: {  	[tilespmem:s23], [sflag:$0x1] =	stream.indirect_vreg.gather [hbm4b:s3+s2], $0x80, v3, vm0, $0xb8;
	[tilespmem:$0x18080] =	vst v63  }
0x166: {  	s24 =	simm.s32 $0x17080  }
0x167: {  	[tilespmem:s24], [sflag:$0x1] =	stream.indirect_vreg.gather [hbm4b:s4+s2], $0x80, v3, vm0, $0xb8;
	[tilespmem:$0x18080] =	vst v63  }
0x168: {  	s15 =	simm.s32 $0x17880  }
0x169: {  	[tilespmem:s15], [sflag:$0x1] =	stream.indirect_vreg.gather [hbm4b:s5+s2], $0x80, v3, vm0, $0xb8;
	[tilespmem:$0x18080] =	vst v63  }
0x16a: {  	_ =	swait.ge [sflag:s0], $0x18000  }
0x16b: {  	[sflag:s0] =	ssyncset.done $0x0  }
0x16c: {  	s1 =	rddreg [dreg:$0x6];
	[sflag:s0] =	ssyncadd.s32 $0xFFFE8000  }
0x16d: {  	[hbm4b:s1+s2] =	stream.linear.scatter [tilespmem:s8], [sflag:$0x2], $0x18000, $0x38;
	[tilespmem:$0x18080] =	vst v63  }
0x16e: {  	_ =	swait.ge [sflag:s7], $0x18000  }
0x16f: {  	[sflag:s7] =	ssyncset.done $0x0  }
0x170: {  	s1 =	rddreg [dreg:$0x7];
	[sflag:s7] =	ssyncadd.s32 $0xFFFE8000  }
0x171: {  	[tilespmem:s2], [sflag:$0x2] =	stream.linear.gather [hbm4b:s1+s2], $0x80, $0x38;
	[tilespmem:$0x18080] =	vst v63  }
0x172: {  	_ =	swait.ge [sflag:s7], $0x80  }
0x173: {  	[sflag:s7] =	ssyncset.done $0x0  }
0x174: {  	[sflag:s7] =	ssyncadd.s32 $0xFFFFFF80  }
0x175: {  	v3 =	vld [tilespmem:$0x0];
	_ =	sdelay $0x4  }
0x176: {  	v8 =	vshrl.u32 v3, $0x3  }
0x177: {  	v4 =	vmul.u32 $0x30, v8  }
0x178: {  	v3 =	vand.u32 $0x7, v3  }
0x179: {  	v3 =	vor.u32 v3, v4  }
0x17a: {  	v4 =	vperm.xlane v3, v0;
	_ =	sdelay $0x1  }
0x17b: {  	v4 =	vadd.s32 v1, v4;
	_ =	sdelay $0x3  }
0x17c: {  	v3 =	vperm.xlane v3, v2  }
0x17d: {  	[tilespmem:s8], [sflag:$0x1] =	stream.indirect_vreg.gather [hbm4b:s3+s2], $0x80, v4, vm0, $0xb8;
	[tilespmem:$0x18080] =	vst v63  }
0x17e: {  	s25 =	simm.s32 $0x880;
	v3 =	vadd.s32 v1, v3  }
0x17f: {  	[tilespmem:s25], [sflag:$0x1] =	stream.indirect_vreg.gather [hbm4b:s4+s2], $0x80, v4, vm0, $0xb8;
	[tilespmem:$0x18080] =	vst v63  }
0x180: {  	s26 =	simm.s32 $0x1080  }
0x181: {  	[tilespmem:s26], [sflag:$0x1] =	stream.indirect_vreg.gather [hbm4b:s5+s2], $0x80, v4, vm0, $0xb8;
	[tilespmem:$0x18080] =	vst v63  }
0x182: {  	s28 =	simm.s32 $0x1880  }
0x183: {  	[tilespmem:s28], [sflag:$0x1] =	stream.indirect_vreg.gather [hbm4b:s3+s2], $0x80, v3, vm0, $0xb8;
	[tilespmem:$0x18080] =	vst v63  }
0x184: {  	s29 =	simm.s32 $0x2080  }
0x185: {  	[tilespmem:s29], [sflag:$0x1] =	stream.indirect_vreg.gather [hbm4b:s4+s2], $0x80, v3, vm0, $0xb8;
	[tilespmem:$0x18080] =	vst v63  }
0x186: {  	s25 =	simm.s32 $0x2880  }
0x187: {  	[tilespmem:s25], [sflag:$0x1] =	stream.indirect_vreg.gather [hbm4b:s5+s2], $0x80, v3, vm0, $0xb8;
	[tilespmem:$0x18080] =	vst v63  }
0x188: {  	v3 =	vld [tilespmem:$0x10];
	_ =	sdelay $0x4  }
0x189: {  	v9 =	vshrl.u32 v3, $0x3  }
0x18a: {  	v4 =	vmul.u32 $0x30, v9  }
0x18b: {  	v3 =	vand.u32 $0x7, v3  }
0x18c: {  	v3 =	vor.u32 v3, v4  }
0x18d: {  	v4 =	vperm.xlane v3, v0;
	_ =	sdelay $0x1  }
0x18e: {  	v4 =	vadd.s32 v1, v4;
	_ =	sdelay $0x3  }
0x18f: {  	s25 =	simm.s32 $0x3080;
	v3 =	vperm.xlane v3, v2  }
0x190: {  	[tilespmem:s25], [sflag:$0x1] =	stream.indirect_vreg.gather [hbm4b:s3+s2], $0x80, v4, vm0, $0xb8;
	[tilespmem:$0x18080] =	vst v63  }
0x191: {  	s30 =	simm.s32 $0x3880;
	v3 =	vadd.s32 v1, v3  }
0x192: {  	[tilespmem:s30], [sflag:$0x1] =	stream.indirect_vreg.gather [hbm4b:s4+s2], $0x80, v4, vm0, $0xb8;
	[tilespmem:$0x18080] =	vst v63  }
0x193: {  	s31 =	simm.s32 $0x4080  }
0x194: {  	[tilespmem:s31], [sflag:$0x1] =	stream.indirect_vreg.gather [hbm4b:s5+s2], $0x80, v4, vm0, $0xb8;
	[tilespmem:$0x18080] =	vst v63  }
0x195: {  	s25 =	simm.s32 $0x4880  }
0x196: {  	[tilespmem:s25], [sflag:$0x1] =	stream.indirect_vreg.gather [hbm4b:s3+s2], $0x80, v3, vm0, $0xb8;
	[tilespmem:$0x18080] =	vst v63  }
0x197: {  	s1 =	simm.s32 $0x5080  }
0x198: {  	[tilespmem:s1], [sflag:$0x1] =	stream.indirect_vreg.gather [hbm4b:s4+s2], $0x80, v3, vm0, $0xb8;
	[tilespmem:$0x18080] =	vst v63  }
0x199: {  	s1 =	simm.s32 $0x5880  }
0x19a: {  	[tilespmem:s1], [sflag:$0x1] =	stream.indirect_vreg.gather [hbm4b:s5+s2], $0x80, v3, vm0, $0xb8;
	[tilespmem:$0x18080] =	vst v63  }
0x19b: {  	v3 =	vld [tilespmem:$0x20];
	_ =	sdelay $0x4  }
0x19c: {  	v10 =	vshrl.u32 v3, $0x3  }
0x19d: {  	v4 =	vmul.u32 $0x30, v10  }
0x19e: {  	v3 =	vand.u32 $0x7, v3  }
0x19f: {  	v3 =	vor.u32 v3, v4  }
0x1a0: {  	v4 =	vperm.xlane v3, v0;
	_ =	sdelay $0x1  }
0x1a1: {  	v4 =	vadd.s32 v1, v4;
	_ =	sdelay $0x3  }
0x1a2: {  	s1 =	simm.s32 $0x6080;
	v3 =	vperm.xlane v3, v2  }
0x1a3: {  	[tilespmem:s1], [sflag:$0x1] =	stream.indirect_vreg.gather [hbm4b:s3+s2], $0x80, v4, vm0, $0xb8;
	[tilespmem:$0x18080] =	vst v63  }
0x1a4: {  	v3 =	vadd.s32 v1, v3;
	s1 =	simm.s32 $0x6880  }
0x1a5: {  	[tilespmem:s1], [sflag:$0x1] =	stream.indirect_vreg.gather [hbm4b:s4+s2], $0x80, v4, vm0, $0xb8;
	[tilespmem:$0x18080] =	vst v63  }
0x1a6: {  	s1 =	simm.s32 $0x7080  }
0x1a7: {  	[tilespmem:s1], [sflag:$0x1] =	stream.indirect_vreg.gather [hbm4b:s5+s2], $0x80, v4, vm0, $0xb8;
	[tilespmem:$0x18080] =	vst v63  }
0x1a8: {  	s1 =	simm.s32 $0x7880  }
0x1a9: {  	[tilespmem:s1], [sflag:$0x1] =	stream.indirect_vreg.gather [hbm4b:s3+s2], $0x80, v3, vm0, $0xb8;
	[tilespmem:$0x18080] =	vst v63  }
0x1aa: {  	s1 =	simm.s32 $0x8080  }
0x1ab: {  	[tilespmem:s1], [sflag:$0x1] =	stream.indirect_vreg.gather [hbm4b:s4+s2], $0x80, v3, vm0, $0xb8;
	[tilespmem:$0x18080] =	vst v63  }
0x1ac: {  	s1 =	simm.s32 $0x8880  }
0x1ad: {  	[tilespmem:s1], [sflag:$0x1] =	stream.indirect_vreg.gather [hbm4b:s5+s2], $0x80, v3, vm0, $0xb8;
	[tilespmem:$0x18080] =	vst v63  }
0x1ae: {  	v3 =	vld [tilespmem:$0x30];
	_ =	sdelay $0x4  }
0x1af: {  	v11 =	vshrl.u32 v3, $0x3  }
0x1b0: {  	v4 =	vmul.u32 $0x30, v11  }
0x1b1: {  	v3 =	vand.u32 $0x7, v3  }
0x1b2: {  	v3 =	vor.u32 v3, v4  }
0x1b3: {  	v4 =	vperm.xlane v3, v0;
	_ =	sdelay $0x1  }
0x1b4: {  	v4 =	vadd.s32 v1, v4;
	_ =	sdelay $0x3  }
0x1b5: {  	s1 =	simm.s32 $0x9080;
	v3 =	vperm.xlane v3, v2  }
0x1b6: {  	[tilespmem:s1], [sflag:$0x1] =	stream.indirect_vreg.gather [hbm4b:s3+s2], $0x80, v4, vm0, $0xb8;
	[tilespmem:$0x18080] =	vst v63  }
0x1b7: {  	v3 =	vadd.s32 v1, v3;
	s1 =	simm.s32 $0x9880  }
0x1b8: {  	[tilespmem:s1], [sflag:$0x1] =	stream.indirect_vreg.gather [hbm4b:s4+s2], $0x80, v4, vm0, $0xb8;
	[tilespmem:$0x18080] =	vst v63  }
0x1b9: {  	s1 =	simm.s32 $0xA080  }
0x1ba: {  	[tilespmem:s1], [sflag:$0x1] =	stream.indirect_vreg.gather [hbm4b:s5+s2], $0x80, v4, vm0, $0xb8;
	[tilespmem:$0x18080] =	vst v63  }
0x1bb: {  	s1 =	simm.s32 $0xA880  }
0x1bc: {  	[tilespmem:s1], [sflag:$0x1] =	stream.indirect_vreg.gather [hbm4b:s3+s2], $0x80, v3, vm0, $0xb8;
	[tilespmem:$0x18080] =	vst v63  }
0x1bd: {  	s1 =	simm.s32 $0xB080  }
0x1be: {  	[tilespmem:s1], [sflag:$0x1] =	stream.indirect_vreg.gather [hbm4b:s4+s2], $0x80, v3, vm0, $0xb8;
	[tilespmem:$0x18080] =	vst v63  }
0x1bf: {  	s1 =	simm.s32 $0xB880  }
0x1c0: {  	[tilespmem:s1], [sflag:$0x1] =	stream.indirect_vreg.gather [hbm4b:s5+s2], $0x80, v3, vm0, $0xb8;
	[tilespmem:$0x18080] =	vst v63  }
0x1c1: {  	v3 =	vld [tilespmem:$0x40];
	_ =	sdelay $0x4  }
0x1c2: {  	v12 =	vshrl.u32 v3, $0x3  }
0x1c3: {  	v4 =	vmul.u32 $0x30, v12  }
0x1c4: {  	v3 =	vand.u32 $0x7, v3  }
0x1c5: {  	v3 =	vor.u32 v3, v4  }
0x1c6: {  	v4 =	vperm.xlane v3, v0;
	_ =	sdelay $0x1  }
0x1c7: {  	v4 =	vadd.s32 v1, v4;
	_ =	sdelay $0x3  }
0x1c8: {  	s1 =	simm.s32 $0xC080;
	v3 =	vperm.xlane v3, v2  }
0x1c9: {  	[tilespmem:s1], [sflag:$0x1] =	stream.indirect_vreg.gather [hbm4b:s3+s2], $0x80, v4, vm0, $0xb8;
	[tilespmem:$0x18080] =	vst v63  }
0x1ca: {  	s6 =	simm.s32 $0xC880;
	v3 =	vadd.s32 v1, v3  }
0x1cb: {  	[tilespmem:s6], [sflag:$0x1] =	stream.indirect_vreg.gather [hbm4b:s4+s2], $0x80, v4, vm0, $0xb8;
	[tilespmem:$0x18080] =	vst v63  }
0x1cc: {  	s16 =	simm.s32 $0xD080  }
0x1cd: {  	[tilespmem:s16], [sflag:$0x1] =	stream.indirect_vreg.gather [hbm4b:s5+s2], $0x80, v4, vm0, $0xb8;
	[tilespmem:$0x18080] =	vst v63  }
0x1ce: {  	s17 =	simm.s32 $0xD880  }
0x1cf: {  	[tilespmem:s17], [sflag:$0x1] =	stream.indirect_vreg.gather [hbm4b:s3+s2], $0x80, v3, vm0, $0xb8;
	[tilespmem:$0x18080] =	vst v63  }
0x1d0: {  	s18 =	simm.s32 $0xE080  }
0x1d1: {  	[tilespmem:s18], [sflag:$0x1] =	stream.indirect_vreg.gather [hbm4b:s4+s2], $0x80, v3, vm0, $0xb8;
	[tilespmem:$0x18080] =	vst v63  }
0x1d2: {  	s1 =	simm.s32 $0xE880  }
0x1d3: {  	[tilespmem:s1], [sflag:$0x1] =	stream.indirect_vreg.gather [hbm4b:s5+s2], $0x80, v3, vm0, $0xb8;
	[tilespmem:$0x18080] =	vst v63  }
0x1d4: {  	v3 =	vld [tilespmem:$0x50];
	_ =	sdelay $0x4  }
0x1d5: {  	v13 =	vshrl.u32 v3, $0x3  }
0x1d6: {  	v4 =	vmul.u32 $0x30, v13  }
0x1d7: {  	v3 =	vand.u32 $0x7, v3  }
0x1d8: {  	v3 =	vor.u32 v3, v4  }
0x1d9: {  	v4 =	vperm.xlane v3, v0;
	_ =	sdelay $0x1  }
0x1da: {  	v4 =	vadd.s32 v1, v4;
	_ =	sdelay $0x3  }
0x1db: {  	s1 =	simm.s32 $0xF080;
	v3 =	vperm.xlane v3, v2  }
0x1dc: {  	[tilespmem:s1], [sflag:$0x1] =	stream.indirect_vreg.gather [hbm4b:s3+s2], $0x80, v4, vm0, $0xb8;
	[tilespmem:$0x18080] =	vst v63  }
0x1dd: {  	s9 =	simm.s32 $0xF880;
	v3 =	vadd.s32 v1, v3  }
0x1de: {  	[tilespmem:s9], [sflag:$0x1] =	stream.indirect_vreg.gather [hbm4b:s4+s2], $0x80, v4, vm0, $0xb8;
	[tilespmem:$0x18080] =	vst v63  }
0x1df: {  	s10 =	simm.s32 $0x10080  }
0x1e0: {  	[tilespmem:s10], [sflag:$0x1] =	stream.indirect_vreg.gather [hbm4b:s5+s2], $0x80, v4, vm0, $0xb8;
	[tilespmem:$0x18080] =	vst v63  }
0x1e1: {  	s19 =	simm.s32 $0x10880  }
0x1e2: {  	[tilespmem:s19], [sflag:$0x1] =	stream.indirect_vreg.gather [hbm4b:s3+s2], $0x80, v3, vm0, $0xb8;
	[tilespmem:$0x18080] =	vst v63  }
0x1e3: {  	s20 =	simm.s32 $0x11080  }
0x1e4: {  	[tilespmem:s20], [sflag:$0x1] =	stream.indirect_vreg.gather [hbm4b:s4+s2], $0x80, v3, vm0, $0xb8;
	[tilespmem:$0x18080] =	vst v63  }
0x1e5: {  	s1 =	simm.s32 $0x11880  }
0x1e6: {  	[tilespmem:s1], [sflag:$0x1] =	stream.indirect_vreg.gather [hbm4b:s5+s2], $0x80, v3, vm0, $0xb8;
	[tilespmem:$0x18080] =	vst v63  }
0x1e7: {  	v3 =	vld [tilespmem:$0x60];
	_ =	sdelay $0x4  }
0x1e8: {  	v14 =	vshrl.u32 v3, $0x3  }
0x1e9: {  	v4 =	vmul.u32 $0x30, v14  }
0x1ea: {  	v3 =	vand.u32 $0x7, v3  }
0x1eb: {  	v3 =	vor.u32 v3, v4  }
0x1ec: {  	v4 =	vperm.xlane v3, v0;
	_ =	sdelay $0x1  }
0x1ed: {  	v4 =	vadd.s32 v1, v4;
	_ =	sdelay $0x3  }
0x1ee: {  	s1 =	simm.s32 $0x12080;
	v3 =	vperm.xlane v3, v2  }
0x1ef: {  	[tilespmem:s1], [sflag:$0x1] =	stream.indirect_vreg.gather [hbm4b:s3+s2], $0x80, v4, vm0, $0xb8;
	[tilespmem:$0x18080] =	vst v63  }
0x1f0: {  	s11 =	simm.s32 $0x12880;
	v3 =	vadd.s32 v1, v3  }
0x1f1: {  	[tilespmem:s11], [sflag:$0x1] =	stream.indirect_vreg.gather [hbm4b:s4+s2], $0x80, v4, vm0, $0xb8;
	[tilespmem:$0x18080] =	vst v63  }
0x1f2: {  	s12 =	simm.s32 $0x13080  }
0x1f3: {  	[tilespmem:s12], [sflag:$0x1] =	stream.indirect_vreg.gather [hbm4b:s5+s2], $0x80, v4, vm0, $0xb8;
	[tilespmem:$0x18080] =	vst v63  }
0x1f4: {  	s21 =	simm.s32 $0x13880  }
0x1f5: {  	[tilespmem:s21], [sflag:$0x1] =	stream.indirect_vreg.gather [hbm4b:s3+s2], $0x80, v3, vm0, $0xb8;
	[tilespmem:$0x18080] =	vst v63  }
0x1f6: {  	s22 =	simm.s32 $0x14080  }
0x1f7: {  	[tilespmem:s22], [sflag:$0x1] =	stream.indirect_vreg.gather [hbm4b:s4+s2], $0x80, v3, vm0, $0xb8;
	[tilespmem:$0x18080] =	vst v63  }
0x1f8: {  	s1 =	simm.s32 $0x14880  }
0x1f9: {  	[tilespmem:s1], [sflag:$0x1] =	stream.indirect_vreg.gather [hbm4b:s5+s2], $0x80, v3, vm0, $0xb8;
	[tilespmem:$0x18080] =	vst v63  }
0x1fa: {  	v3 =	vld [tilespmem:$0x70];
	_ =	sdelay $0x4  }
0x1fb: {  	v15 =	vshrl.u32 v3, $0x3  }
0x1fc: {  	v4 =	vmul.u32 $0x30, v15  }
0x1fd: {  	v3 =	vand.u32 $0x7, v3  }
0x1fe: {  	v3 =	vor.u32 v3, v4  }
0x1ff: {  	v4 =	vperm.xlane v3, v0;
	_ =	sdelay $0x1  }
0x200: {  	v4 =	vadd.s32 v1, v4;
	_ =	sdelay $0x3  }
0x201: {  	s1 =	simm.s32 $0x15080;
	v3 =	vperm.xlane v3, v2  }
0x202: {  	[tilespmem:s1], [sflag:$0x1] =	stream.indirect_vreg.gather [hbm4b:s3+s2], $0x80, v4, vm0, $0xb8;
	[tilespmem:$0x18080] =	vst v63  }
0x203: {  	s13 =	simm.s32 $0x15880;
	v3 =	vadd.s32 v1, v3  }
0x204: {  	[tilespmem:s13], [sflag:$0x1] =	stream.indirect_vreg.gather [hbm4b:s4+s2], $0x80, v4, vm0, $0xb8;
	[tilespmem:$0x18080] =	vst v63  }
0x205: {  	s14 =	simm.s32 $0x16080  }
0x206: {  	[tilespmem:s14], [sflag:$0x1] =	stream.indirect_vreg.gather [hbm4b:s5+s2], $0x80, v4, vm0, $0xb8;
	[tilespmem:$0x18080] =	vst v63  }
0x207: {  	s23 =	simm.s32 $0x16880  }
0x208: {  	[tilespmem:s23], [sflag:$0x1] =	stream.indirect_vreg.gather [hbm4b:s3+s2], $0x80, v3, vm0, $0xb8;
	[tilespmem:$0x18080] =	vst v63  }
0x209: {  	s24 =	simm.s32 $0x17080  }
0x20a: {  	[tilespmem:s24], [sflag:$0x1] =	stream.indirect_vreg.gather [hbm4b:s4+s2], $0x80, v3, vm0, $0xb8;
	[tilespmem:$0x18080] =	vst v63  }
0x20b: {  	s15 =	simm.s32 $0x17880  }
0x20c: {  	[tilespmem:s15], [sflag:$0x1] =	stream.indirect_vreg.gather [hbm4b:s5+s2], $0x80, v3, vm0, $0xb8;
	[tilespmem:$0x18080] =	vst v63  }
0x20d: {  	_ =	swait.ge [sflag:s0], $0x18000  }
0x20e: {  	[sflag:s0] =	ssyncset.done $0x0  }
0x20f: {  	s1 =	rddreg [dreg:$0x8];
	[sflag:s0] =	ssyncadd.s32 $0xFFFE8000  }
0x210: {  	[hbm4b:s1+s2] =	stream.linear.scatter [tilespmem:s8], [sflag:$0x2], $0x18000, $0x38;
	[tilespmem:$0x18080] =	vst v63  }
0x211: {  	_ =	swait.ge [sflag:s7], $0x18000  }
0x212: {  	[sflag:s7] =	ssyncset.done $0x0  }
0x213: {  	s1 =	rddreg [dreg:$0x9];
	[sflag:s7] =	ssyncadd.s32 $0xFFFE8000  }
0x214: {  	[tilespmem:s2], [sflag:$0x2] =	stream.linear.gather [hbm4b:s1+s2], $0x80, $0x38;
	[tilespmem:$0x18080] =	vst v63  }
0x215: {  	_ =	swait.ge [sflag:s7], $0x80  }
0x216: {  	[sflag:s7] =	ssyncset.done $0x0  }
0x217: {  	[sflag:s7] =	ssyncadd.s32 $0xFFFFFF80  }
0x218: {  	v3 =	vld [tilespmem:$0x0];
	_ =	sdelay $0x4  }
0x219: {  	v16 =	vshrl.u32 v3, $0x3  }
0x21a: {  	v4 =	vmul.u32 $0x30, v16  }
0x21b: {  	v3 =	vand.u32 $0x7, v3  }
0x21c: {  	v3 =	vor.u32 v3, v4  }
0x21d: {  	v4 =	vperm.xlane v3, v0;
	_ =	sdelay $0x1  }
0x21e: {  	v4 =	vadd.s32 v1, v4;
	_ =	sdelay $0x3  }
0x21f: {  	v3 =	vperm.xlane v3, v2  }
0x220: {  	[tilespmem:s8], [sflag:$0x1] =	stream.indirect_vreg.gather [hbm4b:s3+s2], $0x80, v4, vm0, $0xb8;
	[tilespmem:$0x18080] =	vst v63  }
0x221: {  	s1 =	simm.s32 $0x880;
	v3 =	vadd.s32 v1, v3  }
0x222: {  	[tilespmem:s1], [sflag:$0x1] =	stream.indirect_vreg.gather [hbm4b:s4+s2], $0x80, v4, vm0, $0xb8;
	[tilespmem:$0x18080] =	vst v63  }
0x223: {  	s26 =	simm.s32 $0x1080  }
0x224: {  	[tilespmem:s26], [sflag:$0x1] =	stream.indirect_vreg.gather [hbm4b:s5+s2], $0x80, v4, vm0, $0xb8;
	[tilespmem:$0x18080] =	vst v63  }
0x225: {  	s28 =	simm.s32 $0x1880  }
0x226: {  	[tilespmem:s28], [sflag:$0x1] =	stream.indirect_vreg.gather [hbm4b:s3+s2], $0x80, v3, vm0, $0xb8;
	[tilespmem:$0x18080] =	vst v63  }
0x227: {  	s29 =	simm.s32 $0x2080  }
0x228: {  	[tilespmem:s29], [sflag:$0x1] =	stream.indirect_vreg.gather [hbm4b:s4+s2], $0x80, v3, vm0, $0xb8;
	[tilespmem:$0x18080] =	vst v63  }
0x229: {  	s26 =	simm.s32 $0x2880  }
0x22a: {  	[tilespmem:s26], [sflag:$0x1] =	stream.indirect_vreg.gather [hbm4b:s5+s2], $0x80, v3, vm0, $0xb8;
	[tilespmem:$0x18080] =	vst v63  }
0x22b: {  	v3 =	vld [tilespmem:$0x10];
	_ =	sdelay $0x4  }
0x22c: {  	v17 =	vshrl.u32 v3, $0x3  }
0x22d: {  	v4 =	vmul.u32 $0x30, v17  }
0x22e: {  	v3 =	vand.u32 $0x7, v3  }
0x22f: {  	v3 =	vor.u32 v3, v4  }
0x230: {  	v4 =	vperm.xlane v3, v0;
	_ =	sdelay $0x1  }
0x231: {  	v4 =	vadd.s32 v1, v4;
	_ =	sdelay $0x3  }
0x232: {  	s26 =	simm.s32 $0x3080;
	v3 =	vperm.xlane v3, v2  }
0x233: {  	[tilespmem:s26], [sflag:$0x1] =	stream.indirect_vreg.gather [hbm4b:s3+s2], $0x80, v4, vm0, $0xb8;
	[tilespmem:$0x18080] =	vst v63  }
0x234: {  	s30 =	simm.s32 $0x3880;
	v3 =	vadd.s32 v1, v3  }
0x235: {  	[tilespmem:s30], [sflag:$0x1] =	stream.indirect_vreg.gather [hbm4b:s4+s2], $0x80, v4, vm0, $0xb8;
	[tilespmem:$0x18080] =	vst v63  }
0x236: {  	s31 =	simm.s32 $0x4080  }
0x237: {  	[tilespmem:s31], [sflag:$0x1] =	stream.indirect_vreg.gather [hbm4b:s5+s2], $0x80, v4, vm0, $0xb8;
	[tilespmem:$0x18080] =	vst v63  }
0x238: {  	s25 =	simm.s32 $0x4880  }
0x239: {  	[tilespmem:s25], [sflag:$0x1] =	stream.indirect_vreg.gather [hbm4b:s3+s2], $0x80, v3, vm0, $0xb8;
	[tilespmem:$0x18080] =	vst v63  }
0x23a: {  	s25 =	simm.s32 $0x5080  }
0x23b: {  	[tilespmem:s25], [sflag:$0x1] =	stream.indirect_vreg.gather [hbm4b:s4+s2], $0x80, v3, vm0, $0xb8;
	[tilespmem:$0x18080] =	vst v63  }
0x23c: {  	s1 =	simm.s32 $0x5880  }
0x23d: {  	[tilespmem:s1], [sflag:$0x1] =	stream.indirect_vreg.gather [hbm4b:s5+s2], $0x80, v3, vm0, $0xb8;
	[tilespmem:$0x18080] =	vst v63  }
0x23e: {  	v3 =	vld [tilespmem:$0x20];
	_ =	sdelay $0x4  }
0x23f: {  	v18 =	vshrl.u32 v3, $0x3  }
0x240: {  	v4 =	vmul.u32 $0x30, v18  }
0x241: {  	v3 =	vand.u32 $0x7, v3  }
0x242: {  	v3 =	vor.u32 v3, v4  }
0x243: {  	v4 =	vperm.xlane v3, v0;
	_ =	sdelay $0x1  }
0x244: {  	v4 =	vadd.s32 v1, v4;
	_ =	sdelay $0x3  }
0x245: {  	s1 =	simm.s32 $0x6080;
	v3 =	vperm.xlane v3, v2  }
0x246: {  	[tilespmem:s1], [sflag:$0x1] =	stream.indirect_vreg.gather [hbm4b:s3+s2], $0x80, v4, vm0, $0xb8;
	[tilespmem:$0x18080] =	vst v63  }
0x247: {  	v3 =	vadd.s32 v1, v3;
	s1 =	simm.s32 $0x6880  }
0x248: {  	[tilespmem:s1], [sflag:$0x1] =	stream.indirect_vreg.gather [hbm4b:s4+s2], $0x80, v4, vm0, $0xb8;
	[tilespmem:$0x18080] =	vst v63  }
0x249: {  	s1 =	simm.s32 $0x7080  }
0x24a: {  	[tilespmem:s1], [sflag:$0x1] =	stream.indirect_vreg.gather [hbm4b:s5+s2], $0x80, v4, vm0, $0xb8;
	[tilespmem:$0x18080] =	vst v63  }
0x24b: {  	s1 =	simm.s32 $0x7880  }
0x24c: {  	[tilespmem:s1], [sflag:$0x1] =	stream.indirect_vreg.gather [hbm4b:s3+s2], $0x80, v3, vm0, $0xb8;
	[tilespmem:$0x18080] =	vst v63  }
0x24d: {  	s1 =	simm.s32 $0x8080  }
0x24e: {  	[tilespmem:s1], [sflag:$0x1] =	stream.indirect_vreg.gather [hbm4b:s4+s2], $0x80, v3, vm0, $0xb8;
	[tilespmem:$0x18080] =	vst v63  }
0x24f: {  	s1 =	simm.s32 $0x8880  }
0x250: {  	[tilespmem:s1], [sflag:$0x1] =	stream.indirect_vreg.gather [hbm4b:s5+s2], $0x80, v3, vm0, $0xb8;
	[tilespmem:$0x18080] =	vst v63  }
0x251: {  	v3 =	vld [tilespmem:$0x30];
	_ =	sdelay $0x4  }
0x252: {  	v19 =	vshrl.u32 v3, $0x3  }
0x253: {  	v4 =	vmul.u32 $0x30, v19  }
0x254: {  	v3 =	vand.u32 $0x7, v3  }
0x255: {  	v3 =	vor.u32 v3, v4  }
0x256: {  	v4 =	vperm.xlane v3, v0;
	_ =	sdelay $0x1  }
0x257: {  	v4 =	vadd.s32 v1, v4;
	_ =	sdelay $0x3  }
0x258: {  	s1 =	simm.s32 $0x9080;
	v3 =	vperm.xlane v3, v2  }
0x259: {  	[tilespmem:s1], [sflag:$0x1] =	stream.indirect_vreg.gather [hbm4b:s3+s2], $0x80, v4, vm0, $0xb8;
	[tilespmem:$0x18080] =	vst v63  }
0x25a: {  	v3 =	vadd.s32 v1, v3;
	s1 =	simm.s32 $0x9880  }
0x25b: {  	[tilespmem:s1], [sflag:$0x1] =	stream.indirect_vreg.gather [hbm4b:s4+s2], $0x80, v4, vm0, $0xb8;
	[tilespmem:$0x18080] =	vst v63  }
0x25c: {  	s1 =	simm.s32 $0xA080  }
0x25d: {  	[tilespmem:s1], [sflag:$0x1] =	stream.indirect_vreg.gather [hbm4b:s5+s2], $0x80, v4, vm0, $0xb8;
	[tilespmem:$0x18080] =	vst v63  }
0x25e: {  	s1 =	simm.s32 $0xA880  }
0x25f: {  	[tilespmem:s1], [sflag:$0x1] =	stream.indirect_vreg.gather [hbm4b:s3+s2], $0x80, v3, vm0, $0xb8;
	[tilespmem:$0x18080] =	vst v63  }
0x260: {  	s1 =	simm.s32 $0xB080  }
0x261: {  	[tilespmem:s1], [sflag:$0x1] =	stream.indirect_vreg.gather [hbm4b:s4+s2], $0x80, v3, vm0, $0xb8;
	[tilespmem:$0x18080] =	vst v63  }
0x262: {  	s1 =	simm.s32 $0xB880  }
0x263: {  	[tilespmem:s1], [sflag:$0x1] =	stream.indirect_vreg.gather [hbm4b:s5+s2], $0x80, v3, vm0, $0xb8;
	[tilespmem:$0x18080] =	vst v63  }
0x264: {  	v3 =	vld [tilespmem:$0x40];
	_ =	sdelay $0x4  }
0x265: {  	v20 =	vshrl.u32 v3, $0x3  }
0x266: {  	v4 =	vmul.u32 $0x30, v20  }
0x267: {  	v3 =	vand.u32 $0x7, v3  }
0x268: {  	v3 =	vor.u32 v3, v4  }
0x269: {  	v4 =	vperm.xlane v3, v0;
	_ =	sdelay $0x1  }
0x26a: {  	v4 =	vadd.s32 v1, v4;
	_ =	sdelay $0x3  }
0x26b: {  	s1 =	simm.s32 $0xC080;
	v3 =	vperm.xlane v3, v2  }
0x26c: {  	[tilespmem:s1], [sflag:$0x1] =	stream.indirect_vreg.gather [hbm4b:s3+s2], $0x80, v4, vm0, $0xb8;
	[tilespmem:$0x18080] =	vst v63  }
0x26d: {  	s6 =	simm.s32 $0xC880;
	v3 =	vadd.s32 v1, v3  }
0x26e: {  	[tilespmem:s6], [sflag:$0x1] =	stream.indirect_vreg.gather [hbm4b:s4+s2], $0x80, v4, vm0, $0xb8;
	[tilespmem:$0x18080] =	vst v63  }
0x26f: {  	s16 =	simm.s32 $0xD080  }
0x270: {  	[tilespmem:s16], [sflag:$0x1] =	stream.indirect_vreg.gather [hbm4b:s5+s2], $0x80, v4, vm0, $0xb8;
	[tilespmem:$0x18080] =	vst v63  }
0x271: {  	s17 =	simm.s32 $0xD880  }
0x272: {  	[tilespmem:s17], [sflag:$0x1] =	stream.indirect_vreg.gather [hbm4b:s3+s2], $0x80, v3, vm0, $0xb8;
	[tilespmem:$0x18080] =	vst v63  }
0x273: {  	s18 =	simm.s32 $0xE080  }
0x274: {  	[tilespmem:s18], [sflag:$0x1] =	stream.indirect_vreg.gather [hbm4b:s4+s2], $0x80, v3, vm0, $0xb8;
	[tilespmem:$0x18080] =	vst v63  }
0x275: {  	s1 =	simm.s32 $0xE880  }
0x276: {  	[tilespmem:s1], [sflag:$0x1] =	stream.indirect_vreg.gather [hbm4b:s5+s2], $0x80, v3, vm0, $0xb8;
	[tilespmem:$0x18080] =	vst v63  }
0x277: {  	v3 =	vld [tilespmem:$0x50];
	_ =	sdelay $0x4  }
0x278: {  	v21 =	vshrl.u32 v3, $0x3  }
0x279: {  	v4 =	vmul.u32 $0x30, v21  }
0x27a: {  	v3 =	vand.u32 $0x7, v3  }
0x27b: {  	v3 =	vor.u32 v3, v4  }
0x27c: {  	v4 =	vperm.xlane v3, v0;
	_ =	sdelay $0x1  }
0x27d: {  	v4 =	vadd.s32 v1, v4;
	_ =	sdelay $0x3  }
0x27e: {  	s1 =	simm.s32 $0xF080;
	v3 =	vperm.xlane v3, v2  }
0x27f: {  	[tilespmem:s1], [sflag:$0x1] =	stream.indirect_vreg.gather [hbm4b:s3+s2], $0x80, v4, vm0, $0xb8;
	[tilespmem:$0x18080] =	vst v63  }
0x280: {  	s9 =	simm.s32 $0xF880;
	v3 =	vadd.s32 v1, v3  }
0x281: {  	[tilespmem:s9], [sflag:$0x1] =	stream.indirect_vreg.gather [hbm4b:s4+s2], $0x80, v4, vm0, $0xb8;
	[tilespmem:$0x18080] =	vst v63  }
0x282: {  	s10 =	simm.s32 $0x10080  }
0x283: {  	[tilespmem:s10], [sflag:$0x1] =	stream.indirect_vreg.gather [hbm4b:s5+s2], $0x80, v4, vm0, $0xb8;
	[tilespmem:$0x18080] =	vst v63  }
0x284: {  	s19 =	simm.s32 $0x10880  }
0x285: {  	[tilespmem:s19], [sflag:$0x1] =	stream.indirect_vreg.gather [hbm4b:s3+s2], $0x80, v3, vm0, $0xb8;
	[tilespmem:$0x18080] =	vst v63  }
0x286: {  	s20 =	simm.s32 $0x11080  }
0x287: {  	[tilespmem:s20], [sflag:$0x1] =	stream.indirect_vreg.gather [hbm4b:s4+s2], $0x80, v3, vm0, $0xb8;
	[tilespmem:$0x18080] =	vst v63  }
0x288: {  	s1 =	simm.s32 $0x11880  }
0x289: {  	[tilespmem:s1], [sflag:$0x1] =	stream.indirect_vreg.gather [hbm4b:s5+s2], $0x80, v3, vm0, $0xb8;
	[tilespmem:$0x18080] =	vst v63  }
0x28a: {  	v3 =	vld [tilespmem:$0x60];
	_ =	sdelay $0x4  }
0x28b: {  	v22 =	vshrl.u32 v3, $0x3  }
0x28c: {  	v4 =	vmul.u32 $0x30, v22  }
0x28d: {  	v3 =	vand.u32 $0x7, v3  }
0x28e: {  	v3 =	vor.u32 v3, v4  }
0x28f: {  	v4 =	vperm.xlane v3, v0;
	_ =	sdelay $0x1  }
0x290: {  	v4 =	vadd.s32 v1, v4;
	_ =	sdelay $0x3  }
0x291: {  	s1 =	simm.s32 $0x12080;
	v3 =	vperm.xlane v3, v2  }
0x292: {  	[tilespmem:s1], [sflag:$0x1] =	stream.indirect_vreg.gather [hbm4b:s3+s2], $0x80, v4, vm0, $0xb8;
	[tilespmem:$0x18080] =	vst v63  }
0x293: {  	s11 =	simm.s32 $0x12880;
	v3 =	vadd.s32 v1, v3  }
0x294: {  	[tilespmem:s11], [sflag:$0x1] =	stream.indirect_vreg.gather [hbm4b:s4+s2], $0x80, v4, vm0, $0xb8;
	[tilespmem:$0x18080] =	vst v63  }
0x295: {  	s12 =	simm.s32 $0x13080  }
0x296: {  	[tilespmem:s12], [sflag:$0x1] =	stream.indirect_vreg.gather [hbm4b:s5+s2], $0x80, v4, vm0, $0xb8;
	[tilespmem:$0x18080] =	vst v63  }
0x297: {  	s21 =	simm.s32 $0x13880  }
0x298: {  	[tilespmem:s21], [sflag:$0x1] =	stream.indirect_vreg.gather [hbm4b:s3+s2], $0x80, v3, vm0, $0xb8;
	[tilespmem:$0x18080] =	vst v63  }
0x299: {  	s22 =	simm.s32 $0x14080  }
0x29a: {  	[tilespmem:s22], [sflag:$0x1] =	stream.indirect_vreg.gather [hbm4b:s4+s2], $0x80, v3, vm0, $0xb8;
	[tilespmem:$0x18080] =	vst v63  }
0x29b: {  	s1 =	simm.s32 $0x14880  }
0x29c: {  	[tilespmem:s1], [sflag:$0x1] =	stream.indirect_vreg.gather [hbm4b:s5+s2], $0x80, v3, vm0, $0xb8;
	[tilespmem:$0x18080] =	vst v63  }
0x29d: {  	v3 =	vld [tilespmem:$0x70];
	_ =	sdelay $0x4  }
0x29e: {  	v23 =	vshrl.u32 v3, $0x3  }
0x29f: {  	v4 =	vmul.u32 $0x30, v23  }
0x2a0: {  	v3 =	vand.u32 $0x7, v3  }
0x2a1: {  	v3 =	vor.u32 v3, v4  }
0x2a2: {  	v4 =	vperm.xlane v3, v0;
	_ =	sdelay $0x1  }
0x2a3: {  	v4 =	vadd.s32 v1, v4;
	_ =	sdelay $0x3  }
0x2a4: {  	s1 =	simm.s32 $0x15080;
	v3 =	vperm.xlane v3, v2  }
0x2a5: {  	[tilespmem:s1], [sflag:$0x1] =	stream.indirect_vreg.gather [hbm4b:s3+s2], $0x80, v4, vm0, $0xb8;
	[tilespmem:$0x18080] =	vst v63  }
0x2a6: {  	s13 =	simm.s32 $0x15880;
	v3 =	vadd.s32 v1, v3  }
0x2a7: {  	[tilespmem:s13], [sflag:$0x1] =	stream.indirect_vreg.gather [hbm4b:s4+s2], $0x80, v4, vm0, $0xb8;
	[tilespmem:$0x18080] =	vst v63  }
0x2a8: {  	s14 =	simm.s32 $0x16080  }
0x2a9: {  	[tilespmem:s14], [sflag:$0x1] =	stream.indirect_vreg.gather [hbm4b:s5+s2], $0x80, v4, vm0, $0xb8;
	[tilespmem:$0x18080] =	vst v63  }
0x2aa: {  	s23 =	simm.s32 $0x16880  }
0x2ab: {  	[tilespmem:s23], [sflag:$0x1] =	stream.indirect_vreg.gather [hbm4b:s3+s2], $0x80, v3, vm0, $0xb8;
	[tilespmem:$0x18080] =	vst v63  }
0x2ac: {  	s24 =	simm.s32 $0x17080  }
0x2ad: {  	[tilespmem:s24], [sflag:$0x1] =	stream.indirect_vreg.gather [hbm4b:s4+s2], $0x80, v3, vm0, $0xb8;
	[tilespmem:$0x18080] =	vst v63  }
0x2ae: {  	s15 =	simm.s32 $0x17880  }
0x2af: {  	[tilespmem:s15], [sflag:$0x1] =	stream.indirect_vreg.gather [hbm4b:s5+s2], $0x80, v3, vm0, $0xb8;
	[tilespmem:$0x18080] =	vst v63  }
0x2b0: {  	_ =	swait.ge [sflag:s0], $0x18000  }
0x2b1: {  	[sflag:s0] =	ssyncset.done $0x0  }
0x2b2: {  	s1 =	rddreg [dreg:$0xa];
	[sflag:s0] =	ssyncadd.s32 $0xFFFE8000  }
0x2b3: {  	[hbm4b:s1+s2] =	stream.linear.scatter [tilespmem:s8], [sflag:$0x2], $0x18000, $0x38;
	[tilespmem:$0x18080] =	vst v63  }
0x2b4: {  	_ =	swait.ge [sflag:s7], $0x18000  }
0x2b5: {  	[sflag:s7] =	ssyncset.done $0x0  }
0x2b6: {  	s1 =	rddreg [dreg:$0xb];
	[sflag:s7] =	ssyncadd.s32 $0xFFFE8000  }
0x2b7: {  	[tilespmem:s2], [sflag:$0x2] =	stream.linear.gather [hbm4b:s1+s2], $0x80, $0x38;
	[tilespmem:$0x18080] =	vst v63  }
0x2b8: {  	_ =	swait.ge [sflag:s7], $0x80  }
0x2b9: {  	[sflag:s7] =	ssyncset.done $0x0  }
0x2ba: {  	[sflag:s7] =	ssyncadd.s32 $0xFFFFFF80  }
0x2bb: {  	v3 =	vld [tilespmem:$0x0];
	_ =	sdelay $0x4  }
0x2bc: {  	v24 =	vshrl.u32 v3, $0x3  }
0x2bd: {  	v4 =	vmul.u32 $0x30, v24  }
0x2be: {  	v3 =	vand.u32 $0x7, v3  }
0x2bf: {  	v3 =	vor.u32 v3, v4  }
0x2c0: {  	v4 =	vperm.xlane v3, v0;
	_ =	sdelay $0x1  }
0x2c1: {  	v4 =	vadd.s32 v1, v4;
	_ =	sdelay $0x3  }
0x2c2: {  	v3 =	vperm.xlane v3, v2  }
0x2c3: {  	[tilespmem:s8], [sflag:$0x1] =	stream.indirect_vreg.gather [hbm4b:s3+s2], $0x80, v4, vm0, $0xb8;
	[tilespmem:$0x18080] =	vst v63  }
0x2c4: {  	s1 =	simm.s32 $0x880;
	v3 =	vadd.s32 v1, v3  }
0x2c5: {  	[tilespmem:s1], [sflag:$0x1] =	stream.indirect_vreg.gather [hbm4b:s4+s2], $0x80, v4, vm0, $0xb8;
	[tilespmem:$0x18080] =	vst v63  }
0x2c6: {  	s1 =	simm.s32 $0x1080  }
0x2c7: {  	[tilespmem:s1], [sflag:$0x1] =	stream.indirect_vreg.gather [hbm4b:s5+s2], $0x80, v4, vm0, $0xb8;
	[tilespmem:$0x18080] =	vst v63  }
0x2c8: {  	s28 =	simm.s32 $0x1880  }
0x2c9: {  	[tilespmem:s28], [sflag:$0x1] =	stream.indirect_vreg.gather [hbm4b:s3+s2], $0x80, v3, vm0, $0xb8;
	[tilespmem:$0x18080] =	vst v63  }
0x2ca: {  	s29 =	simm.s32 $0x2080  }
0x2cb: {  	[tilespmem:s29], [sflag:$0x1] =	stream.indirect_vreg.gather [hbm4b:s4+s2], $0x80, v3, vm0, $0xb8;
	[tilespmem:$0x18080] =	vst v63  }
0x2cc: {  	s28 =	simm.s32 $0x2880  }
0x2cd: {  	[tilespmem:s28], [sflag:$0x1] =	stream.indirect_vreg.gather [hbm4b:s5+s2], $0x80, v3, vm0, $0xb8;
	[tilespmem:$0x18080] =	vst v63  }
0x2ce: {  	v3 =	vld [tilespmem:$0x10];
	_ =	sdelay $0x4  }
0x2cf: {  	v25 =	vshrl.u32 v3, $0x3  }
0x2d0: {  	v4 =	vmul.u32 $0x30, v25  }
0x2d1: {  	v3 =	vand.u32 $0x7, v3  }
0x2d2: {  	v3 =	vor.u32 v3, v4  }
0x2d3: {  	v4 =	vperm.xlane v3, v0;
	_ =	sdelay $0x1  }
0x2d4: {  	v4 =	vadd.s32 v1, v4;
	_ =	sdelay $0x3  }
0x2d5: {  	s28 =	simm.s32 $0x3080;
	v3 =	vperm.xlane v3, v2  }
0x2d6: {  	[tilespmem:s28], [sflag:$0x1] =	stream.indirect_vreg.gather [hbm4b:s3+s2], $0x80, v4, vm0, $0xb8;
	[tilespmem:$0x18080] =	vst v63  }
0x2d7: {  	s30 =	simm.s32 $0x3880;
	v3 =	vadd.s32 v1, v3  }
0x2d8: {  	[tilespmem:s30], [sflag:$0x1] =	stream.indirect_vreg.gather [hbm4b:s4+s2], $0x80, v4, vm0, $0xb8;
	[tilespmem:$0x18080] =	vst v63  }
0x2d9: {  	s31 =	simm.s32 $0x4080  }
0x2da: {  	[tilespmem:s31], [sflag:$0x1] =	stream.indirect_vreg.gather [hbm4b:s5+s2], $0x80, v4, vm0, $0xb8;
	[tilespmem:$0x18080] =	vst v63  }
0x2db: {  	s26 =	simm.s32 $0x4880  }
0x2dc: {  	[tilespmem:s26], [sflag:$0x1] =	stream.indirect_vreg.gather [hbm4b:s3+s2], $0x80, v3, vm0, $0xb8;
	[tilespmem:$0x18080] =	vst v63  }
0x2dd: {  	s25 =	simm.s32 $0x5080  }
0x2de: {  	[tilespmem:s25], [sflag:$0x1] =	stream.indirect_vreg.gather [hbm4b:s4+s2], $0x80, v3, vm0, $0xb8;
	[tilespmem:$0x18080] =	vst v63  }
0x2df: {  	s26 =	simm.s32 $0x5880  }
0x2e0: {  	[tilespmem:s26], [sflag:$0x1] =	stream.indirect_vreg.gather [hbm4b:s5+s2], $0x80, v3, vm0, $0xb8;
	[tilespmem:$0x18080] =	vst v63  }
0x2e1: {  	v3 =	vld [tilespmem:$0x20];
	_ =	sdelay $0x4  }
0x2e2: {  	v26 =	vshrl.u32 v3, $0x3  }
0x2e3: {  	v4 =	vmul.u32 $0x30, v26  }
0x2e4: {  	v3 =	vand.u32 $0x7, v3  }
0x2e5: {  	v3 =	vor.u32 v3, v4  }
0x2e6: {  	v4 =	vperm.xlane v3, v0;
	_ =	sdelay $0x1  }
0x2e7: {  	v4 =	vadd.s32 v1, v4;
	_ =	sdelay $0x3  }
0x2e8: {  	s26 =	simm.s32 $0x6080;
	v3 =	vperm.xlane v3, v2  }
0x2e9: {  	[tilespmem:s26], [sflag:$0x1] =	stream.indirect_vreg.gather [hbm4b:s3+s2], $0x80, v4, vm0, $0xb8;
	[tilespmem:$0x18080] =	vst v63  }
0x2ea: {  	v3 =	vadd.s32 v1, v3;
	s26 =	simm.s32 $0x6880  }
0x2eb: {  	[tilespmem:s26], [sflag:$0x1] =	stream.indirect_vreg.gather [hbm4b:s4+s2], $0x80, v4, vm0, $0xb8;
	[tilespmem:$0x18080] =	vst v63  }
0x2ec: {  	s1 =	simm.s32 $0x7080  }
0x2ed: {  	[tilespmem:s1], [sflag:$0x1] =	stream.indirect_vreg.gather [hbm4b:s5+s2], $0x80, v4, vm0, $0xb8;
	[tilespmem:$0x18080] =	vst v63  }
0x2ee: {  	s1 =	simm.s32 $0x7880  }
0x2ef: {  	[tilespmem:s1], [sflag:$0x1] =	stream.indirect_vreg.gather [hbm4b:s3+s2], $0x80, v3, vm0, $0xb8;
	[tilespmem:$0x18080] =	vst v63  }
0x2f0: {  	s1 =	simm.s32 $0x8080  }
0x2f1: {  	[tilespmem:s1], [sflag:$0x1] =	stream.indirect_vreg.gather [hbm4b:s4+s2], $0x80, v3, vm0, $0xb8;
	[tilespmem:$0x18080] =	vst v63  }
0x2f2: {  	s1 =	simm.s32 $0x8880  }
0x2f3: {  	[tilespmem:s1], [sflag:$0x1] =	stream.indirect_vreg.gather [hbm4b:s5+s2], $0x80, v3, vm0, $0xb8;
	[tilespmem:$0x18080] =	vst v63  }
0x2f4: {  	v3 =	vld [tilespmem:$0x30];
	_ =	sdelay $0x4  }
0x2f5: {  	v27 =	vshrl.u32 v3, $0x3  }
0x2f6: {  	v4 =	vmul.u32 $0x30, v27  }
0x2f7: {  	v3 =	vand.u32 $0x7, v3  }
0x2f8: {  	v3 =	vor.u32 v3, v4  }
0x2f9: {  	v4 =	vperm.xlane v3, v0;
	_ =	sdelay $0x1  }
0x2fa: {  	v4 =	vadd.s32 v1, v4;
	_ =	sdelay $0x3  }
0x2fb: {  	s1 =	simm.s32 $0x9080;
	v3 =	vperm.xlane v3, v2  }
0x2fc: {  	[tilespmem:s1], [sflag:$0x1] =	stream.indirect_vreg.gather [hbm4b:s3+s2], $0x80, v4, vm0, $0xb8;
	[tilespmem:$0x18080] =	vst v63  }
0x2fd: {  	v3 =	vadd.s32 v1, v3;
	s1 =	simm.s32 $0x9880  }
0x2fe: {  	[tilespmem:s1], [sflag:$0x1] =	stream.indirect_vreg.gather [hbm4b:s4+s2], $0x80, v4, vm0, $0xb8;
	[tilespmem:$0x18080] =	vst v63  }
0x2ff: {  	s1 =	simm.s32 $0xA080  }
0x300: {  	[tilespmem:s1], [sflag:$0x1] =	stream.indirect_vreg.gather [hbm4b:s5+s2], $0x80, v4, vm0, $0xb8;
	[tilespmem:$0x18080] =	vst v63  }
0x301: {  	s1 =	simm.s32 $0xA880  }
0x302: {  	[tilespmem:s1], [sflag:$0x1] =	stream.indirect_vreg.gather [hbm4b:s3+s2], $0x80, v3, vm0, $0xb8;
	[tilespmem:$0x18080] =	vst v63  }
0x303: {  	s1 =	simm.s32 $0xB080  }
0x304: {  	[tilespmem:s1], [sflag:$0x1] =	stream.indirect_vreg.gather [hbm4b:s4+s2], $0x80, v3, vm0, $0xb8;
	[tilespmem:$0x18080] =	vst v63  }
0x305: {  	s1 =	simm.s32 $0xB880  }
0x306: {  	[tilespmem:s1], [sflag:$0x1] =	stream.indirect_vreg.gather [hbm4b:s5+s2], $0x80, v3, vm0, $0xb8;
	[tilespmem:$0x18080] =	vst v63  }
0x307: {  	v3 =	vld [tilespmem:$0x40];
	_ =	sdelay $0x4  }
0x308: {  	v28 =	vshrl.u32 v3, $0x3  }
0x309: {  	v4 =	vmul.u32 $0x30, v28  }
0x30a: {  	v3 =	vand.u32 $0x7, v3  }
0x30b: {  	v3 =	vor.u32 v3, v4  }
0x30c: {  	v4 =	vperm.xlane v3, v0;
	_ =	sdelay $0x1  }
0x30d: {  	v4 =	vadd.s32 v1, v4;
	_ =	sdelay $0x3  }
0x30e: {  	s1 =	simm.s32 $0xC080;
	v3 =	vperm.xlane v3, v2  }
0x30f: {  	[tilespmem:s1], [sflag:$0x1] =	stream.indirect_vreg.gather [hbm4b:s3+s2], $0x80, v4, vm0, $0xb8;
	[tilespmem:$0x18080] =	vst v63  }
0x310: {  	s6 =	simm.s32 $0xC880;
	v3 =	vadd.s32 v1, v3  }
0x311: {  	[tilespmem:s6], [sflag:$0x1] =	stream.indirect_vreg.gather [hbm4b:s4+s2], $0x80, v4, vm0, $0xb8;
	[tilespmem:$0x18080] =	vst v63  }
0x312: {  	s16 =	simm.s32 $0xD080  }
0x313: {  	[tilespmem:s16], [sflag:$0x1] =	stream.indirect_vreg.gather [hbm4b:s5+s2], $0x80, v4, vm0, $0xb8;
	[tilespmem:$0x18080] =	vst v63  }
0x314: {  	s17 =	simm.s32 $0xD880  }
0x315: {  	[tilespmem:s17], [sflag:$0x1] =	stream.indirect_vreg.gather [hbm4b:s3+s2], $0x80, v3, vm0, $0xb8;
	[tilespmem:$0x18080] =	vst v63  }
0x316: {  	s18 =	simm.s32 $0xE080  }
0x317: {  	[tilespmem:s18], [sflag:$0x1] =	stream.indirect_vreg.gather [hbm4b:s4+s2], $0x80, v3, vm0, $0xb8;
	[tilespmem:$0x18080] =	vst v63  }
0x318: {  	s1 =	simm.s32 $0xE880  }
0x319: {  	[tilespmem:s1], [sflag:$0x1] =	stream.indirect_vreg.gather [hbm4b:s5+s2], $0x80, v3, vm0, $0xb8;
	[tilespmem:$0x18080] =	vst v63  }
0x31a: {  	v3 =	vld [tilespmem:$0x50];
	_ =	sdelay $0x4  }
0x31b: {  	v29 =	vshrl.u32 v3, $0x3  }
0x31c: {  	v4 =	vmul.u32 $0x30, v29  }
0x31d: {  	v3 =	vand.u32 $0x7, v3  }
0x31e: {  	v3 =	vor.u32 v3, v4  }
0x31f: {  	v4 =	vperm.xlane v3, v0;
	_ =	sdelay $0x1  }
0x320: {  	v4 =	vadd.s32 v1, v4;
	_ =	sdelay $0x3  }
0x321: {  	s1 =	simm.s32 $0xF080;
	v3 =	vperm.xlane v3, v2  }
0x322: {  	[tilespmem:s1], [sflag:$0x1] =	stream.indirect_vreg.gather [hbm4b:s3+s2], $0x80, v4, vm0, $0xb8;
	[tilespmem:$0x18080] =	vst v63  }
0x323: {  	s9 =	simm.s32 $0xF880;
	v3 =	vadd.s32 v1, v3  }
0x324: {  	[tilespmem:s9], [sflag:$0x1] =	stream.indirect_vreg.gather [hbm4b:s4+s2], $0x80, v4, vm0, $0xb8;
	[tilespmem:$0x18080] =	vst v63  }
0x325: {  	s10 =	simm.s32 $0x10080  }
0x326: {  	[tilespmem:s10], [sflag:$0x1] =	stream.indirect_vreg.gather [hbm4b:s5+s2], $0x80, v4, vm0, $0xb8;
	[tilespmem:$0x18080] =	vst v63  }
0x327: {  	s19 =	simm.s32 $0x10880  }
0x328: {  	[tilespmem:s19], [sflag:$0x1] =	stream.indirect_vreg.gather [hbm4b:s3+s2], $0x80, v3, vm0, $0xb8;
	[tilespmem:$0x18080] =	vst v63  }
0x329: {  	s20 =	simm.s32 $0x11080  }
0x32a: {  	[tilespmem:s20], [sflag:$0x1] =	stream.indirect_vreg.gather [hbm4b:s4+s2], $0x80, v3, vm0, $0xb8;
	[tilespmem:$0x18080] =	vst v63  }
0x32b: {  	s1 =	simm.s32 $0x11880  }
0x32c: {  	[tilespmem:s1], [sflag:$0x1] =	stream.indirect_vreg.gather [hbm4b:s5+s2], $0x80, v3, vm0, $0xb8;
	[tilespmem:$0x18080] =	vst v63  }
0x32d: {  	v3 =	vld [tilespmem:$0x60];
	_ =	sdelay $0x4  }
0x32e: {  	v30 =	vshrl.u32 v3, $0x3  }
0x32f: {  	v4 =	vmul.u32 $0x30, v30  }
0x330: {  	v3 =	vand.u32 $0x7, v3  }
0x331: {  	v3 =	vor.u32 v3, v4  }
0x332: {  	v4 =	vperm.xlane v3, v0;
	_ =	sdelay $0x1  }
0x333: {  	v4 =	vadd.s32 v1, v4;
	_ =	sdelay $0x3  }
0x334: {  	s1 =	simm.s32 $0x12080;
	v3 =	vperm.xlane v3, v2  }
0x335: {  	[tilespmem:s1], [sflag:$0x1] =	stream.indirect_vreg.gather [hbm4b:s3+s2], $0x80, v4, vm0, $0xb8;
	[tilespmem:$0x18080] =	vst v63  }
0x336: {  	s11 =	simm.s32 $0x12880;
	v3 =	vadd.s32 v1, v3  }
0x337: {  	[tilespmem:s11], [sflag:$0x1] =	stream.indirect_vreg.gather [hbm4b:s4+s2], $0x80, v4, vm0, $0xb8;
	[tilespmem:$0x18080] =	vst v63  }
0x338: {  	s12 =	simm.s32 $0x13080  }
0x339: {  	[tilespmem:s12], [sflag:$0x1] =	stream.indirect_vreg.gather [hbm4b:s5+s2], $0x80, v4, vm0, $0xb8;
	[tilespmem:$0x18080] =	vst v63  }
0x33a: {  	s21 =	simm.s32 $0x13880  }
0x33b: {  	[tilespmem:s21], [sflag:$0x1] =	stream.indirect_vreg.gather [hbm4b:s3+s2], $0x80, v3, vm0, $0xb8;
	[tilespmem:$0x18080] =	vst v63  }
0x33c: {  	s22 =	simm.s32 $0x14080  }
0x33d: {  	[tilespmem:s22], [sflag:$0x1] =	stream.indirect_vreg.gather [hbm4b:s4+s2], $0x80, v3, vm0, $0xb8;
	[tilespmem:$0x18080] =	vst v63  }
0x33e: {  	s1 =	simm.s32 $0x14880  }
0x33f: {  	[tilespmem:s1], [sflag:$0x1] =	stream.indirect_vreg.gather [hbm4b:s5+s2], $0x80, v3, vm0, $0xb8;
	[tilespmem:$0x18080] =	vst v63  }
0x340: {  	v3 =	vld [tilespmem:$0x70];
	_ =	sdelay $0x4  }
0x341: {  	v31 =	vshrl.u32 v3, $0x3  }
0x342: {  	v4 =	vmul.u32 $0x30, v31  }
0x343: {  	v3 =	vand.u32 $0x7, v3  }
0x344: {  	v3 =	vor.u32 v3, v4  }
0x345: {  	v4 =	vperm.xlane v3, v0;
	_ =	sdelay $0x1  }
0x346: {  	v4 =	vadd.s32 v1, v4;
	_ =	sdelay $0x3  }
0x347: {  	s1 =	simm.s32 $0x15080;
	v3 =	vperm.xlane v3, v2  }
0x348: {  	[tilespmem:s1], [sflag:$0x1] =	stream.indirect_vreg.gather [hbm4b:s3+s2], $0x80, v4, vm0, $0xb8;
	[tilespmem:$0x18080] =	vst v63  }
0x349: {  	s13 =	simm.s32 $0x15880;
	v3 =	vadd.s32 v1, v3  }
0x34a: {  	[tilespmem:s13], [sflag:$0x1] =	stream.indirect_vreg.gather [hbm4b:s4+s2], $0x80, v4, vm0, $0xb8;
	[tilespmem:$0x18080] =	vst v63  }
0x34b: {  	s14 =	simm.s32 $0x16080  }
0x34c: {  	[tilespmem:s14], [sflag:$0x1] =	stream.indirect_vreg.gather [hbm4b:s5+s2], $0x80, v4, vm0, $0xb8;
	[tilespmem:$0x18080] =	vst v63  }
0x34d: {  	s23 =	simm.s32 $0x16880  }
0x34e: {  	[tilespmem:s23], [sflag:$0x1] =	stream.indirect_vreg.gather [hbm4b:s3+s2], $0x80, v3, vm0, $0xb8;
	[tilespmem:$0x18080] =	vst v63  }
0x34f: {  	s24 =	simm.s32 $0x17080  }
0x350: {  	[tilespmem:s24], [sflag:$0x1] =	stream.indirect_vreg.gather [hbm4b:s4+s2], $0x80, v3, vm0, $0xb8;
	[tilespmem:$0x18080] =	vst v63  }
0x351: {  	s15 =	simm.s32 $0x17880  }
0x352: {  	[tilespmem:s15], [sflag:$0x1] =	stream.indirect_vreg.gather [hbm4b:s5+s2], $0x80, v3, vm0, $0xb8;
	[tilespmem:$0x18080] =	vst v63  }
0x353: {  	_ =	swait.ge [sflag:s0], $0x18000  }
0x354: {  	[sflag:s0] =	ssyncset.done $0x0  }
0x355: {  	s1 =	rddreg [dreg:$0xc];
	[sflag:s0] =	ssyncadd.s32 $0xFFFE8000  }
0x356: {  	[hbm4b:s1+s2] =	stream.linear.scatter [tilespmem:s8], [sflag:$0x2], $0x18000, $0x38;
	[tilespmem:$0x18080] =	vst v63  }
0x357: {  	_ =	swait.ge [sflag:s7], $0x18000  }
0x358: {  	[sflag:s7] =	ssyncset.done $0x0  }
0x359: {  	s1 =	rddreg [dreg:$0xd];
	[sflag:s7] =	ssyncadd.s32 $0xFFFE8000  }
0x35a: {  	[tilespmem:s2], [sflag:$0x2] =	stream.linear.gather [hbm4b:s1+s2], $0x80, $0x38;
	[tilespmem:$0x18080] =	vst v63  }
0x35b: {  	_ =	swait.ge [sflag:s7], $0x80  }
0x35c: {  	[sflag:s7] =	ssyncset.done $0x0  }
0x35d: {  	[sflag:s7] =	ssyncadd.s32 $0xFFFFFF80  }
0x35e: {  	v3 =	vld [tilespmem:$0x0];
	_ =	sdelay $0x4  }
0x35f: {  	v32 =	vshrl.u32 v3, $0x3  }
0x360: {  	v4 =	vmul.u32 $0x30, v32  }
0x361: {  	v3 =	vand.u32 $0x7, v3  }
0x362: {  	v3 =	vor.u32 v3, v4  }
0x363: {  	v4 =	vperm.xlane v3, v0;
	_ =	sdelay $0x1  }
0x364: {  	v4 =	vadd.s32 v1, v4;
	_ =	sdelay $0x3  }
0x365: {  	v3 =	vperm.xlane v3, v2  }
0x366: {  	[tilespmem:s8], [sflag:$0x1] =	stream.indirect_vreg.gather [hbm4b:s3+s2], $0x80, v4, vm0, $0xb8;
	[tilespmem:$0x18080] =	vst v63  }
0x367: {  	s1 =	simm.s32 $0x880;
	v3 =	vadd.s32 v1, v3  }
0x368: {  	[tilespmem:s1], [sflag:$0x1] =	stream.indirect_vreg.gather [hbm4b:s4+s2], $0x80, v4, vm0, $0xb8;
	[tilespmem:$0x18080] =	vst v63  }
0x369: {  	s1 =	simm.s32 $0x1080  }
0x36a: {  	[tilespmem:s1], [sflag:$0x1] =	stream.indirect_vreg.gather [hbm4b:s5+s2], $0x80, v4, vm0, $0xb8;
	[tilespmem:$0x18080] =	vst v63  }
0x36b: {  	s1 =	simm.s32 $0x1880  }
0x36c: {  	[tilespmem:s1], [sflag:$0x1] =	stream.indirect_vreg.gather [hbm4b:s3+s2], $0x80, v3, vm0, $0xb8;
	[tilespmem:$0x18080] =	vst v63  }
0x36d: {  	s29 =	simm.s32 $0x2080  }
0x36e: {  	[tilespmem:s29], [sflag:$0x1] =	stream.indirect_vreg.gather [hbm4b:s4+s2], $0x80, v3, vm0, $0xb8;
	[tilespmem:$0x18080] =	vst v63  }
0x36f: {  	s29 =	simm.s32 $0x2880  }
0x370: {  	[tilespmem:s29], [sflag:$0x1] =	stream.indirect_vreg.gather [hbm4b:s5+s2], $0x80, v3, vm0, $0xb8;
	[tilespmem:$0x18080] =	vst v63  }
0x371: {  	v3 =	vld [tilespmem:$0x10];
	_ =	sdelay $0x4  }
0x372: {  	v33 =	vshrl.u32 v3, $0x3  }
0x373: {  	v4 =	vmul.u32 $0x30, v33  }
0x374: {  	v3 =	vand.u32 $0x7, v3  }
0x375: {  	v3 =	vor.u32 v3, v4  }
0x376: {  	v4 =	vperm.xlane v3, v0;
	_ =	sdelay $0x1  }
0x377: {  	v4 =	vadd.s32 v1, v4;
	_ =	sdelay $0x3  }
0x378: {  	s29 =	simm.s32 $0x3080;
	v3 =	vperm.xlane v3, v2  }
0x379: {  	[tilespmem:s29], [sflag:$0x1] =	stream.indirect_vreg.gather [hbm4b:s3+s2], $0x80, v4, vm0, $0xb8;
	[tilespmem:$0x18080] =	vst v63  }
0x37a: {  	s30 =	simm.s32 $0x3880;
	v3 =	vadd.s32 v1, v3  }
0x37b: {  	[tilespmem:s30], [sflag:$0x1] =	stream.indirect_vreg.gather [hbm4b:s4+s2], $0x80, v4, vm0, $0xb8;
	[tilespmem:$0x18080] =	vst v63  }
0x37c: {  	s31 =	simm.s32 $0x4080  }
0x37d: {  	[tilespmem:s31], [sflag:$0x1] =	stream.indirect_vreg.gather [hbm4b:s5+s2], $0x80, v4, vm0, $0xb8;
	[tilespmem:$0x18080] =	vst v63  }
0x37e: {  	s28 =	simm.s32 $0x4880  }
0x37f: {  	[tilespmem:s28], [sflag:$0x1] =	stream.indirect_vreg.gather [hbm4b:s3+s2], $0x80, v3, vm0, $0xb8;
	[tilespmem:$0x18080] =	vst v63  }
0x380: {  	s25 =	simm.s32 $0x5080  }
0x381: {  	[tilespmem:s25], [sflag:$0x1] =	stream.indirect_vreg.gather [hbm4b:s4+s2], $0x80, v3, vm0, $0xb8;
	[tilespmem:$0x18080] =	vst v63  }
0x382: {  	s28 =	simm.s32 $0x5880  }
0x383: {  	[tilespmem:s28], [sflag:$0x1] =	stream.indirect_vreg.gather [hbm4b:s5+s2], $0x80, v3, vm0, $0xb8;
	[tilespmem:$0x18080] =	vst v63  }
0x384: {  	v3 =	vld [tilespmem:$0x20];
	_ =	sdelay $0x4  }
0x385: {  	v34 =	vshrl.u32 v3, $0x3  }
0x386: {  	v4 =	vmul.u32 $0x30, v34  }
0x387: {  	v3 =	vand.u32 $0x7, v3  }
0x388: {  	v3 =	vor.u32 v3, v4  }
0x389: {  	v4 =	vperm.xlane v3, v0;
	_ =	sdelay $0x1  }
0x38a: {  	v4 =	vadd.s32 v1, v4;
	_ =	sdelay $0x3  }
0x38b: {  	s28 =	simm.s32 $0x6080;
	v3 =	vperm.xlane v3, v2  }
0x38c: {  	[tilespmem:s28], [sflag:$0x1] =	stream.indirect_vreg.gather [hbm4b:s3+s2], $0x80, v4, vm0, $0xb8;
	[tilespmem:$0x18080] =	vst v63  }
0x38d: {  	s26 =	simm.s32 $0x6880;
	v3 =	vadd.s32 v1, v3  }
0x38e: {  	[tilespmem:s26], [sflag:$0x1] =	stream.indirect_vreg.gather [hbm4b:s4+s2], $0x80, v4, vm0, $0xb8;
	[tilespmem:$0x18080] =	vst v63  }
0x38f: {  	s28 =	simm.s32 $0x7080  }
0x390: {  	[tilespmem:s28], [sflag:$0x1] =	stream.indirect_vreg.gather [hbm4b:s5+s2], $0x80, v4, vm0, $0xb8;
	[tilespmem:$0x18080] =	vst v63  }
0x391: {  	s1 =	simm.s32 $0x7880  }
0x392: {  	[tilespmem:s1], [sflag:$0x1] =	stream.indirect_vreg.gather [hbm4b:s3+s2], $0x80, v3, vm0, $0xb8;
	[tilespmem:$0x18080] =	vst v63  }
0x393: {  	s1 =	simm.s32 $0x8080  }
0x394: {  	[tilespmem:s1], [sflag:$0x1] =	stream.indirect_vreg.gather [hbm4b:s4+s2], $0x80, v3, vm0, $0xb8;
	[tilespmem:$0x18080] =	vst v63  }
0x395: {  	s1 =	simm.s32 $0x8880  }
0x396: {  	[tilespmem:s1], [sflag:$0x1] =	stream.indirect_vreg.gather [hbm4b:s5+s2], $0x80, v3, vm0, $0xb8;
	[tilespmem:$0x18080] =	vst v63  }
0x397: {  	v3 =	vld [tilespmem:$0x30];
	_ =	sdelay $0x4  }
0x398: {  	v35 =	vshrl.u32 v3, $0x3  }
0x399: {  	v4 =	vmul.u32 $0x30, v35  }
0x39a: {  	v3 =	vand.u32 $0x7, v3  }
0x39b: {  	v3 =	vor.u32 v3, v4  }
0x39c: {  	v4 =	vperm.xlane v3, v0;
	_ =	sdelay $0x1  }
0x39d: {  	v4 =	vadd.s32 v1, v4;
	_ =	sdelay $0x3  }
0x39e: {  	s1 =	simm.s32 $0x9080;
	v3 =	vperm.xlane v3, v2  }
0x39f: {  	[tilespmem:s1], [sflag:$0x1] =	stream.indirect_vreg.gather [hbm4b:s3+s2], $0x80, v4, vm0, $0xb8;
	[tilespmem:$0x18080] =	vst v63  }
0x3a0: {  	v3 =	vadd.s32 v1, v3;
	s1 =	simm.s32 $0x9880  }
0x3a1: {  	[tilespmem:s1], [sflag:$0x1] =	stream.indirect_vreg.gather [hbm4b:s4+s2], $0x80, v4, vm0, $0xb8;
	[tilespmem:$0x18080] =	vst v63  }
0x3a2: {  	s1 =	simm.s32 $0xA080  }
0x3a3: {  	[tilespmem:s1], [sflag:$0x1] =	stream.indirect_vreg.gather [hbm4b:s5+s2], $0x80, v4, vm0, $0xb8;
	[tilespmem:$0x18080] =	vst v63  }
0x3a4: {  	s1 =	simm.s32 $0xA880  }
0x3a5: {  	[tilespmem:s1], [sflag:$0x1] =	stream.indirect_vreg.gather [hbm4b:s3+s2], $0x80, v3, vm0, $0xb8;
	[tilespmem:$0x18080] =	vst v63  }
0x3a6: {  	s1 =	simm.s32 $0xB080  }
0x3a7: {  	[tilespmem:s1], [sflag:$0x1] =	stream.indirect_vreg.gather [hbm4b:s4+s2], $0x80, v3, vm0, $0xb8;
	[tilespmem:$0x18080] =	vst v63  }
0x3a8: {  	s1 =	simm.s32 $0xB880  }
0x3a9: {  	[tilespmem:s1], [sflag:$0x1] =	stream.indirect_vreg.gather [hbm4b:s5+s2], $0x80, v3, vm0, $0xb8;
	[tilespmem:$0x18080] =	vst v63  }
0x3aa: {  	v3 =	vld [tilespmem:$0x40];
	_ =	sdelay $0x4  }
0x3ab: {  	v36 =	vshrl.u32 v3, $0x3  }
0x3ac: {  	v4 =	vmul.u32 $0x30, v36  }
0x3ad: {  	v3 =	vand.u32 $0x7, v3  }
0x3ae: {  	v3 =	vor.u32 v3, v4  }
0x3af: {  	v4 =	vperm.xlane v3, v0;
	_ =	sdelay $0x1  }
0x3b0: {  	v4 =	vadd.s32 v1, v4;
	_ =	sdelay $0x3  }
0x3b1: {  	s1 =	simm.s32 $0xC080;
	v3 =	vperm.xlane v3, v2  }
0x3b2: {  	[tilespmem:s1], [sflag:$0x1] =	stream.indirect_vreg.gather [hbm4b:s3+s2], $0x80, v4, vm0, $0xb8;
	[tilespmem:$0x18080] =	vst v63  }
0x3b3: {  	s6 =	simm.s32 $0xC880;
	v3 =	vadd.s32 v1, v3  }
0x3b4: {  	[tilespmem:s6], [sflag:$0x1] =	stream.indirect_vreg.gather [hbm4b:s4+s2], $0x80, v4, vm0, $0xb8;
	[tilespmem:$0x18080] =	vst v63  }
0x3b5: {  	s16 =	simm.s32 $0xD080  }
0x3b6: {  	[tilespmem:s16], [sflag:$0x1] =	stream.indirect_vreg.gather [hbm4b:s5+s2], $0x80, v4, vm0, $0xb8;
	[tilespmem:$0x18080] =	vst v63  }
0x3b7: {  	s17 =	simm.s32 $0xD880  }
0x3b8: {  	[tilespmem:s17], [sflag:$0x1] =	stream.indirect_vreg.gather [hbm4b:s3+s2], $0x80, v3, vm0, $0xb8;
	[tilespmem:$0x18080] =	vst v63  }
0x3b9: {  	s18 =	simm.s32 $0xE080  }
0x3ba: {  	[tilespmem:s18], [sflag:$0x1] =	stream.indirect_vreg.gather [hbm4b:s4+s2], $0x80, v3, vm0, $0xb8;
	[tilespmem:$0x18080] =	vst v63  }
0x3bb: {  	s1 =	simm.s32 $0xE880  }
0x3bc: {  	[tilespmem:s1], [sflag:$0x1] =	stream.indirect_vreg.gather [hbm4b:s5+s2], $0x80, v3, vm0, $0xb8;
	[tilespmem:$0x18080] =	vst v63  }
0x3bd: {  	v3 =	vld [tilespmem:$0x50];
	_ =	sdelay $0x4  }
0x3be: {  	v37 =	vshrl.u32 v3, $0x3  }
0x3bf: {  	v4 =	vmul.u32 $0x30, v37  }
0x3c0: {  	v3 =	vand.u32 $0x7, v3  }
0x3c1: {  	v3 =	vor.u32 v3, v4  }
0x3c2: {  	v4 =	vperm.xlane v3, v0;
	_ =	sdelay $0x1  }
0x3c3: {  	v4 =	vadd.s32 v1, v4;
	_ =	sdelay $0x3  }
0x3c4: {  	s1 =	simm.s32 $0xF080;
	v3 =	vperm.xlane v3, v2  }
0x3c5: {  	[tilespmem:s1], [sflag:$0x1] =	stream.indirect_vreg.gather [hbm4b:s3+s2], $0x80, v4, vm0, $0xb8;
	[tilespmem:$0x18080] =	vst v63  }
0x3c6: {  	s9 =	simm.s32 $0xF880;
	v3 =	vadd.s32 v1, v3  }
0x3c7: {  	[tilespmem:s9], [sflag:$0x1] =	stream.indirect_vreg.gather [hbm4b:s4+s2], $0x80, v4, vm0, $0xb8;
	[tilespmem:$0x18080] =	vst v63  }
0x3c8: {  	s10 =	simm.s32 $0x10080  }
0x3c9: {  	[tilespmem:s10], [sflag:$0x1] =	stream.indirect_vreg.gather [hbm4b:s5+s2], $0x80, v4, vm0, $0xb8;
	[tilespmem:$0x18080] =	vst v63  }
0x3ca: {  	s19 =	simm.s32 $0x10880  }
0x3cb: {  	[tilespmem:s19], [sflag:$0x1] =	stream.indirect_vreg.gather [hbm4b:s3+s2], $0x80, v3, vm0, $0xb8;
	[tilespmem:$0x18080] =	vst v63  }
0x3cc: {  	s20 =	simm.s32 $0x11080  }
0x3cd: {  	[tilespmem:s20], [sflag:$0x1] =	stream.indirect_vreg.gather [hbm4b:s4+s2], $0x80, v3, vm0, $0xb8;
	[tilespmem:$0x18080] =	vst v63  }
0x3ce: {  	s1 =	simm.s32 $0x11880  }
0x3cf: {  	[tilespmem:s1], [sflag:$0x1] =	stream.indirect_vreg.gather [hbm4b:s5+s2], $0x80, v3, vm0, $0xb8;
	[tilespmem:$0x18080] =	vst v63  }
0x3d0: {  	v3 =	vld [tilespmem:$0x60];
	_ =	sdelay $0x4  }
0x3d1: {  	v38 =	vshrl.u32 v3, $0x3  }
0x3d2: {  	v4 =	vmul.u32 $0x30, v38  }
0x3d3: {  	v3 =	vand.u32 $0x7, v3  }
0x3d4: {  	v3 =	vor.u32 v3, v4  }
0x3d5: {  	v4 =	vperm.xlane v3, v0;
	_ =	sdelay $0x1  }
0x3d6: {  	v4 =	vadd.s32 v1, v4;
	_ =	sdelay $0x3  }
0x3d7: {  	s1 =	simm.s32 $0x12080;
	v3 =	vperm.xlane v3, v2  }
0x3d8: {  	[tilespmem:s1], [sflag:$0x1] =	stream.indirect_vreg.gather [hbm4b:s3+s2], $0x80, v4, vm0, $0xb8;
	[tilespmem:$0x18080] =	vst v63  }
0x3d9: {  	s11 =	simm.s32 $0x12880;
	v3 =	vadd.s32 v1, v3  }
0x3da: {  	[tilespmem:s11], [sflag:$0x1] =	stream.indirect_vreg.gather [hbm4b:s4+s2], $0x80, v4, vm0, $0xb8;
	[tilespmem:$0x18080] =	vst v63  }
0x3db: {  	s12 =	simm.s32 $0x13080  }
0x3dc: {  	[tilespmem:s12], [sflag:$0x1] =	stream.indirect_vreg.gather [hbm4b:s5+s2], $0x80, v4, vm0, $0xb8;
	[tilespmem:$0x18080] =	vst v63  }
0x3dd: {  	s21 =	simm.s32 $0x13880  }
0x3de: {  	[tilespmem:s21], [sflag:$0x1] =	stream.indirect_vreg.gather [hbm4b:s3+s2], $0x80, v3, vm0, $0xb8;
	[tilespmem:$0x18080] =	vst v63  }
0x3df: {  	s22 =	simm.s32 $0x14080  }
0x3e0: {  	[tilespmem:s22], [sflag:$0x1] =	stream.indirect_vreg.gather [hbm4b:s4+s2], $0x80, v3, vm0, $0xb8;
	[tilespmem:$0x18080] =	vst v63  }
0x3e1: {  	s1 =	simm.s32 $0x14880  }
0x3e2: {  	[tilespmem:s1], [sflag:$0x1] =	stream.indirect_vreg.gather [hbm4b:s5+s2], $0x80, v3, vm0, $0xb8;
	[tilespmem:$0x18080] =	vst v63  }
0x3e3: {  	v3 =	vld [tilespmem:$0x70];
	_ =	sdelay $0x4  }
0x3e4: {  	v39 =	vshrl.u32 v3, $0x3  }
0x3e5: {  	v4 =	vmul.u32 $0x30, v39  }
0x3e6: {  	v3 =	vand.u32 $0x7, v3  }
0x3e7: {  	v3 =	vor.u32 v3, v4  }
0x3e8: {  	v4 =	vperm.xlane v3, v0;
	_ =	sdelay $0x1  }
0x3e9: {  	v4 =	vadd.s32 v1, v4;
	_ =	sdelay $0x3  }
0x3ea: {  	s1 =	simm.s32 $0x15080;
	v3 =	vperm.xlane v3, v2  }
0x3eb: {  	[tilespmem:s1], [sflag:$0x1] =	stream.indirect_vreg.gather [hbm4b:s3+s2], $0x80, v4, vm0, $0xb8;
	[tilespmem:$0x18080] =	vst v63  }
0x3ec: {  	s13 =	simm.s32 $0x15880;
	v3 =	vadd.s32 v1, v3  }
0x3ed: {  	[tilespmem:s13], [sflag:$0x1] =	stream.indirect_vreg.gather [hbm4b:s4+s2], $0x80, v4, vm0, $0xb8;
	[tilespmem:$0x18080] =	vst v63  }
0x3ee: {  	s14 =	simm.s32 $0x16080  }
0x3ef: {  	[tilespmem:s14], [sflag:$0x1] =	stream.indirect_vreg.gather [hbm4b:s5+s2], $0x80, v4, vm0, $0xb8;
	[tilespmem:$0x18080] =	vst v63  }
0x3f0: {  	s23 =	simm.s32 $0x16880  }
0x3f1: {  	[tilespmem:s23], [sflag:$0x1] =	stream.indirect_vreg.gather [hbm4b:s3+s2], $0x80, v3, vm0, $0xb8;
	[tilespmem:$0x18080] =	vst v63  }
0x3f2: {  	s24 =	simm.s32 $0x17080  }
0x3f3: {  	[tilespmem:s24], [sflag:$0x1] =	stream.indirect_vreg.gather [hbm4b:s4+s2], $0x80, v3, vm0, $0xb8;
	[tilespmem:$0x18080] =	vst v63  }
0x3f4: {  	s15 =	simm.s32 $0x17880  }
0x3f5: {  	[tilespmem:s15], [sflag:$0x1] =	stream.indirect_vreg.gather [hbm4b:s5+s2], $0x80, v3, vm0, $0xb8;
	[tilespmem:$0x18080] =	vst v63  }
0x3f6: {  	_ =	swait.ge [sflag:s0], $0x18000  }
0x3f7: {  	[sflag:s0] =	ssyncset.done $0x0  }
0x3f8: {  	s1 =	rddreg [dreg:$0xe];
	[sflag:s0] =	ssyncadd.s32 $0xFFFE8000  }
0x3f9: {  	[hbm4b:s1+s2] =	stream.linear.scatter [tilespmem:s8], [sflag:$0x2], $0x18000, $0x38;
	[tilespmem:$0x18080] =	vst v63  }
0x3fa: {  	_ =	swait.ge [sflag:s7], $0x18000  }
0x3fb: {  	[sflag:s7] =	ssyncset.done $0x0  }
0x3fc: {  	s1 =	rddreg [dreg:$0xf];
	[sflag:s7] =	ssyncadd.s32 $0xFFFE8000  }
0x3fd: {  	[tilespmem:s2], [sflag:$0x2] =	stream.linear.gather [hbm4b:s1+s2], $0x80, $0x38;
	[tilespmem:$0x18080] =	vst v63  }
0x3fe: {  	_ =	swait.ge [sflag:s7], $0x80  }
0x3ff: {  	[sflag:s7] =	ssyncset.done $0x0  }
0x400: {  	[sflag:s7] =	ssyncadd.s32 $0xFFFFFF80  }
0x401: {  	v3 =	vld [tilespmem:$0x0];
	_ =	sdelay $0x4  }
0x402: {  	v40 =	vshrl.u32 v3, $0x3  }
0x403: {  	v4 =	vmul.u32 $0x30, v40  }
0x404: {  	v3 =	vand.u32 $0x7, v3  }
0x405: {  	v3 =	vor.u32 v3, v4  }
0x406: {  	v4 =	vperm.xlane v3, v0;
	_ =	sdelay $0x1  }
0x407: {  	v4 =	vadd.s32 v1, v4;
	_ =	sdelay $0x3  }
0x408: {  	v3 =	vperm.xlane v3, v2  }
0x409: {  	[tilespmem:s8], [sflag:$0x1] =	stream.indirect_vreg.gather [hbm4b:s3+s2], $0x80, v4, vm0, $0xb8;
	[tilespmem:$0x18080] =	vst v63  }
0x40a: {  	s1 =	simm.s32 $0x880;
	v3 =	vadd.s32 v1, v3  }
0x40b: {  	[tilespmem:s1], [sflag:$0x1] =	stream.indirect_vreg.gather [hbm4b:s4+s2], $0x80, v4, vm0, $0xb8;
	[tilespmem:$0x18080] =	vst v63  }
0x40c: {  	s1 =	simm.s32 $0x1080  }
0x40d: {  	[tilespmem:s1], [sflag:$0x1] =	stream.indirect_vreg.gather [hbm4b:s5+s2], $0x80, v4, vm0, $0xb8;
	[tilespmem:$0x18080] =	vst v63  }
0x40e: {  	s1 =	simm.s32 $0x1880  }
0x40f: {  	[tilespmem:s1], [sflag:$0x1] =	stream.indirect_vreg.gather [hbm4b:s3+s2], $0x80, v3, vm0, $0xb8;
	[tilespmem:$0x18080] =	vst v63  }
0x410: {  	s1 =	simm.s32 $0x2080  }
0x411: {  	[tilespmem:s1], [sflag:$0x1] =	stream.indirect_vreg.gather [hbm4b:s4+s2], $0x80, v3, vm0, $0xb8;
	[tilespmem:$0x18080] =	vst v63  }
0x412: {  	s1 =	simm.s32 $0x2880  }
0x413: {  	[tilespmem:s1], [sflag:$0x1] =	stream.indirect_vreg.gather [hbm4b:s5+s2], $0x80, v3, vm0, $0xb8;
	[tilespmem:$0x18080] =	vst v63  }
0x414: {  	v3 =	vld [tilespmem:$0x10];
	_ =	sdelay $0x4  }
0x415: {  	v41 =	vshrl.u32 v3, $0x3  }
0x416: {  	v4 =	vmul.u32 $0x30, v41  }
0x417: {  	v3 =	vand.u32 $0x7, v3  }
0x418: {  	v3 =	vor.u32 v3, v4  }
0x419: {  	v4 =	vperm.xlane v3, v0;
	_ =	sdelay $0x1  }
0x41a: {  	v4 =	vadd.s32 v1, v4;
	_ =	sdelay $0x3  }
0x41b: {  	s1 =	simm.s32 $0x3080;
	v3 =	vperm.xlane v3, v2  }
0x41c: {  	[tilespmem:s1], [sflag:$0x1] =	stream.indirect_vreg.gather [hbm4b:s3+s2], $0x80, v4, vm0, $0xb8;
	[tilespmem:$0x18080] =	vst v63  }
0x41d: {  	s30 =	simm.s32 $0x3880;
	v3 =	vadd.s32 v1, v3  }
0x41e: {  	[tilespmem:s30], [sflag:$0x1] =	stream.indirect_vreg.gather [hbm4b:s4+s2], $0x80, v4, vm0, $0xb8;
	[tilespmem:$0x18080] =	vst v63  }
0x41f: {  	s31 =	simm.s32 $0x4080  }
0x420: {  	[tilespmem:s31], [sflag:$0x1] =	stream.indirect_vreg.gather [hbm4b:s5+s2], $0x80, v4, vm0, $0xb8;
	[tilespmem:$0x18080] =	vst v63  }
0x421: {  	s29 =	simm.s32 $0x4880  }
0x422: {  	[tilespmem:s29], [sflag:$0x1] =	stream.indirect_vreg.gather [hbm4b:s3+s2], $0x80, v3, vm0, $0xb8;
	[tilespmem:$0x18080] =	vst v63  }
0x423: {  	s25 =	simm.s32 $0x5080  }
0x424: {  	[tilespmem:s25], [sflag:$0x1] =	stream.indirect_vreg.gather [hbm4b:s4+s2], $0x80, v3, vm0, $0xb8;
	[tilespmem:$0x18080] =	vst v63  }
0x425: {  	s29 =	simm.s32 $0x5880  }
0x426: {  	[tilespmem:s29], [sflag:$0x1] =	stream.indirect_vreg.gather [hbm4b:s5+s2], $0x80, v3, vm0, $0xb8;
	[tilespmem:$0x18080] =	vst v63  }
0x427: {  	v3 =	vld [tilespmem:$0x20];
	_ =	sdelay $0x4  }
0x428: {  	v42 =	vshrl.u32 v3, $0x3  }
0x429: {  	v4 =	vmul.u32 $0x30, v42  }
0x42a: {  	v3 =	vand.u32 $0x7, v3  }
0x42b: {  	v3 =	vor.u32 v3, v4  }
0x42c: {  	v4 =	vperm.xlane v3, v0;
	_ =	sdelay $0x1  }
0x42d: {  	v4 =	vadd.s32 v1, v4;
	_ =	sdelay $0x3  }
0x42e: {  	s29 =	simm.s32 $0x6080;
	v3 =	vperm.xlane v3, v2  }
0x42f: {  	[tilespmem:s29], [sflag:$0x1] =	stream.indirect_vreg.gather [hbm4b:s3+s2], $0x80, v4, vm0, $0xb8;
	[tilespmem:$0x18080] =	vst v63  }
0x430: {  	s26 =	simm.s32 $0x6880;
	v3 =	vadd.s32 v1, v3  }
0x431: {  	[tilespmem:s26], [sflag:$0x1] =	stream.indirect_vreg.gather [hbm4b:s4+s2], $0x80, v4, vm0, $0xb8;
	[tilespmem:$0x18080] =	vst v63  }
0x432: {  	s28 =	simm.s32 $0x7080  }
0x433: {  	[tilespmem:s28], [sflag:$0x1] =	stream.indirect_vreg.gather [hbm4b:s5+s2], $0x80, v4, vm0, $0xb8;
	[tilespmem:$0x18080] =	vst v63  }
0x434: {  	s29 =	simm.s32 $0x7880  }
0x435: {  	[tilespmem:s29], [sflag:$0x1] =	stream.indirect_vreg.gather [hbm4b:s3+s2], $0x80, v3, vm0, $0xb8;
	[tilespmem:$0x18080] =	vst v63  }
0x436: {  	s1 =	simm.s32 $0x8080  }
0x437: {  	[tilespmem:s1], [sflag:$0x1] =	stream.indirect_vreg.gather [hbm4b:s4+s2], $0x80, v3, vm0, $0xb8;
	[tilespmem:$0x18080] =	vst v63  }
0x438: {  	s1 =	simm.s32 $0x8880  }
0x439: {  	[tilespmem:s1], [sflag:$0x1] =	stream.indirect_vreg.gather [hbm4b:s5+s2], $0x80, v3, vm0, $0xb8;
	[tilespmem:$0x18080] =	vst v63  }
0x43a: {  	v3 =	vld [tilespmem:$0x30];
	_ =	sdelay $0x4  }
0x43b: {  	v43 =	vshrl.u32 v3, $0x3  }
0x43c: {  	v4 =	vmul.u32 $0x30, v43  }
0x43d: {  	v3 =	vand.u32 $0x7, v3  }
0x43e: {  	v3 =	vor.u32 v3, v4  }
0x43f: {  	v4 =	vperm.xlane v3, v0;
	_ =	sdelay $0x1  }
0x440: {  	v4 =	vadd.s32 v1, v4;
	_ =	sdelay $0x3  }
0x441: {  	s1 =	simm.s32 $0x9080;
	v3 =	vperm.xlane v3, v2  }
0x442: {  	[tilespmem:s1], [sflag:$0x1] =	stream.indirect_vreg.gather [hbm4b:s3+s2], $0x80, v4, vm0, $0xb8;
	[tilespmem:$0x18080] =	vst v63  }
0x443: {  	v3 =	vadd.s32 v1, v3;
	s1 =	simm.s32 $0x9880  }
0x444: {  	[tilespmem:s1], [sflag:$0x1] =	stream.indirect_vreg.gather [hbm4b:s4+s2], $0x80, v4, vm0, $0xb8;
	[tilespmem:$0x18080] =	vst v63  }
0x445: {  	s1 =	simm.s32 $0xA080  }
0x446: {  	[tilespmem:s1], [sflag:$0x1] =	stream.indirect_vreg.gather [hbm4b:s5+s2], $0x80, v4, vm0, $0xb8;
	[tilespmem:$0x18080] =	vst v63  }
0x447: {  	s1 =	simm.s32 $0xA880  }
0x448: {  	[tilespmem:s1], [sflag:$0x1] =	stream.indirect_vreg.gather [hbm4b:s3+s2], $0x80, v3, vm0, $0xb8;
	[tilespmem:$0x18080] =	vst v63  }
0x449: {  	s1 =	simm.s32 $0xB080  }
0x44a: {  	[tilespmem:s1], [sflag:$0x1] =	stream.indirect_vreg.gather [hbm4b:s4+s2], $0x80, v3, vm0, $0xb8;
	[tilespmem:$0x18080] =	vst v63  }
0x44b: {  	s1 =	simm.s32 $0xB880  }
0x44c: {  	[tilespmem:s1], [sflag:$0x1] =	stream.indirect_vreg.gather [hbm4b:s5+s2], $0x80, v3, vm0, $0xb8;
	[tilespmem:$0x18080] =	vst v63  }
0x44d: {  	v3 =	vld [tilespmem:$0x40];
	_ =	sdelay $0x4  }
0x44e: {  	v44 =	vshrl.u32 v3, $0x3  }
0x44f: {  	v4 =	vmul.u32 $0x30, v44  }
0x450: {  	v3 =	vand.u32 $0x7, v3  }
0x451: {  	v3 =	vor.u32 v3, v4  }
0x452: {  	v4 =	vperm.xlane v3, v0;
	_ =	sdelay $0x1  }
0x453: {  	v4 =	vadd.s32 v1, v4;
	_ =	sdelay $0x3  }
0x454: {  	s1 =	simm.s32 $0xC080;
	v3 =	vperm.xlane v3, v2  }
0x455: {  	[tilespmem:s1], [sflag:$0x1] =	stream.indirect_vreg.gather [hbm4b:s3+s2], $0x80, v4, vm0, $0xb8;
	[tilespmem:$0x18080] =	vst v63  }
0x456: {  	s6 =	simm.s32 $0xC880;
	v3 =	vadd.s32 v1, v3  }
0x457: {  	[tilespmem:s6], [sflag:$0x1] =	stream.indirect_vreg.gather [hbm4b:s4+s2], $0x80, v4, vm0, $0xb8;
	[tilespmem:$0x18080] =	vst v63  }
0x458: {  	s16 =	simm.s32 $0xD080  }
0x459: {  	[tilespmem:s16], [sflag:$0x1] =	stream.indirect_vreg.gather [hbm4b:s5+s2], $0x80, v4, vm0, $0xb8;
	[tilespmem:$0x18080] =	vst v63  }
0x45a: {  	s17 =	simm.s32 $0xD880  }
0x45b: {  	[tilespmem:s17], [sflag:$0x1] =	stream.indirect_vreg.gather [hbm4b:s3+s2], $0x80, v3, vm0, $0xb8;
	[tilespmem:$0x18080] =	vst v63  }
0x45c: {  	s18 =	simm.s32 $0xE080  }
0x45d: {  	[tilespmem:s18], [sflag:$0x1] =	stream.indirect_vreg.gather [hbm4b:s4+s2], $0x80, v3, vm0, $0xb8;
	[tilespmem:$0x18080] =	vst v63  }
0x45e: {  	s1 =	simm.s32 $0xE880  }
0x45f: {  	[tilespmem:s1], [sflag:$0x1] =	stream.indirect_vreg.gather [hbm4b:s5+s2], $0x80, v3, vm0, $0xb8;
	[tilespmem:$0x18080] =	vst v63  }
0x460: {  	v3 =	vld [tilespmem:$0x50];
	_ =	sdelay $0x4  }
0x461: {  	v45 =	vshrl.u32 v3, $0x3  }
0x462: {  	v4 =	vmul.u32 $0x30, v45  }
0x463: {  	v3 =	vand.u32 $0x7, v3  }
0x464: {  	v3 =	vor.u32 v3, v4  }
0x465: {  	v4 =	vperm.xlane v3, v0;
	_ =	sdelay $0x1  }
0x466: {  	v4 =	vadd.s32 v1, v4;
	_ =	sdelay $0x3  }
0x467: {  	s1 =	simm.s32 $0xF080;
	v3 =	vperm.xlane v3, v2  }
0x468: {  	[tilespmem:s1], [sflag:$0x1] =	stream.indirect_vreg.gather [hbm4b:s3+s2], $0x80, v4, vm0, $0xb8;
	[tilespmem:$0x18080] =	vst v63  }
0x469: {  	s9 =	simm.s32 $0xF880;
	v3 =	vadd.s32 v1, v3  }
0x46a: {  	[tilespmem:s9], [sflag:$0x1] =	stream.indirect_vreg.gather [hbm4b:s4+s2], $0x80, v4, vm0, $0xb8;
	[tilespmem:$0x18080] =	vst v63  }
0x46b: {  	s10 =	simm.s32 $0x10080  }
0x46c: {  	[tilespmem:s10], [sflag:$0x1] =	stream.indirect_vreg.gather [hbm4b:s5+s2], $0x80, v4, vm0, $0xb8;
	[tilespmem:$0x18080] =	vst v63  }
0x46d: {  	s19 =	simm.s32 $0x10880  }
0x46e: {  	[tilespmem:s19], [sflag:$0x1] =	stream.indirect_vreg.gather [hbm4b:s3+s2], $0x80, v3, vm0, $0xb8;
	[tilespmem:$0x18080] =	vst v63  }
0x46f: {  	s20 =	simm.s32 $0x11080  }
0x470: {  	[tilespmem:s20], [sflag:$0x1] =	stream.indirect_vreg.gather [hbm4b:s4+s2], $0x80, v3, vm0, $0xb8;
	[tilespmem:$0x18080] =	vst v63  }
0x471: {  	s1 =	simm.s32 $0x11880  }
0x472: {  	[tilespmem:s1], [sflag:$0x1] =	stream.indirect_vreg.gather [hbm4b:s5+s2], $0x80, v3, vm0, $0xb8;
	[tilespmem:$0x18080] =	vst v63  }
0x473: {  	v3 =	vld [tilespmem:$0x60];
	_ =	sdelay $0x4  }
0x474: {  	v46 =	vshrl.u32 v3, $0x3  }
0x475: {  	v4 =	vmul.u32 $0x30, v46  }
0x476: {  	v3 =	vand.u32 $0x7, v3  }
0x477: {  	v3 =	vor.u32 v3, v4  }
0x478: {  	v4 =	vperm.xlane v3, v0;
	_ =	sdelay $0x1  }
0x479: {  	v4 =	vadd.s32 v1, v4;
	_ =	sdelay $0x3  }
0x47a: {  	s1 =	simm.s32 $0x12080;
	v3 =	vperm.xlane v3, v2  }
0x47b: {  	[tilespmem:s1], [sflag:$0x1] =	stream.indirect_vreg.gather [hbm4b:s3+s2], $0x80, v4, vm0, $0xb8;
	[tilespmem:$0x18080] =	vst v63  }
0x47c: {  	s11 =	simm.s32 $0x12880;
	v3 =	vadd.s32 v1, v3  }
0x47d: {  	[tilespmem:s11], [sflag:$0x1] =	stream.indirect_vreg.gather [hbm4b:s4+s2], $0x80, v4, vm0, $0xb8;
	[tilespmem:$0x18080] =	vst v63  }
0x47e: {  	s12 =	simm.s32 $0x13080  }
0x47f: {  	[tilespmem:s12], [sflag:$0x1] =	stream.indirect_vreg.gather [hbm4b:s5+s2], $0x80, v4, vm0, $0xb8;
	[tilespmem:$0x18080] =	vst v63  }
0x480: {  	s21 =	simm.s32 $0x13880  }
0x481: {  	[tilespmem:s21], [sflag:$0x1] =	stream.indirect_vreg.gather [hbm4b:s3+s2], $0x80, v3, vm0, $0xb8;
	[tilespmem:$0x18080] =	vst v63  }
0x482: {  	s22 =	simm.s32 $0x14080  }
0x483: {  	[tilespmem:s22], [sflag:$0x1] =	stream.indirect_vreg.gather [hbm4b:s4+s2], $0x80, v3, vm0, $0xb8;
	[tilespmem:$0x18080] =	vst v63  }
0x484: {  	s1 =	simm.s32 $0x14880  }
0x485: {  	[tilespmem:s1], [sflag:$0x1] =	stream.indirect_vreg.gather [hbm4b:s5+s2], $0x80, v3, vm0, $0xb8;
	[tilespmem:$0x18080] =	vst v63  }
0x486: {  	v3 =	vld [tilespmem:$0x70];
	_ =	sdelay $0x4  }
0x487: {  	v47 =	vshrl.u32 v3, $0x3  }
0x488: {  	v4 =	vmul.u32 $0x30, v47  }
0x489: {  	v3 =	vand.u32 $0x7, v3  }
0x48a: {  	v3 =	vor.u32 v3, v4  }
0x48b: {  	v4 =	vperm.xlane v3, v0;
	_ =	sdelay $0x1  }
0x48c: {  	v4 =	vadd.s32 v1, v4;
	_ =	sdelay $0x3  }
0x48d: {  	s1 =	simm.s32 $0x15080;
	v3 =	vperm.xlane v3, v2  }
0x48e: {  	[tilespmem:s1], [sflag:$0x1] =	stream.indirect_vreg.gather [hbm4b:s3+s2], $0x80, v4, vm0, $0xb8;
	[tilespmem:$0x18080] =	vst v63  }
0x48f: {  	s13 =	simm.s32 $0x15880;
	v3 =	vadd.s32 v1, v3  }
0x490: {  	[tilespmem:s13], [sflag:$0x1] =	stream.indirect_vreg.gather [hbm4b:s4+s2], $0x80, v4, vm0, $0xb8;
	[tilespmem:$0x18080] =	vst v63  }
0x491: {  	s14 =	simm.s32 $0x16080  }
0x492: {  	[tilespmem:s14], [sflag:$0x1] =	stream.indirect_vreg.gather [hbm4b:s5+s2], $0x80, v4, vm0, $0xb8;
	[tilespmem:$0x18080] =	vst v63  }
0x493: {  	s23 =	simm.s32 $0x16880  }
0x494: {  	[tilespmem:s23], [sflag:$0x1] =	stream.indirect_vreg.gather [hbm4b:s3+s2], $0x80, v3, vm0, $0xb8;
	[tilespmem:$0x18080] =	vst v63  }
0x495: {  	s24 =	simm.s32 $0x17080  }
0x496: {  	[tilespmem:s24], [sflag:$0x1] =	stream.indirect_vreg.gather [hbm4b:s4+s2], $0x80, v3, vm0, $0xb8;
	[tilespmem:$0x18080] =	vst v63  }
0x497: {  	s15 =	simm.s32 $0x17880  }
0x498: {  	[tilespmem:s15], [sflag:$0x1] =	stream.indirect_vreg.gather [hbm4b:s5+s2], $0x80, v3, vm0, $0xb8;
	[tilespmem:$0x18080] =	vst v63  }
0x499: {  	_ =	swait.ge [sflag:s0], $0x18000  }
0x49a: {  	[sflag:s0] =	ssyncset.done $0x0  }
0x49b: {  	s1 =	rddreg [dreg:$0x10];
	[sflag:s0] =	ssyncadd.s32 $0xFFFE8000  }
0x49c: {  	[hbm4b:s1+s2] =	stream.linear.scatter [tilespmem:s8], [sflag:$0x2], $0x18000, $0x38;
	[tilespmem:$0x18080] =	vst v63  }
0x49d: {  	_ =	swait.ge [sflag:s7], $0x18000  }
0x49e: {  	[sflag:s7] =	ssyncset.done $0x0  }
0x49f: {  	s1 =	rddreg [dreg:$0x11];
	[sflag:s7] =	ssyncadd.s32 $0xFFFE8000  }
0x4a0: {  	[tilespmem:s2], [sflag:$0x2] =	stream.linear.gather [hbm4b:s1+s2], $0x80, $0x38;
	[tilespmem:$0x18080] =	vst v63  }
0x4a1: {  	_ =	swait.ge [sflag:s7], $0x80  }
0x4a2: {  	[sflag:s7] =	ssyncset.done $0x0  }
0x4a3: {  	[sflag:s7] =	ssyncadd.s32 $0xFFFFFF80  }
0x4a4: {  	v3 =	vld [tilespmem:$0x0];
	_ =	sdelay $0x4  }
0x4a5: {  	v48 =	vshrl.u32 v3, $0x3  }
0x4a6: {  	v4 =	vmul.u32 $0x30, v48  }
0x4a7: {  	v3 =	vand.u32 $0x7, v3  }
0x4a8: {  	v3 =	vor.u32 v3, v4  }
0x4a9: {  	v4 =	vperm.xlane v3, v0;
	_ =	sdelay $0x1  }
0x4aa: {  	v4 =	vadd.s32 v1, v4;
	_ =	sdelay $0x3  }
0x4ab: {  	v3 =	vperm.xlane v3, v2  }
0x4ac: {  	[tilespmem:s8], [sflag:$0x1] =	stream.indirect_vreg.gather [hbm4b:s3+s2], $0x80, v4, vm0, $0xb8;
	[tilespmem:$0x18080] =	vst v63  }
0x4ad: {  	s1 =	simm.s32 $0x880;
	v3 =	vadd.s32 v1, v3  }
0x4ae: {  	[tilespmem:s1], [sflag:$0x1] =	stream.indirect_vreg.gather [hbm4b:s4+s2], $0x80, v4, vm0, $0xb8;
	[tilespmem:$0x18080] =	vst v63  }
0x4af: {  	s1 =	simm.s32 $0x1080  }
0x4b0: {  	[tilespmem:s1], [sflag:$0x1] =	stream.indirect_vreg.gather [hbm4b:s5+s2], $0x80, v4, vm0, $0xb8;
	[tilespmem:$0x18080] =	vst v63  }
0x4b1: {  	s1 =	simm.s32 $0x1880  }
0x4b2: {  	[tilespmem:s1], [sflag:$0x1] =	stream.indirect_vreg.gather [hbm4b:s3+s2], $0x80, v3, vm0, $0xb8;
	[tilespmem:$0x18080] =	vst v63  }
0x4b3: {  	s1 =	simm.s32 $0x2080  }
0x4b4: {  	[tilespmem:s1], [sflag:$0x1] =	stream.indirect_vreg.gather [hbm4b:s4+s2], $0x80, v3, vm0, $0xb8;
	[tilespmem:$0x18080] =	vst v63  }
0x4b5: {  	s1 =	simm.s32 $0x2880  }
0x4b6: {  	[tilespmem:s1], [sflag:$0x1] =	stream.indirect_vreg.gather [hbm4b:s5+s2], $0x80, v3, vm0, $0xb8;
	[tilespmem:$0x18080] =	vst v63  }
0x4b7: {  	v3 =	vld [tilespmem:$0x10];
	_ =	sdelay $0x4  }
0x4b8: {  	v49 =	vshrl.u32 v3, $0x3  }
0x4b9: {  	v4 =	vmul.u32 $0x30, v49  }
0x4ba: {  	v3 =	vand.u32 $0x7, v3  }
0x4bb: {  	v3 =	vor.u32 v3, v4  }
0x4bc: {  	v4 =	vperm.xlane v3, v0;
	_ =	sdelay $0x1  }
0x4bd: {  	v4 =	vadd.s32 v1, v4;
	_ =	sdelay $0x3  }
0x4be: {  	s1 =	simm.s32 $0x3080;
	v3 =	vperm.xlane v3, v2  }
0x4bf: {  	[tilespmem:s1], [sflag:$0x1] =	stream.indirect_vreg.gather [hbm4b:s3+s2], $0x80, v4, vm0, $0xb8;
	[tilespmem:$0x18080] =	vst v63  }
0x4c0: {  	v3 =	vadd.s32 v1, v3;
	s1 =	simm.s32 $0x3880  }
0x4c1: {  	[tilespmem:s1], [sflag:$0x1] =	stream.indirect_vreg.gather [hbm4b:s4+s2], $0x80, v4, vm0, $0xb8;
	[tilespmem:$0x18080] =	vst v63  }
0x4c2: {  	s31 =	simm.s32 $0x4080  }
0x4c3: {  	[tilespmem:s31], [sflag:$0x1] =	stream.indirect_vreg.gather [hbm4b:s5+s2], $0x80, v4, vm0, $0xb8;
	[tilespmem:$0x18080] =	vst v63  }
0x4c4: {  	s30 =	simm.s32 $0x4880  }
0x4c5: {  	[tilespmem:s30], [sflag:$0x1] =	stream.indirect_vreg.gather [hbm4b:s3+s2], $0x80, v3, vm0, $0xb8;
	[tilespmem:$0x18080] =	vst v63  }
0x4c6: {  	s25 =	simm.s32 $0x5080  }
0x4c7: {  	[tilespmem:s25], [sflag:$0x1] =	stream.indirect_vreg.gather [hbm4b:s4+s2], $0x80, v3, vm0, $0xb8;
	[tilespmem:$0x18080] =	vst v63  }
0x4c8: {  	s30 =	simm.s32 $0x5880  }
0x4c9: {  	[tilespmem:s30], [sflag:$0x1] =	stream.indirect_vreg.gather [hbm4b:s5+s2], $0x80, v3, vm0, $0xb8;
	[tilespmem:$0x18080] =	vst v63  }
0x4ca: {  	v3 =	vld [tilespmem:$0x20];
	_ =	sdelay $0x4  }
0x4cb: {  	v50 =	vshrl.u32 v3, $0x3  }
0x4cc: {  	v4 =	vmul.u32 $0x30, v50  }
0x4cd: {  	v3 =	vand.u32 $0x7, v3  }
0x4ce: {  	v3 =	vor.u32 v3, v4  }
0x4cf: {  	v4 =	vperm.xlane v3, v0;
	_ =	sdelay $0x1  }
0x4d0: {  	v4 =	vadd.s32 v1, v4;
	_ =	sdelay $0x3  }
0x4d1: {  	s30 =	simm.s32 $0x6080;
	v3 =	vperm.xlane v3, v2  }
0x4d2: {  	[tilespmem:s30], [sflag:$0x1] =	stream.indirect_vreg.gather [hbm4b:s3+s2], $0x80, v4, vm0, $0xb8;
	[tilespmem:$0x18080] =	vst v63  }
0x4d3: {  	s26 =	simm.s32 $0x6880;
	v3 =	vadd.s32 v1, v3  }
0x4d4: {  	[tilespmem:s26], [sflag:$0x1] =	stream.indirect_vreg.gather [hbm4b:s4+s2], $0x80, v4, vm0, $0xb8;
	[tilespmem:$0x18080] =	vst v63  }
0x4d5: {  	s28 =	simm.s32 $0x7080  }
0x4d6: {  	[tilespmem:s28], [sflag:$0x1] =	stream.indirect_vreg.gather [hbm4b:s5+s2], $0x80, v4, vm0, $0xb8;
	[tilespmem:$0x18080] =	vst v63  }
0x4d7: {  	s29 =	simm.s32 $0x7880  }
0x4d8: {  	[tilespmem:s29], [sflag:$0x1] =	stream.indirect_vreg.gather [hbm4b:s3+s2], $0x80, v3, vm0, $0xb8;
	[tilespmem:$0x18080] =	vst v63  }
0x4d9: {  	s30 =	simm.s32 $0x8080  }
0x4da: {  	[tilespmem:s30], [sflag:$0x1] =	stream.indirect_vreg.gather [hbm4b:s4+s2], $0x80, v3, vm0, $0xb8;
	[tilespmem:$0x18080] =	vst v63  }
0x4db: {  	s1 =	simm.s32 $0x8880  }
0x4dc: {  	[tilespmem:s1], [sflag:$0x1] =	stream.indirect_vreg.gather [hbm4b:s5+s2], $0x80, v3, vm0, $0xb8;
	[tilespmem:$0x18080] =	vst v63  }
0x4dd: {  	v3 =	vld [tilespmem:$0x30];
	_ =	sdelay $0x4  }
0x4de: {  	v51 =	vshrl.u32 v3, $0x3  }
0x4df: {  	v4 =	vmul.u32 $0x30, v51  }
0x4e0: {  	v3 =	vand.u32 $0x7, v3  }
0x4e1: {  	v3 =	vor.u32 v3, v4  }
0x4e2: {  	v4 =	vperm.xlane v3, v0;
	_ =	sdelay $0x1  }
0x4e3: {  	v4 =	vadd.s32 v1, v4;
	_ =	sdelay $0x3  }
0x4e4: {  	s1 =	simm.s32 $0x9080;
	v3 =	vperm.xlane v3, v2  }
0x4e5: {  	[tilespmem:s1], [sflag:$0x1] =	stream.indirect_vreg.gather [hbm4b:s3+s2], $0x80, v4, vm0, $0xb8;
	[tilespmem:$0x18080] =	vst v63  }
0x4e6: {  	v3 =	vadd.s32 v1, v3;
	s1 =	simm.s32 $0x9880  }
0x4e7: {  	[tilespmem:s1], [sflag:$0x1] =	stream.indirect_vreg.gather [hbm4b:s4+s2], $0x80, v4, vm0, $0xb8;
	[tilespmem:$0x18080] =	vst v63  }
0x4e8: {  	s1 =	simm.s32 $0xA080  }
0x4e9: {  	[tilespmem:s1], [sflag:$0x1] =	stream.indirect_vreg.gather [hbm4b:s5+s2], $0x80, v4, vm0, $0xb8;
	[tilespmem:$0x18080] =	vst v63  }
0x4ea: {  	s1 =	simm.s32 $0xA880  }
0x4eb: {  	[tilespmem:s1], [sflag:$0x1] =	stream.indirect_vreg.gather [hbm4b:s3+s2], $0x80, v3, vm0, $0xb8;
	[tilespmem:$0x18080] =	vst v63  }
0x4ec: {  	s1 =	simm.s32 $0xB080  }
0x4ed: {  	[tilespmem:s1], [sflag:$0x1] =	stream.indirect_vreg.gather [hbm4b:s4+s2], $0x80, v3, vm0, $0xb8;
	[tilespmem:$0x18080] =	vst v63  }
0x4ee: {  	s1 =	simm.s32 $0xB880  }
0x4ef: {  	[tilespmem:s1], [sflag:$0x1] =	stream.indirect_vreg.gather [hbm4b:s5+s2], $0x80, v3, vm0, $0xb8;
	[tilespmem:$0x18080] =	vst v63  }
0x4f0: {  	v3 =	vld [tilespmem:$0x40];
	_ =	sdelay $0x4  }
0x4f1: {  	v52 =	vshrl.u32 v3, $0x3  }
0x4f2: {  	v4 =	vmul.u32 $0x30, v52  }
0x4f3: {  	v3 =	vand.u32 $0x7, v3  }
0x4f4: {  	v3 =	vor.u32 v3, v4  }
0x4f5: {  	v4 =	vperm.xlane v3, v0;
	_ =	sdelay $0x1  }
0x4f6: {  	v4 =	vadd.s32 v1, v4;
	_ =	sdelay $0x3  }
0x4f7: {  	s1 =	simm.s32 $0xC080;
	v3 =	vperm.xlane v3, v2  }
0x4f8: {  	[tilespmem:s1], [sflag:$0x1] =	stream.indirect_vreg.gather [hbm4b:s3+s2], $0x80, v4, vm0, $0xb8;
	[tilespmem:$0x18080] =	vst v63  }
0x4f9: {  	s6 =	simm.s32 $0xC880;
	v3 =	vadd.s32 v1, v3  }
0x4fa: {  	[tilespmem:s6], [sflag:$0x1] =	stream.indirect_vreg.gather [hbm4b:s4+s2], $0x80, v4, vm0, $0xb8;
	[tilespmem:$0x18080] =	vst v63  }
0x4fb: {  	s16 =	simm.s32 $0xD080  }
0x4fc: {  	[tilespmem:s16], [sflag:$0x1] =	stream.indirect_vreg.gather [hbm4b:s5+s2], $0x80, v4, vm0, $0xb8;
	[tilespmem:$0x18080] =	vst v63  }
0x4fd: {  	s17 =	simm.s32 $0xD880  }
0x4fe: {  	[tilespmem:s17], [sflag:$0x1] =	stream.indirect_vreg.gather [hbm4b:s3+s2], $0x80, v3, vm0, $0xb8;
	[tilespmem:$0x18080] =	vst v63  }
0x4ff: {  	s18 =	simm.s32 $0xE080  }
0x500: {  	[tilespmem:s18], [sflag:$0x1] =	stream.indirect_vreg.gather [hbm4b:s4+s2], $0x80, v3, vm0, $0xb8;
	[tilespmem:$0x18080] =	vst v63  }
0x501: {  	s1 =	simm.s32 $0xE880  }
0x502: {  	[tilespmem:s1], [sflag:$0x1] =	stream.indirect_vreg.gather [hbm4b:s5+s2], $0x80, v3, vm0, $0xb8;
	[tilespmem:$0x18080] =	vst v63  }
0x503: {  	v3 =	vld [tilespmem:$0x50];
	_ =	sdelay $0x4  }
0x504: {  	v53 =	vshrl.u32 v3, $0x3  }
0x505: {  	v4 =	vmul.u32 $0x30, v53  }
0x506: {  	v3 =	vand.u32 $0x7, v3  }
0x507: {  	v3 =	vor.u32 v3, v4  }
0x508: {  	v4 =	vperm.xlane v3, v0;
	_ =	sdelay $0x1  }
0x509: {  	v4 =	vadd.s32 v1, v4;
	_ =	sdelay $0x3  }
0x50a: {  	s1 =	simm.s32 $0xF080;
	v3 =	vperm.xlane v3, v2  }
0x50b: {  	[tilespmem:s1], [sflag:$0x1] =	stream.indirect_vreg.gather [hbm4b:s3+s2], $0x80, v4, vm0, $0xb8;
	[tilespmem:$0x18080] =	vst v63  }
0x50c: {  	s9 =	simm.s32 $0xF880;
	v3 =	vadd.s32 v1, v3  }
0x50d: {  	[tilespmem:s9], [sflag:$0x1] =	stream.indirect_vreg.gather [hbm4b:s4+s2], $0x80, v4, vm0, $0xb8;
	[tilespmem:$0x18080] =	vst v63  }
0x50e: {  	s10 =	simm.s32 $0x10080  }
0x50f: {  	[tilespmem:s10], [sflag:$0x1] =	stream.indirect_vreg.gather [hbm4b:s5+s2], $0x80, v4, vm0, $0xb8;
	[tilespmem:$0x18080] =	vst v63  }
0x510: {  	s19 =	simm.s32 $0x10880  }
0x511: {  	[tilespmem:s19], [sflag:$0x1] =	stream.indirect_vreg.gather [hbm4b:s3+s2], $0x80, v3, vm0, $0xb8;
	[tilespmem:$0x18080] =	vst v63  }
0x512: {  	s20 =	simm.s32 $0x11080  }
0x513: {  	[tilespmem:s20], [sflag:$0x1] =	stream.indirect_vreg.gather [hbm4b:s4+s2], $0x80, v3, vm0, $0xb8;
	[tilespmem:$0x18080] =	vst v63  }
0x514: {  	s1 =	simm.s32 $0x11880  }
0x515: {  	[tilespmem:s1], [sflag:$0x1] =	stream.indirect_vreg.gather [hbm4b:s5+s2], $0x80, v3, vm0, $0xb8;
	[tilespmem:$0x18080] =	vst v63  }
0x516: {  	v3 =	vld [tilespmem:$0x60];
	_ =	sdelay $0x4  }
0x517: {  	v54 =	vshrl.u32 v3, $0x3  }
0x518: {  	v4 =	vmul.u32 $0x30, v54  }
0x519: {  	v3 =	vand.u32 $0x7, v3  }
0x51a: {  	v3 =	vor.u32 v3, v4  }
0x51b: {  	v4 =	vperm.xlane v3, v0;
	_ =	sdelay $0x1  }
0x51c: {  	v4 =	vadd.s32 v1, v4;
	_ =	sdelay $0x3  }
0x51d: {  	s1 =	simm.s32 $0x12080;
	v3 =	vperm.xlane v3, v2  }
0x51e: {  	[tilespmem:s1], [sflag:$0x1] =	stream.indirect_vreg.gather [hbm4b:s3+s2], $0x80, v4, vm0, $0xb8;
	[tilespmem:$0x18080] =	vst v63  }
0x51f: {  	s11 =	simm.s32 $0x12880;
	v3 =	vadd.s32 v1, v3  }
0x520: {  	[tilespmem:s11], [sflag:$0x1] =	stream.indirect_vreg.gather [hbm4b:s4+s2], $0x80, v4, vm0, $0xb8;
	[tilespmem:$0x18080] =	vst v63  }
0x521: {  	s12 =	simm.s32 $0x13080  }
0x522: {  	[tilespmem:s12], [sflag:$0x1] =	stream.indirect_vreg.gather [hbm4b:s5+s2], $0x80, v4, vm0, $0xb8;
	[tilespmem:$0x18080] =	vst v63  }
0x523: {  	s21 =	simm.s32 $0x13880  }
0x524: {  	[tilespmem:s21], [sflag:$0x1] =	stream.indirect_vreg.gather [hbm4b:s3+s2], $0x80, v3, vm0, $0xb8;
	[tilespmem:$0x18080] =	vst v63  }
0x525: {  	s22 =	simm.s32 $0x14080  }
0x526: {  	[tilespmem:s22], [sflag:$0x1] =	stream.indirect_vreg.gather [hbm4b:s4+s2], $0x80, v3, vm0, $0xb8;
	[tilespmem:$0x18080] =	vst v63  }
0x527: {  	s1 =	simm.s32 $0x14880  }
0x528: {  	[tilespmem:s1], [sflag:$0x1] =	stream.indirect_vreg.gather [hbm4b:s5+s2], $0x80, v3, vm0, $0xb8;
	[tilespmem:$0x18080] =	vst v63  }
0x529: {  	v3 =	vld [tilespmem:$0x70];
	_ =	sdelay $0x4  }
0x52a: {  	v55 =	vshrl.u32 v3, $0x3  }
0x52b: {  	v4 =	vmul.u32 $0x30, v55  }
0x52c: {  	v3 =	vand.u32 $0x7, v3  }
0x52d: {  	v3 =	vor.u32 v3, v4  }
0x52e: {  	v4 =	vperm.xlane v3, v0;
	_ =	sdelay $0x1  }
0x52f: {  	v4 =	vadd.s32 v1, v4;
	_ =	sdelay $0x3  }
0x530: {  	s1 =	simm.s32 $0x15080;
	v3 =	vperm.xlane v3, v2  }
0x531: {  	[tilespmem:s1], [sflag:$0x1] =	stream.indirect_vreg.gather [hbm4b:s3+s2], $0x80, v4, vm0, $0xb8;
	[tilespmem:$0x18080] =	vst v63  }
0x532: {  	s13 =	simm.s32 $0x15880;
	v3 =	vadd.s32 v1, v3  }
0x533: {  	[tilespmem:s13], [sflag:$0x1] =	stream.indirect_vreg.gather [hbm4b:s4+s2], $0x80, v4, vm0, $0xb8;
	[tilespmem:$0x18080] =	vst v63  }
0x534: {  	s14 =	simm.s32 $0x16080  }
0x535: {  	[tilespmem:s14], [sflag:$0x1] =	stream.indirect_vreg.gather [hbm4b:s5+s2], $0x80, v4, vm0, $0xb8;
	[tilespmem:$0x18080] =	vst v63  }
0x536: {  	s23 =	simm.s32 $0x16880  }
0x537: {  	[tilespmem:s23], [sflag:$0x1] =	stream.indirect_vreg.gather [hbm4b:s3+s2], $0x80, v3, vm0, $0xb8;
	[tilespmem:$0x18080] =	vst v63  }
0x538: {  	s24 =	simm.s32 $0x17080  }
0x539: {  	[tilespmem:s24], [sflag:$0x1] =	stream.indirect_vreg.gather [hbm4b:s4+s2], $0x80, v3, vm0, $0xb8;
	[tilespmem:$0x18080] =	vst v63  }
0x53a: {  	s15 =	simm.s32 $0x17880  }
0x53b: {  	[tilespmem:s15], [sflag:$0x1] =	stream.indirect_vreg.gather [hbm4b:s5+s2], $0x80, v3, vm0, $0xb8;
	[tilespmem:$0x18080] =	vst v63  }
0x53c: {  	_ =	swait.ge [sflag:s0], $0x18000  }
0x53d: {  	[sflag:s0] =	ssyncset.done $0x0  }
0x53e: {  	s1 =	rddreg [dreg:$0x12];
	[sflag:s0] =	ssyncadd.s32 $0xFFFE8000  }
0x53f: {  	[hbm4b:s1+s2] =	stream.linear.scatter [tilespmem:s8], [sflag:$0x2], $0x18000, $0x38;
	[tilespmem:$0x18080] =	vst v63  }
0x540: {  	_ =	swait.ge [sflag:s7], $0x18000  }
0x541: {  	[sflag:s7] =	ssyncset.done $0x0  }
0x542: {  	s1 =	rddreg [dreg:$0x13];
	[sflag:s7] =	ssyncadd.s32 $0xFFFE8000  }
0x543: {  	[tilespmem:s2], [sflag:$0x2] =	stream.linear.gather [hbm4b:s1+s2], $0x80, $0x38;
	[tilespmem:$0x18080] =	vst v63  }
0x544: {  	_ =	swait.ge [sflag:s7], $0x80  }
0x545: {  	[sflag:s7] =	ssyncset.done $0x0  }
0x546: {  	[sflag:s7] =	ssyncadd.s32 $0xFFFFFF80  }
0x547: {  	v3 =	vld [tilespmem:$0x0];
	_ =	sdelay $0x4  }
0x548: {  	v56 =	vshrl.u32 v3, $0x3  }
0x549: {  	v4 =	vmul.u32 $0x30, v56  }
0x54a: {  	v3 =	vand.u32 $0x7, v3  }
0x54b: {  	v3 =	vor.u32 v3, v4  }
0x54c: {  	v4 =	vperm.xlane v3, v0;
	_ =	sdelay $0x1  }
0x54d: {  	v4 =	vadd.s32 v1, v4;
	_ =	sdelay $0x3  }
0x54e: {  	v3 =	vperm.xlane v3, v2  }
0x54f: {  	[tilespmem:s8], [sflag:$0x1] =	stream.indirect_vreg.gather [hbm4b:s3+s2], $0x80, v4, vm0, $0xb8;
	[tilespmem:$0x18080] =	vst v63  }
0x550: {  	s1 =	simm.s32 $0x880;
	v3 =	vadd.s32 v1, v3  }
0x551: {  	[tilespmem:s1], [sflag:$0x1] =	stream.indirect_vreg.gather [hbm4b:s4+s2], $0x80, v4, vm0, $0xb8;
	[tilespmem:$0x18080] =	vst v63  }
0x552: {  	s1 =	simm.s32 $0x1080  }
0x553: {  	[tilespmem:s1], [sflag:$0x1] =	stream.indirect_vreg.gather [hbm4b:s5+s2], $0x80, v4, vm0, $0xb8;
	[tilespmem:$0x18080] =	vst v63  }
0x554: {  	s1 =	simm.s32 $0x1880  }
0x555: {  	[tilespmem:s1], [sflag:$0x1] =	stream.indirect_vreg.gather [hbm4b:s3+s2], $0x80, v3, vm0, $0xb8;
	[tilespmem:$0x18080] =	vst v63  }
0x556: {  	s1 =	simm.s32 $0x2080  }
0x557: {  	[tilespmem:s1], [sflag:$0x1] =	stream.indirect_vreg.gather [hbm4b:s4+s2], $0x80, v3, vm0, $0xb8;
	[tilespmem:$0x18080] =	vst v63  }
0x558: {  	s1 =	simm.s32 $0x2880  }
0x559: {  	[tilespmem:s1], [sflag:$0x1] =	stream.indirect_vreg.gather [hbm4b:s5+s2], $0x80, v3, vm0, $0xb8;
	[tilespmem:$0x18080] =	vst v63  }
0x55a: {  	v3 =	vld [tilespmem:$0x10];
	_ =	sdelay $0x4  }
0x55b: {  	v57 =	vshrl.u32 v3, $0x3  }
0x55c: {  	v4 =	vmul.u32 $0x30, v57  }
0x55d: {  	v3 =	vand.u32 $0x7, v3  }
0x55e: {  	v3 =	vor.u32 v3, v4  }
0x55f: {  	v4 =	vperm.xlane v3, v0;
	_ =	sdelay $0x1  }
0x560: {  	v4 =	vadd.s32 v1, v4;
	_ =	sdelay $0x3  }
0x561: {  	s1 =	simm.s32 $0x3080;
	v3 =	vperm.xlane v3, v2  }
0x562: {  	[tilespmem:s1], [sflag:$0x1] =	stream.indirect_vreg.gather [hbm4b:s3+s2], $0x80, v4, vm0, $0xb8;
	[tilespmem:$0x18080] =	vst v63  }
0x563: {  	v3 =	vadd.s32 v1, v3;
	s1 =	simm.s32 $0x3880  }
0x564: {  	[tilespmem:s1], [sflag:$0x1] =	stream.indirect_vreg.gather [hbm4b:s4+s2], $0x80, v4, vm0, $0xb8;
	[tilespmem:$0x18080] =	vst v63  }
0x565: {  	s1 =	simm.s32 $0x4080  }
0x566: {  	[tilespmem:s1], [sflag:$0x1] =	stream.indirect_vreg.gather [hbm4b:s5+s2], $0x80, v4, vm0, $0xb8;
	[tilespmem:$0x18080] =	vst v63  }
0x567: {  	s31 =	simm.s32 $0x4880  }
0x568: {  	[tilespmem:s31], [sflag:$0x1] =	stream.indirect_vreg.gather [hbm4b:s3+s2], $0x80, v3, vm0, $0xb8;
	[tilespmem:$0x18080] =	vst v63  }
0x569: {  	s25 =	simm.s32 $0x5080  }
0x56a: {  	[tilespmem:s25], [sflag:$0x1] =	stream.indirect_vreg.gather [hbm4b:s4+s2], $0x80, v3, vm0, $0xb8;
	[tilespmem:$0x18080] =	vst v63  }
0x56b: {  	s1 =	simm.s32 $0x5880  }
0x56c: {  	[tilespmem:s1], [sflag:$0x1] =	stream.indirect_vreg.gather [hbm4b:s5+s2], $0x80, v3, vm0, $0xb8;
	[tilespmem:$0x18080] =	vst v63  }
0x56d: {  	v3 =	vld [tilespmem:$0x20];
	_ =	sdelay $0x4  }
0x56e: {  	v58 =	vshrl.u32 v3, $0x3  }
0x56f: {  	v4 =	vmul.u32 $0x30, v58  }
0x570: {  	v3 =	vand.u32 $0x7, v3  }
0x571: {  	v3 =	vor.u32 v3, v4  }
0x572: {  	v4 =	vperm.xlane v3, v0;
	_ =	sdelay $0x1  }
0x573: {  	v4 =	vadd.s32 v1, v4;
	_ =	sdelay $0x3  }
0x574: {  	s1 =	simm.s32 $0x6080;
	v3 =	vperm.xlane v3, v2  }
0x575: {  	[tilespmem:s1], [sflag:$0x1] =	stream.indirect_vreg.gather [hbm4b:s3+s2], $0x80, v4, vm0, $0xb8;
	[tilespmem:$0x18080] =	vst v63  }
0x576: {  	s26 =	simm.s32 $0x6880;
	v3 =	vadd.s32 v1, v3  }
0x577: {  	[tilespmem:s26], [sflag:$0x1] =	stream.indirect_vreg.gather [hbm4b:s4+s2], $0x80, v4, vm0, $0xb8;
	[tilespmem:$0x18080] =	vst v63  }
0x578: {  	s28 =	simm.s32 $0x7080  }
0x579: {  	[tilespmem:s28], [sflag:$0x1] =	stream.indirect_vreg.gather [hbm4b:s5+s2], $0x80, v4, vm0, $0xb8;
	[tilespmem:$0x18080] =	vst v63  }
0x57a: {  	s29 =	simm.s32 $0x7880  }
0x57b: {  	[tilespmem:s29], [sflag:$0x1] =	stream.indirect_vreg.gather [hbm4b:s3+s2], $0x80, v3, vm0, $0xb8;
	[tilespmem:$0x18080] =	vst v63  }
0x57c: {  	s30 =	simm.s32 $0x8080  }
0x57d: {  	[tilespmem:s30], [sflag:$0x1] =	stream.indirect_vreg.gather [hbm4b:s4+s2], $0x80, v3, vm0, $0xb8;
	[tilespmem:$0x18080] =	vst v63  }
0x57e: {  	s1 =	simm.s32 $0x8880  }
0x57f: {  	[tilespmem:s1], [sflag:$0x1] =	stream.indirect_vreg.gather [hbm4b:s5+s2], $0x80, v3, vm0, $0xb8;
	[tilespmem:$0x18080] =	vst v63  }
0x580: {  	v3 =	vld [tilespmem:$0x30];
	_ =	sdelay $0x4  }
0x581: {  	v59 =	vshrl.u32 v3, $0x3  }
0x582: {  	v4 =	vmul.u32 $0x30, v59  }
0x583: {  	v3 =	vand.u32 $0x7, v3  }
0x584: {  	v3 =	vor.u32 v3, v4  }
0x585: {  	v4 =	vperm.xlane v3, v0;
	_ =	sdelay $0x1  }
0x586: {  	v4 =	vadd.s32 v1, v4;
	_ =	sdelay $0x3  }
0x587: {  	s1 =	simm.s32 $0x9080;
	v3 =	vperm.xlane v3, v2  }
0x588: {  	[tilespmem:s1], [sflag:$0x1] =	stream.indirect_vreg.gather [hbm4b:s3+s2], $0x80, v4, vm0, $0xb8;
	[tilespmem:$0x18080] =	vst v63  }
0x589: {  	v3 =	vadd.s32 v1, v3;
	s1 =	simm.s32 $0x9880  }
0x58a: {  	[tilespmem:s1], [sflag:$0x1] =	stream.indirect_vreg.gather [hbm4b:s4+s2], $0x80, v4, vm0, $0xb8;
	[tilespmem:$0x18080] =	vst v63  }
0x58b: {  	s1 =	simm.s32 $0xA080  }
0x58c: {  	[tilespmem:s1], [sflag:$0x1] =	stream.indirect_vreg.gather [hbm4b:s5+s2], $0x80, v4, vm0, $0xb8;
	[tilespmem:$0x18080] =	vst v63  }
0x58d: {  	s1 =	simm.s32 $0xA880  }
0x58e: {  	[tilespmem:s1], [sflag:$0x1] =	stream.indirect_vreg.gather [hbm4b:s3+s2], $0x80, v3, vm0, $0xb8;
	[tilespmem:$0x18080] =	vst v63  }
0x58f: {  	s1 =	simm.s32 $0xB080  }
0x590: {  	[tilespmem:s1], [sflag:$0x1] =	stream.indirect_vreg.gather [hbm4b:s4+s2], $0x80, v3, vm0, $0xb8;
	[tilespmem:$0x18080] =	vst v63  }
0x591: {  	s1 =	simm.s32 $0xB880  }
0x592: {  	[tilespmem:s1], [sflag:$0x1] =	stream.indirect_vreg.gather [hbm4b:s5+s2], $0x80, v3, vm0, $0xb8;
	[tilespmem:$0x18080] =	vst v63  }
0x593: {  	v3 =	vld [tilespmem:$0x40];
	_ =	sdelay $0x4  }
0x594: {  	v60 =	vshrl.u32 v3, $0x3  }
0x595: {  	v4 =	vmul.u32 $0x30, v60  }
0x596: {  	v3 =	vand.u32 $0x7, v3  }
0x597: {  	v3 =	vor.u32 v3, v4  }
0x598: {  	v4 =	vperm.xlane v3, v0;
	_ =	sdelay $0x1  }
0x599: {  	v4 =	vadd.s32 v1, v4;
	_ =	sdelay $0x3  }
0x59a: {  	s1 =	simm.s32 $0xC080;
	v3 =	vperm.xlane v3, v2  }
0x59b: {  	[tilespmem:s1], [sflag:$0x1] =	stream.indirect_vreg.gather [hbm4b:s3+s2], $0x80, v4, vm0, $0xb8;
	[tilespmem:$0x18080] =	vst v63  }
0x59c: {  	s6 =	simm.s32 $0xC880;
	v3 =	vadd.s32 v1, v3  }
0x59d: {  	[tilespmem:s6], [sflag:$0x1] =	stream.indirect_vreg.gather [hbm4b:s4+s2], $0x80, v4, vm0, $0xb8;
	[tilespmem:$0x18080] =	vst v63  }
0x59e: {  	s16 =	simm.s32 $0xD080  }
0x59f: {  	[tilespmem:s16], [sflag:$0x1] =	stream.indirect_vreg.gather [hbm4b:s5+s2], $0x80, v4, vm0, $0xb8;
	[tilespmem:$0x18080] =	vst v63  }
0x5a0: {  	s17 =	simm.s32 $0xD880  }
0x5a1: {  	[tilespmem:s17], [sflag:$0x1] =	stream.indirect_vreg.gather [hbm4b:s3+s2], $0x80, v3, vm0, $0xb8;
	[tilespmem:$0x18080] =	vst v63  }
0x5a2: {  	s18 =	simm.s32 $0xE080  }
0x5a3: {  	[tilespmem:s18], [sflag:$0x1] =	stream.indirect_vreg.gather [hbm4b:s4+s2], $0x80, v3, vm0, $0xb8;
	[tilespmem:$0x18080] =	vst v63  }
0x5a4: {  	s1 =	simm.s32 $0xE880  }
0x5a5: {  	[tilespmem:s1], [sflag:$0x1] =	stream.indirect_vreg.gather [hbm4b:s5+s2], $0x80, v3, vm0, $0xb8;
	[tilespmem:$0x18080] =	vst v63  }
0x5a6: {  	v3 =	vld [tilespmem:$0x50];
	_ =	sdelay $0x4  }
0x5a7: {  	v61 =	vshrl.u32 v3, $0x3  }
0x5a8: {  	v4 =	vmul.u32 $0x30, v61  }
0x5a9: {  	v3 =	vand.u32 $0x7, v3  }
0x5aa: {  	v3 =	vor.u32 v3, v4  }
0x5ab: {  	v4 =	vperm.xlane v3, v0;
	_ =	sdelay $0x1  }
0x5ac: {  	v4 =	vadd.s32 v1, v4;
	_ =	sdelay $0x3  }
0x5ad: {  	s1 =	simm.s32 $0xF080;
	v3 =	vperm.xlane v3, v2  }
0x5ae: {  	[tilespmem:s1], [sflag:$0x1] =	stream.indirect_vreg.gather [hbm4b:s3+s2], $0x80, v4, vm0, $0xb8;
	[tilespmem:$0x18080] =	vst v63  }
0x5af: {  	s9 =	simm.s32 $0xF880;
	v3 =	vadd.s32 v1, v3  }
0x5b0: {  	[tilespmem:s9], [sflag:$0x1] =	stream.indirect_vreg.gather [hbm4b:s4+s2], $0x80, v4, vm0, $0xb8;
	[tilespmem:$0x18080] =	vst v63  }
0x5b1: {  	s10 =	simm.s32 $0x10080  }
0x5b2: {  	[tilespmem:s10], [sflag:$0x1] =	stream.indirect_vreg.gather [hbm4b:s5+s2], $0x80, v4, vm0, $0xb8;
	[tilespmem:$0x18080] =	vst v63  }
0x5b3: {  	s19 =	simm.s32 $0x10880  }
0x5b4: {  	[tilespmem:s19], [sflag:$0x1] =	stream.indirect_vreg.gather [hbm4b:s3+s2], $0x80, v3, vm0, $0xb8;
	[tilespmem:$0x18080] =	vst v63  }
0x5b5: {  	s20 =	simm.s32 $0x11080  }
0x5b6: {  	[tilespmem:s20], [sflag:$0x1] =	stream.indirect_vreg.gather [hbm4b:s4+s2], $0x80, v3, vm0, $0xb8;
	[tilespmem:$0x18080] =	vst v63  }
0x5b7: {  	s1 =	simm.s32 $0x11880  }
0x5b8: {  	[tilespmem:s1], [sflag:$0x1] =	stream.indirect_vreg.gather [hbm4b:s5+s2], $0x80, v3, vm0, $0xb8;
	[tilespmem:$0x18080] =	vst v63  }
0x5b9: {  	v3 =	vld [tilespmem:$0x60];
	_ =	sdelay $0x4  }
0x5ba: {  	v62 =	vshrl.u32 v3, $0x3  }
0x5bb: {  	v4 =	vmul.u32 $0x30, v62  }
0x5bc: {  	v3 =	vand.u32 $0x7, v3  }
0x5bd: {  	v3 =	vor.u32 v3, v4  }
0x5be: {  	v4 =	vperm.xlane v3, v0;
	_ =	sdelay $0x1  }
0x5bf: {  	v4 =	vadd.s32 v1, v4;
	_ =	sdelay $0x3  }
0x5c0: {  	s1 =	simm.s32 $0x12080;
	v3 =	vperm.xlane v3, v2  }
0x5c1: {  	[tilespmem:s1], [sflag:$0x1] =	stream.indirect_vreg.gather [hbm4b:s3+s2], $0x80, v4, vm0, $0xb8;
	[tilespmem:$0x18080] =	vst v63  }
0x5c2: {  	s11 =	simm.s32 $0x12880;
	v3 =	vadd.s32 v1, v3  }
0x5c3: {  	[tilespmem:s11], [sflag:$0x1] =	stream.indirect_vreg.gather [hbm4b:s4+s2], $0x80, v4, vm0, $0xb8;
	[tilespmem:$0x18080] =	vst v63  }
0x5c4: {  	s12 =	simm.s32 $0x13080  }
0x5c5: {  	[tilespmem:s12], [sflag:$0x1] =	stream.indirect_vreg.gather [hbm4b:s5+s2], $0x80, v4, vm0, $0xb8;
	[tilespmem:$0x18080] =	vst v63  }
0x5c6: {  	s21 =	simm.s32 $0x13880  }
0x5c7: {  	[tilespmem:s21], [sflag:$0x1] =	stream.indirect_vreg.gather [hbm4b:s3+s2], $0x80, v3, vm0, $0xb8;
	[tilespmem:$0x18080] =	vst v63  }
0x5c8: {  	s22 =	simm.s32 $0x14080  }
0x5c9: {  	[tilespmem:s22], [sflag:$0x1] =	stream.indirect_vreg.gather [hbm4b:s4+s2], $0x80, v3, vm0, $0xb8;
	[tilespmem:$0x18080] =	vst v63  }
0x5ca: {  	s1 =	simm.s32 $0x14880  }
0x5cb: {  	[tilespmem:s1], [sflag:$0x1] =	stream.indirect_vreg.gather [hbm4b:s5+s2], $0x80, v3, vm0, $0xb8;
	[tilespmem:$0x18080] =	vst v63  }
0x5cc: {  	v3 =	vld [tilespmem:$0x70];
	_ =	sdelay $0x4  }
0x5cd: {  	v63 =	vshrl.u32 v3, $0x3  }
0x5ce: {  	v4 =	vmul.u32 $0x30, v63  }
0x5cf: {  	v3 =	vand.u32 $0x7, v3  }
0x5d0: {  	v3 =	vor.u32 v3, v4  }
0x5d1: {  	v4 =	vperm.xlane v3, v0;
	_ =	sdelay $0x1  }
0x5d2: {  	v4 =	vadd.s32 v1, v4;
	_ =	sdelay $0x3  }
0x5d3: {  	s1 =	simm.s32 $0x15080;
	v3 =	vperm.xlane v3, v2  }
0x5d4: {  	[tilespmem:s1], [sflag:$0x1] =	stream.indirect_vreg.gather [hbm4b:s3+s2], $0x80, v4, vm0, $0xb8;
	[tilespmem:$0x18080] =	vst v63  }
0x5d5: {  	s13 =	simm.s32 $0x15880;
	v3 =	vadd.s32 v1, v3  }
0x5d6: {  	[tilespmem:s13], [sflag:$0x1] =	stream.indirect_vreg.gather [hbm4b:s4+s2], $0x80, v4, vm0, $0xb8;
	[tilespmem:$0x18080] =	vst v63  }
0x5d7: {  	s14 =	simm.s32 $0x16080  }
0x5d8: {  	[tilespmem:s14], [sflag:$0x1] =	stream.indirect_vreg.gather [hbm4b:s5+s2], $0x80, v4, vm0, $0xb8;
	[tilespmem:$0x18080] =	vst v63  }
0x5d9: {  	s23 =	simm.s32 $0x16880  }
0x5da: {  	[tilespmem:s23], [sflag:$0x1] =	stream.indirect_vreg.gather [hbm4b:s3+s2], $0x80, v3, vm0, $0xb8;
	[tilespmem:$0x18080] =	vst v63  }
0x5db: {  	s24 =	simm.s32 $0x17080  }
0x5dc: {  	[tilespmem:s24], [sflag:$0x1] =	stream.indirect_vreg.gather [hbm4b:s4+s2], $0x80, v3, vm0, $0xb8;
	[tilespmem:$0x18080] =	vst v63  }
0x5dd: {  	s15 =	simm.s32 $0x17880  }
0x5de: {  	[tilespmem:s15], [sflag:$0x1] =	stream.indirect_vreg.gather [hbm4b:s5+s2], $0x80, v3, vm0, $0xb8;
	[tilespmem:$0x18080] =	vst v63  }
0x5df: {  	_ =	swait.ge [sflag:s0], $0x18000  }
0x5e0: {  	[sflag:s0] =	ssyncset.done $0x0  }
0x5e1: {  	s1 =	rddreg [dreg:$0x14];
	[sflag:s0] =	ssyncadd.s32 $0xFFFE8000  }
0x5e2: {  	[hbm4b:s1+s2] =	stream.linear.scatter [tilespmem:s8], [sflag:$0x2], $0x18000, $0x38;
	[tilespmem:$0x18080] =	vst v63  }
0x5e3: {  	_ =	swait.ge [sflag:s7], $0x18000  }
0x5e4: {  	[sflag:s7] =	ssyncset.done $0x0  }
0x5e5: {  	s1 =	rddreg [dreg:$0x15];
	[sflag:s7] =	ssyncadd.s32 $0xFFFE8000  }
0x5e6: {  	[tilespmem:s2], [sflag:$0x2] =	stream.linear.gather [hbm4b:s1+s2], $0x80, $0x38;
	[tilespmem:$0x18080] =	vst v63  }
0x5e7: {  	_ =	swait.ge [sflag:s7], $0x80  }
0x5e8: {  	[sflag:s7] =	ssyncset.done $0x0  }
0x5e9: {  	[sflag:s7] =	ssyncadd.s32 $0xFFFFFF80  }
0x5ea: {  	v3 =	vld [tilespmem:$0x0];
	_ =	sdelay $0x4  }
0x5eb: {  	v8 =	vshrl.u32 v3, $0x3  }
0x5ec: {  	v4 =	vmul.u32 $0x30, v8  }
0x5ed: {  	v3 =	vand.u32 $0x7, v3  }
0x5ee: {  	v3 =	vor.u32 v3, v4  }
0x5ef: {  	v4 =	vperm.xlane v3, v0;
	_ =	sdelay $0x1  }
0x5f0: {  	v4 =	vadd.s32 v1, v4;
	_ =	sdelay $0x3  }
0x5f1: {  	v3 =	vperm.xlane v3, v2  }
0x5f2: {  	[tilespmem:s8], [sflag:$0x1] =	stream.indirect_vreg.gather [hbm4b:s3+s2], $0x80, v4, vm0, $0xb8;
	[tilespmem:$0x18080] =	vst v63  }
0x5f3: {  	s1 =	simm.s32 $0x880;
	v3 =	vadd.s32 v1, v3  }
0x5f4: {  	[tilespmem:s1], [sflag:$0x1] =	stream.indirect_vreg.gather [hbm4b:s4+s2], $0x80, v4, vm0, $0xb8;
	[tilespmem:$0x18080] =	vst v63  }
0x5f5: {  	s1 =	simm.s32 $0x1080  }
0x5f6: {  	[tilespmem:s1], [sflag:$0x1] =	stream.indirect_vreg.gather [hbm4b:s5+s2], $0x80, v4, vm0, $0xb8;
	[tilespmem:$0x18080] =	vst v63  }
0x5f7: {  	s1 =	simm.s32 $0x1880  }
0x5f8: {  	[tilespmem:s1], [sflag:$0x1] =	stream.indirect_vreg.gather [hbm4b:s3+s2], $0x80, v3, vm0, $0xb8;
	[tilespmem:$0x18080] =	vst v63  }
0x5f9: {  	s1 =	simm.s32 $0x2080  }
0x5fa: {  	[tilespmem:s1], [sflag:$0x1] =	stream.indirect_vreg.gather [hbm4b:s4+s2], $0x80, v3, vm0, $0xb8;
	[tilespmem:$0x18080] =	vst v63  }
0x5fb: {  	s1 =	simm.s32 $0x2880  }
0x5fc: {  	[tilespmem:s1], [sflag:$0x1] =	stream.indirect_vreg.gather [hbm4b:s5+s2], $0x80, v3, vm0, $0xb8;
	[tilespmem:$0x18080] =	vst v63  }
0x5fd: {  	v3 =	vld [tilespmem:$0x10];
	_ =	sdelay $0x4  }
0x5fe: {  	v9 =	vshrl.u32 v3, $0x3  }
0x5ff: {  	v4 =	vmul.u32 $0x30, v9  }
0x600: {  	v3 =	vand.u32 $0x7, v3  }
0x601: {  	v3 =	vor.u32 v3, v4  }
0x602: {  	v4 =	vperm.xlane v3, v0;
	_ =	sdelay $0x1  }
0x603: {  	v4 =	vadd.s32 v1, v4;
	_ =	sdelay $0x3  }
0x604: {  	s1 =	simm.s32 $0x3080;
	v3 =	vperm.xlane v3, v2  }
0x605: {  	[tilespmem:s1], [sflag:$0x1] =	stream.indirect_vreg.gather [hbm4b:s3+s2], $0x80, v4, vm0, $0xb8;
	[tilespmem:$0x18080] =	vst v63  }
0x606: {  	v3 =	vadd.s32 v1, v3;
	s1 =	simm.s32 $0x3880  }
0x607: {  	[tilespmem:s1], [sflag:$0x1] =	stream.indirect_vreg.gather [hbm4b:s4+s2], $0x80, v4, vm0, $0xb8;
	[tilespmem:$0x18080] =	vst v63  }
0x608: {  	s1 =	simm.s32 $0x4080  }
0x609: {  	[tilespmem:s1], [sflag:$0x1] =	stream.indirect_vreg.gather [hbm4b:s5+s2], $0x80, v4, vm0, $0xb8;
	[tilespmem:$0x18080] =	vst v63  }
0x60a: {  	s31 =	simm.s32 $0x4880  }
0x60b: {  	[tilespmem:s31], [sflag:$0x1] =	stream.indirect_vreg.gather [hbm4b:s3+s2], $0x80, v3, vm0, $0xb8;
	[tilespmem:$0x18080] =	vst v63  }
0x60c: {  	s25 =	simm.s32 $0x5080  }
0x60d: {  	[tilespmem:s25], [sflag:$0x1] =	stream.indirect_vreg.gather [hbm4b:s4+s2], $0x80, v3, vm0, $0xb8;
	[tilespmem:$0x18080] =	vst v63  }
0x60e: {  	s1 =	simm.s32 $0x5880  }
0x60f: {  	[tilespmem:s1], [sflag:$0x1] =	stream.indirect_vreg.gather [hbm4b:s5+s2], $0x80, v3, vm0, $0xb8;
	[tilespmem:$0x18080] =	vst v63  }
0x610: {  	v3 =	vld [tilespmem:$0x20];
	_ =	sdelay $0x4  }
0x611: {  	v10 =	vshrl.u32 v3, $0x3  }
0x612: {  	v4 =	vmul.u32 $0x30, v10  }
0x613: {  	v3 =	vand.u32 $0x7, v3  }
0x614: {  	v3 =	vor.u32 v3, v4  }
0x615: {  	v4 =	vperm.xlane v3, v0;
	_ =	sdelay $0x1  }
0x616: {  	v4 =	vadd.s32 v1, v4;
	_ =	sdelay $0x3  }
0x617: {  	s1 =	simm.s32 $0x6080;
	v3 =	vperm.xlane v3, v2  }
0x618: {  	[tilespmem:s1], [sflag:$0x1] =	stream.indirect_vreg.gather [hbm4b:s3+s2], $0x80, v4, vm0, $0xb8;
	[tilespmem:$0x18080] =	vst v63  }
0x619: {  	s26 =	simm.s32 $0x6880;
	v3 =	vadd.s32 v1, v3  }
0x61a: {  	[tilespmem:s26], [sflag:$0x1] =	stream.indirect_vreg.gather [hbm4b:s4+s2], $0x80, v4, vm0, $0xb8;
	[tilespmem:$0x18080] =	vst v63  }
0x61b: {  	s28 =	simm.s32 $0x7080  }
0x61c: {  	[tilespmem:s28], [sflag:$0x1] =	stream.indirect_vreg.gather [hbm4b:s5+s2], $0x80, v4, vm0, $0xb8;
	[tilespmem:$0x18080] =	vst v63  }
0x61d: {  	s29 =	simm.s32 $0x7880  }
0x61e: {  	[tilespmem:s29], [sflag:$0x1] =	stream.indirect_vreg.gather [hbm4b:s3+s2], $0x80, v3, vm0, $0xb8;
	[tilespmem:$0x18080] =	vst v63  }
0x61f: {  	s30 =	simm.s32 $0x8080  }
0x620: {  	[tilespmem:s30], [sflag:$0x1] =	stream.indirect_vreg.gather [hbm4b:s4+s2], $0x80, v3, vm0, $0xb8;
	[tilespmem:$0x18080] =	vst v63  }
0x621: {  	s1 =	simm.s32 $0x8880  }
0x622: {  	[tilespmem:s1], [sflag:$0x1] =	stream.indirect_vreg.gather [hbm4b:s5+s2], $0x80, v3, vm0, $0xb8;
	[tilespmem:$0x18080] =	vst v63  }
0x623: {  	v3 =	vld [tilespmem:$0x30];
	_ =	sdelay $0x4  }
0x624: {  	v11 =	vshrl.u32 v3, $0x3  }
0x625: {  	v4 =	vmul.u32 $0x30, v11  }
0x626: {  	v3 =	vand.u32 $0x7, v3  }
0x627: {  	v3 =	vor.u32 v3, v4  }
0x628: {  	v4 =	vperm.xlane v3, v0;
	_ =	sdelay $0x1  }
0x629: {  	v4 =	vadd.s32 v1, v4;
	_ =	sdelay $0x3  }
0x62a: {  	s1 =	simm.s32 $0x9080;
	v3 =	vperm.xlane v3, v2  }
0x62b: {  	[tilespmem:s1], [sflag:$0x1] =	stream.indirect_vreg.gather [hbm4b:s3+s2], $0x80, v4, vm0, $0xb8;
	[tilespmem:$0x18080] =	vst v63  }
0x62c: {  	v3 =	vadd.s32 v1, v3;
	s1 =	simm.s32 $0x9880  }
0x62d: {  	[tilespmem:s1], [sflag:$0x1] =	stream.indirect_vreg.gather [hbm4b:s4+s2], $0x80, v4, vm0, $0xb8;
	[tilespmem:$0x18080] =	vst v63  }
0x62e: {  	s1 =	simm.s32 $0xA080  }
0x62f: {  	[tilespmem:s1], [sflag:$0x1] =	stream.indirect_vreg.gather [hbm4b:s5+s2], $0x80, v4, vm0, $0xb8;
	[tilespmem:$0x18080] =	vst v63  }
0x630: {  	s1 =	simm.s32 $0xA880  }
0x631: {  	[tilespmem:s1], [sflag:$0x1] =	stream.indirect_vreg.gather [hbm4b:s3+s2], $0x80, v3, vm0, $0xb8;
	[tilespmem:$0x18080] =	vst v63  }
0x632: {  	s1 =	simm.s32 $0xB080  }
0x633: {  	[tilespmem:s1], [sflag:$0x1] =	stream.indirect_vreg.gather [hbm4b:s4+s2], $0x80, v3, vm0, $0xb8;
	[tilespmem:$0x18080] =	vst v63  }
0x634: {  	s1 =	simm.s32 $0xB880  }
0x635: {  	[tilespmem:s1], [sflag:$0x1] =	stream.indirect_vreg.gather [hbm4b:s5+s2], $0x80, v3, vm0, $0xb8;
	[tilespmem:$0x18080] =	vst v63  }
0x636: {  	v3 =	vld [tilespmem:$0x40];
	_ =	sdelay $0x4  }
0x637: {  	v12 =	vshrl.u32 v3, $0x3  }
0x638: {  	v4 =	vmul.u32 $0x30, v12  }
0x639: {  	v3 =	vand.u32 $0x7, v3  }
0x63a: {  	v3 =	vor.u32 v3, v4  }
0x63b: {  	v4 =	vperm.xlane v3, v0;
	_ =	sdelay $0x1  }
0x63c: {  	v4 =	vadd.s32 v1, v4;
	_ =	sdelay $0x3  }
0x63d: {  	s1 =	simm.s32 $0xC080;
	v3 =	vperm.xlane v3, v2  }
0x63e: {  	[tilespmem:s1], [sflag:$0x1] =	stream.indirect_vreg.gather [hbm4b:s3+s2], $0x80, v4, vm0, $0xb8;
	[tilespmem:$0x18080] =	vst v63  }
0x63f: {  	s6 =	simm.s32 $0xC880;
	v3 =	vadd.s32 v1, v3  }
0x640: {  	[tilespmem:s6], [sflag:$0x1] =	stream.indirect_vreg.gather [hbm4b:s4+s2], $0x80, v4, vm0, $0xb8;
	[tilespmem:$0x18080] =	vst v63  }
0x641: {  	s16 =	simm.s32 $0xD080  }
0x642: {  	[tilespmem:s16], [sflag:$0x1] =	stream.indirect_vreg.gather [hbm4b:s5+s2], $0x80, v4, vm0, $0xb8;
	[tilespmem:$0x18080] =	vst v63  }
0x643: {  	s17 =	simm.s32 $0xD880  }
0x644: {  	[tilespmem:s17], [sflag:$0x1] =	stream.indirect_vreg.gather [hbm4b:s3+s2], $0x80, v3, vm0, $0xb8;
	[tilespmem:$0x18080] =	vst v63  }
0x645: {  	s18 =	simm.s32 $0xE080  }
0x646: {  	[tilespmem:s18], [sflag:$0x1] =	stream.indirect_vreg.gather [hbm4b:s4+s2], $0x80, v3, vm0, $0xb8;
	[tilespmem:$0x18080] =	vst v63  }
0x647: {  	s1 =	simm.s32 $0xE880  }
0x648: {  	[tilespmem:s1], [sflag:$0x1] =	stream.indirect_vreg.gather [hbm4b:s5+s2], $0x80, v3, vm0, $0xb8;
	[tilespmem:$0x18080] =	vst v63  }
0x649: {  	v3 =	vld [tilespmem:$0x50];
	_ =	sdelay $0x4  }
0x64a: {  	v13 =	vshrl.u32 v3, $0x3  }
0x64b: {  	v4 =	vmul.u32 $0x30, v13  }
0x64c: {  	v3 =	vand.u32 $0x7, v3  }
0x64d: {  	v3 =	vor.u32 v3, v4  }
0x64e: {  	v4 =	vperm.xlane v3, v0;
	_ =	sdelay $0x1  }
0x64f: {  	v4 =	vadd.s32 v1, v4;
	_ =	sdelay $0x3  }
0x650: {  	s1 =	simm.s32 $0xF080;
	v3 =	vperm.xlane v3, v2  }
0x651: {  	[tilespmem:s1], [sflag:$0x1] =	stream.indirect_vreg.gather [hbm4b:s3+s2], $0x80, v4, vm0, $0xb8;
	[tilespmem:$0x18080] =	vst v63  }
0x652: {  	s9 =	simm.s32 $0xF880;
	v3 =	vadd.s32 v1, v3  }
0x653: {  	[tilespmem:s9], [sflag:$0x1] =	stream.indirect_vreg.gather [hbm4b:s4+s2], $0x80, v4, vm0, $0xb8;
	[tilespmem:$0x18080] =	vst v63  }
0x654: {  	s10 =	simm.s32 $0x10080  }
0x655: {  	[tilespmem:s10], [sflag:$0x1] =	stream.indirect_vreg.gather [hbm4b:s5+s2], $0x80, v4, vm0, $0xb8;
	[tilespmem:$0x18080] =	vst v63  }
0x656: {  	s19 =	simm.s32 $0x10880  }
0x657: {  	[tilespmem:s19], [sflag:$0x1] =	stream.indirect_vreg.gather [hbm4b:s3+s2], $0x80, v3, vm0, $0xb8;
	[tilespmem:$0x18080] =	vst v63  }
0x658: {  	s20 =	simm.s32 $0x11080  }
0x659: {  	[tilespmem:s20], [sflag:$0x1] =	stream.indirect_vreg.gather [hbm4b:s4+s2], $0x80, v3, vm0, $0xb8;
	[tilespmem:$0x18080] =	vst v63  }
0x65a: {  	s1 =	simm.s32 $0x11880  }
0x65b: {  	[tilespmem:s1], [sflag:$0x1] =	stream.indirect_vreg.gather [hbm4b:s5+s2], $0x80, v3, vm0, $0xb8;
	[tilespmem:$0x18080] =	vst v63  }
0x65c: {  	v3 =	vld [tilespmem:$0x60];
	_ =	sdelay $0x4  }
0x65d: {  	v14 =	vshrl.u32 v3, $0x3  }
0x65e: {  	v4 =	vmul.u32 $0x30, v14  }
0x65f: {  	v3 =	vand.u32 $0x7, v3  }
0x660: {  	v3 =	vor.u32 v3, v4  }
0x661: {  	v4 =	vperm.xlane v3, v0;
	_ =	sdelay $0x1  }
0x662: {  	v4 =	vadd.s32 v1, v4;
	_ =	sdelay $0x3  }
0x663: {  	s1 =	simm.s32 $0x12080;
	v3 =	vperm.xlane v3, v2  }
0x664: {  	[tilespmem:s1], [sflag:$0x1] =	stream.indirect_vreg.gather [hbm4b:s3+s2], $0x80, v4, vm0, $0xb8;
	[tilespmem:$0x18080] =	vst v63  }
0x665: {  	s11 =	simm.s32 $0x12880;
	v3 =	vadd.s32 v1, v3  }
0x666: {  	[tilespmem:s11], [sflag:$0x1] =	stream.indirect_vreg.gather [hbm4b:s4+s2], $0x80, v4, vm0, $0xb8;
	[tilespmem:$0x18080] =	vst v63  }
0x667: {  	s12 =	simm.s32 $0x13080  }
0x668: {  	[tilespmem:s12], [sflag:$0x1] =	stream.indirect_vreg.gather [hbm4b:s5+s2], $0x80, v4, vm0, $0xb8;
	[tilespmem:$0x18080] =	vst v63  }
0x669: {  	s21 =	simm.s32 $0x13880  }
0x66a: {  	[tilespmem:s21], [sflag:$0x1] =	stream.indirect_vreg.gather [hbm4b:s3+s2], $0x80, v3, vm0, $0xb8;
	[tilespmem:$0x18080] =	vst v63  }
0x66b: {  	s22 =	simm.s32 $0x14080  }
0x66c: {  	[tilespmem:s22], [sflag:$0x1] =	stream.indirect_vreg.gather [hbm4b:s4+s2], $0x80, v3, vm0, $0xb8;
	[tilespmem:$0x18080] =	vst v63  }
0x66d: {  	s1 =	simm.s32 $0x14880  }
0x66e: {  	[tilespmem:s1], [sflag:$0x1] =	stream.indirect_vreg.gather [hbm4b:s5+s2], $0x80, v3, vm0, $0xb8;
	[tilespmem:$0x18080] =	vst v63  }
0x66f: {  	v3 =	vld [tilespmem:$0x70];
	_ =	sdelay $0x4  }
0x670: {  	v15 =	vshrl.u32 v3, $0x3  }
0x671: {  	v4 =	vmul.u32 $0x30, v15  }
0x672: {  	v3 =	vand.u32 $0x7, v3  }
0x673: {  	v3 =	vor.u32 v3, v4  }
0x674: {  	v4 =	vperm.xlane v3, v0;
	_ =	sdelay $0x1  }
0x675: {  	v4 =	vadd.s32 v1, v4;
	_ =	sdelay $0x3  }
0x676: {  	s1 =	simm.s32 $0x15080;
	v3 =	vperm.xlane v3, v2  }
0x677: {  	[tilespmem:s1], [sflag:$0x1] =	stream.indirect_vreg.gather [hbm4b:s3+s2], $0x80, v4, vm0, $0xb8;
	[tilespmem:$0x18080] =	vst v63  }
0x678: {  	s13 =	simm.s32 $0x15880;
	v3 =	vadd.s32 v1, v3  }
0x679: {  	[tilespmem:s13], [sflag:$0x1] =	stream.indirect_vreg.gather [hbm4b:s4+s2], $0x80, v4, vm0, $0xb8;
	[tilespmem:$0x18080] =	vst v63  }
0x67a: {  	s14 =	simm.s32 $0x16080  }
0x67b: {  	[tilespmem:s14], [sflag:$0x1] =	stream.indirect_vreg.gather [hbm4b:s5+s2], $0x80, v4, vm0, $0xb8;
	[tilespmem:$0x18080] =	vst v63  }
0x67c: {  	s23 =	simm.s32 $0x16880  }
0x67d: {  	[tilespmem:s23], [sflag:$0x1] =	stream.indirect_vreg.gather [hbm4b:s3+s2], $0x80, v3, vm0, $0xb8;
	[tilespmem:$0x18080] =	vst v63  }
0x67e: {  	s24 =	simm.s32 $0x17080  }
0x67f: {  	[tilespmem:s24], [sflag:$0x1] =	stream.indirect_vreg.gather [hbm4b:s4+s2], $0x80, v3, vm0, $0xb8;
	[tilespmem:$0x18080] =	vst v63  }
0x680: {  	s15 =	simm.s32 $0x17880  }
0x681: {  	[tilespmem:s15], [sflag:$0x1] =	stream.indirect_vreg.gather [hbm4b:s5+s2], $0x80, v3, vm0, $0xb8;
	[tilespmem:$0x18080] =	vst v63  }
0x682: {  	_ =	swait.ge [sflag:s0], $0x18000  }
0x683: {  	[sflag:s0] =	ssyncset.done $0x0  }
0x684: {  	s1 =	rddreg [dreg:$0x16];
	[sflag:s0] =	ssyncadd.s32 $0xFFFE8000  }
0x685: {  	[hbm4b:s1+s2] =	stream.linear.scatter [tilespmem:s8], [sflag:$0x2], $0x18000, $0x38;
	[tilespmem:$0x18080] =	vst v63  }
0x686: {  	_ =	swait.ge [sflag:s7], $0x18000  }
0x687: {  	[sflag:s7] =	ssyncset.done $0x0  }
0x688: {  	s1 =	rddreg [dreg:$0x17];
	[sflag:s7] =	ssyncadd.s32 $0xFFFE8000  }
0x689: {  	[tilespmem:s2], [sflag:$0x2] =	stream.linear.gather [hbm4b:s1+s2], $0x80, $0x38;
	[tilespmem:$0x18080] =	vst v63  }
0x68a: {  	_ =	swait.ge [sflag:s7], $0x80  }
0x68b: {  	[sflag:s7] =	ssyncset.done $0x0  }
0x68c: {  	[sflag:s7] =	ssyncadd.s32 $0xFFFFFF80  }
0x68d: {  	v3 =	vld [tilespmem:$0x0];
	_ =	sdelay $0x4  }
0x68e: {  	v16 =	vshrl.u32 v3, $0x3  }
0x68f: {  	v4 =	vmul.u32 $0x30, v16  }
0x690: {  	v3 =	vand.u32 $0x7, v3  }
0x691: {  	v3 =	vor.u32 v3, v4  }
0x692: {  	v4 =	vperm.xlane v3, v0;
	_ =	sdelay $0x1  }
0x693: {  	v4 =	vadd.s32 v1, v4;
	_ =	sdelay $0x3  }
0x694: {  	v3 =	vperm.xlane v3, v2  }
0x695: {  	[tilespmem:s8], [sflag:$0x1] =	stream.indirect_vreg.gather [hbm4b:s3+s2], $0x80, v4, vm0, $0xb8;
	[tilespmem:$0x18080] =	vst v63  }
0x696: {  	s1 =	simm.s32 $0x880;
	v3 =	vadd.s32 v1, v3  }
0x697: {  	[tilespmem:s1], [sflag:$0x1] =	stream.indirect_vreg.gather [hbm4b:s4+s2], $0x80, v4, vm0, $0xb8;
	[tilespmem:$0x18080] =	vst v63  }
0x698: {  	s1 =	simm.s32 $0x1080  }
0x699: {  	[tilespmem:s1], [sflag:$0x1] =	stream.indirect_vreg.gather [hbm4b:s5+s2], $0x80, v4, vm0, $0xb8;
	[tilespmem:$0x18080] =	vst v63  }
0x69a: {  	s1 =	simm.s32 $0x1880  }
0x69b: {  	[tilespmem:s1], [sflag:$0x1] =	stream.indirect_vreg.gather [hbm4b:s3+s2], $0x80, v3, vm0, $0xb8;
	[tilespmem:$0x18080] =	vst v63  }
0x69c: {  	s1 =	simm.s32 $0x2080  }
0x69d: {  	[tilespmem:s1], [sflag:$0x1] =	stream.indirect_vreg.gather [hbm4b:s4+s2], $0x80, v3, vm0, $0xb8;
	[tilespmem:$0x18080] =	vst v63  }
0x69e: {  	s1 =	simm.s32 $0x2880  }
0x69f: {  	[tilespmem:s1], [sflag:$0x1] =	stream.indirect_vreg.gather [hbm4b:s5+s2], $0x80, v3, vm0, $0xb8;
	[tilespmem:$0x18080] =	vst v63  }
0x6a0: {  	v3 =	vld [tilespmem:$0x10];
	_ =	sdelay $0x4  }
0x6a1: {  	v17 =	vshrl.u32 v3, $0x3  }
0x6a2: {  	v4 =	vmul.u32 $0x30, v17  }
0x6a3: {  	v3 =	vand.u32 $0x7, v3  }
0x6a4: {  	v3 =	vor.u32 v3, v4  }
0x6a5: {  	v4 =	vperm.xlane v3, v0;
	_ =	sdelay $0x1  }
0x6a6: {  	v4 =	vadd.s32 v1, v4;
	_ =	sdelay $0x3  }
0x6a7: {  	s1 =	simm.s32 $0x3080;
	v3 =	vperm.xlane v3, v2  }
0x6a8: {  	[tilespmem:s1], [sflag:$0x1] =	stream.indirect_vreg.gather [hbm4b:s3+s2], $0x80, v4, vm0, $0xb8;
	[tilespmem:$0x18080] =	vst v63  }
0x6a9: {  	v3 =	vadd.s32 v1, v3;
	s1 =	simm.s32 $0x3880  }
0x6aa: {  	[tilespmem:s1], [sflag:$0x1] =	stream.indirect_vreg.gather [hbm4b:s4+s2], $0x80, v4, vm0, $0xb8;
	[tilespmem:$0x18080] =	vst v63  }
0x6ab: {  	s1 =	simm.s32 $0x4080  }
0x6ac: {  	[tilespmem:s1], [sflag:$0x1] =	stream.indirect_vreg.gather [hbm4b:s5+s2], $0x80, v4, vm0, $0xb8;
	[tilespmem:$0x18080] =	vst v63  }
0x6ad: {  	s31 =	simm.s32 $0x4880  }
0x6ae: {  	[tilespmem:s31], [sflag:$0x1] =	stream.indirect_vreg.gather [hbm4b:s3+s2], $0x80, v3, vm0, $0xb8;
	[tilespmem:$0x18080] =	vst v63  }
0x6af: {  	s25 =	simm.s32 $0x5080  }
0x6b0: {  	[tilespmem:s25], [sflag:$0x1] =	stream.indirect_vreg.gather [hbm4b:s4+s2], $0x80, v3, vm0, $0xb8;
	[tilespmem:$0x18080] =	vst v63  }
0x6b1: {  	s1 =	simm.s32 $0x5880  }
0x6b2: {  	[tilespmem:s1], [sflag:$0x1] =	stream.indirect_vreg.gather [hbm4b:s5+s2], $0x80, v3, vm0, $0xb8;
	[tilespmem:$0x18080] =	vst v63  }
0x6b3: {  	v3 =	vld [tilespmem:$0x20];
	_ =	sdelay $0x4  }
0x6b4: {  	v18 =	vshrl.u32 v3, $0x3  }
0x6b5: {  	v4 =	vmul.u32 $0x30, v18  }
0x6b6: {  	v3 =	vand.u32 $0x7, v3  }
0x6b7: {  	v3 =	vor.u32 v3, v4  }
0x6b8: {  	v4 =	vperm.xlane v3, v0;
	_ =	sdelay $0x1  }
0x6b9: {  	v4 =	vadd.s32 v1, v4;
	_ =	sdelay $0x3  }
0x6ba: {  	s1 =	simm.s32 $0x6080;
	v3 =	vperm.xlane v3, v2  }
0x6bb: {  	[tilespmem:s1], [sflag:$0x1] =	stream.indirect_vreg.gather [hbm4b:s3+s2], $0x80, v4, vm0, $0xb8;
	[tilespmem:$0x18080] =	vst v63  }
0x6bc: {  	s26 =	simm.s32 $0x6880;
	v3 =	vadd.s32 v1, v3  }
0x6bd: {  	[tilespmem:s26], [sflag:$0x1] =	stream.indirect_vreg.gather [hbm4b:s4+s2], $0x80, v4, vm0, $0xb8;
	[tilespmem:$0x18080] =	vst v63  }
0x6be: {  	s28 =	simm.s32 $0x7080  }
0x6bf: {  	[tilespmem:s28], [sflag:$0x1] =	stream.indirect_vreg.gather [hbm4b:s5+s2], $0x80, v4, vm0, $0xb8;
	[tilespmem:$0x18080] =	vst v63  }
0x6c0: {  	s29 =	simm.s32 $0x7880  }
0x6c1: {  	[tilespmem:s29], [sflag:$0x1] =	stream.indirect_vreg.gather [hbm4b:s3+s2], $0x80, v3, vm0, $0xb8;
	[tilespmem:$0x18080] =	vst v63  }
0x6c2: {  	s30 =	simm.s32 $0x8080  }
0x6c3: {  	[tilespmem:s30], [sflag:$0x1] =	stream.indirect_vreg.gather [hbm4b:s4+s2], $0x80, v3, vm0, $0xb8;
	[tilespmem:$0x18080] =	vst v63  }
0x6c4: {  	s1 =	simm.s32 $0x8880  }
0x6c5: {  	[tilespmem:s1], [sflag:$0x1] =	stream.indirect_vreg.gather [hbm4b:s5+s2], $0x80, v3, vm0, $0xb8;
	[tilespmem:$0x18080] =	vst v63  }
0x6c6: {  	v3 =	vld [tilespmem:$0x30];
	_ =	sdelay $0x4  }
0x6c7: {  	v19 =	vshrl.u32 v3, $0x3  }
0x6c8: {  	v4 =	vmul.u32 $0x30, v19  }
0x6c9: {  	v3 =	vand.u32 $0x7, v3  }
0x6ca: {  	v3 =	vor.u32 v3, v4  }
0x6cb: {  	v4 =	vperm.xlane v3, v0;
	_ =	sdelay $0x1  }
0x6cc: {  	v4 =	vadd.s32 v1, v4;
	_ =	sdelay $0x3  }
0x6cd: {  	s1 =	simm.s32 $0x9080;
	v3 =	vperm.xlane v3, v2  }
0x6ce: {  	[tilespmem:s1], [sflag:$0x1] =	stream.indirect_vreg.gather [hbm4b:s3+s2], $0x80, v4, vm0, $0xb8;
	[tilespmem:$0x18080] =	vst v63  }
0x6cf: {  	v3 =	vadd.s32 v1, v3;
	s1 =	simm.s32 $0x9880  }
0x6d0: {  	[tilespmem:s1], [sflag:$0x1] =	stream.indirect_vreg.gather [hbm4b:s4+s2], $0x80, v4, vm0, $0xb8;
	[tilespmem:$0x18080] =	vst v63  }
0x6d1: {  	s1 =	simm.s32 $0xA080  }
0x6d2: {  	[tilespmem:s1], [sflag:$0x1] =	stream.indirect_vreg.gather [hbm4b:s5+s2], $0x80, v4, vm0, $0xb8;
	[tilespmem:$0x18080] =	vst v63  }
0x6d3: {  	s1 =	simm.s32 $0xA880  }
0x6d4: {  	[tilespmem:s1], [sflag:$0x1] =	stream.indirect_vreg.gather [hbm4b:s3+s2], $0x80, v3, vm0, $0xb8;
	[tilespmem:$0x18080] =	vst v63  }
0x6d5: {  	s1 =	simm.s32 $0xB080  }
0x6d6: {  	[tilespmem:s1], [sflag:$0x1] =	stream.indirect_vreg.gather [hbm4b:s4+s2], $0x80, v3, vm0, $0xb8;
	[tilespmem:$0x18080] =	vst v63  }
0x6d7: {  	s1 =	simm.s32 $0xB880  }
0x6d8: {  	[tilespmem:s1], [sflag:$0x1] =	stream.indirect_vreg.gather [hbm4b:s5+s2], $0x80, v3, vm0, $0xb8;
	[tilespmem:$0x18080] =	vst v63  }
0x6d9: {  	v3 =	vld [tilespmem:$0x40];
	_ =	sdelay $0x4  }
0x6da: {  	v20 =	vshrl.u32 v3, $0x3  }
0x6db: {  	v4 =	vmul.u32 $0x30, v20  }
0x6dc: {  	v3 =	vand.u32 $0x7, v3  }
0x6dd: {  	v3 =	vor.u32 v3, v4  }
0x6de: {  	v4 =	vperm.xlane v3, v0;
	_ =	sdelay $0x1  }
0x6df: {  	v4 =	vadd.s32 v1, v4;
	_ =	sdelay $0x3  }
0x6e0: {  	s1 =	simm.s32 $0xC080;
	v3 =	vperm.xlane v3, v2  }
0x6e1: {  	[tilespmem:s1], [sflag:$0x1] =	stream.indirect_vreg.gather [hbm4b:s3+s2], $0x80, v4, vm0, $0xb8;
	[tilespmem:$0x18080] =	vst v63  }
0x6e2: {  	s6 =	simm.s32 $0xC880;
	v3 =	vadd.s32 v1, v3  }
0x6e3: {  	[tilespmem:s6], [sflag:$0x1] =	stream.indirect_vreg.gather [hbm4b:s4+s2], $0x80, v4, vm0, $0xb8;
	[tilespmem:$0x18080] =	vst v63  }
0x6e4: {  	s16 =	simm.s32 $0xD080  }
0x6e5: {  	[tilespmem:s16], [sflag:$0x1] =	stream.indirect_vreg.gather [hbm4b:s5+s2], $0x80, v4, vm0, $0xb8;
	[tilespmem:$0x18080] =	vst v63  }
0x6e6: {  	s17 =	simm.s32 $0xD880  }
0x6e7: {  	[tilespmem:s17], [sflag:$0x1] =	stream.indirect_vreg.gather [hbm4b:s3+s2], $0x80, v3, vm0, $0xb8;
	[tilespmem:$0x18080] =	vst v63  }
0x6e8: {  	s18 =	simm.s32 $0xE080  }
0x6e9: {  	[tilespmem:s18], [sflag:$0x1] =	stream.indirect_vreg.gather [hbm4b:s4+s2], $0x80, v3, vm0, $0xb8;
	[tilespmem:$0x18080] =	vst v63  }
0x6ea: {  	s1 =	simm.s32 $0xE880  }
0x6eb: {  	[tilespmem:s1], [sflag:$0x1] =	stream.indirect_vreg.gather [hbm4b:s5+s2], $0x80, v3, vm0, $0xb8;
	[tilespmem:$0x18080] =	vst v63  }
0x6ec: {  	v3 =	vld [tilespmem:$0x50];
	_ =	sdelay $0x4  }
0x6ed: {  	v21 =	vshrl.u32 v3, $0x3  }
0x6ee: {  	v4 =	vmul.u32 $0x30, v21  }
0x6ef: {  	v3 =	vand.u32 $0x7, v3  }
0x6f0: {  	v3 =	vor.u32 v3, v4  }
0x6f1: {  	v4 =	vperm.xlane v3, v0;
	_ =	sdelay $0x1  }
0x6f2: {  	v4 =	vadd.s32 v1, v4;
	_ =	sdelay $0x3  }
0x6f3: {  	s1 =	simm.s32 $0xF080;
	v3 =	vperm.xlane v3, v2  }
0x6f4: {  	[tilespmem:s1], [sflag:$0x1] =	stream.indirect_vreg.gather [hbm4b:s3+s2], $0x80, v4, vm0, $0xb8;
	[tilespmem:$0x18080] =	vst v63  }
0x6f5: {  	s9 =	simm.s32 $0xF880;
	v3 =	vadd.s32 v1, v3  }
0x6f6: {  	[tilespmem:s9], [sflag:$0x1] =	stream.indirect_vreg.gather [hbm4b:s4+s2], $0x80, v4, vm0, $0xb8;
	[tilespmem:$0x18080] =	vst v63  }
0x6f7: {  	s10 =	simm.s32 $0x10080  }
0x6f8: {  	[tilespmem:s10], [sflag:$0x1] =	stream.indirect_vreg.gather [hbm4b:s5+s2], $0x80, v4, vm0, $0xb8;
	[tilespmem:$0x18080] =	vst v63  }
0x6f9: {  	s19 =	simm.s32 $0x10880  }
0x6fa: {  	[tilespmem:s19], [sflag:$0x1] =	stream.indirect_vreg.gather [hbm4b:s3+s2], $0x80, v3, vm0, $0xb8;
	[tilespmem:$0x18080] =	vst v63  }
0x6fb: {  	s20 =	simm.s32 $0x11080  }
0x6fc: {  	[tilespmem:s20], [sflag:$0x1] =	stream.indirect_vreg.gather [hbm4b:s4+s2], $0x80, v3, vm0, $0xb8;
	[tilespmem:$0x18080] =	vst v63  }
0x6fd: {  	s1 =	simm.s32 $0x11880  }
0x6fe: {  	[tilespmem:s1], [sflag:$0x1] =	stream.indirect_vreg.gather [hbm4b:s5+s2], $0x80, v3, vm0, $0xb8;
	[tilespmem:$0x18080] =	vst v63  }
0x6ff: {  	v3 =	vld [tilespmem:$0x60];
	_ =	sdelay $0x4  }
0x700: {  	v22 =	vshrl.u32 v3, $0x3  }
0x701: {  	v4 =	vmul.u32 $0x30, v22  }
0x702: {  	v3 =	vand.u32 $0x7, v3  }
0x703: {  	v3 =	vor.u32 v3, v4  }
0x704: {  	v4 =	vperm.xlane v3, v0;
	_ =	sdelay $0x1  }
0x705: {  	v4 =	vadd.s32 v1, v4;
	_ =	sdelay $0x3  }
0x706: {  	s1 =	simm.s32 $0x12080;
	v3 =	vperm.xlane v3, v2  }
0x707: {  	[tilespmem:s1], [sflag:$0x1] =	stream.indirect_vreg.gather [hbm4b:s3+s2], $0x80, v4, vm0, $0xb8;
	[tilespmem:$0x18080] =	vst v63  }
0x708: {  	s11 =	simm.s32 $0x12880;
	v3 =	vadd.s32 v1, v3  }
0x709: {  	[tilespmem:s11], [sflag:$0x1] =	stream.indirect_vreg.gather [hbm4b:s4+s2], $0x80, v4, vm0, $0xb8;
	[tilespmem:$0x18080] =	vst v63  }
0x70a: {  	s12 =	simm.s32 $0x13080  }
0x70b: {  	[tilespmem:s12], [sflag:$0x1] =	stream.indirect_vreg.gather [hbm4b:s5+s2], $0x80, v4, vm0, $0xb8;
	[tilespmem:$0x18080] =	vst v63  }
0x70c: {  	s21 =	simm.s32 $0x13880  }
0x70d: {  	[tilespmem:s21], [sflag:$0x1] =	stream.indirect_vreg.gather [hbm4b:s3+s2], $0x80, v3, vm0, $0xb8;
	[tilespmem:$0x18080] =	vst v63  }
0x70e: {  	s22 =	simm.s32 $0x14080  }
0x70f: {  	[tilespmem:s22], [sflag:$0x1] =	stream.indirect_vreg.gather [hbm4b:s4+s2], $0x80, v3, vm0, $0xb8;
	[tilespmem:$0x18080] =	vst v63  }
0x710: {  	s1 =	simm.s32 $0x14880  }
0x711: {  	[tilespmem:s1], [sflag:$0x1] =	stream.indirect_vreg.gather [hbm4b:s5+s2], $0x80, v3, vm0, $0xb8;
	[tilespmem:$0x18080] =	vst v63  }
0x712: {  	v3 =	vld [tilespmem:$0x70];
	_ =	sdelay $0x4  }
0x713: {  	v23 =	vshrl.u32 v3, $0x3  }
0x714: {  	v4 =	vmul.u32 $0x30, v23  }
0x715: {  	v3 =	vand.u32 $0x7, v3  }
0x716: {  	v3 =	vor.u32 v3, v4  }
0x717: {  	v4 =	vperm.xlane v3, v0;
	_ =	sdelay $0x1  }
0x718: {  	v4 =	vadd.s32 v1, v4;
	_ =	sdelay $0x3  }
0x719: {  	s1 =	simm.s32 $0x15080;
	v3 =	vperm.xlane v3, v2  }
0x71a: {  	[tilespmem:s1], [sflag:$0x1] =	stream.indirect_vreg.gather [hbm4b:s3+s2], $0x80, v4, vm0, $0xb8;
	[tilespmem:$0x18080] =	vst v63  }
0x71b: {  	s13 =	simm.s32 $0x15880;
	v3 =	vadd.s32 v1, v3  }
0x71c: {  	[tilespmem:s13], [sflag:$0x1] =	stream.indirect_vreg.gather [hbm4b:s4+s2], $0x80, v4, vm0, $0xb8;
	[tilespmem:$0x18080] =	vst v63  }
0x71d: {  	s14 =	simm.s32 $0x16080  }
0x71e: {  	[tilespmem:s14], [sflag:$0x1] =	stream.indirect_vreg.gather [hbm4b:s5+s2], $0x80, v4, vm0, $0xb8;
	[tilespmem:$0x18080] =	vst v63  }
0x71f: {  	s23 =	simm.s32 $0x16880  }
0x720: {  	[tilespmem:s23], [sflag:$0x1] =	stream.indirect_vreg.gather [hbm4b:s3+s2], $0x80, v3, vm0, $0xb8;
	[tilespmem:$0x18080] =	vst v63  }
0x721: {  	s24 =	simm.s32 $0x17080  }
0x722: {  	[tilespmem:s24], [sflag:$0x1] =	stream.indirect_vreg.gather [hbm4b:s4+s2], $0x80, v3, vm0, $0xb8;
	[tilespmem:$0x18080] =	vst v63  }
0x723: {  	s15 =	simm.s32 $0x17880  }
0x724: {  	[tilespmem:s15], [sflag:$0x1] =	stream.indirect_vreg.gather [hbm4b:s5+s2], $0x80, v3, vm0, $0xb8;
	[tilespmem:$0x18080] =	vst v63  }
0x725: {  	_ =	swait.ge [sflag:s0], $0x18000  }
0x726: {  	[sflag:s0] =	ssyncset.done $0x0  }
0x727: {  	s1 =	rddreg [dreg:$0x18];
	[sflag:s0] =	ssyncadd.s32 $0xFFFE8000  }
0x728: {  	[hbm4b:s1+s2] =	stream.linear.scatter [tilespmem:s8], [sflag:$0x2], $0x18000, $0x38;
	[tilespmem:$0x18080] =	vst v63  }
0x729: {  	_ =	swait.ge [sflag:s7], $0x18000  }
0x72a: {  	[sflag:s7] =	ssyncset.done $0x0  }
0x72b: {  	s1 =	rddreg [dreg:$0x19];
	[sflag:s7] =	ssyncadd.s32 $0xFFFE8000  }
0x72c: {  	[tilespmem:s2], [sflag:$0x2] =	stream.linear.gather [hbm4b:s1+s2], $0x80, $0x38;
	[tilespmem:$0x18080] =	vst v63  }
0x72d: {  	_ =	swait.ge [sflag:s7], $0x80  }
0x72e: {  	[sflag:s7] =	ssyncset.done $0x0  }
0x72f: {  	[sflag:s7] =	ssyncadd.s32 $0xFFFFFF80  }
0x730: {  	v3 =	vld [tilespmem:$0x0];
	_ =	sdelay $0x4  }
0x731: {  	v24 =	vshrl.u32 v3, $0x3  }
0x732: {  	v4 =	vmul.u32 $0x30, v24  }
0x733: {  	v3 =	vand.u32 $0x7, v3  }
0x734: {  	v3 =	vor.u32 v3, v4  }
0x735: {  	v4 =	vperm.xlane v3, v0;
	_ =	sdelay $0x1  }
0x736: {  	v4 =	vadd.s32 v1, v4;
	_ =	sdelay $0x3  }
0x737: {  	v3 =	vperm.xlane v3, v2  }
0x738: {  	[tilespmem:s8], [sflag:$0x1] =	stream.indirect_vreg.gather [hbm4b:s3+s2], $0x80, v4, vm0, $0xb8;
	[tilespmem:$0x18080] =	vst v63  }
0x739: {  	s1 =	simm.s32 $0x880;
	v3 =	vadd.s32 v1, v3  }
0x73a: {  	[tilespmem:s1], [sflag:$0x1] =	stream.indirect_vreg.gather [hbm4b:s4+s2], $0x80, v4, vm0, $0xb8;
	[tilespmem:$0x18080] =	vst v63  }
0x73b: {  	s1 =	simm.s32 $0x1080  }
0x73c: {  	[tilespmem:s1], [sflag:$0x1] =	stream.indirect_vreg.gather [hbm4b:s5+s2], $0x80, v4, vm0, $0xb8;
	[tilespmem:$0x18080] =	vst v63  }
0x73d: {  	s1 =	simm.s32 $0x1880  }
0x73e: {  	[tilespmem:s1], [sflag:$0x1] =	stream.indirect_vreg.gather [hbm4b:s3+s2], $0x80, v3, vm0, $0xb8;
	[tilespmem:$0x18080] =	vst v63  }
0x73f: {  	s1 =	simm.s32 $0x2080  }
0x740: {  	[tilespmem:s1], [sflag:$0x1] =	stream.indirect_vreg.gather [hbm4b:s4+s2], $0x80, v3, vm0, $0xb8;
	[tilespmem:$0x18080] =	vst v63  }
0x741: {  	s1 =	simm.s32 $0x2880  }
0x742: {  	[tilespmem:s1], [sflag:$0x1] =	stream.indirect_vreg.gather [hbm4b:s5+s2], $0x80, v3, vm0, $0xb8;
	[tilespmem:$0x18080] =	vst v63  }
0x743: {  	v3 =	vld [tilespmem:$0x10];
	_ =	sdelay $0x4  }
0x744: {  	v25 =	vshrl.u32 v3, $0x3  }
0x745: {  	v4 =	vmul.u32 $0x30, v25  }
0x746: {  	v3 =	vand.u32 $0x7, v3  }
0x747: {  	v3 =	vor.u32 v3, v4  }
0x748: {  	v4 =	vperm.xlane v3, v0;
	_ =	sdelay $0x1  }
0x749: {  	v4 =	vadd.s32 v1, v4;
	_ =	sdelay $0x3  }
0x74a: {  	s1 =	simm.s32 $0x3080;
	v3 =	vperm.xlane v3, v2  }
0x74b: {  	[tilespmem:s1], [sflag:$0x1] =	stream.indirect_vreg.gather [hbm4b:s3+s2], $0x80, v4, vm0, $0xb8;
	[tilespmem:$0x18080] =	vst v63  }
0x74c: {  	v3 =	vadd.s32 v1, v3;
	s1 =	simm.s32 $0x3880  }
0x74d: {  	[tilespmem:s1], [sflag:$0x1] =	stream.indirect_vreg.gather [hbm4b:s4+s2], $0x80, v4, vm0, $0xb8;
	[tilespmem:$0x18080] =	vst v63  }
0x74e: {  	s1 =	simm.s32 $0x4080  }
0x74f: {  	[tilespmem:s1], [sflag:$0x1] =	stream.indirect_vreg.gather [hbm4b:s5+s2], $0x80, v4, vm0, $0xb8;
	[tilespmem:$0x18080] =	vst v63  }
0x750: {  	s31 =	simm.s32 $0x4880  }
0x751: {  	[tilespmem:s31], [sflag:$0x1] =	stream.indirect_vreg.gather [hbm4b:s3+s2], $0x80, v3, vm0, $0xb8;
	[tilespmem:$0x18080] =	vst v63  }
0x752: {  	s25 =	simm.s32 $0x5080  }
0x753: {  	[tilespmem:s25], [sflag:$0x1] =	stream.indirect_vreg.gather [hbm4b:s4+s2], $0x80, v3, vm0, $0xb8;
	[tilespmem:$0x18080] =	vst v63  }
0x754: {  	s1 =	simm.s32 $0x5880  }
0x755: {  	[tilespmem:s1], [sflag:$0x1] =	stream.indirect_vreg.gather [hbm4b:s5+s2], $0x80, v3, vm0, $0xb8;
	[tilespmem:$0x18080] =	vst v63  }
0x756: {  	v3 =	vld [tilespmem:$0x20];
	_ =	sdelay $0x4  }
0x757: {  	v26 =	vshrl.u32 v3, $0x3  }
0x758: {  	v4 =	vmul.u32 $0x30, v26  }
0x759: {  	v3 =	vand.u32 $0x7, v3  }
0x75a: {  	v3 =	vor.u32 v3, v4  }
0x75b: {  	v4 =	vperm.xlane v3, v0;
	_ =	sdelay $0x1  }
0x75c: {  	v4 =	vadd.s32 v1, v4;
	_ =	sdelay $0x3  }
0x75d: {  	s1 =	simm.s32 $0x6080;
	v3 =	vperm.xlane v3, v2  }
0x75e: {  	[tilespmem:s1], [sflag:$0x1] =	stream.indirect_vreg.gather [hbm4b:s3+s2], $0x80, v4, vm0, $0xb8;
	[tilespmem:$0x18080] =	vst v63  }
0x75f: {  	s26 =	simm.s32 $0x6880;
	v3 =	vadd.s32 v1, v3  }
0x760: {  	[tilespmem:s26], [sflag:$0x1] =	stream.indirect_vreg.gather [hbm4b:s4+s2], $0x80, v4, vm0, $0xb8;
	[tilespmem:$0x18080] =	vst v63  }
0x761: {  	s28 =	simm.s32 $0x7080  }
0x762: {  	[tilespmem:s28], [sflag:$0x1] =	stream.indirect_vreg.gather [hbm4b:s5+s2], $0x80, v4, vm0, $0xb8;
	[tilespmem:$0x18080] =	vst v63  }
0x763: {  	s29 =	simm.s32 $0x7880  }
0x764: {  	[tilespmem:s29], [sflag:$0x1] =	stream.indirect_vreg.gather [hbm4b:s3+s2], $0x80, v3, vm0, $0xb8;
	[tilespmem:$0x18080] =	vst v63  }
0x765: {  	s30 =	simm.s32 $0x8080  }
0x766: {  	[tilespmem:s30], [sflag:$0x1] =	stream.indirect_vreg.gather [hbm4b:s4+s2], $0x80, v3, vm0, $0xb8;
	[tilespmem:$0x18080] =	vst v63  }
0x767: {  	s1 =	simm.s32 $0x8880  }
0x768: {  	[tilespmem:s1], [sflag:$0x1] =	stream.indirect_vreg.gather [hbm4b:s5+s2], $0x80, v3, vm0, $0xb8;
	[tilespmem:$0x18080] =	vst v63  }
0x769: {  	v3 =	vld [tilespmem:$0x30];
	_ =	sdelay $0x4  }
0x76a: {  	v27 =	vshrl.u32 v3, $0x3  }
0x76b: {  	v4 =	vmul.u32 $0x30, v27  }
0x76c: {  	v3 =	vand.u32 $0x7, v3  }
0x76d: {  	v3 =	vor.u32 v3, v4  }
0x76e: {  	v4 =	vperm.xlane v3, v0;
	_ =	sdelay $0x1  }
0x76f: {  	v4 =	vadd.s32 v1, v4;
	_ =	sdelay $0x3  }
0x770: {  	s1 =	simm.s32 $0x9080;
	v3 =	vperm.xlane v3, v2  }
0x771: {  	[tilespmem:s1], [sflag:$0x1] =	stream.indirect_vreg.gather [hbm4b:s3+s2], $0x80, v4, vm0, $0xb8;
	[tilespmem:$0x18080] =	vst v63  }
0x772: {  	v3 =	vadd.s32 v1, v3;
	s1 =	simm.s32 $0x9880  }
0x773: {  	[tilespmem:s1], [sflag:$0x1] =	stream.indirect_vreg.gather [hbm4b:s4+s2], $0x80, v4, vm0, $0xb8;
	[tilespmem:$0x18080] =	vst v63  }
0x774: {  	s1 =	simm.s32 $0xA080  }
0x775: {  	[tilespmem:s1], [sflag:$0x1] =	stream.indirect_vreg.gather [hbm4b:s5+s2], $0x80, v4, vm0, $0xb8;
	[tilespmem:$0x18080] =	vst v63  }
0x776: {  	s1 =	simm.s32 $0xA880  }
0x777: {  	[tilespmem:s1], [sflag:$0x1] =	stream.indirect_vreg.gather [hbm4b:s3+s2], $0x80, v3, vm0, $0xb8;
	[tilespmem:$0x18080] =	vst v63  }
0x778: {  	s1 =	simm.s32 $0xB080  }
0x779: {  	[tilespmem:s1], [sflag:$0x1] =	stream.indirect_vreg.gather [hbm4b:s4+s2], $0x80, v3, vm0, $0xb8;
	[tilespmem:$0x18080] =	vst v63  }
0x77a: {  	s1 =	simm.s32 $0xB880  }
0x77b: {  	[tilespmem:s1], [sflag:$0x1] =	stream.indirect_vreg.gather [hbm4b:s5+s2], $0x80, v3, vm0, $0xb8;
	[tilespmem:$0x18080] =	vst v63  }
0x77c: {  	v3 =	vld [tilespmem:$0x40];
	_ =	sdelay $0x4  }
0x77d: {  	v28 =	vshrl.u32 v3, $0x3  }
0x77e: {  	v4 =	vmul.u32 $0x30, v28  }
0x77f: {  	v3 =	vand.u32 $0x7, v3  }
0x780: {  	v3 =	vor.u32 v3, v4  }
0x781: {  	v4 =	vperm.xlane v3, v0;
	_ =	sdelay $0x1  }
0x782: {  	v4 =	vadd.s32 v1, v4;
	_ =	sdelay $0x3  }
0x783: {  	s1 =	simm.s32 $0xC080;
	v3 =	vperm.xlane v3, v2  }
0x784: {  	[tilespmem:s1], [sflag:$0x1] =	stream.indirect_vreg.gather [hbm4b:s3+s2], $0x80, v4, vm0, $0xb8;
	[tilespmem:$0x18080] =	vst v63  }
0x785: {  	s6 =	simm.s32 $0xC880;
	v3 =	vadd.s32 v1, v3  }
0x786: {  	[tilespmem:s6], [sflag:$0x1] =	stream.indirect_vreg.gather [hbm4b:s4+s2], $0x80, v4, vm0, $0xb8;
	[tilespmem:$0x18080] =	vst v63  }
0x787: {  	s16 =	simm.s32 $0xD080  }
0x788: {  	[tilespmem:s16], [sflag:$0x1] =	stream.indirect_vreg.gather [hbm4b:s5+s2], $0x80, v4, vm0, $0xb8;
	[tilespmem:$0x18080] =	vst v63  }
0x789: {  	s17 =	simm.s32 $0xD880  }
0x78a: {  	[tilespmem:s17], [sflag:$0x1] =	stream.indirect_vreg.gather [hbm4b:s3+s2], $0x80, v3, vm0, $0xb8;
	[tilespmem:$0x18080] =	vst v63  }
0x78b: {  	s18 =	simm.s32 $0xE080  }
0x78c: {  	[tilespmem:s18], [sflag:$0x1] =	stream.indirect_vreg.gather [hbm4b:s4+s2], $0x80, v3, vm0, $0xb8;
	[tilespmem:$0x18080] =	vst v63  }
0x78d: {  	s1 =	simm.s32 $0xE880  }
0x78e: {  	[tilespmem:s1], [sflag:$0x1] =	stream.indirect_vreg.gather [hbm4b:s5+s2], $0x80, v3, vm0, $0xb8;
	[tilespmem:$0x18080] =	vst v63  }
0x78f: {  	v3 =	vld [tilespmem:$0x50];
	_ =	sdelay $0x4  }
0x790: {  	v29 =	vshrl.u32 v3, $0x3  }
0x791: {  	v4 =	vmul.u32 $0x30, v29  }
0x792: {  	v3 =	vand.u32 $0x7, v3  }
0x793: {  	v3 =	vor.u32 v3, v4  }
0x794: {  	v4 =	vperm.xlane v3, v0;
	_ =	sdelay $0x1  }
0x795: {  	v4 =	vadd.s32 v1, v4;
	_ =	sdelay $0x3  }
0x796: {  	s1 =	simm.s32 $0xF080;
	v3 =	vperm.xlane v3, v2  }
0x797: {  	[tilespmem:s1], [sflag:$0x1] =	stream.indirect_vreg.gather [hbm4b:s3+s2], $0x80, v4, vm0, $0xb8;
	[tilespmem:$0x18080] =	vst v63  }
0x798: {  	s9 =	simm.s32 $0xF880;
	v3 =	vadd.s32 v1, v3  }
0x799: {  	[tilespmem:s9], [sflag:$0x1] =	stream.indirect_vreg.gather [hbm4b:s4+s2], $0x80, v4, vm0, $0xb8;
	[tilespmem:$0x18080] =	vst v63  }
0x79a: {  	s10 =	simm.s32 $0x10080  }
0x79b: {  	[tilespmem:s10], [sflag:$0x1] =	stream.indirect_vreg.gather [hbm4b:s5+s2], $0x80, v4, vm0, $0xb8;
	[tilespmem:$0x18080] =	vst v63  }
0x79c: {  	s19 =	simm.s32 $0x10880  }
0x79d: {  	[tilespmem:s19], [sflag:$0x1] =	stream.indirect_vreg.gather [hbm4b:s3+s2], $0x80, v3, vm0, $0xb8;
	[tilespmem:$0x18080] =	vst v63  }
0x79e: {  	s20 =	simm.s32 $0x11080  }
0x79f: {  	[tilespmem:s20], [sflag:$0x1] =	stream.indirect_vreg.gather [hbm4b:s4+s2], $0x80, v3, vm0, $0xb8;
	[tilespmem:$0x18080] =	vst v63  }
0x7a0: {  	s1 =	simm.s32 $0x11880  }
0x7a1: {  	[tilespmem:s1], [sflag:$0x1] =	stream.indirect_vreg.gather [hbm4b:s5+s2], $0x80, v3, vm0, $0xb8;
	[tilespmem:$0x18080] =	vst v63  }
0x7a2: {  	v3 =	vld [tilespmem:$0x60];
	_ =	sdelay $0x4  }
0x7a3: {  	v30 =	vshrl.u32 v3, $0x3  }
0x7a4: {  	v4 =	vmul.u32 $0x30, v30  }
0x7a5: {  	v3 =	vand.u32 $0x7, v3  }
0x7a6: {  	v3 =	vor.u32 v3, v4  }
0x7a7: {  	v4 =	vperm.xlane v3, v0;
	_ =	sdelay $0x1  }
0x7a8: {  	v4 =	vadd.s32 v1, v4;
	_ =	sdelay $0x3  }
0x7a9: {  	s1 =	simm.s32 $0x12080;
	v3 =	vperm.xlane v3, v2  }
0x7aa: {  	[tilespmem:s1], [sflag:$0x1] =	stream.indirect_vreg.gather [hbm4b:s3+s2], $0x80, v4, vm0, $0xb8;
	[tilespmem:$0x18080] =	vst v63  }
0x7ab: {  	s11 =	simm.s32 $0x12880;
	v3 =	vadd.s32 v1, v3  }
0x7ac: {  	[tilespmem:s11], [sflag:$0x1] =	stream.indirect_vreg.gather [hbm4b:s4+s2], $0x80, v4, vm0, $0xb8;
	[tilespmem:$0x18080] =	vst v63  }
0x7ad: {  	s12 =	simm.s32 $0x13080  }
0x7ae: {  	[tilespmem:s12], [sflag:$0x1] =	stream.indirect_vreg.gather [hbm4b:s5+s2], $0x80, v4, vm0, $0xb8;
	[tilespmem:$0x18080] =	vst v63  }
0x7af: {  	s21 =	simm.s32 $0x13880  }
0x7b0: {  	[tilespmem:s21], [sflag:$0x1] =	stream.indirect_vreg.gather [hbm4b:s3+s2], $0x80, v3, vm0, $0xb8;
	[tilespmem:$0x18080] =	vst v63  }
0x7b1: {  	s22 =	simm.s32 $0x14080  }
0x7b2: {  	[tilespmem:s22], [sflag:$0x1] =	stream.indirect_vreg.gather [hbm4b:s4+s2], $0x80, v3, vm0, $0xb8;
	[tilespmem:$0x18080] =	vst v63  }
0x7b3: {  	s1 =	simm.s32 $0x14880  }
0x7b4: {  	[tilespmem:s1], [sflag:$0x1] =	stream.indirect_vreg.gather [hbm4b:s5+s2], $0x80, v3, vm0, $0xb8;
	[tilespmem:$0x18080] =	vst v63  }
0x7b5: {  	v3 =	vld [tilespmem:$0x70];
	_ =	sdelay $0x4  }
0x7b6: {  	v31 =	vshrl.u32 v3, $0x3  }
0x7b7: {  	v4 =	vmul.u32 $0x30, v31  }
0x7b8: {  	v3 =	vand.u32 $0x7, v3  }
0x7b9: {  	v3 =	vor.u32 v3, v4  }
0x7ba: {  	v4 =	vperm.xlane v3, v0;
	_ =	sdelay $0x1  }
0x7bb: {  	v4 =	vadd.s32 v1, v4;
	_ =	sdelay $0x3  }
0x7bc: {  	s1 =	simm.s32 $0x15080;
	v3 =	vperm.xlane v3, v2  }
0x7bd: {  	[tilespmem:s1], [sflag:$0x1] =	stream.indirect_vreg.gather [hbm4b:s3+s2], $0x80, v4, vm0, $0xb8;
	[tilespmem:$0x18080] =	vst v63  }
0x7be: {  	s13 =	simm.s32 $0x15880;
	v3 =	vadd.s32 v1, v3  }
0x7bf: {  	[tilespmem:s13], [sflag:$0x1] =	stream.indirect_vreg.gather [hbm4b:s4+s2], $0x80, v4, vm0, $0xb8;
	[tilespmem:$0x18080] =	vst v63  }
0x7c0: {  	s14 =	simm.s32 $0x16080  }
0x7c1: {  	[tilespmem:s14], [sflag:$0x1] =	stream.indirect_vreg.gather [hbm4b:s5+s2], $0x80, v4, vm0, $0xb8;
	[tilespmem:$0x18080] =	vst v63  }
0x7c2: {  	s23 =	simm.s32 $0x16880  }
0x7c3: {  	[tilespmem:s23], [sflag:$0x1] =	stream.indirect_vreg.gather [hbm4b:s3+s2], $0x80, v3, vm0, $0xb8;
	[tilespmem:$0x18080] =	vst v63  }
0x7c4: {  	s24 =	simm.s32 $0x17080  }
0x7c5: {  	[tilespmem:s24], [sflag:$0x1] =	stream.indirect_vreg.gather [hbm4b:s4+s2], $0x80, v3, vm0, $0xb8;
	[tilespmem:$0x18080] =	vst v63  }
0x7c6: {  	s15 =	simm.s32 $0x17880  }
0x7c7: {  	[tilespmem:s15], [sflag:$0x1] =	stream.indirect_vreg.gather [hbm4b:s5+s2], $0x80, v3, vm0, $0xb8;
	[tilespmem:$0x18080] =	vst v63  }
0x7c8: {  	_ =	swait.ge [sflag:s0], $0x18000  }
0x7c9: {  	[sflag:s0] =	ssyncset.done $0x0  }
0x7ca: {  	s1 =	rddreg [dreg:$0x1a];
	[sflag:s0] =	ssyncadd.s32 $0xFFFE8000  }
0x7cb: {  	[hbm4b:s1+s2] =	stream.linear.scatter [tilespmem:s8], [sflag:$0x2], $0x18000, $0x38;
	[tilespmem:$0x18080] =	vst v63  }
0x7cc: {  	_ =	swait.ge [sflag:s7], $0x18000  }
0x7cd: {  	[sflag:s7] =	ssyncset.done $0x0  }
0x7ce: {  	s1 =	rddreg [dreg:$0x1b];
	[sflag:s7] =	ssyncadd.s32 $0xFFFE8000  }
0x7cf: {  	[tilespmem:s2], [sflag:$0x2] =	stream.linear.gather [hbm4b:s1+s2], $0x80, $0x38;
	[tilespmem:$0x18080] =	vst v63  }
0x7d0: {  	_ =	swait.ge [sflag:s7], $0x80  }
0x7d1: {  	[sflag:s7] =	ssyncset.done $0x0  }
0x7d2: {  	[sflag:s7] =	ssyncadd.s32 $0xFFFFFF80  }
0x7d3: {  	v3 =	vld [tilespmem:$0x0];
	_ =	sdelay $0x4  }
0x7d4: {  	v32 =	vshrl.u32 v3, $0x3  }
0x7d5: {  	v4 =	vmul.u32 $0x30, v32  }
0x7d6: {  	v3 =	vand.u32 $0x7, v3  }
0x7d7: {  	v3 =	vor.u32 v3, v4  }
0x7d8: {  	v4 =	vperm.xlane v3, v0;
	_ =	sdelay $0x1  }
0x7d9: {  	v4 =	vadd.s32 v1, v4;
	_ =	sdelay $0x3  }
0x7da: {  	v3 =	vperm.xlane v3, v2  }
0x7db: {  	[tilespmem:s8], [sflag:$0x1] =	stream.indirect_vreg.gather [hbm4b:s3+s2], $0x80, v4, vm0, $0xb8;
	[tilespmem:$0x18080] =	vst v63  }
0x7dc: {  	s1 =	simm.s32 $0x880;
	v3 =	vadd.s32 v1, v3  }
0x7dd: {  	[tilespmem:s1], [sflag:$0x1] =	stream.indirect_vreg.gather [hbm4b:s4+s2], $0x80, v4, vm0, $0xb8;
	[tilespmem:$0x18080] =	vst v63  }
0x7de: {  	s1 =	simm.s32 $0x1080  }
0x7df: {  	[tilespmem:s1], [sflag:$0x1] =	stream.indirect_vreg.gather [hbm4b:s5+s2], $0x80, v4, vm0, $0xb8;
	[tilespmem:$0x18080] =	vst v63  }
0x7e0: {  	s1 =	simm.s32 $0x1880  }
0x7e1: {  	[tilespmem:s1], [sflag:$0x1] =	stream.indirect_vreg.gather [hbm4b:s3+s2], $0x80, v3, vm0, $0xb8;
	[tilespmem:$0x18080] =	vst v63  }
0x7e2: {  	s1 =	simm.s32 $0x2080  }
0x7e3: {  	[tilespmem:s1], [sflag:$0x1] =	stream.indirect_vreg.gather [hbm4b:s4+s2], $0x80, v3, vm0, $0xb8;
	[tilespmem:$0x18080] =	vst v63  }
0x7e4: {  	s1 =	simm.s32 $0x2880  }
0x7e5: {  	[tilespmem:s1], [sflag:$0x1] =	stream.indirect_vreg.gather [hbm4b:s5+s2], $0x80, v3, vm0, $0xb8;
	[tilespmem:$0x18080] =	vst v63  }
0x7e6: {  	v3 =	vld [tilespmem:$0x10];
	_ =	sdelay $0x4  }
0x7e7: {  	v33 =	vshrl.u32 v3, $0x3  }
0x7e8: {  	v4 =	vmul.u32 $0x30, v33  }
0x7e9: {  	v3 =	vand.u32 $0x7, v3  }
0x7ea: {  	v3 =	vor.u32 v3, v4  }
0x7eb: {  	v4 =	vperm.xlane v3, v0;
	_ =	sdelay $0x1  }
0x7ec: {  	v4 =	vadd.s32 v1, v4;
	_ =	sdelay $0x3  }
0x7ed: {  	s1 =	simm.s32 $0x3080;
	v3 =	vperm.xlane v3, v2  }
0x7ee: {  	[tilespmem:s1], [sflag:$0x1] =	stream.indirect_vreg.gather [hbm4b:s3+s2], $0x80, v4, vm0, $0xb8;
	[tilespmem:$0x18080] =	vst v63  }
0x7ef: {  	v3 =	vadd.s32 v1, v3;
	s1 =	simm.s32 $0x3880  }
0x7f0: {  	[tilespmem:s1], [sflag:$0x1] =	stream.indirect_vreg.gather [hbm4b:s4+s2], $0x80, v4, vm0, $0xb8;
	[tilespmem:$0x18080] =	vst v63  }
0x7f1: {  	s1 =	simm.s32 $0x4080  }
0x7f2: {  	[tilespmem:s1], [sflag:$0x1] =	stream.indirect_vreg.gather [hbm4b:s5+s2], $0x80, v4, vm0, $0xb8;
	[tilespmem:$0x18080] =	vst v63  }
0x7f3: {  	s31 =	simm.s32 $0x4880  }
0x7f4: {  	[tilespmem:s31], [sflag:$0x1] =	stream.indirect_vreg.gather [hbm4b:s3+s2], $0x80, v3, vm0, $0xb8;
	[tilespmem:$0x18080] =	vst v63  }
0x7f5: {  	s25 =	simm.s32 $0x5080  }
0x7f6: {  	[tilespmem:s25], [sflag:$0x1] =	stream.indirect_vreg.gather [hbm4b:s4+s2], $0x80, v3, vm0, $0xb8;
	[tilespmem:$0x18080] =	vst v63  }
0x7f7: {  	s1 =	simm.s32 $0x5880  }
0x7f8: {  	[tilespmem:s1], [sflag:$0x1] =	stream.indirect_vreg.gather [hbm4b:s5+s2], $0x80, v3, vm0, $0xb8;
	[tilespmem:$0x18080] =	vst v63  }
0x7f9: {  	v3 =	vld [tilespmem:$0x20];
	_ =	sdelay $0x4  }
0x7fa: {  	v34 =	vshrl.u32 v3, $0x3  }
0x7fb: {  	v4 =	vmul.u32 $0x30, v34  }
0x7fc: {  	v3 =	vand.u32 $0x7, v3  }
0x7fd: {  	v3 =	vor.u32 v3, v4  }
0x7fe: {  	v4 =	vperm.xlane v3, v0;
	_ =	sdelay $0x1  }
0x7ff: {  	v4 =	vadd.s32 v1, v4;
	_ =	sdelay $0x3  }
0x800: {  	s1 =	simm.s32 $0x6080;
	v3 =	vperm.xlane v3, v2  }
0x801: {  	[tilespmem:s1], [sflag:$0x1] =	stream.indirect_vreg.gather [hbm4b:s3+s2], $0x80, v4, vm0, $0xb8;
	[tilespmem:$0x18080] =	vst v63  }
0x802: {  	s26 =	simm.s32 $0x6880;
	v3 =	vadd.s32 v1, v3  }
0x803: {  	[tilespmem:s26], [sflag:$0x1] =	stream.indirect_vreg.gather [hbm4b:s4+s2], $0x80, v4, vm0, $0xb8;
	[tilespmem:$0x18080] =	vst v63  }
0x804: {  	s28 =	simm.s32 $0x7080  }
0x805: {  	[tilespmem:s28], [sflag:$0x1] =	stream.indirect_vreg.gather [hbm4b:s5+s2], $0x80, v4, vm0, $0xb8;
	[tilespmem:$0x18080] =	vst v63  }
0x806: {  	s29 =	simm.s32 $0x7880  }
0x807: {  	[tilespmem:s29], [sflag:$0x1] =	stream.indirect_vreg.gather [hbm4b:s3+s2], $0x80, v3, vm0, $0xb8;
	[tilespmem:$0x18080] =	vst v63  }
0x808: {  	s30 =	simm.s32 $0x8080  }
0x809: {  	[tilespmem:s30], [sflag:$0x1] =	stream.indirect_vreg.gather [hbm4b:s4+s2], $0x80, v3, vm0, $0xb8;
	[tilespmem:$0x18080] =	vst v63  }
0x80a: {  	s1 =	simm.s32 $0x8880  }
0x80b: {  	[tilespmem:s1], [sflag:$0x1] =	stream.indirect_vreg.gather [hbm4b:s5+s2], $0x80, v3, vm0, $0xb8;
	[tilespmem:$0x18080] =	vst v63  }
0x80c: {  	v3 =	vld [tilespmem:$0x30];
	_ =	sdelay $0x4  }
0x80d: {  	v35 =	vshrl.u32 v3, $0x3  }
0x80e: {  	v4 =	vmul.u32 $0x30, v35  }
0x80f: {  	v3 =	vand.u32 $0x7, v3  }
0x810: {  	v3 =	vor.u32 v3, v4  }
0x811: {  	v4 =	vperm.xlane v3, v0;
	_ =	sdelay $0x1  }
0x812: {  	v4 =	vadd.s32 v1, v4;
	_ =	sdelay $0x3  }
0x813: {  	s1 =	simm.s32 $0x9080;
	v3 =	vperm.xlane v3, v2  }
0x814: {  	[tilespmem:s1], [sflag:$0x1] =	stream.indirect_vreg.gather [hbm4b:s3+s2], $0x80, v4, vm0, $0xb8;
	[tilespmem:$0x18080] =	vst v63  }
0x815: {  	v3 =	vadd.s32 v1, v3;
	s1 =	simm.s32 $0x9880  }
0x816: {  	[tilespmem:s1], [sflag:$0x1] =	stream.indirect_vreg.gather [hbm4b:s4+s2], $0x80, v4, vm0, $0xb8;
	[tilespmem:$0x18080] =	vst v63  }
0x817: {  	s1 =	simm.s32 $0xA080  }
0x818: {  	[tilespmem:s1], [sflag:$0x1] =	stream.indirect_vreg.gather [hbm4b:s5+s2], $0x80, v4, vm0, $0xb8;
	[tilespmem:$0x18080] =	vst v63  }
0x819: {  	s1 =	simm.s32 $0xA880  }
0x81a: {  	[tilespmem:s1], [sflag:$0x1] =	stream.indirect_vreg.gather [hbm4b:s3+s2], $0x80, v3, vm0, $0xb8;
	[tilespmem:$0x18080] =	vst v63  }
0x81b: {  	s1 =	simm.s32 $0xB080  }
0x81c: {  	[tilespmem:s1], [sflag:$0x1] =	stream.indirect_vreg.gather [hbm4b:s4+s2], $0x80, v3, vm0, $0xb8;
	[tilespmem:$0x18080] =	vst v63  }
0x81d: {  	s1 =	simm.s32 $0xB880  }
0x81e: {  	[tilespmem:s1], [sflag:$0x1] =	stream.indirect_vreg.gather [hbm4b:s5+s2], $0x80, v3, vm0, $0xb8;
	[tilespmem:$0x18080] =	vst v63  }
0x81f: {  	v3 =	vld [tilespmem:$0x40];
	_ =	sdelay $0x4  }
0x820: {  	v36 =	vshrl.u32 v3, $0x3  }
0x821: {  	v4 =	vmul.u32 $0x30, v36  }
0x822: {  	v3 =	vand.u32 $0x7, v3  }
0x823: {  	v3 =	vor.u32 v3, v4  }
0x824: {  	v4 =	vperm.xlane v3, v0;
	_ =	sdelay $0x1  }
0x825: {  	v4 =	vadd.s32 v1, v4;
	_ =	sdelay $0x3  }
0x826: {  	s1 =	simm.s32 $0xC080;
	v3 =	vperm.xlane v3, v2  }
0x827: {  	[tilespmem:s1], [sflag:$0x1] =	stream.indirect_vreg.gather [hbm4b:s3+s2], $0x80, v4, vm0, $0xb8;
	[tilespmem:$0x18080] =	vst v63  }
0x828: {  	s6 =	simm.s32 $0xC880;
	v3 =	vadd.s32 v1, v3  }
0x829: {  	[tilespmem:s6], [sflag:$0x1] =	stream.indirect_vreg.gather [hbm4b:s4+s2], $0x80, v4, vm0, $0xb8;
	[tilespmem:$0x18080] =	vst v63  }
0x82a: {  	s16 =	simm.s32 $0xD080  }
0x82b: {  	[tilespmem:s16], [sflag:$0x1] =	stream.indirect_vreg.gather [hbm4b:s5+s2], $0x80, v4, vm0, $0xb8;
	[tilespmem:$0x18080] =	vst v63  }
0x82c: {  	s17 =	simm.s32 $0xD880  }
0x82d: {  	[tilespmem:s17], [sflag:$0x1] =	stream.indirect_vreg.gather [hbm4b:s3+s2], $0x80, v3, vm0, $0xb8;
	[tilespmem:$0x18080] =	vst v63  }
0x82e: {  	s18 =	simm.s32 $0xE080  }
0x82f: {  	[tilespmem:s18], [sflag:$0x1] =	stream.indirect_vreg.gather [hbm4b:s4+s2], $0x80, v3, vm0, $0xb8;
	[tilespmem:$0x18080] =	vst v63  }
0x830: {  	s1 =	simm.s32 $0xE880  }
0x831: {  	[tilespmem:s1], [sflag:$0x1] =	stream.indirect_vreg.gather [hbm4b:s5+s2], $0x80, v3, vm0, $0xb8;
	[tilespmem:$0x18080] =	vst v63  }
0x832: {  	v3 =	vld [tilespmem:$0x50];
	_ =	sdelay $0x4  }
0x833: {  	v37 =	vshrl.u32 v3, $0x3  }
0x834: {  	v4 =	vmul.u32 $0x30, v37  }
0x835: {  	v3 =	vand.u32 $0x7, v3  }
0x836: {  	v3 =	vor.u32 v3, v4  }
0x837: {  	v4 =	vperm.xlane v3, v0;
	_ =	sdelay $0x1  }
0x838: {  	v4 =	vadd.s32 v1, v4;
	_ =	sdelay $0x3  }
0x839: {  	s1 =	simm.s32 $0xF080;
	v3 =	vperm.xlane v3, v2  }
0x83a: {  	[tilespmem:s1], [sflag:$0x1] =	stream.indirect_vreg.gather [hbm4b:s3+s2], $0x80, v4, vm0, $0xb8;
	[tilespmem:$0x18080] =	vst v63  }
0x83b: {  	s9 =	simm.s32 $0xF880;
	v3 =	vadd.s32 v1, v3  }
0x83c: {  	[tilespmem:s9], [sflag:$0x1] =	stream.indirect_vreg.gather [hbm4b:s4+s2], $0x80, v4, vm0, $0xb8;
	[tilespmem:$0x18080] =	vst v63  }
0x83d: {  	s10 =	simm.s32 $0x10080  }
0x83e: {  	[tilespmem:s10], [sflag:$0x1] =	stream.indirect_vreg.gather [hbm4b:s5+s2], $0x80, v4, vm0, $0xb8;
	[tilespmem:$0x18080] =	vst v63  }
0x83f: {  	s19 =	simm.s32 $0x10880  }
0x840: {  	[tilespmem:s19], [sflag:$0x1] =	stream.indirect_vreg.gather [hbm4b:s3+s2], $0x80, v3, vm0, $0xb8;
	[tilespmem:$0x18080] =	vst v63  }
0x841: {  	s20 =	simm.s32 $0x11080  }
0x842: {  	[tilespmem:s20], [sflag:$0x1] =	stream.indirect_vreg.gather [hbm4b:s4+s2], $0x80, v3, vm0, $0xb8;
	[tilespmem:$0x18080] =	vst v63  }
0x843: {  	s1 =	simm.s32 $0x11880  }
0x844: {  	[tilespmem:s1], [sflag:$0x1] =	stream.indirect_vreg.gather [hbm4b:s5+s2], $0x80, v3, vm0, $0xb8;
	[tilespmem:$0x18080] =	vst v63  }
0x845: {  	v3 =	vld [tilespmem:$0x60];
	_ =	sdelay $0x4  }
0x846: {  	v38 =	vshrl.u32 v3, $0x3  }
0x847: {  	v4 =	vmul.u32 $0x30, v38  }
0x848: {  	v3 =	vand.u32 $0x7, v3  }
0x849: {  	v3 =	vor.u32 v3, v4  }
0x84a: {  	v4 =	vperm.xlane v3, v0;
	_ =	sdelay $0x1  }
0x84b: {  	v4 =	vadd.s32 v1, v4;
	_ =	sdelay $0x3  }
0x84c: {  	s1 =	simm.s32 $0x12080;
	v3 =	vperm.xlane v3, v2  }
0x84d: {  	[tilespmem:s1], [sflag:$0x1] =	stream.indirect_vreg.gather [hbm4b:s3+s2], $0x80, v4, vm0, $0xb8;
	[tilespmem:$0x18080] =	vst v63  }
0x84e: {  	s11 =	simm.s32 $0x12880;
	v3 =	vadd.s32 v1, v3  }
0x84f: {  	[tilespmem:s11], [sflag:$0x1] =	stream.indirect_vreg.gather [hbm4b:s4+s2], $0x80, v4, vm0, $0xb8;
	[tilespmem:$0x18080] =	vst v63  }
0x850: {  	s12 =	simm.s32 $0x13080  }
0x851: {  	[tilespmem:s12], [sflag:$0x1] =	stream.indirect_vreg.gather [hbm4b:s5+s2], $0x80, v4, vm0, $0xb8;
	[tilespmem:$0x18080] =	vst v63  }
0x852: {  	s21 =	simm.s32 $0x13880  }
0x853: {  	[tilespmem:s21], [sflag:$0x1] =	stream.indirect_vreg.gather [hbm4b:s3+s2], $0x80, v3, vm0, $0xb8;
	[tilespmem:$0x18080] =	vst v63  }
0x854: {  	s22 =	simm.s32 $0x14080  }
0x855: {  	[tilespmem:s22], [sflag:$0x1] =	stream.indirect_vreg.gather [hbm4b:s4+s2], $0x80, v3, vm0, $0xb8;
	[tilespmem:$0x18080] =	vst v63  }
0x856: {  	s1 =	simm.s32 $0x14880  }
0x857: {  	[tilespmem:s1], [sflag:$0x1] =	stream.indirect_vreg.gather [hbm4b:s5+s2], $0x80, v3, vm0, $0xb8;
	[tilespmem:$0x18080] =	vst v63  }
0x858: {  	v3 =	vld [tilespmem:$0x70];
	_ =	sdelay $0x4  }
0x859: {  	v39 =	vshrl.u32 v3, $0x3  }
0x85a: {  	v4 =	vmul.u32 $0x30, v39  }
0x85b: {  	v3 =	vand.u32 $0x7, v3  }
0x85c: {  	v3 =	vor.u32 v3, v4  }
0x85d: {  	v4 =	vperm.xlane v3, v0;
	_ =	sdelay $0x1  }
0x85e: {  	v4 =	vadd.s32 v1, v4;
	_ =	sdelay $0x3  }
0x85f: {  	s1 =	simm.s32 $0x15080;
	v3 =	vperm.xlane v3, v2  }
0x860: {  	[tilespmem:s1], [sflag:$0x1] =	stream.indirect_vreg.gather [hbm4b:s3+s2], $0x80, v4, vm0, $0xb8;
	[tilespmem:$0x18080] =	vst v63  }
0x861: {  	s13 =	simm.s32 $0x15880;
	v3 =	vadd.s32 v1, v3  }
0x862: {  	[tilespmem:s13], [sflag:$0x1] =	stream.indirect_vreg.gather [hbm4b:s4+s2], $0x80, v4, vm0, $0xb8;
	[tilespmem:$0x18080] =	vst v63  }
0x863: {  	s14 =	simm.s32 $0x16080  }
0x864: {  	[tilespmem:s14], [sflag:$0x1] =	stream.indirect_vreg.gather [hbm4b:s5+s2], $0x80, v4, vm0, $0xb8;
	[tilespmem:$0x18080] =	vst v63  }
0x865: {  	s23 =	simm.s32 $0x16880  }
0x866: {  	[tilespmem:s23], [sflag:$0x1] =	stream.indirect_vreg.gather [hbm4b:s3+s2], $0x80, v3, vm0, $0xb8;
	[tilespmem:$0x18080] =	vst v63  }
0x867: {  	s24 =	simm.s32 $0x17080  }
0x868: {  	[tilespmem:s24], [sflag:$0x1] =	stream.indirect_vreg.gather [hbm4b:s4+s2], $0x80, v3, vm0, $0xb8;
	[tilespmem:$0x18080] =	vst v63  }
0x869: {  	s15 =	simm.s32 $0x17880  }
0x86a: {  	[tilespmem:s15], [sflag:$0x1] =	stream.indirect_vreg.gather [hbm4b:s5+s2], $0x80, v3, vm0, $0xb8;
	[tilespmem:$0x18080] =	vst v63  }
0x86b: {  	_ =	swait.ge [sflag:s0], $0x18000  }
0x86c: {  	[sflag:s0] =	ssyncset.done $0x0  }
0x86d: {  	s1 =	rddreg [dreg:$0x1c];
	[sflag:s0] =	ssyncadd.s32 $0xFFFE8000  }
0x86e: {  	[hbm4b:s1+s2] =	stream.linear.scatter [tilespmem:s8], [sflag:$0x2], $0x18000, $0x38;
	[tilespmem:$0x18080] =	vst v63  }
0x86f: {  	_ =	swait.ge [sflag:s7], $0x18000  }
0x870: {  	[sflag:s7] =	ssyncset.done $0x0  }
0x871: {  	s1 =	rddreg [dreg:$0x1d];
	[sflag:s7] =	ssyncadd.s32 $0xFFFE8000  }
0x872: {  	[tilespmem:s2], [sflag:$0x2] =	stream.linear.gather [hbm4b:s1+s2], $0x80, $0x38;
	[tilespmem:$0x18080] =	vst v63  }
0x873: {  	_ =	swait.ge [sflag:s7], $0x80  }
0x874: {  	[sflag:s7] =	ssyncset.done $0x0  }
0x875: {  	[sflag:s7] =	ssyncadd.s32 $0xFFFFFF80  }
0x876: {  	v3 =	vld [tilespmem:$0x0];
	_ =	sdelay $0x4  }
0x877: {  	v40 =	vshrl.u32 v3, $0x3  }
0x878: {  	v4 =	vmul.u32 $0x30, v40  }
0x879: {  	v3 =	vand.u32 $0x7, v3  }
0x87a: {  	v3 =	vor.u32 v3, v4  }
0x87b: {  	v4 =	vperm.xlane v3, v0;
	_ =	sdelay $0x1  }
0x87c: {  	v4 =	vadd.s32 v1, v4;
	_ =	sdelay $0x3  }
0x87d: {  	v3 =	vperm.xlane v3, v2  }
0x87e: {  	[tilespmem:s8], [sflag:$0x1] =	stream.indirect_vreg.gather [hbm4b:s3+s2], $0x80, v4, vm0, $0xb8;
	[tilespmem:$0x18080] =	vst v63  }
0x87f: {  	s1 =	simm.s32 $0x880;
	v3 =	vadd.s32 v1, v3  }
0x880: {  	[tilespmem:s1], [sflag:$0x1] =	stream.indirect_vreg.gather [hbm4b:s4+s2], $0x80, v4, vm0, $0xb8;
	[tilespmem:$0x18080] =	vst v63  }
0x881: {  	s1 =	simm.s32 $0x1080  }
0x882: {  	[tilespmem:s1], [sflag:$0x1] =	stream.indirect_vreg.gather [hbm4b:s5+s2], $0x80, v4, vm0, $0xb8;
	[tilespmem:$0x18080] =	vst v63  }
0x883: {  	s1 =	simm.s32 $0x1880  }
0x884: {  	[tilespmem:s1], [sflag:$0x1] =	stream.indirect_vreg.gather [hbm4b:s3+s2], $0x80, v3, vm0, $0xb8;
	[tilespmem:$0x18080] =	vst v63  }
0x885: {  	s1 =	simm.s32 $0x2080  }
0x886: {  	[tilespmem:s1], [sflag:$0x1] =	stream.indirect_vreg.gather [hbm4b:s4+s2], $0x80, v3, vm0, $0xb8;
	[tilespmem:$0x18080] =	vst v63  }
0x887: {  	s1 =	simm.s32 $0x2880  }
0x888: {  	[tilespmem:s1], [sflag:$0x1] =	stream.indirect_vreg.gather [hbm4b:s5+s2], $0x80, v3, vm0, $0xb8;
	[tilespmem:$0x18080] =	vst v63  }
0x889: {  	v3 =	vld [tilespmem:$0x10];
	_ =	sdelay $0x4  }
0x88a: {  	v41 =	vshrl.u32 v3, $0x3  }
0x88b: {  	v4 =	vmul.u32 $0x30, v41  }
0x88c: {  	v3 =	vand.u32 $0x7, v3  }
0x88d: {  	v3 =	vor.u32 v3, v4  }
0x88e: {  	v4 =	vperm.xlane v3, v0;
	_ =	sdelay $0x1  }
0x88f: {  	v4 =	vadd.s32 v1, v4;
	_ =	sdelay $0x3  }
0x890: {  	s1 =	simm.s32 $0x3080;
	v3 =	vperm.xlane v3, v2  }
0x891: {  	[tilespmem:s1], [sflag:$0x1] =	stream.indirect_vreg.gather [hbm4b:s3+s2], $0x80, v4, vm0, $0xb8;
	[tilespmem:$0x18080] =	vst v63  }
0x892: {  	v3 =	vadd.s32 v1, v3;
	s1 =	simm.s32 $0x3880  }
0x893: {  	[tilespmem:s1], [sflag:$0x1] =	stream.indirect_vreg.gather [hbm4b:s4+s2], $0x80, v4, vm0, $0xb8;
	[tilespmem:$0x18080] =	vst v63  }
0x894: {  	s1 =	simm.s32 $0x4080  }
0x895: {  	[tilespmem:s1], [sflag:$0x1] =	stream.indirect_vreg.gather [hbm4b:s5+s2], $0x80, v4, vm0, $0xb8;
	[tilespmem:$0x18080] =	vst v63  }
0x896: {  	s31 =	simm.s32 $0x4880  }
0x897: {  	[tilespmem:s31], [sflag:$0x1] =	stream.indirect_vreg.gather [hbm4b:s3+s2], $0x80, v3, vm0, $0xb8;
	[tilespmem:$0x18080] =	vst v63  }
0x898: {  	s25 =	simm.s32 $0x5080  }
0x899: {  	[tilespmem:s25], [sflag:$0x1] =	stream.indirect_vreg.gather [hbm4b:s4+s2], $0x80, v3, vm0, $0xb8;
	[tilespmem:$0x18080] =	vst v63  }
0x89a: {  	s31 =	simm.s32 $0x5880  }
0x89b: {  	[tilespmem:s31], [sflag:$0x1] =	stream.indirect_vreg.gather [hbm4b:s5+s2], $0x80, v3, vm0, $0xb8;
	[tilespmem:$0x18080] =	vst v63  }
0x89c: {  	v3 =	vld [tilespmem:$0x20];
	_ =	sdelay $0x4  }
0x89d: {  	v42 =	vshrl.u32 v3, $0x3  }
0x89e: {  	v4 =	vmul.u32 $0x30, v42  }
0x89f: {  	v3 =	vand.u32 $0x7, v3  }
0x8a0: {  	v3 =	vor.u32 v3, v4  }
0x8a1: {  	v4 =	vperm.xlane v3, v0;
	_ =	sdelay $0x1  }
0x8a2: {  	v4 =	vadd.s32 v1, v4;
	_ =	sdelay $0x3  }
0x8a3: {  	s25 =	simm.s32 $0x6080;
	v3 =	vperm.xlane v3, v2  }
0x8a4: {  	[tilespmem:s25], [sflag:$0x1] =	stream.indirect_vreg.gather [hbm4b:s3+s2], $0x80, v4, vm0, $0xb8;
	[tilespmem:$0x18080] =	vst v63  }
0x8a5: {  	s26 =	simm.s32 $0x6880;
	v3 =	vadd.s32 v1, v3  }
0x8a6: {  	[tilespmem:s26], [sflag:$0x1] =	stream.indirect_vreg.gather [hbm4b:s4+s2], $0x80, v4, vm0, $0xb8;
	[tilespmem:$0x18080] =	vst v63  }
0x8a7: {  	s28 =	simm.s32 $0x7080  }
0x8a8: {  	[tilespmem:s28], [sflag:$0x1] =	stream.indirect_vreg.gather [hbm4b:s5+s2], $0x80, v4, vm0, $0xb8;
	[tilespmem:$0x18080] =	vst v63  }
0x8a9: {  	s29 =	simm.s32 $0x7880  }
0x8aa: {  	[tilespmem:s29], [sflag:$0x1] =	stream.indirect_vreg.gather [hbm4b:s3+s2], $0x80, v3, vm0, $0xb8;
	[tilespmem:$0x18080] =	vst v63  }
0x8ab: {  	s30 =	simm.s32 $0x8080  }
0x8ac: {  	[tilespmem:s30], [sflag:$0x1] =	stream.indirect_vreg.gather [hbm4b:s4+s2], $0x80, v3, vm0, $0xb8;
	[tilespmem:$0x18080] =	vst v63  }
0x8ad: {  	s30 =	simm.s32 $0x8880  }
0x8ae: {  	[tilespmem:s30], [sflag:$0x1] =	stream.indirect_vreg.gather [hbm4b:s5+s2], $0x80, v3, vm0, $0xb8;
	[tilespmem:$0x18080] =	vst v63  }
0x8af: {  	v3 =	vld [tilespmem:$0x30];
	_ =	sdelay $0x4  }
0x8b0: {  	v43 =	vshrl.u32 v3, $0x3  }
0x8b1: {  	v4 =	vmul.u32 $0x30, v43  }
0x8b2: {  	v3 =	vand.u32 $0x7, v3  }
0x8b3: {  	v3 =	vor.u32 v3, v4  }
0x8b4: {  	v4 =	vperm.xlane v3, v0;
	_ =	sdelay $0x1  }
0x8b5: {  	v4 =	vadd.s32 v1, v4;
	_ =	sdelay $0x3  }
0x8b6: {  	s31 =	simm.s32 $0x9080;
	v3 =	vperm.xlane v3, v2  }
0x8b7: {  	[tilespmem:s31], [sflag:$0x1] =	stream.indirect_vreg.gather [hbm4b:s3+s2], $0x80, v4, vm0, $0xb8;
	[tilespmem:$0x18080] =	vst v63  }
0x8b8: {  	s25 =	simm.s32 $0x9880;
	v3 =	vadd.s32 v1, v3  }
0x8b9: {  	[tilespmem:s25], [sflag:$0x1] =	stream.indirect_vreg.gather [hbm4b:s4+s2], $0x80, v4, vm0, $0xb8;
	[tilespmem:$0x18080] =	vst v63  }
0x8ba: {  	s26 =	simm.s32 $0xA080  }
0x8bb: {  	[tilespmem:s26], [sflag:$0x1] =	stream.indirect_vreg.gather [hbm4b:s5+s2], $0x80, v4, vm0, $0xb8;
	[tilespmem:$0x18080] =	vst v63  }
0x8bc: {  	s28 =	simm.s32 $0xA880  }
0x8bd: {  	[tilespmem:s28], [sflag:$0x1] =	stream.indirect_vreg.gather [hbm4b:s3+s2], $0x80, v3, vm0, $0xb8;
	[tilespmem:$0x18080] =	vst v63  }
0x8be: {  	s29 =	simm.s32 $0xB080  }
0x8bf: {  	[tilespmem:s29], [sflag:$0x1] =	stream.indirect_vreg.gather [hbm4b:s4+s2], $0x80, v3, vm0, $0xb8;
	[tilespmem:$0x18080] =	vst v63  }
0x8c0: {  	s30 =	simm.s32 $0xB880  }
0x8c1: {  	[tilespmem:s30], [sflag:$0x1] =	stream.indirect_vreg.gather [hbm4b:s5+s2], $0x80, v3, vm0, $0xb8;
	[tilespmem:$0x18080] =	vst v63  }
0x8c2: {  	v3 =	vld [tilespmem:$0x40];
	_ =	sdelay $0x4  }
0x8c3: {  	v44 =	vshrl.u32 v3, $0x3  }
0x8c4: {  	v4 =	vmul.u32 $0x30, v44  }
0x8c5: {  	v3 =	vand.u32 $0x7, v3  }
0x8c6: {  	v3 =	vor.u32 v3, v4  }
0x8c7: {  	v4 =	vperm.xlane v3, v0;
	_ =	sdelay $0x1  }
0x8c8: {  	v4 =	vadd.s32 v1, v4;
	_ =	sdelay $0x3  }
0x8c9: {  	s31 =	simm.s32 $0xC080;
	v3 =	vperm.xlane v3, v2  }
0x8ca: {  	[tilespmem:s31], [sflag:$0x1] =	stream.indirect_vreg.gather [hbm4b:s3+s2], $0x80, v4, vm0, $0xb8;
	[tilespmem:$0x18080] =	vst v63  }
0x8cb: {  	s6 =	simm.s32 $0xC880;
	v3 =	vadd.s32 v1, v3  }
0x8cc: {  	[tilespmem:s6], [sflag:$0x1] =	stream.indirect_vreg.gather [hbm4b:s4+s2], $0x80, v4, vm0, $0xb8;
	[tilespmem:$0x18080] =	vst v63  }
0x8cd: {  	s16 =	simm.s32 $0xD080  }
0x8ce: {  	[tilespmem:s16], [sflag:$0x1] =	stream.indirect_vreg.gather [hbm4b:s5+s2], $0x80, v4, vm0, $0xb8;
	[tilespmem:$0x18080] =	vst v63  }
0x8cf: {  	s17 =	simm.s32 $0xD880  }
0x8d0: {  	[tilespmem:s17], [sflag:$0x1] =	stream.indirect_vreg.gather [hbm4b:s3+s2], $0x80, v3, vm0, $0xb8;
	[tilespmem:$0x18080] =	vst v63  }
0x8d1: {  	s18 =	simm.s32 $0xE080  }
0x8d2: {  	[tilespmem:s18], [sflag:$0x1] =	stream.indirect_vreg.gather [hbm4b:s4+s2], $0x80, v3, vm0, $0xb8;
	[tilespmem:$0x18080] =	vst v63  }
0x8d3: {  	s25 =	simm.s32 $0xE880  }
0x8d4: {  	[tilespmem:s25], [sflag:$0x1] =	stream.indirect_vreg.gather [hbm4b:s5+s2], $0x80, v3, vm0, $0xb8;
	[tilespmem:$0x18080] =	vst v63  }
0x8d5: {  	v3 =	vld [tilespmem:$0x50];
	_ =	sdelay $0x4  }
0x8d6: {  	v45 =	vshrl.u32 v3, $0x3  }
0x8d7: {  	v4 =	vmul.u32 $0x30, v45  }
0x8d8: {  	v3 =	vand.u32 $0x7, v3  }
0x8d9: {  	v3 =	vor.u32 v3, v4  }
0x8da: {  	v4 =	vperm.xlane v3, v0;
	_ =	sdelay $0x1  }
0x8db: {  	v4 =	vadd.s32 v1, v4;
	_ =	sdelay $0x3  }
0x8dc: {  	s26 =	simm.s32 $0xF080;
	v3 =	vperm.xlane v3, v2  }
0x8dd: {  	[tilespmem:s26], [sflag:$0x1] =	stream.indirect_vreg.gather [hbm4b:s3+s2], $0x80, v4, vm0, $0xb8;
	[tilespmem:$0x18080] =	vst v63  }
0x8de: {  	s9 =	simm.s32 $0xF880;
	v3 =	vadd.s32 v1, v3  }
0x8df: {  	[tilespmem:s9], [sflag:$0x1] =	stream.indirect_vreg.gather [hbm4b:s4+s2], $0x80, v4, vm0, $0xb8;
	[tilespmem:$0x18080] =	vst v63  }
0x8e0: {  	s10 =	simm.s32 $0x10080  }
0x8e1: {  	[tilespmem:s10], [sflag:$0x1] =	stream.indirect_vreg.gather [hbm4b:s5+s2], $0x80, v4, vm0, $0xb8;
	[tilespmem:$0x18080] =	vst v63  }
0x8e2: {  	s19 =	simm.s32 $0x10880  }
0x8e3: {  	[tilespmem:s19], [sflag:$0x1] =	stream.indirect_vreg.gather [hbm4b:s3+s2], $0x80, v3, vm0, $0xb8;
	[tilespmem:$0x18080] =	vst v63  }
0x8e4: {  	s20 =	simm.s32 $0x11080  }
0x8e5: {  	[tilespmem:s20], [sflag:$0x1] =	stream.indirect_vreg.gather [hbm4b:s4+s2], $0x80, v3, vm0, $0xb8;
	[tilespmem:$0x18080] =	vst v63  }
0x8e6: {  	s28 =	simm.s32 $0x11880  }
0x8e7: {  	[tilespmem:s28], [sflag:$0x1] =	stream.indirect_vreg.gather [hbm4b:s5+s2], $0x80, v3, vm0, $0xb8;
	[tilespmem:$0x18080] =	vst v63  }
0x8e8: {  	v3 =	vld [tilespmem:$0x60];
	_ =	sdelay $0x4  }
0x8e9: {  	v46 =	vshrl.u32 v3, $0x3  }
0x8ea: {  	v4 =	vmul.u32 $0x30, v46  }
0x8eb: {  	v3 =	vand.u32 $0x7, v3  }
0x8ec: {  	v3 =	vor.u32 v3, v4  }
0x8ed: {  	v4 =	vperm.xlane v3, v0;
	_ =	sdelay $0x1  }
0x8ee: {  	v4 =	vadd.s32 v1, v4;
	_ =	sdelay $0x3  }
0x8ef: {  	s29 =	simm.s32 $0x12080;
	v3 =	vperm.xlane v3, v2  }
0x8f0: {  	[tilespmem:s29], [sflag:$0x1] =	stream.indirect_vreg.gather [hbm4b:s3+s2], $0x80, v4, vm0, $0xb8;
	[tilespmem:$0x18080] =	vst v63  }
0x8f1: {  	s11 =	simm.s32 $0x12880;
	v3 =	vadd.s32 v1, v3  }
0x8f2: {  	[tilespmem:s11], [sflag:$0x1] =	stream.indirect_vreg.gather [hbm4b:s4+s2], $0x80, v4, vm0, $0xb8;
	[tilespmem:$0x18080] =	vst v63  }
0x8f3: {  	s12 =	simm.s32 $0x13080  }
0x8f4: {  	[tilespmem:s12], [sflag:$0x1] =	stream.indirect_vreg.gather [hbm4b:s5+s2], $0x80, v4, vm0, $0xb8;
	[tilespmem:$0x18080] =	vst v63  }
0x8f5: {  	s21 =	simm.s32 $0x13880  }
0x8f6: {  	[tilespmem:s21], [sflag:$0x1] =	stream.indirect_vreg.gather [hbm4b:s3+s2], $0x80, v3, vm0, $0xb8;
	[tilespmem:$0x18080] =	vst v63  }
0x8f7: {  	s22 =	simm.s32 $0x14080  }
0x8f8: {  	[tilespmem:s22], [sflag:$0x1] =	stream.indirect_vreg.gather [hbm4b:s4+s2], $0x80, v3, vm0, $0xb8;
	[tilespmem:$0x18080] =	vst v63  }
0x8f9: {  	s30 =	simm.s32 $0x14880  }
0x8fa: {  	[tilespmem:s30], [sflag:$0x1] =	stream.indirect_vreg.gather [hbm4b:s5+s2], $0x80, v3, vm0, $0xb8;
	[tilespmem:$0x18080] =	vst v63  }
0x8fb: {  	v3 =	vld [tilespmem:$0x70];
	_ =	sdelay $0x4  }
0x8fc: {  	v47 =	vshrl.u32 v3, $0x3  }
0x8fd: {  	v4 =	vmul.u32 $0x30, v47  }
0x8fe: {  	v3 =	vand.u32 $0x7, v3  }
0x8ff: {  	v3 =	vor.u32 v3, v4  }
0x900: {  	v4 =	vperm.xlane v3, v0;
	_ =	sdelay $0x1  }
0x901: {  	v4 =	vadd.s32 v1, v4;
	_ =	sdelay $0x3  }
0x902: {  	s31 =	simm.s32 $0x15080;
	v3 =	vperm.xlane v3, v2  }
0x903: {  	[tilespmem:s31], [sflag:$0x1] =	stream.indirect_vreg.gather [hbm4b:s3+s2], $0x80, v4, vm0, $0xb8;
	[tilespmem:$0x18080] =	vst v63  }
0x904: {  	s13 =	simm.s32 $0x15880;
	v3 =	vadd.s32 v1, v3  }
0x905: {  	[tilespmem:s13], [sflag:$0x1] =	stream.indirect_vreg.gather [hbm4b:s4+s2], $0x80, v4, vm0, $0xb8;
	[tilespmem:$0x18080] =	vst v63  }
0x906: {  	s14 =	simm.s32 $0x16080  }
0x907: {  	[tilespmem:s14], [sflag:$0x1] =	stream.indirect_vreg.gather [hbm4b:s5+s2], $0x80, v4, vm0, $0xb8;
	[tilespmem:$0x18080] =	vst v63  }
0x908: {  	s23 =	simm.s32 $0x16880  }
0x909: {  	[tilespmem:s23], [sflag:$0x1] =	stream.indirect_vreg.gather [hbm4b:s3+s2], $0x80, v3, vm0, $0xb8;
	[tilespmem:$0x18080] =	vst v63  }
0x90a: {  	s24 =	simm.s32 $0x17080  }
0x90b: {  	[tilespmem:s24], [sflag:$0x1] =	stream.indirect_vreg.gather [hbm4b:s4+s2], $0x80, v3, vm0, $0xb8;
	[tilespmem:$0x18080] =	vst v63  }
0x90c: {  	s15 =	simm.s32 $0x17880  }
0x90d: {  	[tilespmem:s15], [sflag:$0x1] =	stream.indirect_vreg.gather [hbm4b:s5+s2], $0x80, v3, vm0, $0xb8;
	[tilespmem:$0x18080] =	vst v63  }
0x90e: {  	_ =	swait.ge [sflag:s0], $0x18000  }
0x90f: {  	[sflag:s0] =	ssyncset.done $0x0  }
0x910: {  	s15 =	rddreg [dreg:$0x1e];
	[sflag:s0] =	ssyncadd.s32 $0xFFFE8000  }
0x911: {  	[hbm4b:s15+s2] =	stream.linear.scatter [tilespmem:s8], [sflag:$0x2], $0x18000, $0x38;
	[tilespmem:$0x18080] =	vst v63  }
0x912: {  	_ =	swait.ge [sflag:s7], $0x18000  }
0x913: {  	[sflag:s7] =	ssyncset.done $0x0  }
0x914: {  	s25 =	rddreg [dreg:$0x1f];
	[sflag:s7] =	ssyncadd.s32 $0xFFFE8000  }
0x915: {  	[tilespmem:s2], [sflag:$0x2] =	stream.linear.gather [hbm4b:s25+s2], $0x80, $0x38;
	[tilespmem:$0x18080] =	vst v63  }
0x916: {  	_ =	swait.ge [sflag:s7], $0x80  }
0x917: {  	[sflag:s7] =	ssyncset.done $0x0  }
0x918: {  	[sflag:s7] =	ssyncadd.s32 $0xFFFFFF80  }
0x919: {  	v3 =	vld [tilespmem:$0x0];
	_ =	sdelay $0x4  }
0x91a: {  	v48 =	vshrl.u32 v3, $0x3  }
0x91b: {  	v4 =	vmul.u32 $0x30, v48  }
0x91c: {  	v3 =	vand.u32 $0x7, v3  }
0x91d: {  	v3 =	vor.u32 v3, v4  }
0x91e: {  	v4 =	vperm.xlane v3, v0;
	_ =	sdelay $0x1  }
0x91f: {  	v4 =	vadd.s32 v1, v4;
	_ =	sdelay $0x3  }
0x920: {  	v3 =	vperm.xlane v3, v2  }
0x921: {  	[tilespmem:s8], [sflag:$0x1] =	stream.indirect_vreg.gather [hbm4b:s3+s2], $0x80, v4, vm0, $0xb8;
	[tilespmem:$0x18080] =	vst v63  }
0x922: {  	s26 =	simm.s32 $0x880;
	v3 =	vadd.s32 v1, v3  }
0x923: {  	[tilespmem:s26], [sflag:$0x1] =	stream.indirect_vreg.gather [hbm4b:s4+s2], $0x80, v4, vm0, $0xb8;
	[tilespmem:$0x18080] =	vst v63  }
0x924: {  	s28 =	simm.s32 $0x1080  }
0x925: {  	[tilespmem:s28], [sflag:$0x1] =	stream.indirect_vreg.gather [hbm4b:s5+s2], $0x80, v4, vm0, $0xb8;
	[tilespmem:$0x18080] =	vst v63  }
0x926: {  	s29 =	simm.s32 $0x1880  }
0x927: {  	[tilespmem:s29], [sflag:$0x1] =	stream.indirect_vreg.gather [hbm4b:s3+s2], $0x80, v3, vm0, $0xb8;
	[tilespmem:$0x18080] =	vst v63  }
0x928: {  	s30 =	simm.s32 $0x2080  }
0x929: {  	[tilespmem:s30], [sflag:$0x1] =	stream.indirect_vreg.gather [hbm4b:s4+s2], $0x80, v3, vm0, $0xb8;
	[tilespmem:$0x18080] =	vst v63  }
0x92a: {  	s31 =	simm.s32 $0x2880  }
0x92b: {  	[tilespmem:s31], [sflag:$0x1] =	stream.indirect_vreg.gather [hbm4b:s5+s2], $0x80, v3, vm0, $0xb8;
	[tilespmem:$0x18080] =	vst v63  }
0x92c: {  	v3 =	vld [tilespmem:$0x10];
	_ =	sdelay $0x4  }
0x92d: {  	v49 =	vshrl.u32 v3, $0x3  }
0x92e: {  	v4 =	vmul.u32 $0x30, v49  }
0x92f: {  	v3 =	vand.u32 $0x7, v3  }
0x930: {  	v3 =	vor.u32 v3, v4  }
0x931: {  	v4 =	vperm.xlane v3, v0;
	_ =	sdelay $0x1  }
0x932: {  	v4 =	vadd.s32 v1, v4;
	_ =	sdelay $0x3  }
0x933: {  	s15 =	simm.s32 $0x3080;
	v3 =	vperm.xlane v3, v2  }
0x934: {  	[tilespmem:s15], [sflag:$0x1] =	stream.indirect_vreg.gather [hbm4b:s3+s2], $0x80, v4, vm0, $0xb8;
	[tilespmem:$0x18080] =	vst v63  }
0x935: {  	s30 =	simm.s32 $0x3880;
	v3 =	vadd.s32 v1, v3  }
0x936: {  	[tilespmem:s30], [sflag:$0x1] =	stream.indirect_vreg.gather [hbm4b:s4+s2], $0x80, v4, vm0, $0xb8;
	[tilespmem:$0x18080] =	vst v63  }
0x937: {  	s31 =	simm.s32 $0x4080  }
0x938: {  	[tilespmem:s31], [sflag:$0x1] =	stream.indirect_vreg.gather [hbm4b:s5+s2], $0x80, v4, vm0, $0xb8;
	[tilespmem:$0x18080] =	vst v63  }
0x939: {  	s15 =	simm.s32 $0x4880  }
0x93a: {  	[tilespmem:s15], [sflag:$0x1] =	stream.indirect_vreg.gather [hbm4b:s3+s2], $0x80, v3, vm0, $0xb8;
	[tilespmem:$0x18080] =	vst v63  }
0x93b: {  	s15 =	simm.s32 $0x5080  }
0x93c: {  	[tilespmem:s15], [sflag:$0x1] =	stream.indirect_vreg.gather [hbm4b:s4+s2], $0x80, v3, vm0, $0xb8;
	[tilespmem:$0x18080] =	vst v63  }
0x93d: {  	s15 =	simm.s32 $0x5880  }
0x93e: {  	[tilespmem:s15], [sflag:$0x1] =	stream.indirect_vreg.gather [hbm4b:s5+s2], $0x80, v3, vm0, $0xb8;
	[tilespmem:$0x18080] =	vst v63  }
0x93f: {  	v3 =	vld [tilespmem:$0x20];
	_ =	sdelay $0x4  }
0x940: {  	v50 =	vshrl.u32 v3, $0x3  }
0x941: {  	v4 =	vmul.u32 $0x30, v50  }
0x942: {  	v3 =	vand.u32 $0x7, v3  }
0x943: {  	v3 =	vor.u32 v3, v4  }
0x944: {  	v4 =	vperm.xlane v3, v0;
	_ =	sdelay $0x1  }
0x945: {  	v4 =	vadd.s32 v1, v4;
	_ =	sdelay $0x3  }
0x946: {  	s15 =	simm.s32 $0x6080;
	v3 =	vperm.xlane v3, v2  }
0x947: {  	[tilespmem:s15], [sflag:$0x1] =	stream.indirect_vreg.gather [hbm4b:s3+s2], $0x80, v4, vm0, $0xb8;
	[tilespmem:$0x18080] =	vst v63  }
0x948: {  	v3 =	vadd.s32 v1, v3;
	s15 =	simm.s32 $0x6880  }
0x949: {  	[tilespmem:s15], [sflag:$0x1] =	stream.indirect_vreg.gather [hbm4b:s4+s2], $0x80, v4, vm0, $0xb8;
	[tilespmem:$0x18080] =	vst v63  }
0x94a: {  	s15 =	simm.s32 $0x7080  }
0x94b: {  	[tilespmem:s15], [sflag:$0x1] =	stream.indirect_vreg.gather [hbm4b:s5+s2], $0x80, v4, vm0, $0xb8;
	[tilespmem:$0x18080] =	vst v63  }
0x94c: {  	s15 =	simm.s32 $0x7880  }
0x94d: {  	[tilespmem:s15], [sflag:$0x1] =	stream.indirect_vreg.gather [hbm4b:s3+s2], $0x80, v3, vm0, $0xb8;
	[tilespmem:$0x18080] =	vst v63  }
0x94e: {  	s15 =	simm.s32 $0x8080  }
0x94f: {  	[tilespmem:s15], [sflag:$0x1] =	stream.indirect_vreg.gather [hbm4b:s4+s2], $0x80, v3, vm0, $0xb8;
	[tilespmem:$0x18080] =	vst v63  }
0x950: {  	s15 =	simm.s32 $0x8880  }
0x951: {  	[tilespmem:s15], [sflag:$0x1] =	stream.indirect_vreg.gather [hbm4b:s5+s2], $0x80, v3, vm0, $0xb8;
	[tilespmem:$0x18080] =	vst v63  }
0x952: {  	v3 =	vld [tilespmem:$0x30];
	_ =	sdelay $0x4  }
0x953: {  	v51 =	vshrl.u32 v3, $0x3  }
0x954: {  	v4 =	vmul.u32 $0x30, v51  }
0x955: {  	v3 =	vand.u32 $0x7, v3  }
0x956: {  	v3 =	vor.u32 v3, v4  }
0x957: {  	v4 =	vperm.xlane v3, v0;
	_ =	sdelay $0x1  }
0x958: {  	v4 =	vadd.s32 v1, v4;
	_ =	sdelay $0x3  }
0x959: {  	s15 =	simm.s32 $0x9080;
	v3 =	vperm.xlane v3, v2  }
0x95a: {  	[tilespmem:s15], [sflag:$0x1] =	stream.indirect_vreg.gather [hbm4b:s3+s2], $0x80, v4, vm0, $0xb8;
	[tilespmem:$0x18080] =	vst v63  }
0x95b: {  	v3 =	vadd.s32 v1, v3;
	s15 =	simm.s32 $0x9880  }
0x95c: {  	[tilespmem:s15], [sflag:$0x1] =	stream.indirect_vreg.gather [hbm4b:s4+s2], $0x80, v4, vm0, $0xb8;
	[tilespmem:$0x18080] =	vst v63  }
0x95d: {  	s15 =	simm.s32 $0xA080  }
0x95e: {  	[tilespmem:s15], [sflag:$0x1] =	stream.indirect_vreg.gather [hbm4b:s5+s2], $0x80, v4, vm0, $0xb8;
	[tilespmem:$0x18080] =	vst v63  }
0x95f: {  	s15 =	simm.s32 $0xA880  }
0x960: {  	[tilespmem:s15], [sflag:$0x1] =	stream.indirect_vreg.gather [hbm4b:s3+s2], $0x80, v3, vm0, $0xb8;
	[tilespmem:$0x18080] =	vst v63  }
0x961: {  	s15 =	simm.s32 $0xB080  }
0x962: {  	[tilespmem:s15], [sflag:$0x1] =	stream.indirect_vreg.gather [hbm4b:s4+s2], $0x80, v3, vm0, $0xb8;
	[tilespmem:$0x18080] =	vst v63  }
0x963: {  	s15 =	simm.s32 $0xB880  }
0x964: {  	[tilespmem:s15], [sflag:$0x1] =	stream.indirect_vreg.gather [hbm4b:s5+s2], $0x80, v3, vm0, $0xb8;
	[tilespmem:$0x18080] =	vst v63  }
0x965: {  	v3 =	vld [tilespmem:$0x40];
	_ =	sdelay $0x4  }
0x966: {  	v52 =	vshrl.u32 v3, $0x3  }
0x967: {  	v4 =	vmul.u32 $0x30, v52  }
0x968: {  	v3 =	vand.u32 $0x7, v3  }
0x969: {  	v3 =	vor.u32 v3, v4  }
0x96a: {  	v4 =	vperm.xlane v3, v0;
	_ =	sdelay $0x1  }
0x96b: {  	v4 =	vadd.s32 v1, v4;
	_ =	sdelay $0x3  }
0x96c: {  	s15 =	simm.s32 $0xC080;
	v3 =	vperm.xlane v3, v2  }
0x96d: {  	[tilespmem:s15], [sflag:$0x1] =	stream.indirect_vreg.gather [hbm4b:s3+s2], $0x80, v4, vm0, $0xb8;
	[tilespmem:$0x18080] =	vst v63  }
0x96e: {  	s6 =	simm.s32 $0xC880;
	v3 =	vadd.s32 v1, v3  }
0x96f: {  	[tilespmem:s6], [sflag:$0x1] =	stream.indirect_vreg.gather [hbm4b:s4+s2], $0x80, v4, vm0, $0xb8;
	[tilespmem:$0x18080] =	vst v63  }
0x970: {  	s16 =	simm.s32 $0xD080  }
0x971: {  	[tilespmem:s16], [sflag:$0x1] =	stream.indirect_vreg.gather [hbm4b:s5+s2], $0x80, v4, vm0, $0xb8;
	[tilespmem:$0x18080] =	vst v63  }
0x972: {  	s17 =	simm.s32 $0xD880  }
0x973: {  	[tilespmem:s17], [sflag:$0x1] =	stream.indirect_vreg.gather [hbm4b:s3+s2], $0x80, v3, vm0, $0xb8;
	[tilespmem:$0x18080] =	vst v63  }
0x974: {  	s18 =	simm.s32 $0xE080  }
0x975: {  	[tilespmem:s18], [sflag:$0x1] =	stream.indirect_vreg.gather [hbm4b:s4+s2], $0x80, v3, vm0, $0xb8;
	[tilespmem:$0x18080] =	vst v63  }
0x976: {  	s18 =	simm.s32 $0xE880  }
0x977: {  	[tilespmem:s18], [sflag:$0x1] =	stream.indirect_vreg.gather [hbm4b:s5+s2], $0x80, v3, vm0, $0xb8;
	[tilespmem:$0x18080] =	vst v63  }
0x978: {  	v3 =	vld [tilespmem:$0x50];
	_ =	sdelay $0x4  }
0x979: {  	v53 =	vshrl.u32 v3, $0x3  }
0x97a: {  	v4 =	vmul.u32 $0x30, v53  }
0x97b: {  	v3 =	vand.u32 $0x7, v3  }
0x97c: {  	v3 =	vor.u32 v3, v4  }
0x97d: {  	v4 =	vperm.xlane v3, v0;
	_ =	sdelay $0x1  }
0x97e: {  	v4 =	vadd.s32 v1, v4;
	_ =	sdelay $0x3  }
0x97f: {  	s18 =	simm.s32 $0xF080;
	v3 =	vperm.xlane v3, v2  }
0x980: {  	[tilespmem:s18], [sflag:$0x1] =	stream.indirect_vreg.gather [hbm4b:s3+s2], $0x80, v4, vm0, $0xb8;
	[tilespmem:$0x18080] =	vst v63  }
0x981: {  	s9 =	simm.s32 $0xF880;
	v3 =	vadd.s32 v1, v3  }
0x982: {  	[tilespmem:s9], [sflag:$0x1] =	stream.indirect_vreg.gather [hbm4b:s4+s2], $0x80, v4, vm0, $0xb8;
	[tilespmem:$0x18080] =	vst v63  }
0x983: {  	s10 =	simm.s32 $0x10080  }
0x984: {  	[tilespmem:s10], [sflag:$0x1] =	stream.indirect_vreg.gather [hbm4b:s5+s2], $0x80, v4, vm0, $0xb8;
	[tilespmem:$0x18080] =	vst v63  }
0x985: {  	s19 =	simm.s32 $0x10880  }
0x986: {  	[tilespmem:s19], [sflag:$0x1] =	stream.indirect_vreg.gather [hbm4b:s3+s2], $0x80, v3, vm0, $0xb8;
	[tilespmem:$0x18080] =	vst v63  }
0x987: {  	s20 =	simm.s32 $0x11080  }
0x988: {  	[tilespmem:s20], [sflag:$0x1] =	stream.indirect_vreg.gather [hbm4b:s4+s2], $0x80, v3, vm0, $0xb8;
	[tilespmem:$0x18080] =	vst v63  }
0x989: {  	s20 =	simm.s32 $0x11880  }
0x98a: {  	[tilespmem:s20], [sflag:$0x1] =	stream.indirect_vreg.gather [hbm4b:s5+s2], $0x80, v3, vm0, $0xb8;
	[tilespmem:$0x18080] =	vst v63  }
0x98b: {  	v3 =	vld [tilespmem:$0x60];
	_ =	sdelay $0x4  }
0x98c: {  	v54 =	vshrl.u32 v3, $0x3  }
0x98d: {  	v4 =	vmul.u32 $0x30, v54  }
0x98e: {  	v3 =	vand.u32 $0x7, v3  }
0x98f: {  	v3 =	vor.u32 v3, v4  }
0x990: {  	v4 =	vperm.xlane v3, v0;
	_ =	sdelay $0x1  }
0x991: {  	v4 =	vadd.s32 v1, v4;
	_ =	sdelay $0x3  }
0x992: {  	s20 =	simm.s32 $0x12080;
	v3 =	vperm.xlane v3, v2  }
0x993: {  	[tilespmem:s20], [sflag:$0x1] =	stream.indirect_vreg.gather [hbm4b:s3+s2], $0x80, v4, vm0, $0xb8;
	[tilespmem:$0x18080] =	vst v63  }
0x994: {  	s11 =	simm.s32 $0x12880;
	v3 =	vadd.s32 v1, v3  }
0x995: {  	[tilespmem:s11], [sflag:$0x1] =	stream.indirect_vreg.gather [hbm4b:s4+s2], $0x80, v4, vm0, $0xb8;
	[tilespmem:$0x18080] =	vst v63  }
0x996: {  	s12 =	simm.s32 $0x13080  }
0x997: {  	[tilespmem:s12], [sflag:$0x1] =	stream.indirect_vreg.gather [hbm4b:s5+s2], $0x80, v4, vm0, $0xb8;
	[tilespmem:$0x18080] =	vst v63  }
0x998: {  	s21 =	simm.s32 $0x13880  }
0x999: {  	[tilespmem:s21], [sflag:$0x1] =	stream.indirect_vreg.gather [hbm4b:s3+s2], $0x80, v3, vm0, $0xb8;
	[tilespmem:$0x18080] =	vst v63  }
0x99a: {  	s22 =	simm.s32 $0x14080  }
0x99b: {  	[tilespmem:s22], [sflag:$0x1] =	stream.indirect_vreg.gather [hbm4b:s4+s2], $0x80, v3, vm0, $0xb8;
	[tilespmem:$0x18080] =	vst v63  }
0x99c: {  	s22 =	simm.s32 $0x14880  }
0x99d: {  	[tilespmem:s22], [sflag:$0x1] =	stream.indirect_vreg.gather [hbm4b:s5+s2], $0x80, v3, vm0, $0xb8;
	[tilespmem:$0x18080] =	vst v63  }
0x99e: {  	v3 =	vld [tilespmem:$0x70];
	_ =	sdelay $0x4  }
0x99f: {  	v55 =	vshrl.u32 v3, $0x3  }
0x9a0: {  	v4 =	vmul.u32 $0x30, v55  }
0x9a1: {  	v3 =	vand.u32 $0x7, v3  }
0x9a2: {  	v3 =	vor.u32 v3, v4  }
0x9a3: {  	v4 =	vperm.xlane v3, v0;
	_ =	sdelay $0x1  }
0x9a4: {  	v4 =	vadd.s32 v1, v4;
	_ =	sdelay $0x3  }
0x9a5: {  	s22 =	simm.s32 $0x15080;
	v3 =	vperm.xlane v3, v2  }
0x9a6: {  	[tilespmem:s22], [sflag:$0x1] =	stream.indirect_vreg.gather [hbm4b:s3+s2], $0x80, v4, vm0, $0xb8;
	[tilespmem:$0x18080] =	vst v63  }
0x9a7: {  	s13 =	simm.s32 $0x15880;
	v3 =	vadd.s32 v1, v3  }
0x9a8: {  	[tilespmem:s13], [sflag:$0x1] =	stream.indirect_vreg.gather [hbm4b:s4+s2], $0x80, v4, vm0, $0xb8;
	[tilespmem:$0x18080] =	vst v63  }
0x9a9: {  	s14 =	simm.s32 $0x16080  }
0x9aa: {  	[tilespmem:s14], [sflag:$0x1] =	stream.indirect_vreg.gather [hbm4b:s5+s2], $0x80, v4, vm0, $0xb8;
	[tilespmem:$0x18080] =	vst v63  }
0x9ab: {  	s23 =	simm.s32 $0x16880  }
0x9ac: {  	[tilespmem:s23], [sflag:$0x1] =	stream.indirect_vreg.gather [hbm4b:s3+s2], $0x80, v3, vm0, $0xb8;
	[tilespmem:$0x18080] =	vst v63  }
0x9ad: {  	s24 =	simm.s32 $0x17080  }
0x9ae: {  	[tilespmem:s24], [sflag:$0x1] =	stream.indirect_vreg.gather [hbm4b:s4+s2], $0x80, v3, vm0, $0xb8;
	[tilespmem:$0x18080] =	vst v63  }
0x9af: {  	s24 =	simm.s32 $0x17880  }
0x9b0: {  	[tilespmem:s24], [sflag:$0x1] =	stream.indirect_vreg.gather [hbm4b:s5+s2], $0x80, v3, vm0, $0xb8;
	[tilespmem:$0x18080] =	vst v63  }
0x9b1: {  	_ =	swait.ge [sflag:s0], $0x18000  }
0x9b2: {  	s1 =	sld [smem:$0x7FB]  }
0x9b3: {  	[sflag:s0] =	ssyncset.done $0x0  }
0x9b4: {  	[sflag:s0] =	ssyncadd.s32 $0xFFFE8000  }
0x9b5: {  	[hbm4b:s1+s2] =	stream.linear.scatter [tilespmem:s8], [sflag:$0x2], $0x18000, $0x38;
	[tilespmem:$0x18080] =	vst v63  }
0x9b6: {  	_ =	swait.ge [sflag:s7], $0x18000  }
0x9b7: {  	s1 =	sld [smem:$0x7FC]  }
0x9b8: {  	[sflag:s7] =	ssyncset.done $0x0  }
0x9b9: {  	[sflag:s7] =	ssyncadd.s32 $0xFFFE8000  }
0x9ba: {  	[tilespmem:s2], [sflag:$0x2] =	stream.linear.gather [hbm4b:s1+s2], $0x80, $0x38;
	[tilespmem:$0x18080] =	vst v63  }
0x9bb: {  	_ =	swait.ge [sflag:s7], $0x80  }
0x9bc: {  	[sflag:s7] =	ssyncset.done $0x0  }
0x9bd: {  	[sflag:s7] =	ssyncadd.s32 $0xFFFFFF80  }
0x9be: {  	v3 =	vld [tilespmem:$0x0];
	_ =	sdelay $0x4  }
0x9bf: {  	v56 =	vshrl.u32 v3, $0x3  }
0x9c0: {  	v4 =	vmul.u32 $0x30, v56  }
0x9c1: {  	v3 =	vand.u32 $0x7, v3  }
0x9c2: {  	v3 =	vor.u32 v3, v4  }
0x9c3: {  	v4 =	vperm.xlane v3, v0;
	_ =	sdelay $0x1  }
0x9c4: {  	v4 =	vadd.s32 v1, v4;
	_ =	sdelay $0x3  }
0x9c5: {  	v3 =	vperm.xlane v3, v2  }
0x9c6: {  	[tilespmem:s8], [sflag:$0x1] =	stream.indirect_vreg.gather [hbm4b:s3+s2], $0x80, v4, vm0, $0xb8;
	[tilespmem:$0x18080] =	vst v63  }
0x9c7: {  	s25 =	simm.s32 $0x880;
	v3 =	vadd.s32 v1, v3  }
0x9c8: {  	[tilespmem:s25], [sflag:$0x1] =	stream.indirect_vreg.gather [hbm4b:s4+s2], $0x80, v4, vm0, $0xb8;
	[tilespmem:$0x18080] =	vst v63  }
0x9c9: {  	s26 =	simm.s32 $0x1080  }
0x9ca: {  	[tilespmem:s26], [sflag:$0x1] =	stream.indirect_vreg.gather [hbm4b:s5+s2], $0x80, v4, vm0, $0xb8;
	[tilespmem:$0x18080] =	vst v63  }
0x9cb: {  	s28 =	simm.s32 $0x1880  }
0x9cc: {  	[tilespmem:s28], [sflag:$0x1] =	stream.indirect_vreg.gather [hbm4b:s3+s2], $0x80, v3, vm0, $0xb8;
	[tilespmem:$0x18080] =	vst v63  }
0x9cd: {  	s29 =	simm.s32 $0x2080  }
0x9ce: {  	[tilespmem:s29], [sflag:$0x1] =	stream.indirect_vreg.gather [hbm4b:s4+s2], $0x80, v3, vm0, $0xb8;
	[tilespmem:$0x18080] =	vst v63  }
0x9cf: {  	s25 =	simm.s32 $0x2880  }
0x9d0: {  	[tilespmem:s25], [sflag:$0x1] =	stream.indirect_vreg.gather [hbm4b:s5+s2], $0x80, v3, vm0, $0xb8;
	[tilespmem:$0x18080] =	vst v63  }
0x9d1: {  	v3 =	vld [tilespmem:$0x10];
	_ =	sdelay $0x4  }
0x9d2: {  	v57 =	vshrl.u32 v3, $0x3  }
0x9d3: {  	v4 =	vmul.u32 $0x30, v57  }
0x9d4: {  	v3 =	vand.u32 $0x7, v3  }
0x9d5: {  	v3 =	vor.u32 v3, v4  }
0x9d6: {  	v4 =	vperm.xlane v3, v0;
	_ =	sdelay $0x1  }
0x9d7: {  	v4 =	vadd.s32 v1, v4;
	_ =	sdelay $0x3  }
0x9d8: {  	s26 =	simm.s32 $0x3080;
	v3 =	vperm.xlane v3, v2  }
0x9d9: {  	[tilespmem:s26], [sflag:$0x1] =	stream.indirect_vreg.gather [hbm4b:s3+s2], $0x80, v4, vm0, $0xb8;
	[tilespmem:$0x18080] =	vst v63  }
0x9da: {  	s30 =	simm.s32 $0x3880;
	v3 =	vadd.s32 v1, v3  }
0x9db: {  	[tilespmem:s30], [sflag:$0x1] =	stream.indirect_vreg.gather [hbm4b:s4+s2], $0x80, v4, vm0, $0xb8;
	[tilespmem:$0x18080] =	vst v63  }
0x9dc: {  	s31 =	simm.s32 $0x4080  }
0x9dd: {  	[tilespmem:s31], [sflag:$0x1] =	stream.indirect_vreg.gather [hbm4b:s5+s2], $0x80, v4, vm0, $0xb8;
	[tilespmem:$0x18080] =	vst v63  }
0x9de: {  	s28 =	simm.s32 $0x4880  }
0x9df: {  	[tilespmem:s28], [sflag:$0x1] =	stream.indirect_vreg.gather [hbm4b:s3+s2], $0x80, v3, vm0, $0xb8;
	[tilespmem:$0x18080] =	vst v63  }
0x9e0: {  	s29 =	simm.s32 $0x5080  }
0x9e1: {  	[tilespmem:s29], [sflag:$0x1] =	stream.indirect_vreg.gather [hbm4b:s4+s2], $0x80, v3, vm0, $0xb8;
	[tilespmem:$0x18080] =	vst v63  }
0x9e2: {  	s30 =	simm.s32 $0x5880  }
0x9e3: {  	[tilespmem:s30], [sflag:$0x1] =	stream.indirect_vreg.gather [hbm4b:s5+s2], $0x80, v3, vm0, $0xb8;
	[tilespmem:$0x18080] =	vst v63  }
0x9e4: {  	v3 =	vld [tilespmem:$0x20];
	_ =	sdelay $0x4  }
0x9e5: {  	v58 =	vshrl.u32 v3, $0x3  }
0x9e6: {  	v4 =	vmul.u32 $0x30, v58  }
0x9e7: {  	v3 =	vand.u32 $0x7, v3  }
0x9e8: {  	v3 =	vor.u32 v3, v4  }
0x9e9: {  	v4 =	vperm.xlane v3, v0;
	_ =	sdelay $0x1  }
0x9ea: {  	v4 =	vadd.s32 v1, v4;
	_ =	sdelay $0x3  }
0x9eb: {  	s31 =	simm.s32 $0x6080;
	v3 =	vperm.xlane v3, v2  }
0x9ec: {  	[tilespmem:s31], [sflag:$0x1] =	stream.indirect_vreg.gather [hbm4b:s3+s2], $0x80, v4, vm0, $0xb8;
	[tilespmem:$0x18080] =	vst v63  }
0x9ed: {  	s25 =	simm.s32 $0x6880;
	v3 =	vadd.s32 v1, v3  }
0x9ee: {  	[tilespmem:s25], [sflag:$0x1] =	stream.indirect_vreg.gather [hbm4b:s4+s2], $0x80, v4, vm0, $0xb8;
	[tilespmem:$0x18080] =	vst v63  }
0x9ef: {  	s26 =	simm.s32 $0x7080  }
0x9f0: {  	[tilespmem:s26], [sflag:$0x1] =	stream.indirect_vreg.gather [hbm4b:s5+s2], $0x80, v4, vm0, $0xb8;
	[tilespmem:$0x18080] =	vst v63  }
0x9f1: {  	s28 =	simm.s32 $0x7880  }
0x9f2: {  	[tilespmem:s28], [sflag:$0x1] =	stream.indirect_vreg.gather [hbm4b:s3+s2], $0x80, v3, vm0, $0xb8;
	[tilespmem:$0x18080] =	vst v63  }
0x9f3: {  	s29 =	simm.s32 $0x8080  }
0x9f4: {  	[tilespmem:s29], [sflag:$0x1] =	stream.indirect_vreg.gather [hbm4b:s4+s2], $0x80, v3, vm0, $0xb8;
	[tilespmem:$0x18080] =	vst v63  }
0x9f5: {  	s30 =	simm.s32 $0x8880  }
0x9f6: {  	[tilespmem:s30], [sflag:$0x1] =	stream.indirect_vreg.gather [hbm4b:s5+s2], $0x80, v3, vm0, $0xb8;
	[tilespmem:$0x18080] =	vst v63  }
0x9f7: {  	v3 =	vld [tilespmem:$0x30];
	_ =	sdelay $0x4  }
0x9f8: {  	v59 =	vshrl.u32 v3, $0x3  }
0x9f9: {  	v4 =	vmul.u32 $0x30, v59  }
0x9fa: {  	v3 =	vand.u32 $0x7, v3  }
0x9fb: {  	v3 =	vor.u32 v3, v4  }
0x9fc: {  	v4 =	vperm.xlane v3, v0;
	_ =	sdelay $0x1  }
0x9fd: {  	v4 =	vadd.s32 v1, v4;
	_ =	sdelay $0x3  }
0x9fe: {  	s31 =	simm.s32 $0x9080;
	v3 =	vperm.xlane v3, v2  }
0x9ff: {  	[tilespmem:s31], [sflag:$0x1] =	stream.indirect_vreg.gather [hbm4b:s3+s2], $0x80, v4, vm0, $0xb8;
	[tilespmem:$0x18080] =	vst v63  }
0xa00: {  	s25 =	simm.s32 $0x9880;
	v3 =	vadd.s32 v1, v3  }
0xa01: {  	[tilespmem:s25], [sflag:$0x1] =	stream.indirect_vreg.gather [hbm4b:s4+s2], $0x80, v4, vm0, $0xb8;
	[tilespmem:$0x18080] =	vst v63  }
0xa02: {  	s26 =	simm.s32 $0xA080  }
0xa03: {  	[tilespmem:s26], [sflag:$0x1] =	stream.indirect_vreg.gather [hbm4b:s5+s2], $0x80, v4, vm0, $0xb8;
	[tilespmem:$0x18080] =	vst v63  }
0xa04: {  	s28 =	simm.s32 $0xA880  }
0xa05: {  	[tilespmem:s28], [sflag:$0x1] =	stream.indirect_vreg.gather [hbm4b:s3+s2], $0x80, v3, vm0, $0xb8;
	[tilespmem:$0x18080] =	vst v63  }
0xa06: {  	s29 =	simm.s32 $0xB080  }
0xa07: {  	[tilespmem:s29], [sflag:$0x1] =	stream.indirect_vreg.gather [hbm4b:s4+s2], $0x80, v3, vm0, $0xb8;
	[tilespmem:$0x18080] =	vst v63  }
0xa08: {  	s30 =	simm.s32 $0xB880  }
0xa09: {  	[tilespmem:s30], [sflag:$0x1] =	stream.indirect_vreg.gather [hbm4b:s5+s2], $0x80, v3, vm0, $0xb8;
	[tilespmem:$0x18080] =	vst v63  }
0xa0a: {  	v3 =	vld [tilespmem:$0x40];
	_ =	sdelay $0x4  }
0xa0b: {  	v60 =	vshrl.u32 v3, $0x3  }
0xa0c: {  	v4 =	vmul.u32 $0x30, v60  }
0xa0d: {  	v3 =	vand.u32 $0x7, v3  }
0xa0e: {  	v3 =	vor.u32 v3, v4  }
0xa0f: {  	v4 =	vperm.xlane v3, v0;
	_ =	sdelay $0x1  }
0xa10: {  	v4 =	vadd.s32 v1, v4;
	_ =	sdelay $0x3  }
0xa11: {  	s31 =	simm.s32 $0xC080;
	v3 =	vperm.xlane v3, v2  }
0xa12: {  	[tilespmem:s31], [sflag:$0x1] =	stream.indirect_vreg.gather [hbm4b:s3+s2], $0x80, v4, vm0, $0xb8;
	[tilespmem:$0x18080] =	vst v63  }
0xa13: {  	s15 =	simm.s32 $0xC880;
	v3 =	vadd.s32 v1, v3  }
0xa14: {  	[tilespmem:s15], [sflag:$0x1] =	stream.indirect_vreg.gather [hbm4b:s4+s2], $0x80, v4, vm0, $0xb8;
	[tilespmem:$0x18080] =	vst v63  }
0xa15: {  	s6 =	simm.s32 $0xD080  }
0xa16: {  	[tilespmem:s6], [sflag:$0x1] =	stream.indirect_vreg.gather [hbm4b:s5+s2], $0x80, v4, vm0, $0xb8;
	[tilespmem:$0x18080] =	vst v63  }
0xa17: {  	s16 =	simm.s32 $0xD880  }
0xa18: {  	[tilespmem:s16], [sflag:$0x1] =	stream.indirect_vreg.gather [hbm4b:s3+s2], $0x80, v3, vm0, $0xb8;
	[tilespmem:$0x18080] =	vst v63  }
0xa19: {  	s17 =	simm.s32 $0xE080  }
0xa1a: {  	[tilespmem:s17], [sflag:$0x1] =	stream.indirect_vreg.gather [hbm4b:s4+s2], $0x80, v3, vm0, $0xb8;
	[tilespmem:$0x18080] =	vst v63  }
0xa1b: {  	s16 =	simm.s32 $0xE880  }
0xa1c: {  	[tilespmem:s16], [sflag:$0x1] =	stream.indirect_vreg.gather [hbm4b:s5+s2], $0x80, v3, vm0, $0xb8;
	[tilespmem:$0x18080] =	vst v63  }
0xa1d: {  	v3 =	vld [tilespmem:$0x50];
	_ =	sdelay $0x4  }
0xa1e: {  	v61 =	vshrl.u32 v3, $0x3  }
0xa1f: {  	v4 =	vmul.u32 $0x30, v61  }
0xa20: {  	v3 =	vand.u32 $0x7, v3  }
0xa21: {  	v3 =	vor.u32 v3, v4  }
0xa22: {  	v4 =	vperm.xlane v3, v0;
	_ =	sdelay $0x1  }
0xa23: {  	v4 =	vadd.s32 v1, v4;
	_ =	sdelay $0x3  }
0xa24: {  	s17 =	simm.s32 $0xF080;
	v3 =	vperm.xlane v3, v2  }
0xa25: {  	[tilespmem:s17], [sflag:$0x1] =	stream.indirect_vreg.gather [hbm4b:s3+s2], $0x80, v4, vm0, $0xb8;
	[tilespmem:$0x18080] =	vst v63  }
0xa26: {  	s18 =	simm.s32 $0xF880;
	v3 =	vadd.s32 v1, v3  }
0xa27: {  	[tilespmem:s18], [sflag:$0x1] =	stream.indirect_vreg.gather [hbm4b:s4+s2], $0x80, v4, vm0, $0xb8;
	[tilespmem:$0x18080] =	vst v63  }
0xa28: {  	s9 =	simm.s32 $0x10080  }
0xa29: {  	[tilespmem:s9], [sflag:$0x1] =	stream.indirect_vreg.gather [hbm4b:s5+s2], $0x80, v4, vm0, $0xb8;
	[tilespmem:$0x18080] =	vst v63  }
0xa2a: {  	s10 =	simm.s32 $0x10880  }
0xa2b: {  	[tilespmem:s10], [sflag:$0x1] =	stream.indirect_vreg.gather [hbm4b:s3+s2], $0x80, v3, vm0, $0xb8;
	[tilespmem:$0x18080] =	vst v63  }
0xa2c: {  	s19 =	simm.s32 $0x11080  }
0xa2d: {  	[tilespmem:s19], [sflag:$0x1] =	stream.indirect_vreg.gather [hbm4b:s4+s2], $0x80, v3, vm0, $0xb8;
	[tilespmem:$0x18080] =	vst v63  }
0xa2e: {  	s25 =	simm.s32 $0x11880  }
0xa2f: {  	[tilespmem:s25], [sflag:$0x1] =	stream.indirect_vreg.gather [hbm4b:s5+s2], $0x80, v3, vm0, $0xb8;
	[tilespmem:$0x18080] =	vst v63  }
0xa30: {  	v3 =	vld [tilespmem:$0x60];
	_ =	sdelay $0x4  }
0xa31: {  	v62 =	vshrl.u32 v3, $0x3  }
0xa32: {  	v4 =	vmul.u32 $0x30, v62  }
0xa33: {  	v3 =	vand.u32 $0x7, v3  }
0xa34: {  	v3 =	vor.u32 v3, v4  }
0xa35: {  	v4 =	vperm.xlane v3, v0;
	_ =	sdelay $0x1  }
0xa36: {  	v4 =	vadd.s32 v1, v4;
	_ =	sdelay $0x3  }
0xa37: {  	s26 =	simm.s32 $0x12080;
	v3 =	vperm.xlane v3, v2  }
0xa38: {  	[tilespmem:s26], [sflag:$0x1] =	stream.indirect_vreg.gather [hbm4b:s3+s2], $0x80, v4, vm0, $0xb8;
	[tilespmem:$0x18080] =	vst v63  }
0xa39: {  	s20 =	simm.s32 $0x12880;
	v3 =	vadd.s32 v1, v3  }
0xa3a: {  	[tilespmem:s20], [sflag:$0x1] =	stream.indirect_vreg.gather [hbm4b:s4+s2], $0x80, v4, vm0, $0xb8;
	[tilespmem:$0x18080] =	vst v63  }
0xa3b: {  	s11 =	simm.s32 $0x13080  }
0xa3c: {  	[tilespmem:s11], [sflag:$0x1] =	stream.indirect_vreg.gather [hbm4b:s5+s2], $0x80, v4, vm0, $0xb8;
	[tilespmem:$0x18080] =	vst v63  }
0xa3d: {  	s12 =	simm.s32 $0x13880  }
0xa3e: {  	[tilespmem:s12], [sflag:$0x1] =	stream.indirect_vreg.gather [hbm4b:s3+s2], $0x80, v3, vm0, $0xb8;
	[tilespmem:$0x18080] =	vst v63  }
0xa3f: {  	s21 =	simm.s32 $0x14080  }
0xa40: {  	[tilespmem:s21], [sflag:$0x1] =	stream.indirect_vreg.gather [hbm4b:s4+s2], $0x80, v3, vm0, $0xb8;
	[tilespmem:$0x18080] =	vst v63  }
0xa41: {  	s28 =	simm.s32 $0x14880  }
0xa42: {  	[tilespmem:s28], [sflag:$0x1] =	stream.indirect_vreg.gather [hbm4b:s5+s2], $0x80, v3, vm0, $0xb8;
	[tilespmem:$0x18080] =	vst v63  }
0xa43: {  	v3 =	vld [tilespmem:$0x70];
	_ =	sdelay $0x4  }
0xa44: {  	v63 =	vshrl.u32 v3, $0x3  }
0xa45: {  	v4 =	vmul.u32 $0x30, v63  }
0xa46: {  	v3 =	vand.u32 $0x7, v3  }
0xa47: {  	v3 =	vor.u32 v3, v4  }
0xa48: {  	v4 =	vperm.xlane v3, v0;
	_ =	sdelay $0x1  }
0xa49: {  	v4 =	vadd.s32 v1, v4;
	_ =	sdelay $0x3  }
0xa4a: {  	s29 =	simm.s32 $0x15080;
	v3 =	vperm.xlane v3, v2  }
0xa4b: {  	[tilespmem:s29], [sflag:$0x1] =	stream.indirect_vreg.gather [hbm4b:s3+s2], $0x80, v4, vm0, $0xb8;
	[tilespmem:$0x18080] =	vst v63  }
0xa4c: {  	s22 =	simm.s32 $0x15880;
	v3 =	vadd.s32 v1, v3  }
0xa4d: {  	[tilespmem:s22], [sflag:$0x1] =	stream.indirect_vreg.gather [hbm4b:s4+s2], $0x80, v4, vm0, $0xb8;
	[tilespmem:$0x18080] =	vst v63  }
0xa4e: {  	s13 =	simm.s32 $0x16080  }
0xa4f: {  	[tilespmem:s13], [sflag:$0x1] =	stream.indirect_vreg.gather [hbm4b:s5+s2], $0x80, v4, vm0, $0xb8;
	[tilespmem:$0x18080] =	vst v63  }
0xa50: {  	s14 =	simm.s32 $0x16880  }
0xa51: {  	[tilespmem:s14], [sflag:$0x1] =	stream.indirect_vreg.gather [hbm4b:s3+s2], $0x80, v3, vm0, $0xb8;
	[tilespmem:$0x18080] =	vst v63  }
0xa52: {  	s23 =	simm.s32 $0x17080  }
0xa53: {  	[tilespmem:s23], [sflag:$0x1] =	stream.indirect_vreg.gather [hbm4b:s4+s2], $0x80, v3, vm0, $0xb8;
	[tilespmem:$0x18080] =	vst v63  }
0xa54: {  	s24 =	simm.s32 $0x17880  }
0xa55: {  	[tilespmem:s24], [sflag:$0x1] =	stream.indirect_vreg.gather [hbm4b:s5+s2], $0x80, v3, vm0, $0xb8;
	[tilespmem:$0x18080] =	vst v63  }
0xa56: {  	_ =	swait.ge [sflag:s0], $0x18000  }
0xa57: {  	s31 =	sld [smem:$0x7FA];
	_ =	sdelay $0x1  }
0xa58: {  	s30 =	sld [smem:$0x7FD]  }
0xa59: {  	[sflag:s0] =	ssyncset.done $0x0;
	p0 =	sne.s32 s31, $0x1  }
.Ltmp0:
0xa5a: {  	[sflag:s0] =	ssyncadd.s32 $0xFFFE8000;
	(pc) =	sbr.rel @p0 .LBB2_1-.Ltmp0, $4  }
0xa5b: {  	[hbm4b:s30+s2] =	stream.linear.scatter [tilespmem:s8], [sflag:$0x2], $0x18000, $0x38;
	[tilespmem:$0x18080] =	vst v63  }
0xa5c: {  	_ =	swait.ge [sflag:s7], $0x18000  }
0xa5d: {  	[sflag:s7] =	ssyncset.done $0x0  }
0xa5e: {  	s1 =	sadd.s32 $0xFFFFFFFF, s31;
	[sflag:s7] =	ssyncadd.s32 $0xFFFE8000  }
0xa5f: {  	_ =	sfence.sel $0x180000  }
0xa60: {  	[bflag:$0x0] =	sbarrier.arrive $0xFFFF  }
0xa61: {  	_ =	strace $0x90000047  }
0xa62: {  	s0 =	stileid.u32;
	[bflag:$0x2] =	sbarrier.arrive $0xFFFF  }
0xa63: {  	p0 =	sne.s32 s0, $0x0;
	s0 =	rddreg [dreg:$0x2]  }
0xa64: {  	s0 =	sadd.s32 @!p0 $0x100000, s0  }
0xa65: {  	[sflag:s0] =	ssyncadd.tile.s32 @!p0 $0x1;
	_ =	shalt  }
.Lfunc_end2:
_tile_overlayer_lowered:
.L_overlay_start_2:
0xa66: {  	(tag) =	ssettag $0x2  }
0xa67: {  	s0 =	rddreg [dreg:$0x0];
	s2 =	stileid.u32  }
0xa68: {  	s1 =	rddreg [dreg:$0x1];
	p0 =	sne.s32 s2, $0x0  }
0xa69: {  	s3 =	rddreg [dreg:$0x2];
	[bflag:$0x3] =	sbarrier.arrive $0xFFFF;
	s2 =	simm.s32 @!p0 $0x1C02  }
0xa6a: {  	[timem:s3], [sflag:s2] =	dma.local @!p0 [hbm:s0], s1  }
0xa6b: {  	s0 =	simm.s32 @!p0 $0x2  }
0xa6c: {  	_ =	swait.ge @!p0 [sflag:s0], s1  }
0xa6d: {  	s1 =	ssub.s32 @!p0 $0x0, s1;
	[sflag:s0] =	ssyncset.done @!p0 $0x0  }
0xa6e: {  	[sflag:s0] =	ssyncadd.s32 @!p0 s1  }
0xa6f: {  	[bflag:$0x3] =	sbarrier.arrive $0xFFFF  }
0xa70: {  	_ =	shalt  }

</sc_bundles>
